<compile_context>
chip_gen: v7x
topology: tpu7x:2x2x1
jax: 0.10.2.dev20260603
libtpu: 0.0.44.dev20260713+nightly
codegen_flags: <defaults>
</compile_context>

<pallas_src>
import functools

import jax
import jax.numpy as jnp
from jax import lax
from jax.experimental import pallas as pl
from jax.experimental.pallas import tpu as pltpu
from jax.experimental.pallas import tpu_sc as plsc

N = 10000
G = 64
NC, NS = 2, 16
CH = 128
CHUNKS = 80
K = 8
E_PAD = NC * NS * CHUNKS * CH
ROWS_PER_TILE = N // NS
RB = 5000
F1 = 48
F2 = 16


def _sc_mesh():
    return plsc.VectorSubcoreMesh(core_axis_name="c", subcore_axis_name="s")


_SC_PARAMS = pltpu.CompilerParams(use_tc_tiling_on_sc=False)


def _bdot(a, b):
    ab = a.astype(jnp.bfloat16).astype(jnp.float32)
    bb = b.astype(jnp.bfloat16).astype(jnp.float32)
    return jnp.dot(ab, bb, preferred_element_type=jnp.float32)


def _deg_kernel(zeros_hbm, ones_hbm, ei_hbm):
    @functools.partial(
        pl.kernel,
        out_type=jax.ShapeDtypeStruct((NC, N, 16), jnp.float32),
        mesh=_sc_mesh(),
        compiler_params=_SC_PARAMS,
        scratch_types=[
            pltpu.VMEM((CHUNKS, CH), jnp.int32),
            pltpu.VMEM((CH, 16), jnp.float32),
            pltpu.VMEM_SHARED((N + 16, 16), jnp.float32),
            pltpu.SemaphoreType.DMA,
        ],
    )
    def k(zeros_h, ones_h, ei_h, out_h, dst_v, ones_v, accum, ssem):
        c = lax.axis_index("c")
        s = lax.axis_index("s")
        row0 = s * ROWS_PER_TILE
        pltpu.sync_copy(ei_h.at[1, c, s], dst_v)
        pltpu.sync_copy(ones_h, ones_v)
        pltpu.sync_copy(zeros_h.at[pl.ds(row0, ROWS_PER_TILE)],
                        accum.at[pl.ds(row0, ROWS_PER_TILE)])
        plsc.subcore_barrier()

        def body(g, carry):
            descs = [pltpu.async_copy(ones_v, accum.at[dst_v.at[g * K + b]],
                                      ssem, add=True) for b in range(K)]
            for d in descs:
                d.wait()
            return carry

        lax.fori_loop(0, CHUNKS // K, body, 0)
        plsc.subcore_barrier()
        pltpu.sync_copy(accum.at[pl.ds(row0, ROWS_PER_TILE)],
                        out_h.at[c, pl.ds(row0, ROWS_PER_TILE)])

    return k(zeros_hbm, ones_hbm, ei_hbm)


def _edge_pass(table_hbm, ei_hbm, F):
    @functools.partial(
        pl.kernel,
        out_type=jax.ShapeDtypeStruct((NC, N, F), jnp.float32),
        mesh=_sc_mesh(),
        compiler_params=_SC_PARAMS,
        scratch_types=[
            pltpu.VMEM((CHUNKS, CH), jnp.int32),
            pltpu.VMEM((CHUNKS, CH), jnp.int32),
            pltpu.VMEM((K, CH, F), jnp.float32),
            pltpu.VMEM_SHARED((N + 16, F), jnp.float32),
            pltpu.VMEM_SHARED((N + 16, F), jnp.float32),
            pltpu.SemaphoreType.DMA((K,)),
            pltpu.SemaphoreType.DMA((K,)),
        ],
    )
    def k(table_h, ei_h, out_h, src_v, dst_v, rows_v, accum, ytab,
          gsem, ssem):
        c = lax.axis_index("c")
        s = lax.axis_index("s")
        row0 = s * ROWS_PER_TILE
        pltpu.sync_copy(ei_h.at[0, c, s], src_v)
        pltpu.sync_copy(ei_h.at[1, c, s], dst_v)
        pltpu.sync_copy(table_h.at[pl.ds(row0, ROWS_PER_TILE)],
                        accum.at[pl.ds(row0, ROWS_PER_TILE)])
        pltpu.sync_copy(table_h.at[pl.ds(row0, ROWS_PER_TILE)],
                        ytab.at[pl.ds(row0, ROWS_PER_TILE)])
        plsc.subcore_barrier()

        ng = CHUNKS // K

        def fire_gather(g, b):
            return pltpu.async_copy(ytab.at[src_v.at[g * K + b]],
                                    rows_v.at[b], gsem.at[b])

        def gather_desc(g, b):
            return pltpu.make_async_copy(ytab.at[src_v.at[g * K + b]],
                                         rows_v.at[b], gsem.at[b])

        def fire_scatter(g, b):
            return pltpu.async_copy(rows_v.at[b],
                                    accum.at[dst_v.at[g * K + b]],
                                    ssem.at[b], add=True)

        def scatter_desc(g, b):
            return pltpu.make_async_copy(rows_v.at[b],
                                         accum.at[dst_v.at[g * K + b]],
                                         ssem.at[b])

        for b in range(K):
            fire_gather(0, b)

        def body(g, carry):
            for b in range(K):
                gather_desc(g, b).wait()
                fire_scatter(g, b)
            for b in range(K):
                scatter_desc(g, b).wait()
                fire_gather(g + 1, b)
            return carry

        lax.fori_loop(0, ng - 1, body, 0)
        for b in range(K):
            gather_desc(ng - 1, b).wait()
            fire_scatter(ng - 1, b)
        for b in range(K):
            scatter_desc(ng - 1, b).wait()
        plsc.subcore_barrier()
        pltpu.sync_copy(accum.at[pl.ds(row0, ROWS_PER_TILE)],
                        out_h.at[c, pl.ds(row0, ROWS_PER_TILE)])

    return k(table_hbm, ei_hbm)


def _tc_b_body(degp_ref, x_ref, w1_ref, y1_ref, dinv_ref):
    deg = degp_ref[0, :, 0:1] + degp_ref[1, :, 0:1] + 1.0
    dinv = lax.rsqrt(deg)
    xw = _bdot(x_ref[...], w1_ref[...])
    y = dinv * xw
    y1_ref[...] = jnp.concatenate(
        [y, jnp.zeros((y.shape[0], F1 - y.shape[1]), jnp.float32)], axis=1)
    dinv_ref[...] = dinv


def _tc_b(degp, x, W1):
    grid = N // RB
    return pl.pallas_call(
        _tc_b_body,
        grid=(grid,),
        in_specs=[
            pl.BlockSpec((NC, RB, 16), lambda i: (0, i, 0)),
            pl.BlockSpec((RB, 128), lambda i: (i, 0)),
            pl.BlockSpec((128, 36), lambda i: (0, 0)),
        ],
        out_specs=[
            pl.BlockSpec((RB, F1), lambda i: (i, 0)),
            pl.BlockSpec((RB, 1), lambda i: (i, 0)),
        ],
        out_shape=[
            jax.ShapeDtypeStruct((N, F1), jnp.float32),
            jax.ShapeDtypeStruct((N, 1), jnp.float32),
        ],
    )(degp, x, W1)


def _tc_d_body(p_ref, y1_ref, dinv_ref, b1_ref, w2_ref, y2_ref):
    tot = p_ref[0] + p_ref[1] - y1_ref[...]
    h1 = jnp.maximum(tot * dinv_ref[...] + b1_ref[...], 0.0)
    xw2 = _bdot(h1, w2_ref[...])
    y2_ref[...] = dinv_ref[...] * xw2


def _tc_d(p1, y1, dinv, b1p, W2p):
    grid = N // RB
    return pl.pallas_call(
        _tc_d_body,
        grid=(grid,),
        in_specs=[
            pl.BlockSpec((NC, RB, F1), lambda i: (0, i, 0)),
            pl.BlockSpec((RB, F1), lambda i: (i, 0)),
            pl.BlockSpec((RB, 1), lambda i: (i, 0)),
            pl.BlockSpec((1, F1), lambda i: (0, 0)),
            pl.BlockSpec((F1, F2), lambda i: (0, 0)),
        ],
        out_specs=pl.BlockSpec((RB, F2), lambda i: (i, 0)),
        out_shape=jax.ShapeDtypeStruct((N, F2), jnp.float32),
    )(p1, y1, dinv, b1p, W2p)


def _tc_f_body(p_ref, y2_ref, dinv_ref, b2_ref, batch_ref, gamma_ref,
               beta_ref, ow1_ref, ob1_ref, ow2_ref, ob2_ref,
               o_ref, h_ref, acc):
    i = pl.program_id(0)

    @pl.when(i == 0)
    def _():
        acc[...] = jnp.zeros_like(acc)

    tot = p_ref[0] + p_ref[1] - y2_ref[...]
    h2 = jnp.maximum(tot * dinv_ref[...] + b2_ref[...], 0.0)
    bt = batch_ref[0]
    gids = lax.broadcasted_iota(jnp.int32, (G, RB), 0)
    onehot = (gids == bt).astype(jnp.float32)
    acc[...] += jnp.dot(onehot, h2, preferred_element_type=jnp.float32, precision=lax.Precision.HIGHEST)

    @pl.when(i == pl.num_programs(0) - 1)
    def _():
        pooled = acc[...]
        h_ref[...] = pooled
        mean = jnp.mean(pooled, axis=0, keepdims=True)
        var = jnp.mean((pooled - mean) ** 2, axis=0, keepdims=True)
        xb = ((pooled - mean) / jnp.sqrt(var + 1e-5) * gamma_ref[...]
              + beta_ref[...])
        t = jnp.maximum(_bdot(xb, ow1_ref[...]) + ob1_ref[...], 0.0)
        o_ref[...] = _bdot(t, ow2_ref[...]) + ob2_ref[...]


def _tc_f(p2, y2, dinv, b2, batch2d, gamma, beta, ow1, ob1, ow2, ob2):
    grid = N // RB
    return pl.pallas_call(
        _tc_f_body,
        grid=(grid,),
        in_specs=[
            pl.BlockSpec((NC, RB, F2), lambda i: (0, i, 0)),
            pl.BlockSpec((RB, F2), lambda i: (i, 0)),
            pl.BlockSpec((RB, 1), lambda i: (i, 0)),
            pl.BlockSpec((1, F2), lambda i: (0, 0)),
            pl.BlockSpec((1, 1, RB), lambda i: (i, 0, 0)),
            pl.BlockSpec((1, F2), lambda i: (0, 0)),
            pl.BlockSpec((1, F2), lambda i: (0, 0)),
            pl.BlockSpec((F2, 24), lambda i: (0, 0)),
            pl.BlockSpec((1, 24), lambda i: (0, 0)),
            pl.BlockSpec((24, 1), lambda i: (0, 0)),
            pl.BlockSpec((1, 1), lambda i: (0, 0)),
        ],
        out_specs=[
            pl.BlockSpec((G, 1), lambda i: (0, 0)),
            pl.BlockSpec((G, F2), lambda i: (0, 0)),
        ],
        out_shape=[
            jax.ShapeDtypeStruct((G, 1), jnp.float32),
            jax.ShapeDtypeStruct((G, F2), jnp.float32),
        ],
        scratch_shapes=[pltpu.VMEM((G, F2), jnp.float32)],
    )(p2, y2, dinv, b2, batch2d, gamma, beta, ow1, ob1, ow2, ob2)


def kernel(x, edge_index, batch, W1, b1, W2, b2, gamma, beta, ow1, ob1, ow2,
           ob2):
    ei = edge_index.astype(jnp.int32)
    e = ei.shape[1]
    pad = E_PAD - e
    pad_blk = jnp.broadcast_to(
        jnp.array([[0], [N]], jnp.int32), (2, pad))
    ei_p = jnp.concatenate([ei, pad_blk], axis=1).reshape(
        2, NC, NS, CHUNKS, CH)

    zeros16 = jnp.zeros((N, 16), jnp.float32)
    ones_blk = jnp.ones((CH, 16), jnp.float32)
    degp = _deg_kernel(zeros16, ones_blk, ei_p)

    y1, dinv = _tc_b(degp, x, W1)
    p1 = _edge_pass(y1, ei_p, F1)

    b1p = jnp.pad(b1, (0, F1 - b1.shape[0])).reshape(1, F1)
    W2p = jnp.pad(W2, ((0, F1 - W2.shape[0]), (0, 0)))
    y2 = _tc_d(p1, y1, dinv, b1p, W2p)
    p2 = _edge_pass(y2, ei_p, F2)

    batch2d = batch.astype(jnp.int32).reshape(N // RB, 1, RB)
    o, h = _tc_f(p2, y2, dinv, b2.reshape(1, F2), batch2d,
                 gamma.reshape(1, F2), beta.reshape(1, F2), ow1,
                 ob1.reshape(1, 24), ow2, ob2.reshape(1, 1))
    return (o, h)

# --- scband reference (transcript-rebuilt; emitter-appended) ---
"""Pipeline reference for scband-gcn-8589934620 (READ-ONLY COPY).

The authoritative reference and input builder live on the scoring server;
editing this copy changes nothing except your own understanding.
"""

import jax, jax.numpy as jnp
import numpy as np

N_NODES = 10000
N_EDGES = 320000
N_GRAPHS = 64
D_IN = 128


def gcn_conv(x, edge_index, W, b, n):
    # PyG GCNConv: add self-loops, symmetric normalization D^-1/2 (A+I) D^-1/2 x W + b
    loop = jnp.arange(n, dtype=edge_index.dtype)
    src = jnp.concatenate([edge_index[0], loop])
    dst = jnp.concatenate([edge_index[1], loop])
    deg = jax.ops.segment_sum(jnp.ones(src.shape[0], x.dtype), dst, num_segments=n)
    dinv = jax.lax.rsqrt(jnp.maximum(deg, 1e-12))
    norm = dinv[src] * dinv[dst]
    xw = x @ W
    msg = jnp.take(xw, src, axis=0) * norm[:, None]
    out = jax.ops.segment_sum(msg, dst, num_segments=n)
    return out + b


def setup_inputs(seed: int = 0) -> dict:
    key = jax.random.key(seed)
    ks = [jax.random.fold_in(key, i) for i in range(16)]
    inp = {}
    inp['x'] = jax.random.normal(ks[0], (N_NODES, D_IN), dtype=jnp.float32)
    inp['edge_index'] = jax.random.randint(ks[1], (2, N_EDGES), 0, N_NODES, dtype=jnp.int64 if jax.config.read('jax_enable_x64') else jnp.int32)
    inp['batch'] = jnp.sort(jax.random.randint(ks[2], (N_NODES,), 0, N_GRAPHS, dtype=jnp.int64 if jax.config.read('jax_enable_x64') else jnp.int32))
    inp['W1'] = jax.random.normal(ks[3], (D_IN, 36), dtype=jnp.float32) * (1.0 / np.sqrt(D_IN))
    inp['b1'] = jnp.zeros((36,), dtype=jnp.float32)
    inp['W2'] = jax.random.normal(ks[4], (36, 16), dtype=jnp.float32) * (1.0 / np.sqrt(36))
    inp['b2'] = jnp.zeros((16,), dtype=jnp.float32)
    inp['gamma'] = jnp.ones((16,), dtype=jnp.float32)
    inp['beta'] = jnp.zeros((16,), dtype=jnp.float32)
    inp['ow1'] = jax.random.normal(ks[5], (16, 24), dtype=jnp.float32) * (1.0 / np.sqrt(16))
    inp['ob1'] = jnp.zeros((24,), dtype=jnp.float32)
    inp['ow2'] = jax.random.normal(ks[6], (24, 1), dtype=jnp.float32) * (1.0 / np.sqrt(24))
    inp['ob2'] = jnp.zeros((1,), dtype=jnp.float32)
    return inp


def reference(x, edge_index, batch, W1, b1, W2, b2, gamma, beta, ow1, ob1, ow2, ob2):
    n = x.shape[0]
    h1 = jax.nn.relu(gcn_conv(x, edge_index, W1, b1, n))
    h2 = jax.nn.relu(gcn_conv(h1, edge_index, W2, b2, n))
    pooled = jax.ops.segment_sum(h2, batch, num_segments=N_GRAPHS)
    h = jax.lax.stop_gradient(pooled)
    # BatchNorm1d in training mode: batch statistics over graph dimension
    mean = jnp.mean(pooled, axis=0)
    var = jnp.var(pooled, axis=0)
    xb = (pooled - mean) / jnp.sqrt(var + 1e-5) * gamma + beta
    o = jax.nn.relu(xb @ ow1 + ob1) @ ow2 + ob2
    return (o, h)

if __name__ == "__main__":
    import jax
    _d = setup_inputs()
    print(jax.jit(kernel)(*tuple(_d.values())))

</pallas_src>

<mosaic_0001>
#map = affine_map<(d0, d1) -> (0, 0)>
#map1 = affine_map<(d0, d1) -> (0, 0, 0, 0, 0)>
#map2 = affine_map<(d0, d1) -> (0, 0, 0)>
module attributes {stable_mosaic.version = 14 : i64} {
  func.func @k(%arg0: i32, %arg1: i32, %arg2: memref<10000x16xf32, #tpu.memory_space<hbm>>, %arg3: memref<128x16xf32, #tpu.memory_space<hbm>>, %arg4: memref<2x2x16x80x128xi32, #tpu.memory_space<hbm>>, %arg5: memref<2x10000x16xf32, #tpu.memory_space<hbm>>, %arg6: memref<80x128xi32, #tpu.memory_space<vmem>>, %arg7: memref<128x16xf32, #tpu.memory_space<vmem>>, %arg8: memref<10016x16xf32, #tpu.memory_space<vmem_shared>>, %arg9: memref<!tpu.dma_semaphore, #tpu.memory_space<semaphore_mem>>) attributes {dimension_semantics = [#tpu.dimension_semantics<core_parallel>, #tpu.dimension_semantics<subcore_parallel>], iteration_bounds = array<i64: 2, 16>, scalar_prefetch = 0 : i64, scratch_operands = 4 : i64, tpu.core_type = #tpu.core_type<sc_vector_subcore>, window_params = [{transform_indices = #map}, {transform_indices = #map}, {transform_indices = #map1}, {transform_indices = #map2}]} {
    %mul3A = arith.constant 625 : i32
    %mul3A_0 = arith.muli %arg1, %mul3A : i32
    %run_scoped3A = arith.constant 1 : i32
    "tpu.region"() ({
      %run_scoped3A_7 = tpu.sem_alloc : memref<!tpu.dma_semaphore, #tpu.memory_space<semaphore_mem>>
      %dma_start3A = arith.constant 0 : i32
      %dma_start3A_8 = arith.constant 0 : i32
      %dma_start3A_9 = tpu.memref_slice %arg4[%run_scoped3A, %arg0, %arg1, %dma_start3A, %dma_start3A_8] : memref<2x2x16x80x128xi32, #tpu.memory_space<hbm>> -> memref<1x1x1x80x128xi32, #tpu.memory_space<hbm>>
      %dma_start3A_10 = tpu.memref_squeeze %dma_start3A_9 : memref<1x1x1x80x128xi32, #tpu.memory_space<hbm>> -> memref<80x128xi32, #tpu.memory_space<hbm>>
      %dma_start3A_11 = arith.constant 0 : i32
      %dma_start3A_12 = arith.constant 0 : i32
      %dma_start3A_13 = tpu.memref_slice %arg4[%run_scoped3A, %arg0, %arg1, %dma_start3A_11, %dma_start3A_12] : memref<2x2x16x80x128xi32, #tpu.memory_space<hbm>> -> memref<1x1x1x80x128xi32, #tpu.memory_space<hbm>>
      %dma_start3A_14 = tpu.memref_squeeze %dma_start3A_13 : memref<1x1x1x80x128xi32, #tpu.memory_space<hbm>> -> memref<80x128xi32, #tpu.memory_space<hbm>>
      tpu.enqueue_dma source(%dma_start3A_14 : memref<80x128xi32, #tpu.memory_space<hbm>>) target(%arg6 : memref<80x128xi32, #tpu.memory_space<vmem>>) target_semaphore(%run_scoped3A_7 : memref<!tpu.dma_semaphore, #tpu.memory_space<semaphore_mem>>)
      %dma_wait3A = arith.constant 0 : i32
      %dma_wait3A_15 = arith.constant 0 : i32
      %dma_wait3A_16 = tpu.memref_slice %arg4[%run_scoped3A, %arg0, %arg1, %dma_wait3A, %dma_wait3A_15] : memref<2x2x16x80x128xi32, #tpu.memory_space<hbm>> -> memref<1x1x1x80x128xi32, #tpu.memory_space<hbm>>
      %dma_wait3A_17 = tpu.memref_squeeze %dma_wait3A_16 : memref<1x1x1x80x128xi32, #tpu.memory_space<hbm>> -> memref<80x128xi32, #tpu.memory_space<hbm>>
      %dma_wait3A_18 = arith.constant 0 : i32
      %dma_wait3A_19 = arith.constant 0 : i32
      %dma_wait3A_20 = tpu.memref_slice %arg4[%run_scoped3A, %arg0, %arg1, %dma_wait3A_18, %dma_wait3A_19] : memref<2x2x16x80x128xi32, #tpu.memory_space<hbm>> -> memref<1x1x1x80x128xi32, #tpu.memory_space<hbm>>
      %dma_wait3A_21 = tpu.memref_squeeze %dma_wait3A_20 : memref<1x1x1x80x128xi32, #tpu.memory_space<hbm>> -> memref<80x128xi32, #tpu.memory_space<hbm>>
      tpu.wait_dma2 semaphore(%run_scoped3A_7 : memref<!tpu.dma_semaphore, #tpu.memory_space<semaphore_mem>>) src(%dma_wait3A_21 : memref<80x128xi32, #tpu.memory_space<hbm>>) dst(%arg6 : memref<80x128xi32, #tpu.memory_space<vmem>>)
      tpu.yield
    }) : () -> ()
    "tpu.region"() ({
      %run_scoped3A_7 = tpu.sem_alloc : memref<!tpu.dma_semaphore, #tpu.memory_space<semaphore_mem>>
      tpu.enqueue_dma source(%arg3 : memref<128x16xf32, #tpu.memory_space<hbm>>) target(%arg7 : memref<128x16xf32, #tpu.memory_space<vmem>>) target_semaphore(%run_scoped3A_7 : memref<!tpu.dma_semaphore, #tpu.memory_space<semaphore_mem>>)
      tpu.wait_dma2 semaphore(%run_scoped3A_7 : memref<!tpu.dma_semaphore, #tpu.memory_space<semaphore_mem>>) src(%arg3 : memref<128x16xf32, #tpu.memory_space<hbm>>) dst(%arg7 : memref<128x16xf32, #tpu.memory_space<vmem>>)
      tpu.yield
    }) : () -> ()
    "tpu.region"() ({
      %run_scoped3A_7 = tpu.sem_alloc : memref<!tpu.dma_semaphore, #tpu.memory_space<semaphore_mem>>
      %dma_start3A = arith.constant 0 : i32
      %dma_start3A_8 = tpu.memref_slice %arg8[%mul3A_0, %dma_start3A] : memref<10016x16xf32, #tpu.memory_space<vmem_shared>> -> memref<625x16xf32, #tpu.memory_space<vmem_shared>>
      %dma_start3A_9 = arith.constant 0 : i32
      %dma_start3A_10 = tpu.memref_slice %arg2[%mul3A_0, %dma_start3A_9] : memref<10000x16xf32, #tpu.memory_space<hbm>> -> memref<625x16xf32, #tpu.memory_space<hbm>>
      tpu.enqueue_dma source(%dma_start3A_10 : memref<625x16xf32, #tpu.memory_space<hbm>>) target(%dma_start3A_8 : memref<625x16xf32, #tpu.memory_space<vmem_shared>>) target_semaphore(%run_scoped3A_7 : memref<!tpu.dma_semaphore, #tpu.memory_space<semaphore_mem>>)
      %dma_wait3A = arith.constant 0 : i32
      %dma_wait3A_11 = tpu.memref_slice %arg8[%mul3A_0, %dma_wait3A] : memref<10016x16xf32, #tpu.memory_space<vmem_shared>> -> memref<625x16xf32, #tpu.memory_space<vmem_shared>>
      %dma_wait3A_12 = arith.constant 0 : i32
      %dma_wait3A_13 = tpu.memref_slice %arg2[%mul3A_0, %dma_wait3A_12] : memref<10000x16xf32, #tpu.memory_space<hbm>> -> memref<625x16xf32, #tpu.memory_space<hbm>>
      tpu.wait_dma2 semaphore(%run_scoped3A_7 : memref<!tpu.dma_semaphore, #tpu.memory_space<semaphore_mem>>) src(%dma_wait3A_13 : memref<625x16xf32, #tpu.memory_space<hbm>>) dst(%dma_wait3A_11 : memref<625x16xf32, #tpu.memory_space<vmem_shared>>)
      tpu.yield
    }) : () -> ()
    %barrier3A = arith.constant 0 : index
    tpu.barrier barrier_id(%barrier3A)
    %scan3A = arith.constant 0 : i32
    %scan3A_1 = arith.constant 0 : i32
    %scan3A_2 = arith.constant 10 : i32
    %scan3A_3 = arith.addi %scan3A_1, %scan3A_2 : i32
    %scan3A_4 = arith.constant 1 : i32
    scf.for %scan3A_7 = %scan3A_1 to %scan3A_3 step %scan3A_4  : i32 {
      %mul3A_8 = arith.constant 8 : i32
      %mul3A_9 = arith.muli %scan3A_7, %mul3A_8 : i32
      %add3A = arith.constant 0 : i32
      %add3A_10 = arith.addi %mul3A_9, %add3A : i32
      %dma_start3A = arith.constant 0 : i32
      %dma_start3A_11 = tpu.memref_slice %arg6[%add3A_10, %dma_start3A] : memref<80x128xi32, #tpu.memory_space<vmem>> -> memref<1x128xi32, #tpu.memory_space<vmem>>
      %dma_start3A_12 = tpu.memref_squeeze %dma_start3A_11 : memref<1x128xi32, #tpu.memory_space<vmem>> -> memref<128xi32, #tpu.memory_space<vmem>>
      %dma_start3A_13 = arith.constant 0 : i32
      %dma_start3A_14 = arith.constant 0 : i32
      %dma_start3A_15 = tpu.memref_slice %arg8[%dma_start3A_13, %dma_start3A_14] : memref<10016x16xf32, #tpu.memory_space<vmem_shared>> -> memref<10016x16xf32, #tpu.memory_space<vmem_shared>>
      tpu.enqueue_indirect_dma source(%arg7 : memref<128x16xf32, #tpu.memory_space<vmem>>) target(%dma_start3A_15 : memref<10016x16xf32, #tpu.memory_space<vmem_shared>>) offsets(%dma_start3A_12 : memref<128xi32, #tpu.memory_space<vmem>>) semaphore(%arg9 : memref<!tpu.dma_semaphore, #tpu.memory_space<semaphore_mem>>) {add = true}
      %mul3A_16 = arith.constant 8 : i32
      %mul3A_17 = arith.muli %scan3A_7, %mul3A_16 : i32
      %add3A_18 = arith.constant 1 : i32
      %add3A_19 = arith.addi %mul3A_17, %add3A_18 : i32
      %dma_start3A_20 = arith.constant 0 : i32
      %dma_start3A_21 = tpu.memref_slice %arg6[%add3A_19, %dma_start3A_20] : memref<80x128xi32, #tpu.memory_space<vmem>> -> memref<1x128xi32, #tpu.memory_space<vmem>>
      %dma_start3A_22 = tpu.memref_squeeze %dma_start3A_21 : memref<1x128xi32, #tpu.memory_space<vmem>> -> memref<128xi32, #tpu.memory_space<vmem>>
      %dma_start3A_23 = arith.constant 0 : i32
      %dma_start3A_24 = arith.constant 0 : i32
      %dma_start3A_25 = tpu.memref_slice %arg8[%dma_start3A_23, %dma_start3A_24] : memref<10016x16xf32, #tpu.memory_space<vmem_shared>> -> memref<10016x16xf32, #tpu.memory_space<vmem_shared>>
      tpu.enqueue_indirect_dma source(%arg7 : memref<128x16xf32, #tpu.memory_space<vmem>>) target(%dma_start3A_25 : memref<10016x16xf32, #tpu.memory_space<vmem_shared>>) offsets(%dma_start3A_22 : memref<128xi32, #tpu.memory_space<vmem>>) semaphore(%arg9 : memref<!tpu.dma_semaphore, #tpu.memory_space<semaphore_mem>>) {add = true}
      %mul3A_26 = arith.constant 8 : i32
      %mul3A_27 = arith.muli %scan3A_7, %mul3A_26 : i32
      %add3A_28 = arith.constant 2 : i32
      %add3A_29 = arith.addi %mul3A_27, %add3A_28 : i32
      %dma_start3A_30 = arith.constant 0 : i32
      %dma_start3A_31 = tpu.memref_slice %arg6[%add3A_29, %dma_start3A_30] : memref<80x128xi32, #tpu.memory_space<vmem>> -> memref<1x128xi32, #tpu.memory_space<vmem>>
      %dma_start3A_32 = tpu.memref_squeeze %dma_start3A_31 : memref<1x128xi32, #tpu.memory_space<vmem>> -> memref<128xi32, #tpu.memory_space<vmem>>
      %dma_start3A_33 = arith.constant 0 : i32
      %dma_start3A_34 = arith.constant 0 : i32
      %dma_start3A_35 = tpu.memref_slice %arg8[%dma_start3A_33, %dma_start3A_34] : memref<10016x16xf32, #tpu.memory_space<vmem_shared>> -> memref<10016x16xf32, #tpu.memory_space<vmem_shared>>
      tpu.enqueue_indirect_dma source(%arg7 : memref<128x16xf32, #tpu.memory_space<vmem>>) target(%dma_start3A_35 : memref<10016x16xf32, #tpu.memory_space<vmem_shared>>) offsets(%dma_start3A_32 : memref<128xi32, #tpu.memory_space<vmem>>) semaphore(%arg9 : memref<!tpu.dma_semaphore, #tpu.memory_space<semaphore_mem>>) {add = true}
      %mul3A_36 = arith.constant 8 : i32
      %mul3A_37 = arith.muli %scan3A_7, %mul3A_36 : i32
      %add3A_38 = arith.constant 3 : i32
      %add3A_39 = arith.addi %mul3A_37, %add3A_38 : i32
      %dma_start3A_40 = arith.constant 0 : i32
      %dma_start3A_41 = tpu.memref_slice %arg6[%add3A_39, %dma_start3A_40] : memref<80x128xi32, #tpu.memory_space<vmem>> -> memref<1x128xi32, #tpu.memory_space<vmem>>
      %dma_start3A_42 = tpu.memref_squeeze %dma_start3A_41 : memref<1x128xi32, #tpu.memory_space<vmem>> -> memref<128xi32, #tpu.memory_space<vmem>>
      %dma_start3A_43 = arith.constant 0 : i32
      %dma_start3A_44 = arith.constant 0 : i32
      %dma_start3A_45 = tpu.memref_slice %arg8[%dma_start3A_43, %dma_start3A_44] : memref<10016x16xf32, #tpu.memory_space<vmem_shared>> -> memref<10016x16xf32, #tpu.memory_space<vmem_shared>>
      tpu.enqueue_indirect_dma source(%arg7 : memref<128x16xf32, #tpu.memory_space<vmem>>) target(%dma_start3A_45 : memref<10016x16xf32, #tpu.memory_space<vmem_shared>>) offsets(%dma_start3A_42 : memref<128xi32, #tpu.memory_space<vmem>>) semaphore(%arg9 : memref<!tpu.dma_semaphore, #tpu.memory_space<semaphore_mem>>) {add = true}
      %mul3A_46 = arith.constant 8 : i32
      %mul3A_47 = arith.muli %scan3A_7, %mul3A_46 : i32
      %add3A_48 = arith.constant 4 : i32
      %add3A_49 = arith.addi %mul3A_47, %add3A_48 : i32
      %dma_start3A_50 = arith.constant 0 : i32
      %dma_start3A_51 = tpu.memref_slice %arg6[%add3A_49, %dma_start3A_50] : memref<80x128xi32, #tpu.memory_space<vmem>> -> memref<1x128xi32, #tpu.memory_space<vmem>>
      %dma_start3A_52 = tpu.memref_squeeze %dma_start3A_51 : memref<1x128xi32, #tpu.memory_space<vmem>> -> memref<128xi32, #tpu.memory_space<vmem>>
      %dma_start3A_53 = arith.constant 0 : i32
      %dma_start3A_54 = arith.constant 0 : i32
      %dma_start3A_55 = tpu.memref_slice %arg8[%dma_start3A_53, %dma_start3A_54] : memref<10016x16xf32, #tpu.memory_space<vmem_shared>> -> memref<10016x16xf32, #tpu.memory_space<vmem_shared>>
      tpu.enqueue_indirect_dma source(%arg7 : memref<128x16xf32, #tpu.memory_space<vmem>>) target(%dma_start3A_55 : memref<10016x16xf32, #tpu.memory_space<vmem_shared>>) offsets(%dma_start3A_52 : memref<128xi32, #tpu.memory_space<vmem>>) semaphore(%arg9 : memref<!tpu.dma_semaphore, #tpu.memory_space<semaphore_mem>>) {add = true}
      %mul3A_56 = arith.constant 8 : i32
      %mul3A_57 = arith.muli %scan3A_7, %mul3A_56 : i32
      %add3A_58 = arith.constant 5 : i32
      %add3A_59 = arith.addi %mul3A_57, %add3A_58 : i32
      %dma_start3A_60 = arith.constant 0 : i32
      %dma_start3A_61 = tpu.memref_slice %arg6[%add3A_59, %dma_start3A_60] : memref<80x128xi32, #tpu.memory_space<vmem>> -> memref<1x128xi32, #tpu.memory_space<vmem>>
      %dma_start3A_62 = tpu.memref_squeeze %dma_start3A_61 : memref<1x128xi32, #tpu.memory_space<vmem>> -> memref<128xi32, #tpu.memory_space<vmem>>
      %dma_start3A_63 = arith.constant 0 : i32
      %dma_start3A_64 = arith.constant 0 : i32
      %dma_start3A_65 = tpu.memref_slice %arg8[%dma_start3A_63, %dma_start3A_64] : memref<10016x16xf32, #tpu.memory_space<vmem_shared>> -> memref<10016x16xf32, #tpu.memory_space<vmem_shared>>
      tpu.enqueue_indirect_dma source(%arg7 : memref<128x16xf32, #tpu.memory_space<vmem>>) target(%dma_start3A_65 : memref<10016x16xf32, #tpu.memory_space<vmem_shared>>) offsets(%dma_start3A_62 : memref<128xi32, #tpu.memory_space<vmem>>) semaphore(%arg9 : memref<!tpu.dma_semaphore, #tpu.memory_space<semaphore_mem>>) {add = true}
      %mul3A_66 = arith.constant 8 : i32
      %mul3A_67 = arith.muli %scan3A_7, %mul3A_66 : i32
      %add3A_68 = arith.constant 6 : i32
      %add3A_69 = arith.addi %mul3A_67, %add3A_68 : i32
      %dma_start3A_70 = arith.constant 0 : i32
      %dma_start3A_71 = tpu.memref_slice %arg6[%add3A_69, %dma_start3A_70] : memref<80x128xi32, #tpu.memory_space<vmem>> -> memref<1x128xi32, #tpu.memory_space<vmem>>
      %dma_start3A_72 = tpu.memref_squeeze %dma_start3A_71 : memref<1x128xi32, #tpu.memory_space<vmem>> -> memref<128xi32, #tpu.memory_space<vmem>>
      %dma_start3A_73 = arith.constant 0 : i32
      %dma_start3A_74 = arith.constant 0 : i32
      %dma_start3A_75 = tpu.memref_slice %arg8[%dma_start3A_73, %dma_start3A_74] : memref<10016x16xf32, #tpu.memory_space<vmem_shared>> -> memref<10016x16xf32, #tpu.memory_space<vmem_shared>>
      tpu.enqueue_indirect_dma source(%arg7 : memref<128x16xf32, #tpu.memory_space<vmem>>) target(%dma_start3A_75 : memref<10016x16xf32, #tpu.memory_space<vmem_shared>>) offsets(%dma_start3A_72 : memref<128xi32, #tpu.memory_space<vmem>>) semaphore(%arg9 : memref<!tpu.dma_semaphore, #tpu.memory_space<semaphore_mem>>) {add = true}
      %mul3A_76 = arith.constant 8 : i32
      %mul3A_77 = arith.muli %scan3A_7, %mul3A_76 : i32
      %add3A_78 = arith.constant 7 : i32
      %add3A_79 = arith.addi %mul3A_77, %add3A_78 : i32
      %dma_start3A_80 = arith.constant 0 : i32
      %dma_start3A_81 = tpu.memref_slice %arg6[%add3A_79, %dma_start3A_80] : memref<80x128xi32, #tpu.memory_space<vmem>> -> memref<1x128xi32, #tpu.memory_space<vmem>>
      %dma_start3A_82 = tpu.memref_squeeze %dma_start3A_81 : memref<1x128xi32, #tpu.memory_space<vmem>> -> memref<128xi32, #tpu.memory_space<vmem>>
      %dma_start3A_83 = arith.constant 0 : i32
      %dma_start3A_84 = arith.constant 0 : i32
      %dma_start3A_85 = tpu.memref_slice %arg8[%dma_start3A_83, %dma_start3A_84] : memref<10016x16xf32, #tpu.memory_space<vmem_shared>> -> memref<10016x16xf32, #tpu.memory_space<vmem_shared>>
      tpu.enqueue_indirect_dma source(%arg7 : memref<128x16xf32, #tpu.memory_space<vmem>>) target(%dma_start3A_85 : memref<10016x16xf32, #tpu.memory_space<vmem_shared>>) offsets(%dma_start3A_82 : memref<128xi32, #tpu.memory_space<vmem>>) semaphore(%arg9 : memref<!tpu.dma_semaphore, #tpu.memory_space<semaphore_mem>>) {add = true}
      %dma_wait3A = arith.constant 0 : i32
      %dma_wait3A_86 = tpu.memref_slice %arg6[%add3A_10, %dma_wait3A] : memref<80x128xi32, #tpu.memory_space<vmem>> -> memref<1x128xi32, #tpu.memory_space<vmem>>
      %dma_wait3A_87 = tpu.memref_squeeze %dma_wait3A_86 : memref<1x128xi32, #tpu.memory_space<vmem>> -> memref<128xi32, #tpu.memory_space<vmem>>
      %dma_wait3A_88 = arith.constant 0 : i32
      %dma_wait3A_89 = arith.constant 0 : i32
      %dma_wait3A_90 = tpu.memref_slice %arg8[%dma_wait3A_88, %dma_wait3A_89] : memref<10016x16xf32, #tpu.memory_space<vmem_shared>> -> memref<10016x16xf32, #tpu.memory_space<vmem_shared>>
      tpu.wait_indirect_dma semaphore(%arg9 : memref<!tpu.dma_semaphore, #tpu.memory_space<semaphore_mem>>) src(%arg7 : memref<128x16xf32, #tpu.memory_space<vmem>>) dst(%dma_wait3A_90 : memref<10016x16xf32, #tpu.memory_space<vmem_shared>>)
      %dma_wait3A_91 = arith.constant 0 : i32
      %dma_wait3A_92 = tpu.memref_slice %arg6[%add3A_19, %dma_wait3A_91] : memref<80x128xi32, #tpu.memory_space<vmem>> -> memref<1x128xi32, #tpu.memory_space<vmem>>
      %dma_wait3A_93 = tpu.memref_squeeze %dma_wait3A_92 : memref<1x128xi32, #tpu.memory_space<vmem>> -> memref<128xi32, #tpu.memory_space<vmem>>
      %dma_wait3A_94 = arith.constant 0 : i32
      %dma_wait3A_95 = arith.constant 0 : i32
      %dma_wait3A_96 = tpu.memref_slice %arg8[%dma_wait3A_94, %dma_wait3A_95] : memref<10016x16xf32, #tpu.memory_space<vmem_shared>> -> memref<10016x16xf32, #tpu.memory_space<vmem_shared>>
      tpu.wait_indirect_dma semaphore(%arg9 : memref<!tpu.dma_semaphore, #tpu.memory_space<semaphore_mem>>) src(%arg7 : memref<128x16xf32, #tpu.memory_space<vmem>>) dst(%dma_wait3A_96 : memref<10016x16xf32, #tpu.memory_space<vmem_shared>>)
      %dma_wait3A_97 = arith.constant 0 : i32
      %dma_wait3A_98 = tpu.memref_slice %arg6[%add3A_29, %dma_wait3A_97] : memref<80x128xi32, #tpu.memory_space<vmem>> -> memref<1x128xi32, #tpu.memory_space<vmem>>
      %dma_wait3A_99 = tpu.memref_squeeze %dma_wait3A_98 : memref<1x128xi32, #tpu.memory_space<vmem>> -> memref<128xi32, #tpu.memory_space<vmem>>
      %dma_wait3A_100 = arith.constant 0 : i32
      %dma_wait3A_101 = arith.constant 0 : i32
      %dma_wait3A_102 = tpu.memref_slice %arg8[%dma_wait3A_100, %dma_wait3A_101] : memref<10016x16xf32, #tpu.memory_space<vmem_shared>> -> memref<10016x16xf32, #tpu.memory_space<vmem_shared>>
      tpu.wait_indirect_dma semaphore(%arg9 : memref<!tpu.dma_semaphore, #tpu.memory_space<semaphore_mem>>) src(%arg7 : memref<128x16xf32, #tpu.memory_space<vmem>>) dst(%dma_wait3A_102 : memref<10016x16xf32, #tpu.memory_space<vmem_shared>>)
      %dma_wait3A_103 = arith.constant 0 : i32
      %dma_wait3A_104 = tpu.memref_slice %arg6[%add3A_39, %dma_wait3A_103] : memref<80x128xi32, #tpu.memory_space<vmem>> -> memref<1x128xi32, #tpu.memory_space<vmem>>
      %dma_wait3A_105 = tpu.memref_squeeze %dma_wait3A_104 : memref<1x128xi32, #tpu.memory_space<vmem>> -> memref<128xi32, #tpu.memory_space<vmem>>
      %dma_wait3A_106 = arith.constant 0 : i32
      %dma_wait3A_107 = arith.constant 0 : i32
      %dma_wait3A_108 = tpu.memref_slice %arg8[%dma_wait3A_106, %dma_wait3A_107] : memref<10016x16xf32, #tpu.memory_space<vmem_shared>> -> memref<10016x16xf32, #tpu.memory_space<vmem_shared>>
      tpu.wait_indirect_dma semaphore(%arg9 : memref<!tpu.dma_semaphore, #tpu.memory_space<semaphore_mem>>) src(%arg7 : memref<128x16xf32, #tpu.memory_space<vmem>>) dst(%dma_wait3A_108 : memref<10016x16xf32, #tpu.memory_space<vmem_shared>>)
      %dma_wait3A_109 = arith.constant 0 : i32
      %dma_wait3A_110 = tpu.memref_slice %arg6[%add3A_49, %dma_wait3A_109] : memref<80x128xi32, #tpu.memory_space<vmem>> -> memref<1x128xi32, #tpu.memory_space<vmem>>
      %dma_wait3A_111 = tpu.memref_squeeze %dma_wait3A_110 : memref<1x128xi32, #tpu.memory_space<vmem>> -> memref<128xi32, #tpu.memory_space<vmem>>
      %dma_wait3A_112 = arith.constant 0 : i32
      %dma_wait3A_113 = arith.constant 0 : i32
      %dma_wait3A_114 = tpu.memref_slice %arg8[%dma_wait3A_112, %dma_wait3A_113] : memref<10016x16xf32, #tpu.memory_space<vmem_shared>> -> memref<10016x16xf32, #tpu.memory_space<vmem_shared>>
      tpu.wait_indirect_dma semaphore(%arg9 : memref<!tpu.dma_semaphore, #tpu.memory_space<semaphore_mem>>) src(%arg7 : memref<128x16xf32, #tpu.memory_space<vmem>>) dst(%dma_wait3A_114 : memref<10016x16xf32, #tpu.memory_space<vmem_shared>>)
      %dma_wait3A_115 = arith.constant 0 : i32
      %dma_wait3A_116 = tpu.memref_slice %arg6[%add3A_59, %dma_wait3A_115] : memref<80x128xi32, #tpu.memory_space<vmem>> -> memref<1x128xi32, #tpu.memory_space<vmem>>
      %dma_wait3A_117 = tpu.memref_squeeze %dma_wait3A_116 : memref<1x128xi32, #tpu.memory_space<vmem>> -> memref<128xi32, #tpu.memory_space<vmem>>
      %dma_wait3A_118 = arith.constant 0 : i32
      %dma_wait3A_119 = arith.constant 0 : i32
      %dma_wait3A_120 = tpu.memref_slice %arg8[%dma_wait3A_118, %dma_wait3A_119] : memref<10016x16xf32, #tpu.memory_space<vmem_shared>> -> memref<10016x16xf32, #tpu.memory_space<vmem_shared>>
      tpu.wait_indirect_dma semaphore(%arg9 : memref<!tpu.dma_semaphore, #tpu.memory_space<semaphore_mem>>) src(%arg7 : memref<128x16xf32, #tpu.memory_space<vmem>>) dst(%dma_wait3A_120 : memref<10016x16xf32, #tpu.memory_space<vmem_shared>>)
      %dma_wait3A_121 = arith.constant 0 : i32
      %dma_wait3A_122 = tpu.memref_slice %arg6[%add3A_69, %dma_wait3A_121] : memref<80x128xi32, #tpu.memory_space<vmem>> -> memref<1x128xi32, #tpu.memory_space<vmem>>
      %dma_wait3A_123 = tpu.memref_squeeze %dma_wait3A_122 : memref<1x128xi32, #tpu.memory_space<vmem>> -> memref<128xi32, #tpu.memory_space<vmem>>
      %dma_wait3A_124 = arith.constant 0 : i32
      %dma_wait3A_125 = arith.constant 0 : i32
      %dma_wait3A_126 = tpu.memref_slice %arg8[%dma_wait3A_124, %dma_wait3A_125] : memref<10016x16xf32, #tpu.memory_space<vmem_shared>> -> memref<10016x16xf32, #tpu.memory_space<vmem_shared>>
      tpu.wait_indirect_dma semaphore(%arg9 : memref<!tpu.dma_semaphore, #tpu.memory_space<semaphore_mem>>) src(%arg7 : memref<128x16xf32, #tpu.memory_space<vmem>>) dst(%dma_wait3A_126 : memref<10016x16xf32, #tpu.memory_space<vmem_shared>>)
      %dma_wait3A_127 = arith.constant 0 : i32
      %dma_wait3A_128 = tpu.memref_slice %arg6[%add3A_79, %dma_wait3A_127] : memref<80x128xi32, #tpu.memory_space<vmem>> -> memref<1x128xi32, #tpu.memory_space<vmem>>
      %dma_wait3A_129 = tpu.memref_squeeze %dma_wait3A_128 : memref<1x128xi32, #tpu.memory_space<vmem>> -> memref<128xi32, #tpu.memory_space<vmem>>
      %dma_wait3A_130 = arith.constant 0 : i32
      %dma_wait3A_131 = arith.constant 0 : i32
      %dma_wait3A_132 = tpu.memref_slice %arg8[%dma_wait3A_130, %dma_wait3A_131] : memref<10016x16xf32, #tpu.memory_space<vmem_shared>> -> memref<10016x16xf32, #tpu.memory_space<vmem_shared>>
      tpu.wait_indirect_dma semaphore(%arg9 : memref<!tpu.dma_semaphore, #tpu.memory_space<semaphore_mem>>) src(%arg7 : memref<128x16xf32, #tpu.memory_space<vmem>>) dst(%dma_wait3A_132 : memref<10016x16xf32, #tpu.memory_space<vmem_shared>>)
    }
    %scan3A_5 = arith.constant 10 : i32
    %barrier3A_6 = arith.constant 0 : index
    tpu.barrier barrier_id(%barrier3A_6)
    "tpu.region"() ({
      %run_scoped3A_7 = tpu.sem_alloc : memref<!tpu.dma_semaphore, #tpu.memory_space<semaphore_mem>>
      %dma_start3A = arith.constant 0 : i32
      %dma_start3A_8 = tpu.memref_slice %arg5[%arg0, %mul3A_0, %dma_start3A] : memref<2x10000x16xf32, #tpu.memory_space<hbm>> -> memref<1x625x16xf32, #tpu.memory_space<hbm>>
      %dma_start3A_9 = tpu.memref_squeeze %dma_start3A_8 : memref<1x625x16xf32, #tpu.memory_space<hbm>> -> memref<625x16xf32, #tpu.memory_space<hbm>>
      %dma_start3A_10 = arith.constant 0 : i32
      %dma_start3A_11 = tpu.memref_slice %arg8[%mul3A_0, %dma_start3A_10] : memref<10016x16xf32, #tpu.memory_space<vmem_shared>> -> memref<625x16xf32, #tpu.memory_space<vmem_shared>>
      tpu.enqueue_dma source(%dma_start3A_11 : memref<625x16xf32, #tpu.memory_space<vmem_shared>>) target(%dma_start3A_9 : memref<625x16xf32, #tpu.memory_space<hbm>>) target_semaphore(%run_scoped3A_7 : memref<!tpu.dma_semaphore, #tpu.memory_space<semaphore_mem>>)
      %dma_wait3A = arith.constant 0 : i32
      %dma_wait3A_12 = tpu.memref_slice %arg5[%arg0, %mul3A_0, %dma_wait3A] : memref<2x10000x16xf32, #tpu.memory_space<hbm>> -> memref<1x625x16xf32, #tpu.memory_space<hbm>>
      %dma_wait3A_13 = tpu.memref_squeeze %dma_wait3A_12 : memref<1x625x16xf32, #tpu.memory_space<hbm>> -> memref<625x16xf32, #tpu.memory_space<hbm>>
      %dma_wait3A_14 = arith.constant 0 : i32
      %dma_wait3A_15 = tpu.memref_slice %arg8[%mul3A_0, %dma_wait3A_14] : memref<10016x16xf32, #tpu.memory_space<vmem_shared>> -> memref<625x16xf32, #tpu.memory_space<vmem_shared>>
      tpu.wait_dma2 semaphore(%run_scoped3A_7 : memref<!tpu.dma_semaphore, #tpu.memory_space<semaphore_mem>>) src(%dma_wait3A_15 : memref<625x16xf32, #tpu.memory_space<vmem_shared>>) dst(%dma_wait3A_13 : memref<625x16xf32, #tpu.memory_space<hbm>>)
      tpu.yield
    }) : () -> ()
    return
  }
}

#map = affine_map<(d0, d1) -> (0, 0)>
#map1 = affine_map<(d0, d1) -> (0, 0, 0, 0, 0)>
#map2 = affine_map<(d0, d1) -> (0, 0, 0)>
module attributes {stable_mosaic.version = 14 : i64} {
  func.func @k(%arg0: i32, %arg1: i32, %arg2: memref<10000x16xf32, #tpu.memory_space<hbm>>, %arg3: memref<2x2x16x80x128xi32, #tpu.memory_space<hbm>>, %arg4: memref<2x10000x16xf32, #tpu.memory_space<hbm>>, %arg5: memref<80x128xi32, #tpu.memory_space<vmem>>, %arg6: memref<80x128xi32, #tpu.memory_space<vmem>>, %arg7: memref<8x128x16xf32, #tpu.memory_space<vmem>>, %arg8: memref<10016x16xf32, #tpu.memory_space<vmem_shared>>, %arg9: memref<10016x16xf32, #tpu.memory_space<vmem_shared>>, %arg10: memref<8x!tpu.dma_semaphore, #tpu.memory_space<semaphore_mem>>, %arg11: memref<8x!tpu.dma_semaphore, #tpu.memory_space<semaphore_mem>>) attributes {dimension_semantics = [#tpu.dimension_semantics<core_parallel>, #tpu.dimension_semantics<subcore_parallel>], iteration_bounds = array<i64: 2, 16>, scalar_prefetch = 0 : i64, scratch_operands = 7 : i64, tpu.core_type = #tpu.core_type<sc_vector_subcore>, window_params = [{transform_indices = #map}, {transform_indices = #map1}, {transform_indices = #map2}]} {
    %mul3A = arith.constant 625 : i32
    %mul3A_0 = arith.muli %arg1, %mul3A : i32
    %run_scoped3A = arith.constant 0 : i32
    "tpu.region"() ({
      %run_scoped3A_486 = tpu.sem_alloc : memref<!tpu.dma_semaphore, #tpu.memory_space<semaphore_mem>>
      %dma_start3A_487 = arith.constant 0 : i32
      %dma_start3A_488 = arith.constant 0 : i32
      %dma_start3A_489 = tpu.memref_slice %arg3[%run_scoped3A, %arg0, %arg1, %dma_start3A_487, %dma_start3A_488] : memref<2x2x16x80x128xi32, #tpu.memory_space<hbm>> -> memref<1x1x1x80x128xi32, #tpu.memory_space<hbm>>
      %dma_start3A_490 = tpu.memref_squeeze %dma_start3A_489 : memref<1x1x1x80x128xi32, #tpu.memory_space<hbm>> -> memref<80x128xi32, #tpu.memory_space<hbm>>
      %dma_start3A_491 = arith.constant 0 : i32
      %dma_start3A_492 = arith.constant 0 : i32
      %dma_start3A_493 = tpu.memref_slice %arg3[%run_scoped3A, %arg0, %arg1, %dma_start3A_491, %dma_start3A_492] : memref<2x2x16x80x128xi32, #tpu.memory_space<hbm>> -> memref<1x1x1x80x128xi32, #tpu.memory_space<hbm>>
      %dma_start3A_494 = tpu.memref_squeeze %dma_start3A_493 : memref<1x1x1x80x128xi32, #tpu.memory_space<hbm>> -> memref<80x128xi32, #tpu.memory_space<hbm>>
      tpu.enqueue_dma source(%dma_start3A_494 : memref<80x128xi32, #tpu.memory_space<hbm>>) target(%arg5 : memref<80x128xi32, #tpu.memory_space<vmem>>) target_semaphore(%run_scoped3A_486 : memref<!tpu.dma_semaphore, #tpu.memory_space<semaphore_mem>>)
      %dma_wait3A_495 = arith.constant 0 : i32
      %dma_wait3A_496 = arith.constant 0 : i32
      %dma_wait3A_497 = tpu.memref_slice %arg3[%run_scoped3A, %arg0, %arg1, %dma_wait3A_495, %dma_wait3A_496] : memref<2x2x16x80x128xi32, #tpu.memory_space<hbm>> -> memref<1x1x1x80x128xi32, #tpu.memory_space<hbm>>
      %dma_wait3A_498 = tpu.memref_squeeze %dma_wait3A_497 : memref<1x1x1x80x128xi32, #tpu.memory_space<hbm>> -> memref<80x128xi32, #tpu.memory_space<hbm>>
      %dma_wait3A_499 = arith.constant 0 : i32
      %dma_wait3A_500 = arith.constant 0 : i32
      %dma_wait3A_501 = tpu.memref_slice %arg3[%run_scoped3A, %arg0, %arg1, %dma_wait3A_499, %dma_wait3A_500] : memref<2x2x16x80x128xi32, #tpu.memory_space<hbm>> -> memref<1x1x1x80x128xi32, #tpu.memory_space<hbm>>
      %dma_wait3A_502 = tpu.memref_squeeze %dma_wait3A_501 : memref<1x1x1x80x128xi32, #tpu.memory_space<hbm>> -> memref<80x128xi32, #tpu.memory_space<hbm>>
      tpu.wait_dma2 semaphore(%run_scoped3A_486 : memref<!tpu.dma_semaphore, #tpu.memory_space<semaphore_mem>>) src(%dma_wait3A_502 : memref<80x128xi32, #tpu.memory_space<hbm>>) dst(%arg5 : memref<80x128xi32, #tpu.memory_space<vmem>>)
      tpu.yield
    }) : () -> ()
    %run_scoped3A_1 = arith.constant 1 : i32
    "tpu.region"() ({
      %run_scoped3A_486 = tpu.sem_alloc : memref<!tpu.dma_semaphore, #tpu.memory_space<semaphore_mem>>
      %dma_start3A_487 = arith.constant 0 : i32
      %dma_start3A_488 = arith.constant 0 : i32
      %dma_start3A_489 = tpu.memref_slice %arg3[%run_scoped3A_1, %arg0, %arg1, %dma_start3A_487, %dma_start3A_488] : memref<2x2x16x80x128xi32, #tpu.memory_space<hbm>> -> memref<1x1x1x80x128xi32, #tpu.memory_space<hbm>>
      %dma_start3A_490 = tpu.memref_squeeze %dma_start3A_489 : memref<1x1x1x80x128xi32, #tpu.memory_space<hbm>> -> memref<80x128xi32, #tpu.memory_space<hbm>>
      %dma_start3A_491 = arith.constant 0 : i32
      %dma_start3A_492 = arith.constant 0 : i32
      %dma_start3A_493 = tpu.memref_slice %arg3[%run_scoped3A_1, %arg0, %arg1, %dma_start3A_491, %dma_start3A_492] : memref<2x2x16x80x128xi32, #tpu.memory_space<hbm>> -> memref<1x1x1x80x128xi32, #tpu.memory_space<hbm>>
      %dma_start3A_494 = tpu.memref_squeeze %dma_start3A_493 : memref<1x1x1x80x128xi32, #tpu.memory_space<hbm>> -> memref<80x128xi32, #tpu.memory_space<hbm>>
      tpu.enqueue_dma source(%dma_start3A_494 : memref<80x128xi32, #tpu.memory_space<hbm>>) target(%arg6 : memref<80x128xi32, #tpu.memory_space<vmem>>) target_semaphore(%run_scoped3A_486 : memref<!tpu.dma_semaphore, #tpu.memory_space<semaphore_mem>>)
      %dma_wait3A_495 = arith.constant 0 : i32
      %dma_wait3A_496 = arith.constant 0 : i32
      %dma_wait3A_497 = tpu.memref_slice %arg3[%run_scoped3A_1, %arg0, %arg1, %dma_wait3A_495, %dma_wait3A_496] : memref<2x2x16x80x128xi32, #tpu.memory_space<hbm>> -> memref<1x1x1x80x128xi32, #tpu.memory_space<hbm>>
      %dma_wait3A_498 = tpu.memref_squeeze %dma_wait3A_497 : memref<1x1x1x80x128xi32, #tpu.memory_space<hbm>> -> memref<80x128xi32, #tpu.memory_space<hbm>>
      %dma_wait3A_499 = arith.constant 0 : i32
      %dma_wait3A_500 = arith.constant 0 : i32
      %dma_wait3A_501 = tpu.memref_slice %arg3[%run_scoped3A_1, %arg0, %arg1, %dma_wait3A_499, %dma_wait3A_500] : memref<2x2x16x80x128xi32, #tpu.memory_space<hbm>> -> memref<1x1x1x80x128xi32, #tpu.memory_space<hbm>>
      %dma_wait3A_502 = tpu.memref_squeeze %dma_wait3A_501 : memref<1x1x1x80x128xi32, #tpu.memory_space<hbm>> -> memref<80x128xi32, #tpu.memory_space<hbm>>
      tpu.wait_dma2 semaphore(%run_scoped3A_486 : memref<!tpu.dma_semaphore, #tpu.memory_space<semaphore_mem>>) src(%dma_wait3A_502 : memref<80x128xi32, #tpu.memory_space<hbm>>) dst(%arg6 : memref<80x128xi32, #tpu.memory_space<vmem>>)
      tpu.yield
    }) : () -> ()
    "tpu.region"() ({
      %run_scoped3A_486 = tpu.sem_alloc : memref<!tpu.dma_semaphore, #tpu.memory_space<semaphore_mem>>
      %dma_start3A_487 = arith.constant 0 : i32
      %dma_start3A_488 = tpu.memref_slice %arg8[%mul3A_0, %dma_start3A_487] : memref<10016x16xf32, #tpu.memory_space<vmem_shared>> -> memref<625x16xf32, #tpu.memory_space<vmem_shared>>
      %dma_start3A_489 = arith.constant 0 : i32
      %dma_start3A_490 = tpu.memref_slice %arg2[%mul3A_0, %dma_start3A_489] : memref<10000x16xf32, #tpu.memory_space<hbm>> -> memref<625x16xf32, #tpu.memory_space<hbm>>
      tpu.enqueue_dma source(%dma_start3A_490 : memref<625x16xf32, #tpu.memory_space<hbm>>) target(%dma_start3A_488 : memref<625x16xf32, #tpu.memory_space<vmem_shared>>) target_semaphore(%run_scoped3A_486 : memref<!tpu.dma_semaphore, #tpu.memory_space<semaphore_mem>>)
      %dma_wait3A_491 = arith.constant 0 : i32
      %dma_wait3A_492 = tpu.memref_slice %arg8[%mul3A_0, %dma_wait3A_491] : memref<10016x16xf32, #tpu.memory_space<vmem_shared>> -> memref<625x16xf32, #tpu.memory_space<vmem_shared>>
      %dma_wait3A_493 = arith.constant 0 : i32
      %dma_wait3A_494 = tpu.memref_slice %arg2[%mul3A_0, %dma_wait3A_493] : memref<10000x16xf32, #tpu.memory_space<hbm>> -> memref<625x16xf32, #tpu.memory_space<hbm>>
      tpu.wait_dma2 semaphore(%run_scoped3A_486 : memref<!tpu.dma_semaphore, #tpu.memory_space<semaphore_mem>>) src(%dma_wait3A_494 : memref<625x16xf32, #tpu.memory_space<hbm>>) dst(%dma_wait3A_492 : memref<625x16xf32, #tpu.memory_space<vmem_shared>>)
      tpu.yield
    }) : () -> ()
    "tpu.region"() ({
      %run_scoped3A_486 = tpu.sem_alloc : memref<!tpu.dma_semaphore, #tpu.memory_space<semaphore_mem>>
      %dma_start3A_487 = arith.constant 0 : i32
      %dma_start3A_488 = tpu.memref_slice %arg9[%mul3A_0, %dma_start3A_487] : memref<10016x16xf32, #tpu.memory_space<vmem_shared>> -> memref<625x16xf32, #tpu.memory_space<vmem_shared>>
      %dma_start3A_489 = arith.constant 0 : i32
      %dma_start3A_490 = tpu.memref_slice %arg2[%mul3A_0, %dma_start3A_489] : memref<10000x16xf32, #tpu.memory_space<hbm>> -> memref<625x16xf32, #tpu.memory_space<hbm>>
      tpu.enqueue_dma source(%dma_start3A_490 : memref<625x16xf32, #tpu.memory_space<hbm>>) target(%dma_start3A_488 : memref<625x16xf32, #tpu.memory_space<vmem_shared>>) target_semaphore(%run_scoped3A_486 : memref<!tpu.dma_semaphore, #tpu.memory_space<semaphore_mem>>)
      %dma_wait3A_491 = arith.constant 0 : i32
      %dma_wait3A_492 = tpu.memref_slice %arg9[%mul3A_0, %dma_wait3A_491] : memref<10016x16xf32, #tpu.memory_space<vmem_shared>> -> memref<625x16xf32, #tpu.memory_space<vmem_shared>>
      %dma_wait3A_493 = arith.constant 0 : i32
      %dma_wait3A_494 = tpu.memref_slice %arg2[%mul3A_0, %dma_wait3A_493] : memref<10000x16xf32, #tpu.memory_space<hbm>> -> memref<625x16xf32, #tpu.memory_space<hbm>>
      tpu.wait_dma2 semaphore(%run_scoped3A_486 : memref<!tpu.dma_semaphore, #tpu.memory_space<semaphore_mem>>) src(%dma_wait3A_494 : memref<625x16xf32, #tpu.memory_space<hbm>>) dst(%dma_wait3A_492 : memref<625x16xf32, #tpu.memory_space<vmem_shared>>)
      tpu.yield
    }) : () -> ()
    %barrier3A = arith.constant 0 : index
    tpu.barrier barrier_id(%barrier3A)
    %dma_start3A = arith.constant 0 : i32
    %dma_start3A_2 = arith.constant 0 : i32
    %dma_start3A_3 = arith.constant 0 : i32
    %dma_start3A_4 = arith.constant 0 : i32
    %dma_start3A_5 = arith.constant 0 : i32
    %dma_start3A_6 = tpu.memref_slice %arg7[%dma_start3A_2, %dma_start3A_4, %dma_start3A_5] : memref<8x128x16xf32, #tpu.memory_space<vmem>> -> memref<1x128x16xf32, #tpu.memory_space<vmem>>
    %dma_start3A_7 = tpu.memref_squeeze %dma_start3A_6 : memref<1x128x16xf32, #tpu.memory_space<vmem>> -> memref<128x16xf32, #tpu.memory_space<vmem>>
    %dma_start3A_8 = arith.constant 0 : i32
    %dma_start3A_9 = tpu.memref_slice %arg5[%dma_start3A, %dma_start3A_8] : memref<80x128xi32, #tpu.memory_space<vmem>> -> memref<1x128xi32, #tpu.memory_space<vmem>>
    %dma_start3A_10 = tpu.memref_squeeze %dma_start3A_9 : memref<1x128xi32, #tpu.memory_space<vmem>> -> memref<128xi32, #tpu.memory_space<vmem>>
    %dma_start3A_11 = arith.constant 0 : i32
    %dma_start3A_12 = arith.constant 0 : i32
    %dma_start3A_13 = tpu.memref_slice %arg9[%dma_start3A_11, %dma_start3A_12] : memref<10016x16xf32, #tpu.memory_space<vmem_shared>> -> memref<10016x16xf32, #tpu.memory_space<vmem_shared>>
    %dma_start3A_14 = tpu.memref_slice %arg10[%dma_start3A_3] : memref<8x!tpu.dma_semaphore, #tpu.memory_space<semaphore_mem>> -> memref<1x!tpu.dma_semaphore, #tpu.memory_space<semaphore_mem>>
    %dma_start3A_15 = tpu.memref_squeeze %dma_start3A_14 : memref<1x!tpu.dma_semaphore, #tpu.memory_space<semaphore_mem>> -> memref<!tpu.dma_semaphore, #tpu.memory_space<semaphore_mem>>
    tpu.enqueue_indirect_dma source(%dma_start3A_13 : memref<10016x16xf32, #tpu.memory_space<vmem_shared>>) target(%dma_start3A_7 : memref<128x16xf32, #tpu.memory_space<vmem>>) offsets(%dma_start3A_10 : memref<128xi32, #tpu.memory_space<vmem>>) semaphore(%dma_start3A_15 : memref<!tpu.dma_semaphore, #tpu.memory_space<semaphore_mem>>)
    %dma_start3A_16 = arith.constant 1 : i32
    %dma_start3A_17 = arith.constant 1 : i32
    %dma_start3A_18 = arith.constant 1 : i32
    %dma_start3A_19 = arith.constant 0 : i32
    %dma_start3A_20 = arith.constant 0 : i32
    %dma_start3A_21 = tpu.memref_slice %arg7[%dma_start3A_17, %dma_start3A_19, %dma_start3A_20] : memref<8x128x16xf32, #tpu.memory_space<vmem>> -> memref<1x128x16xf32, #tpu.memory_space<vmem>>
    %dma_start3A_22 = tpu.memref_squeeze %dma_start3A_21 : memref<1x128x16xf32, #tpu.memory_space<vmem>> -> memref<128x16xf32, #tpu.memory_space<vmem>>
    %dma_start3A_23 = arith.constant 0 : i32
    %dma_start3A_24 = tpu.memref_slice %arg5[%dma_start3A_16, %dma_start3A_23] : memref<80x128xi32, #tpu.memory_space<vmem>> -> memref<1x128xi32, #tpu.memory_space<vmem>>
    %dma_start3A_25 = tpu.memref_squeeze %dma_start3A_24 : memref<1x128xi32, #tpu.memory_space<vmem>> -> memref<128xi32, #tpu.memory_space<vmem>>
    %dma_start3A_26 = arith.constant 0 : i32
    %dma_start3A_27 = arith.constant 0 : i32
    %dma_start3A_28 = tpu.memref_slice %arg9[%dma_start3A_26, %dma_start3A_27] : memref<10016x16xf32, #tpu.memory_space<vmem_shared>> -> memref<10016x16xf32, #tpu.memory_space<vmem_shared>>
    %dma_start3A_29 = tpu.memref_slice %arg10[%dma_start3A_18] : memref<8x!tpu.dma_semaphore, #tpu.memory_space<semaphore_mem>> -> memref<1x!tpu.dma_semaphore, #tpu.memory_space<semaphore_mem>>
    %dma_start3A_30 = tpu.memref_squeeze %dma_start3A_29 : memref<1x!tpu.dma_semaphore, #tpu.memory_space<semaphore_mem>> -> memref<!tpu.dma_semaphore, #tpu.memory_space<semaphore_mem>>
    tpu.enqueue_indirect_dma source(%dma_start3A_28 : memref<10016x16xf32, #tpu.memory_space<vmem_shared>>) target(%dma_start3A_22 : memref<128x16xf32, #tpu.memory_space<vmem>>) offsets(%dma_start3A_25 : memref<128xi32, #tpu.memory_space<vmem>>) semaphore(%dma_start3A_30 : memref<!tpu.dma_semaphore, #tpu.memory_space<semaphore_mem>>)
    %dma_start3A_31 = arith.constant 2 : i32
    %dma_start3A_32 = arith.constant 2 : i32
    %dma_start3A_33 = arith.constant 2 : i32
    %dma_start3A_34 = arith.constant 0 : i32
    %dma_start3A_35 = arith.constant 0 : i32
    %dma_start3A_36 = tpu.memref_slice %arg7[%dma_start3A_32, %dma_start3A_34, %dma_start3A_35] : memref<8x128x16xf32, #tpu.memory_space<vmem>> -> memref<1x128x16xf32, #tpu.memory_space<vmem>>
    %dma_start3A_37 = tpu.memref_squeeze %dma_start3A_36 : memref<1x128x16xf32, #tpu.memory_space<vmem>> -> memref<128x16xf32, #tpu.memory_space<vmem>>
    %dma_start3A_38 = arith.constant 0 : i32
    %dma_start3A_39 = tpu.memref_slice %arg5[%dma_start3A_31, %dma_start3A_38] : memref<80x128xi32, #tpu.memory_space<vmem>> -> memref<1x128xi32, #tpu.memory_space<vmem>>
    %dma_start3A_40 = tpu.memref_squeeze %dma_start3A_39 : memref<1x128xi32, #tpu.memory_space<vmem>> -> memref<128xi32, #tpu.memory_space<vmem>>
    %dma_start3A_41 = arith.constant 0 : i32
    %dma_start3A_42 = arith.constant 0 : i32
    %dma_start3A_43 = tpu.memref_slice %arg9[%dma_start3A_41, %dma_start3A_42] : memref<10016x16xf32, #tpu.memory_space<vmem_shared>> -> memref<10016x16xf32, #tpu.memory_space<vmem_shared>>
    %dma_start3A_44 = tpu.memref_slice %arg10[%dma_start3A_33] : memref<8x!tpu.dma_semaphore, #tpu.memory_space<semaphore_mem>> -> memref<1x!tpu.dma_semaphore, #tpu.memory_space<semaphore_mem>>
    %dma_start3A_45 = tpu.memref_squeeze %dma_start3A_44 : memref<1x!tpu.dma_semaphore, #tpu.memory_space<semaphore_mem>> -> memref<!tpu.dma_semaphore, #tpu.memory_space<semaphore_mem>>
    tpu.enqueue_indirect_dma source(%dma_start3A_43 : memref<10016x16xf32, #tpu.memory_space<vmem_shared>>) target(%dma_start3A_37 : memref<128x16xf32, #tpu.memory_space<vmem>>) offsets(%dma_start3A_40 : memref<128xi32, #tpu.memory_space<vmem>>) semaphore(%dma_start3A_45 : memref<!tpu.dma_semaphore, #tpu.memory_space<semaphore_mem>>)
    %dma_start3A_46 = arith.constant 3 : i32
    %dma_start3A_47 = arith.constant 3 : i32
    %dma_start3A_48 = arith.constant 3 : i32
    %dma_start3A_49 = arith.constant 0 : i32
    %dma_start3A_50 = arith.constant 0 : i32
    %dma_start3A_51 = tpu.memref_slice %arg7[%dma_start3A_47, %dma_start3A_49, %dma_start3A_50] : memref<8x128x16xf32, #tpu.memory_space<vmem>> -> memref<1x128x16xf32, #tpu.memory_space<vmem>>
    %dma_start3A_52 = tpu.memref_squeeze %dma_start3A_51 : memref<1x128x16xf32, #tpu.memory_space<vmem>> -> memref<128x16xf32, #tpu.memory_space<vmem>>
    %dma_start3A_53 = arith.constant 0 : i32
    %dma_start3A_54 = tpu.memref_slice %arg5[%dma_start3A_46, %dma_start3A_53] : memref<80x128xi32, #tpu.memory_space<vmem>> -> memref<1x128xi32, #tpu.memory_space<vmem>>
    %dma_start3A_55 = tpu.memref_squeeze %dma_start3A_54 : memref<1x128xi32, #tpu.memory_space<vmem>> -> memref<128xi32, #tpu.memory_space<vmem>>
    %dma_start3A_56 = arith.constant 0 : i32
    %dma_start3A_57 = arith.constant 0 : i32
    %dma_start3A_58 = tpu.memref_slice %arg9[%dma_start3A_56, %dma_start3A_57] : memref<10016x16xf32, #tpu.memory_space<vmem_shared>> -> memref<10016x16xf32, #tpu.memory_space<vmem_shared>>
    %dma_start3A_59 = tpu.memref_slice %arg10[%dma_start3A_48] : memref<8x!tpu.dma_semaphore, #tpu.memory_space<semaphore_mem>> -> memref<1x!tpu.dma_semaphore, #tpu.memory_space<semaphore_mem>>
    %dma_start3A_60 = tpu.memref_squeeze %dma_start3A_59 : memref<1x!tpu.dma_semaphore, #tpu.memory_space<semaphore_mem>> -> memref<!tpu.dma_semaphore, #tpu.memory_space<semaphore_mem>>
    tpu.enqueue_indirect_dma source(%dma_start3A_58 : memref<10016x16xf32, #tpu.memory_space<vmem_shared>>) target(%dma_start3A_52 : memref<128x16xf32, #tpu.memory_space<vmem>>) offsets(%dma_start3A_55 : memref<128xi32, #tpu.memory_space<vmem>>) semaphore(%dma_start3A_60 : memref<!tpu.dma_semaphore, #tpu.memory_space<semaphore_mem>>)
    %dma_start3A_61 = arith.constant 4 : i32
    %dma_start3A_62 = arith.constant 4 : i32
    %dma_start3A_63 = arith.constant 4 : i32
    %dma_start3A_64 = arith.constant 0 : i32
    %dma_start3A_65 = arith.constant 0 : i32
    %dma_start3A_66 = tpu.memref_slice %arg7[%dma_start3A_62, %dma_start3A_64, %dma_start3A_65] : memref<8x128x16xf32, #tpu.memory_space<vmem>> -> memref<1x128x16xf32, #tpu.memory_space<vmem>>
    %dma_start3A_67 = tpu.memref_squeeze %dma_start3A_66 : memref<1x128x16xf32, #tpu.memory_space<vmem>> -> memref<128x16xf32, #tpu.memory_space<vmem>>
    %dma_start3A_68 = arith.constant 0 : i32
    %dma_start3A_69 = tpu.memref_slice %arg5[%dma_start3A_61, %dma_start3A_68] : memref<80x128xi32, #tpu.memory_space<vmem>> -> memref<1x128xi32, #tpu.memory_space<vmem>>
    %dma_start3A_70 = tpu.memref_squeeze %dma_start3A_69 : memref<1x128xi32, #tpu.memory_space<vmem>> -> memref<128xi32, #tpu.memory_space<vmem>>
    %dma_start3A_71 = arith.constant 0 : i32
    %dma_start3A_72 = arith.constant 0 : i32
    %dma_start3A_73 = tpu.memref_slice %arg9[%dma_start3A_71, %dma_start3A_72] : memref<10016x16xf32, #tpu.memory_space<vmem_shared>> -> memref<10016x16xf32, #tpu.memory_space<vmem_shared>>
    %dma_start3A_74 = tpu.memref_slice %arg10[%dma_start3A_63] : memref<8x!tpu.dma_semaphore, #tpu.memory_space<semaphore_mem>> -> memref<1x!tpu.dma_semaphore, #tpu.memory_space<semaphore_mem>>
    %dma_start3A_75 = tpu.memref_squeeze %dma_start3A_74 : memref<1x!tpu.dma_semaphore, #tpu.memory_space<semaphore_mem>> -> memref<!tpu.dma_semaphore, #tpu.memory_space<semaphore_mem>>
    tpu.enqueue_indirect_dma source(%dma_start3A_73 : memref<10016x16xf32, #tpu.memory_space<vmem_shared>>) target(%dma_start3A_67 : memref<128x16xf32, #tpu.memory_space<vmem>>) offsets(%dma_start3A_70 : memref<128xi32, #tpu.memory_space<vmem>>) semaphore(%dma_start3A_75 : memref<!tpu.dma_semaphore, #tpu.memory_space<semaphore_mem>>)
    %dma_start3A_76 = arith.constant 5 : i32
    %dma_start3A_77 = arith.constant 5 : i32
    %dma_start3A_78 = arith.constant 5 : i32
    %dma_start3A_79 = arith.constant 0 : i32
    %dma_start3A_80 = arith.constant 0 : i32
    %dma_start3A_81 = tpu.memref_slice %arg7[%dma_start3A_77, %dma_start3A_79, %dma_start3A_80] : memref<8x128x16xf32, #tpu.memory_space<vmem>> -> memref<1x128x16xf32, #tpu.memory_space<vmem>>
    %dma_start3A_82 = tpu.memref_squeeze %dma_start3A_81 : memref<1x128x16xf32, #tpu.memory_space<vmem>> -> memref<128x16xf32, #tpu.memory_space<vmem>>
    %dma_start3A_83 = arith.constant 0 : i32
    %dma_start3A_84 = tpu.memref_slice %arg5[%dma_start3A_76, %dma_start3A_83] : memref<80x128xi32, #tpu.memory_space<vmem>> -> memref<1x128xi32, #tpu.memory_space<vmem>>
    %dma_start3A_85 = tpu.memref_squeeze %dma_start3A_84 : memref<1x128xi32, #tpu.memory_space<vmem>> -> memref<128xi32, #tpu.memory_space<vmem>>
    %dma_start3A_86 = arith.constant 0 : i32
    %dma_start3A_87 = arith.constant 0 : i32
    %dma_start3A_88 = tpu.memref_slice %arg9[%dma_start3A_86, %dma_start3A_87] : memref<10016x16xf32, #tpu.memory_space<vmem_shared>> -> memref<10016x16xf32, #tpu.memory_space<vmem_shared>>
    %dma_start3A_89 = tpu.memref_slice %arg10[%dma_start3A_78] : memref<8x!tpu.dma_semaphore, #tpu.memory_space<semaphore_mem>> -> memref<1x!tpu.dma_semaphore, #tpu.memory_space<semaphore_mem>>
    %dma_start3A_90 = tpu.memref_squeeze %dma_start3A_89 : memref<1x!tpu.dma_semaphore, #tpu.memory_space<semaphore_mem>> -> memref<!tpu.dma_semaphore, #tpu.memory_space<semaphore_mem>>
    tpu.enqueue_indirect_dma source(%dma_start3A_88 : memref<10016x16xf32, #tpu.memory_space<vmem_shared>>) target(%dma_start3A_82 : memref<128x16xf32, #tpu.memory_space<vmem>>) offsets(%dma_start3A_85 : memref<128xi32, #tpu.memory_space<vmem>>) semaphore(%dma_start3A_90 : memref<!tpu.dma_semaphore, #tpu.memory_space<semaphore_mem>>)
    %dma_start3A_91 = arith.constant 6 : i32
    %dma_start3A_92 = arith.constant 6 : i32
    %dma_start3A_93 = arith.constant 6 : i32
    %dma_start3A_94 = arith.constant 0 : i32
    %dma_start3A_95 = arith.constant 0 : i32
    %dma_start3A_96 = tpu.memref_slice %arg7[%dma_start3A_92, %dma_start3A_94, %dma_start3A_95] : memref<8x128x16xf32, #tpu.memory_space<vmem>> -> memref<1x128x16xf32, #tpu.memory_space<vmem>>
    %dma_start3A_97 = tpu.memref_squeeze %dma_start3A_96 : memref<1x128x16xf32, #tpu.memory_space<vmem>> -> memref<128x16xf32, #tpu.memory_space<vmem>>
    %dma_start3A_98 = arith.constant 0 : i32
    %dma_start3A_99 = tpu.memref_slice %arg5[%dma_start3A_91, %dma_start3A_98] : memref<80x128xi32, #tpu.memory_space<vmem>> -> memref<1x128xi32, #tpu.memory_space<vmem>>
    %dma_start3A_100 = tpu.memref_squeeze %dma_start3A_99 : memref<1x128xi32, #tpu.memory_space<vmem>> -> memref<128xi32, #tpu.memory_space<vmem>>
    %dma_start3A_101 = arith.constant 0 : i32
    %dma_start3A_102 = arith.constant 0 : i32
    %dma_start3A_103 = tpu.memref_slice %arg9[%dma_start3A_101, %dma_start3A_102] : memref<10016x16xf32, #tpu.memory_space<vmem_shared>> -> memref<10016x16xf32, #tpu.memory_space<vmem_shared>>
    %dma_start3A_104 = tpu.memref_slice %arg10[%dma_start3A_93] : memref<8x!tpu.dma_semaphore, #tpu.memory_space<semaphore_mem>> -> memref<1x!tpu.dma_semaphore, #tpu.memory_space<semaphore_mem>>
    %dma_start3A_105 = tpu.memref_squeeze %dma_start3A_104 : memref<1x!tpu.dma_semaphore, #tpu.memory_space<semaphore_mem>> -> memref<!tpu.dma_semaphore, #tpu.memory_space<semaphore_mem>>
    tpu.enqueue_indirect_dma source(%dma_start3A_103 : memref<10016x16xf32, #tpu.memory_space<vmem_shared>>) target(%dma_start3A_97 : memref<128x16xf32, #tpu.memory_space<vmem>>) offsets(%dma_start3A_100 : memref<128xi32, #tpu.memory_space<vmem>>) semaphore(%dma_start3A_105 : memref<!tpu.dma_semaphore, #tpu.memory_space<semaphore_mem>>)
    %dma_start3A_106 = arith.constant 7 : i32
    %dma_start3A_107 = arith.constant 7 : i32
    %dma_start3A_108 = arith.constant 7 : i32
    %dma_start3A_109 = arith.constant 0 : i32
    %dma_start3A_110 = arith.constant 0 : i32
    %dma_start3A_111 = tpu.memref_slice %arg7[%dma_start3A_107, %dma_start3A_109, %dma_start3A_110] : memref<8x128x16xf32, #tpu.memory_space<vmem>> -> memref<1x128x16xf32, #tpu.memory_space<vmem>>
    %dma_start3A_112 = tpu.memref_squeeze %dma_start3A_111 : memref<1x128x16xf32, #tpu.memory_space<vmem>> -> memref<128x16xf32, #tpu.memory_space<vmem>>
    %dma_start3A_113 = arith.constant 0 : i32
    %dma_start3A_114 = tpu.memref_slice %arg5[%dma_start3A_106, %dma_start3A_113] : memref<80x128xi32, #tpu.memory_space<vmem>> -> memref<1x128xi32, #tpu.memory_space<vmem>>
    %dma_start3A_115 = tpu.memref_squeeze %dma_start3A_114 : memref<1x128xi32, #tpu.memory_space<vmem>> -> memref<128xi32, #tpu.memory_space<vmem>>
    %dma_start3A_116 = arith.constant 0 : i32
    %dma_start3A_117 = arith.constant 0 : i32
    %dma_start3A_118 = tpu.memref_slice %arg9[%dma_start3A_116, %dma_start3A_117] : memref<10016x16xf32, #tpu.memory_space<vmem_shared>> -> memref<10016x16xf32, #tpu.memory_space<vmem_shared>>
    %dma_start3A_119 = tpu.memref_slice %arg10[%dma_start3A_108] : memref<8x!tpu.dma_semaphore, #tpu.memory_space<semaphore_mem>> -> memref<1x!tpu.dma_semaphore, #tpu.memory_space<semaphore_mem>>
    %dma_start3A_120 = tpu.memref_squeeze %dma_start3A_119 : memref<1x!tpu.dma_semaphore, #tpu.memory_space<semaphore_mem>> -> memref<!tpu.dma_semaphore, #tpu.memory_space<semaphore_mem>>
    tpu.enqueue_indirect_dma source(%dma_start3A_118 : memref<10016x16xf32, #tpu.memory_space<vmem_shared>>) target(%dma_start3A_112 : memref<128x16xf32, #tpu.memory_space<vmem>>) offsets(%dma_start3A_115 : memref<128xi32, #tpu.memory_space<vmem>>) semaphore(%dma_start3A_120 : memref<!tpu.dma_semaphore, #tpu.memory_space<semaphore_mem>>)
    %scan3A = arith.constant 0 : i32
    %scan3A_121 = arith.constant 0 : i32
    %scan3A_122 = arith.constant 9 : i32
    %scan3A_123 = arith.addi %scan3A_121, %scan3A_122 : i32
    %scan3A_124 = arith.constant 1 : i32
    scf.for %scan3A_486 = %scan3A_121 to %scan3A_123 step %scan3A_124  : i32 {
      %mul3A_487 = arith.constant 8 : i32
      %mul3A_488 = arith.muli %scan3A_486, %mul3A_487 : i32
      %add3A = arith.constant 0 : i32
      %add3A_489 = arith.addi %mul3A_488, %add3A : i32
      %dma_wait3A_490 = arith.constant 0 : i32
      %dma_wait3A_491 = arith.constant 0 : i32
      %dma_wait3A_492 = arith.constant 0 : i32
      %dma_wait3A_493 = arith.constant 0 : i32
      %dma_wait3A_494 = tpu.memref_slice %arg7[%dma_wait3A_490, %dma_wait3A_492, %dma_wait3A_493] : memref<8x128x16xf32, #tpu.memory_space<vmem>> -> memref<1x128x16xf32, #tpu.memory_space<vmem>>
      %dma_wait3A_495 = tpu.memref_squeeze %dma_wait3A_494 : memref<1x128x16xf32, #tpu.memory_space<vmem>> -> memref<128x16xf32, #tpu.memory_space<vmem>>
      %dma_wait3A_496 = arith.constant 0 : i32
      %dma_wait3A_497 = tpu.memref_slice %arg5[%add3A_489, %dma_wait3A_496] : memref<80x128xi32, #tpu.memory_space<vmem>> -> memref<1x128xi32, #tpu.memory_space<vmem>>
      %dma_wait3A_498 = tpu.memref_squeeze %dma_wait3A_497 : memref<1x128xi32, #tpu.memory_space<vmem>> -> memref<128xi32, #tpu.memory_space<vmem>>
      %dma_wait3A_499 = arith.constant 0 : i32
      %dma_wait3A_500 = arith.constant 0 : i32
      %dma_wait3A_501 = tpu.memref_slice %arg9[%dma_wait3A_499, %dma_wait3A_500] : memref<10016x16xf32, #tpu.memory_space<vmem_shared>> -> memref<10016x16xf32, #tpu.memory_space<vmem_shared>>
      %dma_wait3A_502 = tpu.memref_slice %arg10[%dma_wait3A_491] : memref<8x!tpu.dma_semaphore, #tpu.memory_space<semaphore_mem>> -> memref<1x!tpu.dma_semaphore, #tpu.memory_space<semaphore_mem>>
      %dma_wait3A_503 = tpu.memref_squeeze %dma_wait3A_502 : memref<1x!tpu.dma_semaphore, #tpu.memory_space<semaphore_mem>> -> memref<!tpu.dma_semaphore, #tpu.memory_space<semaphore_mem>>
      tpu.wait_indirect_dma semaphore(%dma_wait3A_503 : memref<!tpu.dma_semaphore, #tpu.memory_space<semaphore_mem>>) src(%dma_wait3A_501 : memref<10016x16xf32, #tpu.memory_space<vmem_shared>>) dst(%dma_wait3A_495 : memref<128x16xf32, #tpu.memory_space<vmem>>)
      %mul3A_504 = arith.constant 8 : i32
      %mul3A_505 = arith.muli %scan3A_486, %mul3A_504 : i32
      %add3A_506 = arith.constant 0 : i32
      %add3A_507 = arith.addi %mul3A_505, %add3A_506 : i32
      %dma_start3A_508 = arith.constant 0 : i32
      %dma_start3A_509 = arith.constant 0 : i32
      %dma_start3A_510 = arith.constant 0 : i32
      %dma_start3A_511 = arith.constant 0 : i32
      %dma_start3A_512 = tpu.memref_slice %arg7[%dma_start3A_508, %dma_start3A_510, %dma_start3A_511] : memref<8x128x16xf32, #tpu.memory_space<vmem>> -> memref<1x128x16xf32, #tpu.memory_space<vmem>>
      %dma_start3A_513 = tpu.memref_squeeze %dma_start3A_512 : memref<1x128x16xf32, #tpu.memory_space<vmem>> -> memref<128x16xf32, #tpu.memory_space<vmem>>
      %dma_start3A_514 = arith.constant 0 : i32
      %dma_start3A_515 = tpu.memref_slice %arg6[%add3A_507, %dma_start3A_514] : memref<80x128xi32, #tpu.memory_space<vmem>> -> memref<1x128xi32, #tpu.memory_space<vmem>>
      %dma_start3A_516 = tpu.memref_squeeze %dma_start3A_515 : memref<1x128xi32, #tpu.memory_space<vmem>> -> memref<128xi32, #tpu.memory_space<vmem>>
      %dma_start3A_517 = arith.constant 0 : i32
      %dma_start3A_518 = arith.constant 0 : i32
      %dma_start3A_519 = tpu.memref_slice %arg8[%dma_start3A_517, %dma_start3A_518] : memref<10016x16xf32, #tpu.memory_space<vmem_shared>> -> memref<10016x16xf32, #tpu.memory_space<vmem_shared>>
      %dma_start3A_520 = tpu.memref_slice %arg11[%dma_start3A_509] : memref<8x!tpu.dma_semaphore, #tpu.memory_space<semaphore_mem>> -> memref<1x!tpu.dma_semaphore, #tpu.memory_space<semaphore_mem>>
      %dma_start3A_521 = tpu.memref_squeeze %dma_start3A_520 : memref<1x!tpu.dma_semaphore, #tpu.memory_space<semaphore_mem>> -> memref<!tpu.dma_semaphore, #tpu.memory_space<semaphore_mem>>
      tpu.enqueue_indirect_dma source(%dma_start3A_513 : memref<128x16xf32, #tpu.memory_space<vmem>>) target(%dma_start3A_519 : memref<10016x16xf32, #tpu.memory_space<vmem_shared>>) offsets(%dma_start3A_516 : memref<128xi32, #tpu.memory_space<vmem>>) semaphore(%dma_start3A_521 : memref<!tpu.dma_semaphore, #tpu.memory_space<semaphore_mem>>) {add = true}
      %mul3A_522 = arith.constant 8 : i32
      %mul3A_523 = arith.muli %scan3A_486, %mul3A_522 : i32
      %add3A_524 = arith.constant 1 : i32
      %add3A_525 = arith.addi %mul3A_523, %add3A_524 : i32
      %dma_wait3A_526 = arith.constant 1 : i32
      %dma_wait3A_527 = arith.constant 1 : i32
      %dma_wait3A_528 = arith.constant 0 : i32
      %dma_wait3A_529 = arith.constant 0 : i32
      %dma_wait3A_530 = tpu.memref_slice %arg7[%dma_wait3A_526, %dma_wait3A_528, %dma_wait3A_529] : memref<8x128x16xf32, #tpu.memory_space<vmem>> -> memref<1x128x16xf32, #tpu.memory_space<vmem>>
      %dma_wait3A_531 = tpu.memref_squeeze %dma_wait3A_530 : memref<1x128x16xf32, #tpu.memory_space<vmem>> -> memref<128x16xf32, #tpu.memory_space<vmem>>
      %dma_wait3A_532 = arith.constant 0 : i32
      %dma_wait3A_533 = tpu.memref_slice %arg5[%add3A_525, %dma_wait3A_532] : memref<80x128xi32, #tpu.memory_space<vmem>> -> memref<1x128xi32, #tpu.memory_space<vmem>>
      %dma_wait3A_534 = tpu.memref_squeeze %dma_wait3A_533 : memref<1x128xi32, #tpu.memory_space<vmem>> -> memref<128xi32, #tpu.memory_space<vmem>>
      %dma_wait3A_535 = arith.constant 0 : i32
      %dma_wait3A_536 = arith.constant 0 : i32
      %dma_wait3A_537 = tpu.memref_slice %arg9[%dma_wait3A_535, %dma_wait3A_536] : memref<10016x16xf32, #tpu.memory_space<vmem_shared>> -> memref<10016x16xf32, #tpu.memory_space<vmem_shared>>
      %dma_wait3A_538 = tpu.memref_slice %arg10[%dma_wait3A_527] : memref<8x!tpu.dma_semaphore, #tpu.memory_space<semaphore_mem>> -> memref<1x!tpu.dma_semaphore, #tpu.memory_space<semaphore_mem>>
      %dma_wait3A_539 = tpu.memref_squeeze %dma_wait3A_538 : memref<1x!tpu.dma_semaphore, #tpu.memory_space<semaphore_mem>> -> memref<!tpu.dma_semaphore, #tpu.memory_space<semaphore_mem>>
      tpu.wait_indirect_dma semaphore(%dma_wait3A_539 : memref<!tpu.dma_semaphore, #tpu.memory_space<semaphore_mem>>) src(%dma_wait3A_537 : memref<10016x16xf32, #tpu.memory_space<vmem_shared>>) dst(%dma_wait3A_531 : memref<128x16xf32, #tpu.memory_space<vmem>>)
      %mul3A_540 = arith.constant 8 : i32
      %mul3A_541 = arith.muli %scan3A_486, %mul3A_540 : i32
      %add3A_542 = arith.constant 1 : i32
      %add3A_543 = arith.addi %mul3A_541, %add3A_542 : i32
      %dma_start3A_544 = arith.constant 1 : i32
      %dma_start3A_545 = arith.constant 1 : i32
      %dma_start3A_546 = arith.constant 0 : i32
      %dma_start3A_547 = arith.constant 0 : i32
      %dma_start3A_548 = tpu.memref_slice %arg7[%dma_start3A_544, %dma_start3A_546, %dma_start3A_547] : memref<8x128x16xf32, #tpu.memory_space<vmem>> -> memref<1x128x16xf32, #tpu.memory_space<vmem>>
      %dma_start3A_549 = tpu.memref_squeeze %dma_start3A_548 : memref<1x128x16xf32, #tpu.memory_space<vmem>> -> memref<128x16xf32, #tpu.memory_space<vmem>>
      %dma_start3A_550 = arith.constant 0 : i32
      %dma_start3A_551 = tpu.memref_slice %arg6[%add3A_543, %dma_start3A_550] : memref<80x128xi32, #tpu.memory_space<vmem>> -> memref<1x128xi32, #tpu.memory_space<vmem>>
      %dma_start3A_552 = tpu.memref_squeeze %dma_start3A_551 : memref<1x128xi32, #tpu.memory_space<vmem>> -> memref<128xi32, #tpu.memory_space<vmem>>
      %dma_start3A_553 = arith.constant 0 : i32
      %dma_start3A_554 = arith.constant 0 : i32
      %dma_start3A_555 = tpu.memref_slice %arg8[%dma_start3A_553, %dma_start3A_554] : memref<10016x16xf32, #tpu.memory_space<vmem_shared>> -> memref<10016x16xf32, #tpu.memory_space<vmem_shared>>
      %dma_start3A_556 = tpu.memref_slice %arg11[%dma_start3A_545] : memref<8x!tpu.dma_semaphore, #tpu.memory_space<semaphore_mem>> -> memref<1x!tpu.dma_semaphore, #tpu.memory_space<semaphore_mem>>
      %dma_start3A_557 = tpu.memref_squeeze %dma_start3A_556 : memref<1x!tpu.dma_semaphore, #tpu.memory_space<semaphore_mem>> -> memref<!tpu.dma_semaphore, #tpu.memory_space<semaphore_mem>>
      tpu.enqueue_indirect_dma source(%dma_start3A_549 : memref<128x16xf32, #tpu.memory_space<vmem>>) target(%dma_start3A_555 : memref<10016x16xf32, #tpu.memory_space<vmem_shared>>) offsets(%dma_start3A_552 : memref<128xi32, #tpu.memory_space<vmem>>) semaphore(%dma_start3A_557 : memref<!tpu.dma_semaphore, #tpu.memory_space<semaphore_mem>>) {add = true}
      %mul3A_558 = arith.constant 8 : i32
      %mul3A_559 = arith.muli %scan3A_486, %mul3A_558 : i32
      %add3A_560 = arith.constant 2 : i32
      %add3A_561 = arith.addi %mul3A_559, %add3A_560 : i32
      %dma_wait3A_562 = arith.constant 2 : i32
      %dma_wait3A_563 = arith.constant 2 : i32
      %dma_wait3A_564 = arith.constant 0 : i32
      %dma_wait3A_565 = arith.constant 0 : i32
      %dma_wait3A_566 = tpu.memref_slice %arg7[%dma_wait3A_562, %dma_wait3A_564, %dma_wait3A_565] : memref<8x128x16xf32, #tpu.memory_space<vmem>> -> memref<1x128x16xf32, #tpu.memory_space<vmem>>
      %dma_wait3A_567 = tpu.memref_squeeze %dma_wait3A_566 : memref<1x128x16xf32, #tpu.memory_space<vmem>> -> memref<128x16xf32, #tpu.memory_space<vmem>>
      %dma_wait3A_568 = arith.constant 0 : i32
      %dma_wait3A_569 = tpu.memref_slice %arg5[%add3A_561, %dma_wait3A_568] : memref<80x128xi32, #tpu.memory_space<vmem>> -> memref<1x128xi32, #tpu.memory_space<vmem>>
      %dma_wait3A_570 = tpu.memref_squeeze %dma_wait3A_569 : memref<1x128xi32, #tpu.memory_space<vmem>> -> memref<128xi32, #tpu.memory_space<vmem>>
      %dma_wait3A_571 = arith.constant 0 : i32
      %dma_wait3A_572 = arith.constant 0 : i32
      %dma_wait3A_573 = tpu.memref_slice %arg9[%dma_wait3A_571, %dma_wait3A_572] : memref<10016x16xf32, #tpu.memory_space<vmem_shared>> -> memref<10016x16xf32, #tpu.memory_space<vmem_shared>>
      %dma_wait3A_574 = tpu.memref_slice %arg10[%dma_wait3A_563] : memref<8x!tpu.dma_semaphore, #tpu.memory_space<semaphore_mem>> -> memref<1x!tpu.dma_semaphore, #tpu.memory_space<semaphore_mem>>
      %dma_wait3A_575 = tpu.memref_squeeze %dma_wait3A_574 : memref<1x!tpu.dma_semaphore, #tpu.memory_space<semaphore_mem>> -> memref<!tpu.dma_semaphore, #tpu.memory_space<semaphore_mem>>
      tpu.wait_indirect_dma semaphore(%dma_wait3A_575 : memref<!tpu.dma_semaphore, #tpu.memory_space<semaphore_mem>>) src(%dma_wait3A_573 : memref<10016x16xf32, #tpu.memory_space<vmem_shared>>) dst(%dma_wait3A_567 : memref<128x16xf32, #tpu.memory_space<vmem>>)
      %mul3A_576 = arith.constant 8 : i32
      %mul3A_577 = arith.muli %scan3A_486, %mul3A_576 : i32
      %add3A_578 = arith.constant 2 : i32
      %add3A_579 = arith.addi %mul3A_577, %add3A_578 : i32
      %dma_start3A_580 = arith.constant 2 : i32
      %dma_start3A_581 = arith.constant 2 : i32
      %dma_start3A_582 = arith.constant 0 : i32
      %dma_start3A_583 = arith.constant 0 : i32
      %dma_start3A_584 = tpu.memref_slice %arg7[%dma_start3A_580, %dma_start3A_582, %dma_start3A_583] : memref<8x128x16xf32, #tpu.memory_space<vmem>> -> memref<1x128x16xf32, #tpu.memory_space<vmem>>
      %dma_start3A_585 = tpu.memref_squeeze %dma_start3A_584 : memref<1x128x16xf32, #tpu.memory_space<vmem>> -> memref<128x16xf32, #tpu.memory_space<vmem>>
      %dma_start3A_586 = arith.constant 0 : i32
      %dma_start3A_587 = tpu.memref_slice %arg6[%add3A_579, %dma_start3A_586] : memref<80x128xi32, #tpu.memory_space<vmem>> -> memref<1x128xi32, #tpu.memory_space<vmem>>
      %dma_start3A_588 = tpu.memref_squeeze %dma_start3A_587 : memref<1x128xi32, #tpu.memory_space<vmem>> -> memref<128xi32, #tpu.memory_space<vmem>>
      %dma_start3A_589 = arith.constant 0 : i32
      %dma_start3A_590 = arith.constant 0 : i32
      %dma_start3A_591 = tpu.memref_slice %arg8[%dma_start3A_589, %dma_start3A_590] : memref<10016x16xf32, #tpu.memory_space<vmem_shared>> -> memref<10016x16xf32, #tpu.memory_space<vmem_shared>>
      %dma_start3A_592 = tpu.memref_slice %arg11[%dma_start3A_581] : memref<8x!tpu.dma_semaphore, #tpu.memory_space<semaphore_mem>> -> memref<1x!tpu.dma_semaphore, #tpu.memory_space<semaphore_mem>>
      %dma_start3A_593 = tpu.memref_squeeze %dma_start3A_592 : memref<1x!tpu.dma_semaphore, #tpu.memory_space<semaphore_mem>> -> memref<!tpu.dma_semaphore, #tpu.memory_space<semaphore_mem>>
      tpu.enqueue_indirect_dma source(%dma_start3A_585 : memref<128x16xf32, #tpu.memory_space<vmem>>) target(%dma_start3A_591 : memref<10016x16xf32, #tpu.memory_space<vmem_shared>>) offsets(%dma_start3A_588 : memref<128xi32, #tpu.memory_space<vmem>>) semaphore(%dma_start3A_593 : memref<!tpu.dma_semaphore, #tpu.memory_space<semaphore_mem>>) {add = true}
      %mul3A_594 = arith.constant 8 : i32
      %mul3A_595 = arith.muli %scan3A_486, %mul3A_594 : i32
      %add3A_596 = arith.constant 3 : i32
      %add3A_597 = arith.addi %mul3A_595, %add3A_596 : i32
      %dma_wait3A_598 = arith.constant 3 : i32
      %dma_wait3A_599 = arith.constant 3 : i32
      %dma_wait3A_600 = arith.constant 0 : i32
      %dma_wait3A_601 = arith.constant 0 : i32
      %dma_wait3A_602 = tpu.memref_slice %arg7[%dma_wait3A_598, %dma_wait3A_600, %dma_wait3A_601] : memref<8x128x16xf32, #tpu.memory_space<vmem>> -> memref<1x128x16xf32, #tpu.memory_space<vmem>>
      %dma_wait3A_603 = tpu.memref_squeeze %dma_wait3A_602 : memref<1x128x16xf32, #tpu.memory_space<vmem>> -> memref<128x16xf32, #tpu.memory_space<vmem>>
      %dma_wait3A_604 = arith.constant 0 : i32
      %dma_wait3A_605 = tpu.memref_slice %arg5[%add3A_597, %dma_wait3A_604] : memref<80x128xi32, #tpu.memory_space<vmem>> -> memref<1x128xi32, #tpu.memory_space<vmem>>
      %dma_wait3A_606 = tpu.memref_squeeze %dma_wait3A_605 : memref<1x128xi32, #tpu.memory_space<vmem>> -> memref<128xi32, #tpu.memory_space<vmem>>
      %dma_wait3A_607 = arith.constant 0 : i32
      %dma_wait3A_608 = arith.constant 0 : i32
      %dma_wait3A_609 = tpu.memref_slice %arg9[%dma_wait3A_607, %dma_wait3A_608] : memref<10016x16xf32, #tpu.memory_space<vmem_shared>> -> memref<10016x16xf32, #tpu.memory_space<vmem_shared>>
      %dma_wait3A_610 = tpu.memref_slice %arg10[%dma_wait3A_599] : memref<8x!tpu.dma_semaphore, #tpu.memory_space<semaphore_mem>> -> memref<1x!tpu.dma_semaphore, #tpu.memory_space<semaphore_mem>>
      %dma_wait3A_611 = tpu.memref_squeeze %dma_wait3A_610 : memref<1x!tpu.dma_semaphore, #tpu.memory_space<semaphore_mem>> -> memref<!tpu.dma_semaphore, #tpu.memory_space<semaphore_mem>>
      tpu.wait_indirect_dma semaphore(%dma_wait3A_611 : memref<!tpu.dma_semaphore, #tpu.memory_space<semaphore_mem>>) src(%dma_wait3A_609 : memref<10016x16xf32, #tpu.memory_space<vmem_shared>>) dst(%dma_wait3A_603 : memref<128x16xf32, #tpu.memory_space<vmem>>)
      %mul3A_612 = arith.constant 8 : i32
      %mul3A_613 = arith.muli %scan3A_486, %mul3A_612 : i32
      %add3A_614 = arith.constant 3 : i32
      %add3A_615 = arith.addi %mul3A_613, %add3A_614 : i32
      %dma_start3A_616 = arith.constant 3 : i32
      %dma_start3A_617 = arith.constant 3 : i32
      %dma_start3A_618 = arith.constant 0 : i32
      %dma_start3A_619 = arith.constant 0 : i32
      %dma_start3A_620 = tpu.memref_slice %arg7[%dma_start3A_616, %dma_start3A_618, %dma_start3A_619] : memref<8x128x16xf32, #tpu.memory_space<vmem>> -> memref<1x128x16xf32, #tpu.memory_space<vmem>>
      %dma_start3A_621 = tpu.memref_squeeze %dma_start3A_620 : memref<1x128x16xf32, #tpu.memory_space<vmem>> -> memref<128x16xf32, #tpu.memory_space<vmem>>
      %dma_start3A_622 = arith.constant 0 : i32
      %dma_start3A_623 = tpu.memref_slice %arg6[%add3A_615, %dma_start3A_622] : memref<80x128xi32, #tpu.memory_space<vmem>> -> memref<1x128xi32, #tpu.memory_space<vmem>>
      %dma_start3A_624 = tpu.memref_squeeze %dma_start3A_623 : memref<1x128xi32, #tpu.memory_space<vmem>> -> memref<128xi32, #tpu.memory_space<vmem>>
      %dma_start3A_625 = arith.constant 0 : i32
      %dma_start3A_626 = arith.constant 0 : i32
      %dma_start3A_627 = tpu.memref_slice %arg8[%dma_start3A_625, %dma_start3A_626] : memref<10016x16xf32, #tpu.memory_space<vmem_shared>> -> memref<10016x16xf32, #tpu.memory_space<vmem_shared>>
      %dma_start3A_628 = tpu.memref_slice %arg11[%dma_start3A_617] : memref<8x!tpu.dma_semaphore, #tpu.memory_space<semaphore_mem>> -> memref<1x!tpu.dma_semaphore, #tpu.memory_space<semaphore_mem>>
      %dma_start3A_629 = tpu.memref_squeeze %dma_start3A_628 : memref<1x!tpu.dma_semaphore, #tpu.memory_space<semaphore_mem>> -> memref<!tpu.dma_semaphore, #tpu.memory_space<semaphore_mem>>
      tpu.enqueue_indirect_dma source(%dma_start3A_621 : memref<128x16xf32, #tpu.memory_space<vmem>>) target(%dma_start3A_627 : memref<10016x16xf32, #tpu.memory_space<vmem_shared>>) offsets(%dma_start3A_624 : memref<128xi32, #tpu.memory_space<vmem>>) semaphore(%dma_start3A_629 : memref<!tpu.dma_semaphore, #tpu.memory_space<semaphore_mem>>) {add = true}
      %mul3A_630 = arith.constant 8 : i32
      %mul3A_631 = arith.muli %scan3A_486, %mul3A_630 : i32
      %add3A_632 = arith.constant 4 : i32
      %add3A_633 = arith.addi %mul3A_631, %add3A_632 : i32
      %dma_wait3A_634 = arith.constant 4 : i32
      %dma_wait3A_635 = arith.constant 4 : i32
      %dma_wait3A_636 = arith.constant 0 : i32
      %dma_wait3A_637 = arith.constant 0 : i32
      %dma_wait3A_638 = tpu.memref_slice %arg7[%dma_wait3A_634, %dma_wait3A_636, %dma_wait3A_637] : memref<8x128x16xf32, #tpu.memory_space<vmem>> -> memref<1x128x16xf32, #tpu.memory_space<vmem>>
      %dma_wait3A_639 = tpu.memref_squeeze %dma_wait3A_638 : memref<1x128x16xf32, #tpu.memory_space<vmem>> -> memref<128x16xf32, #tpu.memory_space<vmem>>
      %dma_wait3A_640 = arith.constant 0 : i32
      %dma_wait3A_641 = tpu.memref_slice %arg5[%add3A_633, %dma_wait3A_640] : memref<80x128xi32, #tpu.memory_space<vmem>> -> memref<1x128xi32, #tpu.memory_space<vmem>>
      %dma_wait3A_642 = tpu.memref_squeeze %dma_wait3A_641 : memref<1x128xi32, #tpu.memory_space<vmem>> -> memref<128xi32, #tpu.memory_space<vmem>>
      %dma_wait3A_643 = arith.constant 0 : i32
      %dma_wait3A_644 = arith.constant 0 : i32
      %dma_wait3A_645 = tpu.memref_slice %arg9[%dma_wait3A_643, %dma_wait3A_644] : memref<10016x16xf32, #tpu.memory_space<vmem_shared>> -> memref<10016x16xf32, #tpu.memory_space<vmem_shared>>
      %dma_wait3A_646 = tpu.memref_slice %arg10[%dma_wait3A_635] : memref<8x!tpu.dma_semaphore, #tpu.memory_space<semaphore_mem>> -> memref<1x!tpu.dma_semaphore, #tpu.memory_space<semaphore_mem>>
      %dma_wait3A_647 = tpu.memref_squeeze %dma_wait3A_646 : memref<1x!tpu.dma_semaphore, #tpu.memory_space<semaphore_mem>> -> memref<!tpu.dma_semaphore, #tpu.memory_space<semaphore_mem>>
      tpu.wait_indirect_dma semaphore(%dma_wait3A_647 : memref<!tpu.dma_semaphore, #tpu.memory_space<semaphore_mem>>) src(%dma_wait3A_645 : memref<10016x16xf32, #tpu.memory_space<vmem_shared>>) dst(%dma_wait3A_639 : memref<128x16xf32, #tpu.memory_space<vmem>>)
      %mul3A_648 = arith.constant 8 : i32
      %mul3A_649 = arith.muli %scan3A_486, %mul3A_648 : i32
      %add3A_650 = arith.constant 4 : i32
      %add3A_651 = arith.addi %mul3A_649, %add3A_650 : i32
      %dma_start3A_652 = arith.constant 4 : i32
      %dma_start3A_653 = arith.constant 4 : i32
      %dma_start3A_654 = arith.constant 0 : i32
      %dma_start3A_655 = arith.constant 0 : i32
      %dma_start3A_656 = tpu.memref_slice %arg7[%dma_start3A_652, %dma_start3A_654, %dma_start3A_655] : memref<8x128x16xf32, #tpu.memory_space<vmem>> -> memref<1x128x16xf32, #tpu.memory_space<vmem>>
      %dma_start3A_657 = tpu.memref_squeeze %dma_start3A_656 : memref<1x128x16xf32, #tpu.memory_space<vmem>> -> memref<128x16xf32, #tpu.memory_space<vmem>>
      %dma_start3A_658 = arith.constant 0 : i32
      %dma_start3A_659 = tpu.memref_slice %arg6[%add3A_651, %dma_start3A_658] : memref<80x128xi32, #tpu.memory_space<vmem>> -> memref<1x128xi32, #tpu.memory_space<vmem>>
      %dma_start3A_660 = tpu.memref_squeeze %dma_start3A_659 : memref<1x128xi32, #tpu.memory_space<vmem>> -> memref<128xi32, #tpu.memory_space<vmem>>
      %dma_start3A_661 = arith.constant 0 : i32
      %dma_start3A_662 = arith.constant 0 : i32
      %dma_start3A_663 = tpu.memref_slice %arg8[%dma_start3A_661, %dma_start3A_662] : memref<10016x16xf32, #tpu.memory_space<vmem_shared>> -> memref<10016x16xf32, #tpu.memory_space<vmem_shared>>
      %dma_start3A_664 = tpu.memref_slice %arg11[%dma_start3A_653] : memref<8x!tpu.dma_semaphore, #tpu.memory_space<semaphore_mem>> -> memref<1x!tpu.dma_semaphore, #tpu.memory_space<semaphore_mem>>
      %dma_start3A_665 = tpu.memref_squeeze %dma_start3A_664 : memref<1x!tpu.dma_semaphore, #tpu.memory_space<semaphore_mem>> -> memref<!tpu.dma_semaphore, #tpu.memory_space<semaphore_mem>>
      tpu.enqueue_indirect_dma source(%dma_start3A_657 : memref<128x16xf32, #tpu.memory_space<vmem>>) target(%dma_start3A_663 : memref<10016x16xf32, #tpu.memory_space<vmem_shared>>) offsets(%dma_start3A_660 : memref<128xi32, #tpu.memory_space<vmem>>) semaphore(%dma_start3A_665 : memref<!tpu.dma_semaphore, #tpu.memory_space<semaphore_mem>>) {add = true}
      %mul3A_666 = arith.constant 8 : i32
      %mul3A_667 = arith.muli %scan3A_486, %mul3A_666 : i32
      %add3A_668 = arith.constant 5 : i32
      %add3A_669 = arith.addi %mul3A_667, %add3A_668 : i32
      %dma_wait3A_670 = arith.constant 5 : i32
      %dma_wait3A_671 = arith.constant 5 : i32
      %dma_wait3A_672 = arith.constant 0 : i32
      %dma_wait3A_673 = arith.constant 0 : i32
      %dma_wait3A_674 = tpu.memref_slice %arg7[%dma_wait3A_670, %dma_wait3A_672, %dma_wait3A_673] : memref<8x128x16xf32, #tpu.memory_space<vmem>> -> memref<1x128x16xf32, #tpu.memory_space<vmem>>
      %dma_wait3A_675 = tpu.memref_squeeze %dma_wait3A_674 : memref<1x128x16xf32, #tpu.memory_space<vmem>> -> memref<128x16xf32, #tpu.memory_space<vmem>>
      %dma_wait3A_676 = arith.constant 0 : i32
      %dma_wait3A_677 = tpu.memref_slice %arg5[%add3A_669, %dma_wait3A_676] : memref<80x128xi32, #tpu.memory_space<vmem>> -> memref<1x128xi32, #tpu.memory_space<vmem>>
      %dma_wait3A_678 = tpu.memref_squeeze %dma_wait3A_677 : memref<1x128xi32, #tpu.memory_space<vmem>> -> memref<128xi32, #tpu.memory_space<vmem>>
      %dma_wait3A_679 = arith.constant 0 : i32
      %dma_wait3A_680 = arith.constant 0 : i32
      %dma_wait3A_681 = tpu.memref_slice %arg9[%dma_wait3A_679, %dma_wait3A_680] : memref<10016x16xf32, #tpu.memory_space<vmem_shared>> -> memref<10016x16xf32, #tpu.memory_space<vmem_shared>>
      %dma_wait3A_682 = tpu.memref_slice %arg10[%dma_wait3A_671] : memref<8x!tpu.dma_semaphore, #tpu.memory_space<semaphore_mem>> -> memref<1x!tpu.dma_semaphore, #tpu.memory_space<semaphore_mem>>
      %dma_wait3A_683 = tpu.memref_squeeze %dma_wait3A_682 : memref<1x!tpu.dma_semaphore, #tpu.memory_space<semaphore_mem>> -> memref<!tpu.dma_semaphore, #tpu.memory_space<semaphore_mem>>
      tpu.wait_indirect_dma semaphore(%dma_wait3A_683 : memref<!tpu.dma_semaphore, #tpu.memory_space<semaphore_mem>>) src(%dma_wait3A_681 : memref<10016x16xf32, #tpu.memory_space<vmem_shared>>) dst(%dma_wait3A_675 : memref<128x16xf32, #tpu.memory_space<vmem>>)
      %mul3A_684 = arith.constant 8 : i32
      %mul3A_685 = arith.muli %scan3A_486, %mul3A_684 : i32
      %add3A_686 = arith.constant 5 : i32
      %add3A_687 = arith.addi %mul3A_685, %add3A_686 : i32
      %dma_start3A_688 = arith.constant 5 : i32
      %dma_start3A_689 = arith.constant 5 : i32
      %dma_start3A_690 = arith.constant 0 : i32
      %dma_start3A_691 = arith.constant 0 : i32
      %dma_start3A_692 = tpu.memref_slice %arg7[%dma_start3A_688, %dma_start3A_690, %dma_start3A_691] : memref<8x128x16xf32, #tpu.memory_space<vmem>> -> memref<1x128x16xf32, #tpu.memory_space<vmem>>
      %dma_start3A_693 = tpu.memref_squeeze %dma_start3A_692 : memref<1x128x16xf32, #tpu.memory_space<vmem>> -> memref<128x16xf32, #tpu.memory_space<vmem>>
      %dma_start3A_694 = arith.constant 0 : i32
      %dma_start3A_695 = tpu.memref_slice %arg6[%add3A_687, %dma_start3A_694] : memref<80x128xi32, #tpu.memory_space<vmem>> -> memref<1x128xi32, #tpu.memory_space<vmem>>
      %dma_start3A_696 = tpu.memref_squeeze %dma_start3A_695 : memref<1x128xi32, #tpu.memory_space<vmem>> -> memref<128xi32, #tpu.memory_space<vmem>>
      %dma_start3A_697 = arith.constant 0 : i32
      %dma_start3A_698 = arith.constant 0 : i32
      %dma_start3A_699 = tpu.memref_slice %arg8[%dma_start3A_697, %dma_start3A_698] : memref<10016x16xf32, #tpu.memory_space<vmem_shared>> -> memref<10016x16xf32, #tpu.memory_space<vmem_shared>>
      %dma_start3A_700 = tpu.memref_slice %arg11[%dma_start3A_689] : memref<8x!tpu.dma_semaphore, #tpu.memory_space<semaphore_mem>> -> memref<1x!tpu.dma_semaphore, #tpu.memory_space<semaphore_mem>>
      %dma_start3A_701 = tpu.memref_squeeze %dma_start3A_700 : memref<1x!tpu.dma_semaphore, #tpu.memory_space<semaphore_mem>> -> memref<!tpu.dma_semaphore, #tpu.memory_space<semaphore_mem>>
      tpu.enqueue_indirect_dma source(%dma_start3A_693 : memref<128x16xf32, #tpu.memory_space<vmem>>) target(%dma_start3A_699 : memref<10016x16xf32, #tpu.memory_space<vmem_shared>>) offsets(%dma_start3A_696 : memref<128xi32, #tpu.memory_space<vmem>>) semaphore(%dma_start3A_701 : memref<!tpu.dma_semaphore, #tpu.memory_space<semaphore_mem>>) {add = true}
      %mul3A_702 = arith.constant 8 : i32
      %mul3A_703 = arith.muli %scan3A_486, %mul3A_702 : i32
      %add3A_704 = arith.constant 6 : i32
      %add3A_705 = arith.addi %mul3A_703, %add3A_704 : i32
      %dma_wait3A_706 = arith.constant 6 : i32
      %dma_wait3A_707 = arith.constant 6 : i32
      %dma_wait3A_708 = arith.constant 0 : i32
      %dma_wait3A_709 = arith.constant 0 : i32
      %dma_wait3A_710 = tpu.memref_slice %arg7[%dma_wait3A_706, %dma_wait3A_708, %dma_wait3A_709] : memref<8x128x16xf32, #tpu.memory_space<vmem>> -> memref<1x128x16xf32, #tpu.memory_space<vmem>>
      %dma_wait3A_711 = tpu.memref_squeeze %dma_wait3A_710 : memref<1x128x16xf32, #tpu.memory_space<vmem>> -> memref<128x16xf32, #tpu.memory_space<vmem>>
      %dma_wait3A_712 = arith.constant 0 : i32
      %dma_wait3A_713 = tpu.memref_slice %arg5[%add3A_705, %dma_wait3A_712] : memref<80x128xi32, #tpu.memory_space<vmem>> -> memref<1x128xi32, #tpu.memory_space<vmem>>
      %dma_wait3A_714 = tpu.memref_squeeze %dma_wait3A_713 : memref<1x128xi32, #tpu.memory_space<vmem>> -> memref<128xi32, #tpu.memory_space<vmem>>
      %dma_wait3A_715 = arith.constant 0 : i32
      %dma_wait3A_716 = arith.constant 0 : i32
      %dma_wait3A_717 = tpu.memref_slice %arg9[%dma_wait3A_715, %dma_wait3A_716] : memref<10016x16xf32, #tpu.memory_space<vmem_shared>> -> memref<10016x16xf32, #tpu.memory_space<vmem_shared>>
      %dma_wait3A_718 = tpu.memref_slice %arg10[%dma_wait3A_707] : memref<8x!tpu.dma_semaphore, #tpu.memory_space<semaphore_mem>> -> memref<1x!tpu.dma_semaphore, #tpu.memory_space<semaphore_mem>>
      %dma_wait3A_719 = tpu.memref_squeeze %dma_wait3A_718 : memref<1x!tpu.dma_semaphore, #tpu.memory_space<semaphore_mem>> -> memref<!tpu.dma_semaphore, #tpu.memory_space<semaphore_mem>>
      tpu.wait_indirect_dma semaphore(%dma_wait3A_719 : memref<!tpu.dma_semaphore, #tpu.memory_space<semaphore_mem>>) src(%dma_wait3A_717 : memref<10016x16xf32, #tpu.memory_space<vmem_shared>>) dst(%dma_wait3A_711 : memref<128x16xf32, #tpu.memory_space<vmem>>)
      %mul3A_720 = arith.constant 8 : i32
      %mul3A_721 = arith.muli %scan3A_486, %mul3A_720 : i32
      %add3A_722 = arith.constant 6 : i32
      %add3A_723 = arith.addi %mul3A_721, %add3A_722 : i32
      %dma_start3A_724 = arith.constant 6 : i32
      %dma_start3A_725 = arith.constant 6 : i32
      %dma_start3A_726 = arith.constant 0 : i32
      %dma_start3A_727 = arith.constant 0 : i32
      %dma_start3A_728 = tpu.memref_slice %arg7[%dma_start3A_724, %dma_start3A_726, %dma_start3A_727] : memref<8x128x16xf32, #tpu.memory_space<vmem>> -> memref<1x128x16xf32, #tpu.memory_space<vmem>>
      %dma_start3A_729 = tpu.memref_squeeze %dma_start3A_728 : memref<1x128x16xf32, #tpu.memory_space<vmem>> -> memref<128x16xf32, #tpu.memory_space<vmem>>
      %dma_start3A_730 = arith.constant 0 : i32
      %dma_start3A_731 = tpu.memref_slice %arg6[%add3A_723, %dma_start3A_730] : memref<80x128xi32, #tpu.memory_space<vmem>> -> memref<1x128xi32, #tpu.memory_space<vmem>>
      %dma_start3A_732 = tpu.memref_squeeze %dma_start3A_731 : memref<1x128xi32, #tpu.memory_space<vmem>> -> memref<128xi32, #tpu.memory_space<vmem>>
      %dma_start3A_733 = arith.constant 0 : i32
      %dma_start3A_734 = arith.constant 0 : i32
      %dma_start3A_735 = tpu.memref_slice %arg8[%dma_start3A_733, %dma_start3A_734] : memref<10016x16xf32, #tpu.memory_space<vmem_shared>> -> memref<10016x16xf32, #tpu.memory_space<vmem_shared>>
      %dma_start3A_736 = tpu.memref_slice %arg11[%dma_start3A_725] : memref<8x!tpu.dma_semaphore, #tpu.memory_space<semaphore_mem>> -> memref<1x!tpu.dma_semaphore, #tpu.memory_space<semaphore_mem>>
      %dma_start3A_737 = tpu.memref_squeeze %dma_start3A_736 : memref<1x!tpu.dma_semaphore, #tpu.memory_space<semaphore_mem>> -> memref<!tpu.dma_semaphore, #tpu.memory_space<semaphore_mem>>
      tpu.enqueue_indirect_dma source(%dma_start3A_729 : memref<128x16xf32, #tpu.memory_space<vmem>>) target(%dma_start3A_735 : memref<10016x16xf32, #tpu.memory_space<vmem_shared>>) offsets(%dma_start3A_732 : memref<128xi32, #tpu.memory_space<vmem>>) semaphore(%dma_start3A_737 : memref<!tpu.dma_semaphore, #tpu.memory_space<semaphore_mem>>) {add = true}
      %mul3A_738 = arith.constant 8 : i32
      %mul3A_739 = arith.muli %scan3A_486, %mul3A_738 : i32
      %add3A_740 = arith.constant 7 : i32
      %add3A_741 = arith.addi %mul3A_739, %add3A_740 : i32
      %dma_wait3A_742 = arith.constant 7 : i32
      %dma_wait3A_743 = arith.constant 7 : i32
      %dma_wait3A_744 = arith.constant 0 : i32
      %dma_wait3A_745 = arith.constant 0 : i32
      %dma_wait3A_746 = tpu.memref_slice %arg7[%dma_wait3A_742, %dma_wait3A_744, %dma_wait3A_745] : memref<8x128x16xf32, #tpu.memory_space<vmem>> -> memref<1x128x16xf32, #tpu.memory_space<vmem>>
      %dma_wait3A_747 = tpu.memref_squeeze %dma_wait3A_746 : memref<1x128x16xf32, #tpu.memory_space<vmem>> -> memref<128x16xf32, #tpu.memory_space<vmem>>
      %dma_wait3A_748 = arith.constant 0 : i32
      %dma_wait3A_749 = tpu.memref_slice %arg5[%add3A_741, %dma_wait3A_748] : memref<80x128xi32, #tpu.memory_space<vmem>> -> memref<1x128xi32, #tpu.memory_space<vmem>>
      %dma_wait3A_750 = tpu.memref_squeeze %dma_wait3A_749 : memref<1x128xi32, #tpu.memory_space<vmem>> -> memref<128xi32, #tpu.memory_space<vmem>>
      %dma_wait3A_751 = arith.constant 0 : i32
      %dma_wait3A_752 = arith.constant 0 : i32
      %dma_wait3A_753 = tpu.memref_slice %arg9[%dma_wait3A_751, %dma_wait3A_752] : memref<10016x16xf32, #tpu.memory_space<vmem_shared>> -> memref<10016x16xf32, #tpu.memory_space<vmem_shared>>
      %dma_wait3A_754 = tpu.memref_slice %arg10[%dma_wait3A_743] : memref<8x!tpu.dma_semaphore, #tpu.memory_space<semaphore_mem>> -> memref<1x!tpu.dma_semaphore, #tpu.memory_space<semaphore_mem>>
      %dma_wait3A_755 = tpu.memref_squeeze %dma_wait3A_754 : memref<1x!tpu.dma_semaphore, #tpu.memory_space<semaphore_mem>> -> memref<!tpu.dma_semaphore, #tpu.memory_space<semaphore_mem>>
      tpu.wait_indirect_dma semaphore(%dma_wait3A_755 : memref<!tpu.dma_semaphore, #tpu.memory_space<semaphore_mem>>) src(%dma_wait3A_753 : memref<10016x16xf32, #tpu.memory_space<vmem_shared>>) dst(%dma_wait3A_747 : memref<128x16xf32, #tpu.memory_space<vmem>>)
      %mul3A_756 = arith.constant 8 : i32
      %mul3A_757 = arith.muli %scan3A_486, %mul3A_756 : i32
      %add3A_758 = arith.constant 7 : i32
      %add3A_759 = arith.addi %mul3A_757, %add3A_758 : i32
      %dma_start3A_760 = arith.constant 7 : i32
      %dma_start3A_761 = arith.constant 7 : i32
      %dma_start3A_762 = arith.constant 0 : i32
      %dma_start3A_763 = arith.constant 0 : i32
      %dma_start3A_764 = tpu.memref_slice %arg7[%dma_start3A_760, %dma_start3A_762, %dma_start3A_763] : memref<8x128x16xf32, #tpu.memory_space<vmem>> -> memref<1x128x16xf32, #tpu.memory_space<vmem>>
      %dma_start3A_765 = tpu.memref_squeeze %dma_start3A_764 : memref<1x128x16xf32, #tpu.memory_space<vmem>> -> memref<128x16xf32, #tpu.memory_space<vmem>>
      %dma_start3A_766 = arith.constant 0 : i32
      %dma_start3A_767 = tpu.memref_slice %arg6[%add3A_759, %dma_start3A_766] : memref<80x128xi32, #tpu.memory_space<vmem>> -> memref<1x128xi32, #tpu.memory_space<vmem>>
      %dma_start3A_768 = tpu.memref_squeeze %dma_start3A_767 : memref<1x128xi32, #tpu.memory_space<vmem>> -> memref<128xi32, #tpu.memory_space<vmem>>
      %dma_start3A_769 = arith.constant 0 : i32
      %dma_start3A_770 = arith.constant 0 : i32
      %dma_start3A_771 = tpu.memref_slice %arg8[%dma_start3A_769, %dma_start3A_770] : memref<10016x16xf32, #tpu.memory_space<vmem_shared>> -> memref<10016x16xf32, #tpu.memory_space<vmem_shared>>
      %dma_start3A_772 = tpu.memref_slice %arg11[%dma_start3A_761] : memref<8x!tpu.dma_semaphore, #tpu.memory_space<semaphore_mem>> -> memref<1x!tpu.dma_semaphore, #tpu.memory_space<semaphore_mem>>
      %dma_start3A_773 = tpu.memref_squeeze %dma_start3A_772 : memref<1x!tpu.dma_semaphore, #tpu.memory_space<semaphore_mem>> -> memref<!tpu.dma_semaphore, #tpu.memory_space<semaphore_mem>>
      tpu.enqueue_indirect_dma source(%dma_start3A_765 : memref<128x16xf32, #tpu.memory_space<vmem>>) target(%dma_start3A_771 : memref<10016x16xf32, #tpu.memory_space<vmem_shared>>) offsets(%dma_start3A_768 : memref<128xi32, #tpu.memory_space<vmem>>) semaphore(%dma_start3A_773 : memref<!tpu.dma_semaphore, #tpu.memory_space<semaphore_mem>>) {add = true}
      %mul3A_774 = arith.constant 8 : i32
      %mul3A_775 = arith.muli %scan3A_486, %mul3A_774 : i32
      %add3A_776 = arith.constant 0 : i32
      %add3A_777 = arith.addi %mul3A_775, %add3A_776 : i32
      %dma_wait3A_778 = arith.constant 0 : i32
      %dma_wait3A_779 = arith.constant 0 : i32
      %dma_wait3A_780 = arith.constant 0 : i32
      %dma_wait3A_781 = arith.constant 0 : i32
      %dma_wait3A_782 = tpu.memref_slice %arg7[%dma_wait3A_778, %dma_wait3A_780, %dma_wait3A_781] : memref<8x128x16xf32, #tpu.memory_space<vmem>> -> memref<1x128x16xf32, #tpu.memory_space<vmem>>
      %dma_wait3A_783 = tpu.memref_squeeze %dma_wait3A_782 : memref<1x128x16xf32, #tpu.memory_space<vmem>> -> memref<128x16xf32, #tpu.memory_space<vmem>>
      %dma_wait3A_784 = arith.constant 0 : i32
      %dma_wait3A_785 = tpu.memref_slice %arg6[%add3A_777, %dma_wait3A_784] : memref<80x128xi32, #tpu.memory_space<vmem>> -> memref<1x128xi32, #tpu.memory_space<vmem>>
      %dma_wait3A_786 = tpu.memref_squeeze %dma_wait3A_785 : memref<1x128xi32, #tpu.memory_space<vmem>> -> memref<128xi32, #tpu.memory_space<vmem>>
      %dma_wait3A_787 = arith.constant 0 : i32
      %dma_wait3A_788 = arith.constant 0 : i32
      %dma_wait3A_789 = tpu.memref_slice %arg8[%dma_wait3A_787, %dma_wait3A_788] : memref<10016x16xf32, #tpu.memory_space<vmem_shared>> -> memref<10016x16xf32, #tpu.memory_space<vmem_shared>>
      %dma_wait3A_790 = tpu.memref_slice %arg11[%dma_wait3A_779] : memref<8x!tpu.dma_semaphore, #tpu.memory_space<semaphore_mem>> -> memref<1x!tpu.dma_semaphore, #tpu.memory_space<semaphore_mem>>
      %dma_wait3A_791 = tpu.memref_squeeze %dma_wait3A_790 : memref<1x!tpu.dma_semaphore, #tpu.memory_space<semaphore_mem>> -> memref<!tpu.dma_semaphore, #tpu.memory_space<semaphore_mem>>
      tpu.wait_indirect_dma semaphore(%dma_wait3A_791 : memref<!tpu.dma_semaphore, #tpu.memory_space<semaphore_mem>>) src(%dma_wait3A_783 : memref<128x16xf32, #tpu.memory_space<vmem>>) dst(%dma_wait3A_789 : memref<10016x16xf32, #tpu.memory_space<vmem_shared>>)
      %add3A_792 = arith.constant 1 : i32
      %add3A_793 = arith.addi %scan3A_486, %add3A_792 : i32
      %mul3A_794 = arith.constant 8 : i32
      %mul3A_795 = arith.muli %add3A_793, %mul3A_794 : i32
      %add3A_796 = arith.constant 0 : i32
      %add3A_797 = arith.addi %mul3A_795, %add3A_796 : i32
      %dma_start3A_798 = arith.constant 0 : i32
      %dma_start3A_799 = arith.constant 0 : i32
      %dma_start3A_800 = arith.constant 0 : i32
      %dma_start3A_801 = arith.constant 0 : i32
      %dma_start3A_802 = tpu.memref_slice %arg7[%dma_start3A_798, %dma_start3A_800, %dma_start3A_801] : memref<8x128x16xf32, #tpu.memory_space<vmem>> -> memref<1x128x16xf32, #tpu.memory_space<vmem>>
      %dma_start3A_803 = tpu.memref_squeeze %dma_start3A_802 : memref<1x128x16xf32, #tpu.memory_space<vmem>> -> memref<128x16xf32, #tpu.memory_space<vmem>>
      %dma_start3A_804 = arith.constant 0 : i32
      %dma_start3A_805 = tpu.memref_slice %arg5[%add3A_797, %dma_start3A_804] : memref<80x128xi32, #tpu.memory_space<vmem>> -> memref<1x128xi32, #tpu.memory_space<vmem>>
      %dma_start3A_806 = tpu.memref_squeeze %dma_start3A_805 : memref<1x128xi32, #tpu.memory_space<vmem>> -> memref<128xi32, #tpu.memory_space<vmem>>
      %dma_start3A_807 = arith.constant 0 : i32
      %dma_start3A_808 = arith.constant 0 : i32
      %dma_start3A_809 = tpu.memref_slice %arg9[%dma_start3A_807, %dma_start3A_808] : memref<10016x16xf32, #tpu.memory_space<vmem_shared>> -> memref<10016x16xf32, #tpu.memory_space<vmem_shared>>
      %dma_start3A_810 = tpu.memref_slice %arg10[%dma_start3A_799] : memref<8x!tpu.dma_semaphore, #tpu.memory_space<semaphore_mem>> -> memref<1x!tpu.dma_semaphore, #tpu.memory_space<semaphore_mem>>
      %dma_start3A_811 = tpu.memref_squeeze %dma_start3A_810 : memref<1x!tpu.dma_semaphore, #tpu.memory_space<semaphore_mem>> -> memref<!tpu.dma_semaphore, #tpu.memory_space<semaphore_mem>>
      tpu.enqueue_indirect_dma source(%dma_start3A_809 : memref<10016x16xf32, #tpu.memory_space<vmem_shared>>) target(%dma_start3A_803 : memref<128x16xf32, #tpu.memory_space<vmem>>) offsets(%dma_start3A_806 : memref<128xi32, #tpu.memory_space<vmem>>) semaphore(%dma_start3A_811 : memref<!tpu.dma_semaphore, #tpu.memory_space<semaphore_mem>>)
      %mul3A_812 = arith.constant 8 : i32
      %mul3A_813 = arith.muli %scan3A_486, %mul3A_812 : i32
      %add3A_814 = arith.constant 1 : i32
      %add3A_815 = arith.addi %mul3A_813, %add3A_814 : i32
      %dma_wait3A_816 = arith.constant 1 : i32
      %dma_wait3A_817 = arith.constant 1 : i32
      %dma_wait3A_818 = arith.constant 0 : i32
      %dma_wait3A_819 = arith.constant 0 : i32
      %dma_wait3A_820 = tpu.memref_slice %arg7[%dma_wait3A_816, %dma_wait3A_818, %dma_wait3A_819] : memref<8x128x16xf32, #tpu.memory_space<vmem>> -> memref<1x128x16xf32, #tpu.memory_space<vmem>>
      %dma_wait3A_821 = tpu.memref_squeeze %dma_wait3A_820 : memref<1x128x16xf32, #tpu.memory_space<vmem>> -> memref<128x16xf32, #tpu.memory_space<vmem>>
      %dma_wait3A_822 = arith.constant 0 : i32
      %dma_wait3A_823 = tpu.memref_slice %arg6[%add3A_815, %dma_wait3A_822] : memref<80x128xi32, #tpu.memory_space<vmem>> -> memref<1x128xi32, #tpu.memory_space<vmem>>
      %dma_wait3A_824 = tpu.memref_squeeze %dma_wait3A_823 : memref<1x128xi32, #tpu.memory_space<vmem>> -> memref<128xi32, #tpu.memory_space<vmem>>
      %dma_wait3A_825 = arith.constant 0 : i32
      %dma_wait3A_826 = arith.constant 0 : i32
      %dma_wait3A_827 = tpu.memref_slice %arg8[%dma_wait3A_825, %dma_wait3A_826] : memref<10016x16xf32, #tpu.memory_space<vmem_shared>> -> memref<10016x16xf32, #tpu.memory_space<vmem_shared>>
      %dma_wait3A_828 = tpu.memref_slice %arg11[%dma_wait3A_817] : memref<8x!tpu.dma_semaphore, #tpu.memory_space<semaphore_mem>> -> memref<1x!tpu.dma_semaphore, #tpu.memory_space<semaphore_mem>>
      %dma_wait3A_829 = tpu.memref_squeeze %dma_wait3A_828 : memref<1x!tpu.dma_semaphore, #tpu.memory_space<semaphore_mem>> -> memref<!tpu.dma_semaphore, #tpu.memory_space<semaphore_mem>>
      tpu.wait_indirect_dma semaphore(%dma_wait3A_829 : memref<!tpu.dma_semaphore, #tpu.memory_space<semaphore_mem>>) src(%dma_wait3A_821 : memref<128x16xf32, #tpu.memory_space<vmem>>) dst(%dma_wait3A_827 : memref<10016x16xf32, #tpu.memory_space<vmem_shared>>)
      %add3A_830 = arith.constant 1 : i32
      %add3A_831 = arith.addi %scan3A_486, %add3A_830 : i32
      %mul3A_832 = arith.constant 8 : i32
      %mul3A_833 = arith.muli %add3A_831, %mul3A_832 : i32
      %add3A_834 = arith.constant 1 : i32
      %add3A_835 = arith.addi %mul3A_833, %add3A_834 : i32
      %dma_start3A_836 = arith.constant 1 : i32
      %dma_start3A_837 = arith.constant 1 : i32
      %dma_start3A_838 = arith.constant 0 : i32
      %dma_start3A_839 = arith.constant 0 : i32
      %dma_start3A_840 = tpu.memref_slice %arg7[%dma_start3A_836, %dma_start3A_838, %dma_start3A_839] : memref<8x128x16xf32, #tpu.memory_space<vmem>> -> memref<1x128x16xf32, #tpu.memory_space<vmem>>
      %dma_start3A_841 = tpu.memref_squeeze %dma_start3A_840 : memref<1x128x16xf32, #tpu.memory_space<vmem>> -> memref<128x16xf32, #tpu.memory_space<vmem>>
      %dma_start3A_842 = arith.constant 0 : i32
      %dma_start3A_843 = tpu.memref_slice %arg5[%add3A_835, %dma_start3A_842] : memref<80x128xi32, #tpu.memory_space<vmem>> -> memref<1x128xi32, #tpu.memory_space<vmem>>
      %dma_start3A_844 = tpu.memref_squeeze %dma_start3A_843 : memref<1x128xi32, #tpu.memory_space<vmem>> -> memref<128xi32, #tpu.memory_space<vmem>>
      %dma_start3A_845 = arith.constant 0 : i32
      %dma_start3A_846 = arith.constant 0 : i32
      %dma_start3A_847 = tpu.memref_slice %arg9[%dma_start3A_845, %dma_start3A_846] : memref<10016x16xf32, #tpu.memory_space<vmem_shared>> -> memref<10016x16xf32, #tpu.memory_space<vmem_shared>>
      %dma_start3A_848 = tpu.memref_slice %arg10[%dma_start3A_837] : memref<8x!tpu.dma_semaphore, #tpu.memory_space<semaphore_mem>> -> memref<1x!tpu.dma_semaphore, #tpu.memory_space<semaphore_mem>>
      %dma_start3A_849 = tpu.memref_squeeze %dma_start3A_848 : memref<1x!tpu.dma_semaphore, #tpu.memory_space<semaphore_mem>> -> memref<!tpu.dma_semaphore, #tpu.memory_space<semaphore_mem>>
      tpu.enqueue_indirect_dma source(%dma_start3A_847 : memref<10016x16xf32, #tpu.memory_space<vmem_shared>>) target(%dma_start3A_841 : memref<128x16xf32, #tpu.memory_space<vmem>>) offsets(%dma_start3A_844 : memref<128xi32, #tpu.memory_space<vmem>>) semaphore(%dma_start3A_849 : memref<!tpu.dma_semaphore, #tpu.memory_space<semaphore_mem>>)
      %mul3A_850 = arith.constant 8 : i32
      %mul3A_851 = arith.muli %scan3A_486, %mul3A_850 : i32
      %add3A_852 = arith.constant 2 : i32
      %add3A_853 = arith.addi %mul3A_851, %add3A_852 : i32
      %dma_wait3A_854 = arith.constant 2 : i32
      %dma_wait3A_855 = arith.constant 2 : i32
      %dma_wait3A_856 = arith.constant 0 : i32
      %dma_wait3A_857 = arith.constant 0 : i32
      %dma_wait3A_858 = tpu.memref_slice %arg7[%dma_wait3A_854, %dma_wait3A_856, %dma_wait3A_857] : memref<8x128x16xf32, #tpu.memory_space<vmem>> -> memref<1x128x16xf32, #tpu.memory_space<vmem>>
      %dma_wait3A_859 = tpu.memref_squeeze %dma_wait3A_858 : memref<1x128x16xf32, #tpu.memory_space<vmem>> -> memref<128x16xf32, #tpu.memory_space<vmem>>
      %dma_wait3A_860 = arith.constant 0 : i32
      %dma_wait3A_861 = tpu.memref_slice %arg6[%add3A_853, %dma_wait3A_860] : memref<80x128xi32, #tpu.memory_space<vmem>> -> memref<1x128xi32, #tpu.memory_space<vmem>>
      %dma_wait3A_862 = tpu.memref_squeeze %dma_wait3A_861 : memref<1x128xi32, #tpu.memory_space<vmem>> -> memref<128xi32, #tpu.memory_space<vmem>>
      %dma_wait3A_863 = arith.constant 0 : i32
      %dma_wait3A_864 = arith.constant 0 : i32
      %dma_wait3A_865 = tpu.memref_slice %arg8[%dma_wait3A_863, %dma_wait3A_864] : memref<10016x16xf32, #tpu.memory_space<vmem_shared>> -> memref<10016x16xf32, #tpu.memory_space<vmem_shared>>
      %dma_wait3A_866 = tpu.memref_slice %arg11[%dma_wait3A_855] : memref<8x!tpu.dma_semaphore, #tpu.memory_space<semaphore_mem>> -> memref<1x!tpu.dma_semaphore, #tpu.memory_space<semaphore_mem>>
      %dma_wait3A_867 = tpu.memref_squeeze %dma_wait3A_866 : memref<1x!tpu.dma_semaphore, #tpu.memory_space<semaphore_mem>> -> memref<!tpu.dma_semaphore, #tpu.memory_space<semaphore_mem>>
      tpu.wait_indirect_dma semaphore(%dma_wait3A_867 : memref<!tpu.dma_semaphore, #tpu.memory_space<semaphore_mem>>) src(%dma_wait3A_859 : memref<128x16xf32, #tpu.memory_space<vmem>>) dst(%dma_wait3A_865 : memref<10016x16xf32, #tpu.memory_space<vmem_shared>>)
      %add3A_868 = arith.constant 1 : i32
      %add3A_869 = arith.addi %scan3A_486, %add3A_868 : i32
      %mul3A_870 = arith.constant 8 : i32
      %mul3A_871 = arith.muli %add3A_869, %mul3A_870 : i32
      %add3A_872 = arith.constant 2 : i32
      %add3A_873 = arith.addi %mul3A_871, %add3A_872 : i32
      %dma_start3A_874 = arith.constant 2 : i32
      %dma_start3A_875 = arith.constant 2 : i32
      %dma_start3A_876 = arith.constant 0 : i32
      %dma_start3A_877 = arith.constant 0 : i32
      %dma_start3A_878 = tpu.memref_slice %arg7[%dma_start3A_874, %dma_start3A_876, %dma_start3A_877] : memref<8x128x16xf32, #tpu.memory_space<vmem>> -> memref<1x128x16xf32, #tpu.memory_space<vmem>>
      %dma_start3A_879 = tpu.memref_squeeze %dma_start3A_878 : memref<1x128x16xf32, #tpu.memory_space<vmem>> -> memref<128x16xf32, #tpu.memory_space<vmem>>
      %dma_start3A_880 = arith.constant 0 : i32
      %dma_start3A_881 = tpu.memref_slice %arg5[%add3A_873, %dma_start3A_880] : memref<80x128xi32, #tpu.memory_space<vmem>> -> memref<1x128xi32, #tpu.memory_space<vmem>>
      %dma_start3A_882 = tpu.memref_squeeze %dma_start3A_881 : memref<1x128xi32, #tpu.memory_space<vmem>> -> memref<128xi32, #tpu.memory_space<vmem>>
      %dma_start3A_883 = arith.constant 0 : i32
      %dma_start3A_884 = arith.constant 0 : i32
      %dma_start3A_885 = tpu.memref_slice %arg9[%dma_start3A_883, %dma_start3A_884] : memref<10016x16xf32, #tpu.memory_space<vmem_shared>> -> memref<10016x16xf32, #tpu.memory_space<vmem_shared>>
      %dma_start3A_886 = tpu.memref_slice %arg10[%dma_start3A_875] : memref<8x!tpu.dma_semaphore, #tpu.memory_space<semaphore_mem>> -> memref<1x!tpu.dma_semaphore, #tpu.memory_space<semaphore_mem>>
      %dma_start3A_887 = tpu.memref_squeeze %dma_start3A_886 : memref<1x!tpu.dma_semaphore, #tpu.memory_space<semaphore_mem>> -> memref<!tpu.dma_semaphore, #tpu.memory_space<semaphore_mem>>
      tpu.enqueue_indirect_dma source(%dma_start3A_885 : memref<10016x16xf32, #tpu.memory_space<vmem_shared>>) target(%dma_start3A_879 : memref<128x16xf32, #tpu.memory_space<vmem>>) offsets(%dma_start3A_882 : memref<128xi32, #tpu.memory_space<vmem>>) semaphore(%dma_start3A_887 : memref<!tpu.dma_semaphore, #tpu.memory_space<semaphore_mem>>)
      %mul3A_888 = arith.constant 8 : i32
      %mul3A_889 = arith.muli %scan3A_486, %mul3A_888 : i32
      %add3A_890 = arith.constant 3 : i32
      %add3A_891 = arith.addi %mul3A_889, %add3A_890 : i32
      %dma_wait3A_892 = arith.constant 3 : i32
      %dma_wait3A_893 = arith.constant 3 : i32
      %dma_wait3A_894 = arith.constant 0 : i32
      %dma_wait3A_895 = arith.constant 0 : i32
      %dma_wait3A_896 = tpu.memref_slice %arg7[%dma_wait3A_892, %dma_wait3A_894, %dma_wait3A_895] : memref<8x128x16xf32, #tpu.memory_space<vmem>> -> memref<1x128x16xf32, #tpu.memory_space<vmem>>
      %dma_wait3A_897 = tpu.memref_squeeze %dma_wait3A_896 : memref<1x128x16xf32, #tpu.memory_space<vmem>> -> memref<128x16xf32, #tpu.memory_space<vmem>>
      %dma_wait3A_898 = arith.constant 0 : i32
      %dma_wait3A_899 = tpu.memref_slice %arg6[%add3A_891, %dma_wait3A_898] : memref<80x128xi32, #tpu.memory_space<vmem>> -> memref<1x128xi32, #tpu.memory_space<vmem>>
      %dma_wait3A_900 = tpu.memref_squeeze %dma_wait3A_899 : memref<1x128xi32, #tpu.memory_space<vmem>> -> memref<128xi32, #tpu.memory_space<vmem>>
      %dma_wait3A_901 = arith.constant 0 : i32
      %dma_wait3A_902 = arith.constant 0 : i32
      %dma_wait3A_903 = tpu.memref_slice %arg8[%dma_wait3A_901, %dma_wait3A_902] : memref<10016x16xf32, #tpu.memory_space<vmem_shared>> -> memref<10016x16xf32, #tpu.memory_space<vmem_shared>>
      %dma_wait3A_904 = tpu.memref_slice %arg11[%dma_wait3A_893] : memref<8x!tpu.dma_semaphore, #tpu.memory_space<semaphore_mem>> -> memref<1x!tpu.dma_semaphore, #tpu.memory_space<semaphore_mem>>
      %dma_wait3A_905 = tpu.memref_squeeze %dma_wait3A_904 : memref<1x!tpu.dma_semaphore, #tpu.memory_space<semaphore_mem>> -> memref<!tpu.dma_semaphore, #tpu.memory_space<semaphore_mem>>
      tpu.wait_indirect_dma semaphore(%dma_wait3A_905 : memref<!tpu.dma_semaphore, #tpu.memory_space<semaphore_mem>>) src(%dma_wait3A_897 : memref<128x16xf32, #tpu.memory_space<vmem>>) dst(%dma_wait3A_903 : memref<10016x16xf32, #tpu.memory_space<vmem_shared>>)
      %add3A_906 = arith.constant 1 : i32
      %add3A_907 = arith.addi %scan3A_486, %add3A_906 : i32
      %mul3A_908 = arith.constant 8 : i32
      %mul3A_909 = arith.muli %add3A_907, %mul3A_908 : i32
      %add3A_910 = arith.constant 3 : i32
      %add3A_911 = arith.addi %mul3A_909, %add3A_910 : i32
      %dma_start3A_912 = arith.constant 3 : i32
      %dma_start3A_913 = arith.constant 3 : i32
      %dma_start3A_914 = arith.constant 0 : i32
      %dma_start3A_915 = arith.constant 0 : i32
      %dma_start3A_916 = tpu.memref_slice %arg7[%dma_start3A_912, %dma_start3A_914, %dma_start3A_915] : memref<8x128x16xf32, #tpu.memory_space<vmem>> -> memref<1x128x16xf32, #tpu.memory_space<vmem>>
      %dma_start3A_917 = tpu.memref_squeeze %dma_start3A_916 : memref<1x128x16xf32, #tpu.memory_space<vmem>> -> memref<128x16xf32, #tpu.memory_space<vmem>>
      %dma_start3A_918 = arith.constant 0 : i32
      %dma_start3A_919 = tpu.memref_slice %arg5[%add3A_911, %dma_start3A_918] : memref<80x128xi32, #tpu.memory_space<vmem>> -> memref<1x128xi32, #tpu.memory_space<vmem>>
      %dma_start3A_920 = tpu.memref_squeeze %dma_start3A_919 : memref<1x128xi32, #tpu.memory_space<vmem>> -> memref<128xi32, #tpu.memory_space<vmem>>
      %dma_start3A_921 = arith.constant 0 : i32
      %dma_start3A_922 = arith.constant 0 : i32
      %dma_start3A_923 = tpu.memref_slice %arg9[%dma_start3A_921, %dma_start3A_922] : memref<10016x16xf32, #tpu.memory_space<vmem_shared>> -> memref<10016x16xf32, #tpu.memory_space<vmem_shared>>
      %dma_start3A_924 = tpu.memref_slice %arg10[%dma_start3A_913] : memref<8x!tpu.dma_semaphore, #tpu.memory_space<semaphore_mem>> -> memref<1x!tpu.dma_semaphore, #tpu.memory_space<semaphore_mem>>
      %dma_start3A_925 = tpu.memref_squeeze %dma_start3A_924 : memref<1x!tpu.dma_semaphore, #tpu.memory_space<semaphore_mem>> -> memref<!tpu.dma_semaphore, #tpu.memory_space<semaphore_mem>>
      tpu.enqueue_indirect_dma source(%dma_start3A_923 : memref<10016x16xf32, #tpu.memory_space<vmem_shared>>) target(%dma_start3A_917 : memref<128x16xf32, #tpu.memory_space<vmem>>) offsets(%dma_start3A_920 : memref<128xi32, #tpu.memory_space<vmem>>) semaphore(%dma_start3A_925 : memref<!tpu.dma_semaphore, #tpu.memory_space<semaphore_mem>>)
      %mul3A_926 = arith.constant 8 : i32
      %mul3A_927 = arith.muli %scan3A_486, %mul3A_926 : i32
      %add3A_928 = arith.constant 4 : i32
      %add3A_929 = arith.addi %mul3A_927, %add3A_928 : i32
      %dma_wait3A_930 = arith.constant 4 : i32
      %dma_wait3A_931 = arith.constant 4 : i32
      %dma_wait3A_932 = arith.constant 0 : i32
      %dma_wait3A_933 = arith.constant 0 : i32
      %dma_wait3A_934 = tpu.memref_slice %arg7[%dma_wait3A_930, %dma_wait3A_932, %dma_wait3A_933] : memref<8x128x16xf32, #tpu.memory_space<vmem>> -> memref<1x128x16xf32, #tpu.memory_space<vmem>>
      %dma_wait3A_935 = tpu.memref_squeeze %dma_wait3A_934 : memref<1x128x16xf32, #tpu.memory_space<vmem>> -> memref<128x16xf32, #tpu.memory_space<vmem>>
      %dma_wait3A_936 = arith.constant 0 : i32
      %dma_wait3A_937 = tpu.memref_slice %arg6[%add3A_929, %dma_wait3A_936] : memref<80x128xi32, #tpu.memory_space<vmem>> -> memref<1x128xi32, #tpu.memory_space<vmem>>
      %dma_wait3A_938 = tpu.memref_squeeze %dma_wait3A_937 : memref<1x128xi32, #tpu.memory_space<vmem>> -> memref<128xi32, #tpu.memory_space<vmem>>
      %dma_wait3A_939 = arith.constant 0 : i32
      %dma_wait3A_940 = arith.constant 0 : i32
      %dma_wait3A_941 = tpu.memref_slice %arg8[%dma_wait3A_939, %dma_wait3A_940] : memref<10016x16xf32, #tpu.memory_space<vmem_shared>> -> memref<10016x16xf32, #tpu.memory_space<vmem_shared>>
      %dma_wait3A_942 = tpu.memref_slice %arg11[%dma_wait3A_931] : memref<8x!tpu.dma_semaphore, #tpu.memory_space<semaphore_mem>> -> memref<1x!tpu.dma_semaphore, #tpu.memory_space<semaphore_mem>>
      %dma_wait3A_943 = tpu.memref_squeeze %dma_wait3A_942 : memref<1x!tpu.dma_semaphore, #tpu.memory_space<semaphore_mem>> -> memref<!tpu.dma_semaphore, #tpu.memory_space<semaphore_mem>>
      tpu.wait_indirect_dma semaphore(%dma_wait3A_943 : memref<!tpu.dma_semaphore, #tpu.memory_space<semaphore_mem>>) src(%dma_wait3A_935 : memref<128x16xf32, #tpu.memory_space<vmem>>) dst(%dma_wait3A_941 : memref<10016x16xf32, #tpu.memory_space<vmem_shared>>)
      %add3A_944 = arith.constant 1 : i32
      %add3A_945 = arith.addi %scan3A_486, %add3A_944 : i32
      %mul3A_946 = arith.constant 8 : i32
      %mul3A_947 = arith.muli %add3A_945, %mul3A_946 : i32
      %add3A_948 = arith.constant 4 : i32
      %add3A_949 = arith.addi %mul3A_947, %add3A_948 : i32
      %dma_start3A_950 = arith.constant 4 : i32
      %dma_start3A_951 = arith.constant 4 : i32
      %dma_start3A_952 = arith.constant 0 : i32
      %dma_start3A_953 = arith.constant 0 : i32
      %dma_start3A_954 = tpu.memref_slice %arg7[%dma_start3A_950, %dma_start3A_952, %dma_start3A_953] : memref<8x128x16xf32, #tpu.memory_space<vmem>> -> memref<1x128x16xf32, #tpu.memory_space<vmem>>
      %dma_start3A_955 = tpu.memref_squeeze %dma_start3A_954 : memref<1x128x16xf32, #tpu.memory_space<vmem>> -> memref<128x16xf32, #tpu.memory_space<vmem>>
      %dma_start3A_956 = arith.constant 0 : i32
      %dma_start3A_957 = tpu.memref_slice %arg5[%add3A_949, %dma_start3A_956] : memref<80x128xi32, #tpu.memory_space<vmem>> -> memref<1x128xi32, #tpu.memory_space<vmem>>
      %dma_start3A_958 = tpu.memref_squeeze %dma_start3A_957 : memref<1x128xi32, #tpu.memory_space<vmem>> -> memref<128xi32, #tpu.memory_space<vmem>>
      %dma_start3A_959 = arith.constant 0 : i32
      %dma_start3A_960 = arith.constant 0 : i32
      %dma_start3A_961 = tpu.memref_slice %arg9[%dma_start3A_959, %dma_start3A_960] : memref<10016x16xf32, #tpu.memory_space<vmem_shared>> -> memref<10016x16xf32, #tpu.memory_space<vmem_shared>>
      %dma_start3A_962 = tpu.memref_slice %arg10[%dma_start3A_951] : memref<8x!tpu.dma_semaphore, #tpu.memory_space<semaphore_mem>> -> memref<1x!tpu.dma_semaphore, #tpu.memory_space<semaphore_mem>>
      %dma_start3A_963 = tpu.memref_squeeze %dma_start3A_962 : memref<1x!tpu.dma_semaphore, #tpu.memory_space<semaphore_mem>> -> memref<!tpu.dma_semaphore, #tpu.memory_space<semaphore_mem>>
      tpu.enqueue_indirect_dma source(%dma_start3A_961 : memref<10016x16xf32, #tpu.memory_space<vmem_shared>>) target(%dma_start3A_955 : memref<128x16xf32, #tpu.memory_space<vmem>>) offsets(%dma_start3A_958 : memref<128xi32, #tpu.memory_space<vmem>>) semaphore(%dma_start3A_963 : memref<!tpu.dma_semaphore, #tpu.memory_space<semaphore_mem>>)
      %mul3A_964 = arith.constant 8 : i32
      %mul3A_965 = arith.muli %scan3A_486, %mul3A_964 : i32
      %add3A_966 = arith.constant 5 : i32
      %add3A_967 = arith.addi %mul3A_965, %add3A_966 : i32
      %dma_wait3A_968 = arith.constant 5 : i32
      %dma_wait3A_969 = arith.constant 5 : i32
      %dma_wait3A_970 = arith.constant 0 : i32
      %dma_wait3A_971 = arith.constant 0 : i32
      %dma_wait3A_972 = tpu.memref_slice %arg7[%dma_wait3A_968, %dma_wait3A_970, %dma_wait3A_971] : memref<8x128x16xf32, #tpu.memory_space<vmem>> -> memref<1x128x16xf32, #tpu.memory_space<vmem>>
      %dma_wait3A_973 = tpu.memref_squeeze %dma_wait3A_972 : memref<1x128x16xf32, #tpu.memory_space<vmem>> -> memref<128x16xf32, #tpu.memory_space<vmem>>
      %dma_wait3A_974 = arith.constant 0 : i32
      %dma_wait3A_975 = tpu.memref_slice %arg6[%add3A_967, %dma_wait3A_974] : memref<80x128xi32, #tpu.memory_space<vmem>> -> memref<1x128xi32, #tpu.memory_space<vmem>>
      %dma_wait3A_976 = tpu.memref_squeeze %dma_wait3A_975 : memref<1x128xi32, #tpu.memory_space<vmem>> -> memref<128xi32, #tpu.memory_space<vmem>>
      %dma_wait3A_977 = arith.constant 0 : i32
      %dma_wait3A_978 = arith.constant 0 : i32
      %dma_wait3A_979 = tpu.memref_slice %arg8[%dma_wait3A_977, %dma_wait3A_978] : memref<10016x16xf32, #tpu.memory_space<vmem_shared>> -> memref<10016x16xf32, #tpu.memory_space<vmem_shared>>
      %dma_wait3A_980 = tpu.memref_slice %arg11[%dma_wait3A_969] : memref<8x!tpu.dma_semaphore, #tpu.memory_space<semaphore_mem>> -> memref<1x!tpu.dma_semaphore, #tpu.memory_space<semaphore_mem>>
      %dma_wait3A_981 = tpu.memref_squeeze %dma_wait3A_980 : memref<1x!tpu.dma_semaphore, #tpu.memory_space<semaphore_mem>> -> memref<!tpu.dma_semaphore, #tpu.memory_space<semaphore_mem>>
      tpu.wait_indirect_dma semaphore(%dma_wait3A_981 : memref<!tpu.dma_semaphore, #tpu.memory_space<semaphore_mem>>) src(%dma_wait3A_973 : memref<128x16xf32, #tpu.memory_space<vmem>>) dst(%dma_wait3A_979 : memref<10016x16xf32, #tpu.memory_space<vmem_shared>>)
      %add3A_982 = arith.constant 1 : i32
      %add3A_983 = arith.addi %scan3A_486, %add3A_982 : i32
      %mul3A_984 = arith.constant 8 : i32
      %mul3A_985 = arith.muli %add3A_983, %mul3A_984 : i32
      %add3A_986 = arith.constant 5 : i32
      %add3A_987 = arith.addi %mul3A_985, %add3A_986 : i32
      %dma_start3A_988 = arith.constant 5 : i32
      %dma_start3A_989 = arith.constant 5 : i32
      %dma_start3A_990 = arith.constant 0 : i32
      %dma_start3A_991 = arith.constant 0 : i32
      %dma_start3A_992 = tpu.memref_slice %arg7[%dma_start3A_988, %dma_start3A_990, %dma_start3A_991] : memref<8x128x16xf32, #tpu.memory_space<vmem>> -> memref<1x128x16xf32, #tpu.memory_space<vmem>>
      %dma_start3A_993 = tpu.memref_squeeze %dma_start3A_992 : memref<1x128x16xf32, #tpu.memory_space<vmem>> -> memref<128x16xf32, #tpu.memory_space<vmem>>
      %dma_start3A_994 = arith.constant 0 : i32
      %dma_start3A_995 = tpu.memref_slice %arg5[%add3A_987, %dma_start3A_994] : memref<80x128xi32, #tpu.memory_space<vmem>> -> memref<1x128xi32, #tpu.memory_space<vmem>>
      %dma_start3A_996 = tpu.memref_squeeze %dma_start3A_995 : memref<1x128xi32, #tpu.memory_space<vmem>> -> memref<128xi32, #tpu.memory_space<vmem>>
      %dma_start3A_997 = arith.constant 0 : i32
      %dma_start3A_998 = arith.constant 0 : i32
      %dma_start3A_999 = tpu.memref_slice %arg9[%dma_start3A_997, %dma_start3A_998] : memref<10016x16xf32, #tpu.memory_space<vmem_shared>> -> memref<10016x16xf32, #tpu.memory_space<vmem_shared>>
      %dma_start3A_1000 = tpu.memref_slice %arg10[%dma_start3A_989] : memref<8x!tpu.dma_semaphore, #tpu.memory_space<semaphore_mem>> -> memref<1x!tpu.dma_semaphore, #tpu.memory_space<semaphore_mem>>
      %dma_start3A_1001 = tpu.memref_squeeze %dma_start3A_1000 : memref<1x!tpu.dma_semaphore, #tpu.memory_space<semaphore_mem>> -> memref<!tpu.dma_semaphore, #tpu.memory_space<semaphore_mem>>
      tpu.enqueue_indirect_dma source(%dma_start3A_999 : memref<10016x16xf32, #tpu.memory_space<vmem_shared>>) target(%dma_start3A_993 : memref<128x16xf32, #tpu.memory_space<vmem>>) offsets(%dma_start3A_996 : memref<128xi32, #tpu.memory_space<vmem>>) semaphore(%dma_start3A_1001 : memref<!tpu.dma_semaphore, #tpu.memory_space<semaphore_mem>>)
      %mul3A_1002 = arith.constant 8 : i32
      %mul3A_1003 = arith.muli %scan3A_486, %mul3A_1002 : i32
      %add3A_1004 = arith.constant 6 : i32
      %add3A_1005 = arith.addi %mul3A_1003, %add3A_1004 : i32
      %dma_wait3A_1006 = arith.constant 6 : i32
      %dma_wait3A_1007 = arith.constant 6 : i32
      %dma_wait3A_1008 = arith.constant 0 : i32
      %dma_wait3A_1009 = arith.constant 0 : i32
      %dma_wait3A_1010 = tpu.memref_slice %arg7[%dma_wait3A_1006, %dma_wait3A_1008, %dma_wait3A_1009] : memref<8x128x16xf32, #tpu.memory_space<vmem>> -> memref<1x128x16xf32, #tpu.memory_space<vmem>>
      %dma_wait3A_1011 = tpu.memref_squeeze %dma_wait3A_1010 : memref<1x128x16xf32, #tpu.memory_space<vmem>> -> memref<128x16xf32, #tpu.memory_space<vmem>>
      %dma_wait3A_1012 = arith.constant 0 : i32
      %dma_wait3A_1013 = tpu.memref_slice %arg6[%add3A_1005, %dma_wait3A_1012] : memref<80x128xi32, #tpu.memory_space<vmem>> -> memref<1x128xi32, #tpu.memory_space<vmem>>
      %dma_wait3A_1014 = tpu.memref_squeeze %dma_wait3A_1013 : memref<1x128xi32, #tpu.memory_space<vmem>> -> memref<128xi32, #tpu.memory_space<vmem>>
      %dma_wait3A_1015 = arith.constant 0 : i32
      %dma_wait3A_1016 = arith.constant 0 : i32
      %dma_wait3A_1017 = tpu.memref_slice %arg8[%dma_wait3A_1015, %dma_wait3A_1016] : memref<10016x16xf32, #tpu.memory_space<vmem_shared>> -> memref<10016x16xf32, #tpu.memory_space<vmem_shared>>
      %dma_wait3A_1018 = tpu.memref_slice %arg11[%dma_wait3A_1007] : memref<8x!tpu.dma_semaphore, #tpu.memory_space<semaphore_mem>> -> memref<1x!tpu.dma_semaphore, #tpu.memory_space<semaphore_mem>>
      %dma_wait3A_1019 = tpu.memref_squeeze %dma_wait3A_1018 : memref<1x!tpu.dma_semaphore, #tpu.memory_space<semaphore_mem>> -> memref<!tpu.dma_semaphore, #tpu.memory_space<semaphore_mem>>
      tpu.wait_indirect_dma semaphore(%dma_wait3A_1019 : memref<!tpu.dma_semaphore, #tpu.memory_space<semaphore_mem>>) src(%dma_wait3A_1011 : memref<128x16xf32, #tpu.memory_space<vmem>>) dst(%dma_wait3A_1017 : memref<10016x16xf32, #tpu.memory_space<vmem_shared>>)
      %add3A_1020 = arith.constant 1 : i32
      %add3A_1021 = arith.addi %scan3A_486, %add3A_1020 : i32
      %mul3A_1022 = arith.constant 8 : i32
      %mul3A_1023 = arith.muli %add3A_1021, %mul3A_1022 : i32
      %add3A_1024 = arith.constant 6 : i32
      %add3A_1025 = arith.addi %mul3A_1023, %add3A_1024 : i32
      %dma_start3A_1026 = arith.constant 6 : i32
      %dma_start3A_1027 = arith.constant 6 : i32
      %dma_start3A_1028 = arith.constant 0 : i32
      %dma_start3A_1029 = arith.constant 0 : i32
      %dma_start3A_1030 = tpu.memref_slice %arg7[%dma_start3A_1026, %dma_start3A_1028, %dma_start3A_1029] : memref<8x128x16xf32, #tpu.memory_space<vmem>> -> memref<1x128x16xf32, #tpu.memory_space<vmem>>
      %dma_start3A_1031 = tpu.memref_squeeze %dma_start3A_1030 : memref<1x128x16xf32, #tpu.memory_space<vmem>> -> memref<128x16xf32, #tpu.memory_space<vmem>>
      %dma_start3A_1032 = arith.constant 0 : i32
      %dma_start3A_1033 = tpu.memref_slice %arg5[%add3A_1025, %dma_start3A_1032] : memref<80x128xi32, #tpu.memory_space<vmem>> -> memref<1x128xi32, #tpu.memory_space<vmem>>
      %dma_start3A_1034 = tpu.memref_squeeze %dma_start3A_1033 : memref<1x128xi32, #tpu.memory_space<vmem>> -> memref<128xi32, #tpu.memory_space<vmem>>
      %dma_start3A_1035 = arith.constant 0 : i32
      %dma_start3A_1036 = arith.constant 0 : i32
      %dma_start3A_1037 = tpu.memref_slice %arg9[%dma_start3A_1035, %dma_start3A_1036] : memref<10016x16xf32, #tpu.memory_space<vmem_shared>> -> memref<10016x16xf32, #tpu.memory_space<vmem_shared>>
      %dma_start3A_1038 = tpu.memref_slice %arg10[%dma_start3A_1027] : memref<8x!tpu.dma_semaphore, #tpu.memory_space<semaphore_mem>> -> memref<1x!tpu.dma_semaphore, #tpu.memory_space<semaphore_mem>>
      %dma_start3A_1039 = tpu.memref_squeeze %dma_start3A_1038 : memref<1x!tpu.dma_semaphore, #tpu.memory_space<semaphore_mem>> -> memref<!tpu.dma_semaphore, #tpu.memory_space<semaphore_mem>>
      tpu.enqueue_indirect_dma source(%dma_start3A_1037 : memref<10016x16xf32, #tpu.memory_space<vmem_shared>>) target(%dma_start3A_1031 : memref<128x16xf32, #tpu.memory_space<vmem>>) offsets(%dma_start3A_1034 : memref<128xi32, #tpu.memory_space<vmem>>) semaphore(%dma_start3A_1039 : memref<!tpu.dma_semaphore, #tpu.memory_space<semaphore_mem>>)
      %mul3A_1040 = arith.constant 8 : i32
      %mul3A_1041 = arith.muli %scan3A_486, %mul3A_1040 : i32
      %add3A_1042 = arith.constant 7 : i32
      %add3A_1043 = arith.addi %mul3A_1041, %add3A_1042 : i32
      %dma_wait3A_1044 = arith.constant 7 : i32
      %dma_wait3A_1045 = arith.constant 7 : i32
      %dma_wait3A_1046 = arith.constant 0 : i32
      %dma_wait3A_1047 = arith.constant 0 : i32
      %dma_wait3A_1048 = tpu.memref_slice %arg7[%dma_wait3A_1044, %dma_wait3A_1046, %dma_wait3A_1047] : memref<8x128x16xf32, #tpu.memory_space<vmem>> -> memref<1x128x16xf32, #tpu.memory_space<vmem>>
      %dma_wait3A_1049 = tpu.memref_squeeze %dma_wait3A_1048 : memref<1x128x16xf32, #tpu.memory_space<vmem>> -> memref<128x16xf32, #tpu.memory_space<vmem>>
      %dma_wait3A_1050 = arith.constant 0 : i32
      %dma_wait3A_1051 = tpu.memref_slice %arg6[%add3A_1043, %dma_wait3A_1050] : memref<80x128xi32, #tpu.memory_space<vmem>> -> memref<1x128xi32, #tpu.memory_space<vmem>>
      %dma_wait3A_1052 = tpu.memref_squeeze %dma_wait3A_1051 : memref<1x128xi32, #tpu.memory_space<vmem>> -> memref<128xi32, #tpu.memory_space<vmem>>
      %dma_wait3A_1053 = arith.constant 0 : i32
      %dma_wait3A_1054 = arith.constant 0 : i32
      %dma_wait3A_1055 = tpu.memref_slice %arg8[%dma_wait3A_1053, %dma_wait3A_1054] : memref<10016x16xf32, #tpu.memory_space<vmem_shared>> -> memref<10016x16xf32, #tpu.memory_space<vmem_shared>>
      %dma_wait3A_1056 = tpu.memref_slice %arg11[%dma_wait3A_1045] : memref<8x!tpu.dma_semaphore, #tpu.memory_space<semaphore_mem>> -> memref<1x!tpu.dma_semaphore, #tpu.memory_space<semaphore_mem>>
      %dma_wait3A_1057 = tpu.memref_squeeze %dma_wait3A_1056 : memref<1x!tpu.dma_semaphore, #tpu.memory_space<semaphore_mem>> -> memref<!tpu.dma_semaphore, #tpu.memory_space<semaphore_mem>>
      tpu.wait_indirect_dma semaphore(%dma_wait3A_1057 : memref<!tpu.dma_semaphore, #tpu.memory_space<semaphore_mem>>) src(%dma_wait3A_1049 : memref<128x16xf32, #tpu.memory_space<vmem>>) dst(%dma_wait3A_1055 : memref<10016x16xf32, #tpu.memory_space<vmem_shared>>)
      %add3A_1058 = arith.constant 1 : i32
      %add3A_1059 = arith.addi %scan3A_486, %add3A_1058 : i32
      %mul3A_1060 = arith.constant 8 : i32
      %mul3A_1061 = arith.muli %add3A_1059, %mul3A_1060 : i32
      %add3A_1062 = arith.constant 7 : i32
      %add3A_1063 = arith.addi %mul3A_1061, %add3A_1062 : i32
      %dma_start3A_1064 = arith.constant 7 : i32
      %dma_start3A_1065 = arith.constant 7 : i32
      %dma_start3A_1066 = arith.constant 0 : i32
      %dma_start3A_1067 = arith.constant 0 : i32
      %dma_start3A_1068 = tpu.memref_slice %arg7[%dma_start3A_1064, %dma_start3A_1066, %dma_start3A_1067] : memref<8x128x16xf32, #tpu.memory_space<vmem>> -> memref<1x128x16xf32, #tpu.memory_space<vmem>>
      %dma_start3A_1069 = tpu.memref_squeeze %dma_start3A_1068 : memref<1x128x16xf32, #tpu.memory_space<vmem>> -> memref<128x16xf32, #tpu.memory_space<vmem>>
      %dma_start3A_1070 = arith.constant 0 : i32
      %dma_start3A_1071 = tpu.memref_slice %arg5[%add3A_1063, %dma_start3A_1070] : memref<80x128xi32, #tpu.memory_space<vmem>> -> memref<1x128xi32, #tpu.memory_space<vmem>>
      %dma_start3A_1072 = tpu.memref_squeeze %dma_start3A_1071 : memref<1x128xi32, #tpu.memory_space<vmem>> -> memref<128xi32, #tpu.memory_space<vmem>>
      %dma_start3A_1073 = arith.constant 0 : i32
      %dma_start3A_1074 = arith.constant 0 : i32
      %dma_start3A_1075 = tpu.memref_slice %arg9[%dma_start3A_1073, %dma_start3A_1074] : memref<10016x16xf32, #tpu.memory_space<vmem_shared>> -> memref<10016x16xf32, #tpu.memory_space<vmem_shared>>
      %dma_start3A_1076 = tpu.memref_slice %arg10[%dma_start3A_1065] : memref<8x!tpu.dma_semaphore, #tpu.memory_space<semaphore_mem>> -> memref<1x!tpu.dma_semaphore, #tpu.memory_space<semaphore_mem>>
      %dma_start3A_1077 = tpu.memref_squeeze %dma_start3A_1076 : memref<1x!tpu.dma_semaphore, #tpu.memory_space<semaphore_mem>> -> memref<!tpu.dma_semaphore, #tpu.memory_space<semaphore_mem>>
      tpu.enqueue_indirect_dma source(%dma_start3A_1075 : memref<10016x16xf32, #tpu.memory_space<vmem_shared>>) target(%dma_start3A_1069 : memref<128x16xf32, #tpu.memory_space<vmem>>) offsets(%dma_start3A_1072 : memref<128xi32, #tpu.memory_space<vmem>>) semaphore(%dma_start3A_1077 : memref<!tpu.dma_semaphore, #tpu.memory_space<semaphore_mem>>)
    }
    %scan3A_125 = arith.constant 9 : i32
    %dma_wait3A = arith.constant 72 : i32
    %dma_wait3A_126 = arith.constant 0 : i32
    %dma_wait3A_127 = arith.constant 0 : i32
    %dma_wait3A_128 = arith.constant 0 : i32
    %dma_wait3A_129 = arith.constant 0 : i32
    %dma_wait3A_130 = tpu.memref_slice %arg7[%dma_wait3A_126, %dma_wait3A_128, %dma_wait3A_129] : memref<8x128x16xf32, #tpu.memory_space<vmem>> -> memref<1x128x16xf32, #tpu.memory_space<vmem>>
    %dma_wait3A_131 = tpu.memref_squeeze %dma_wait3A_130 : memref<1x128x16xf32, #tpu.memory_space<vmem>> -> memref<128x16xf32, #tpu.memory_space<vmem>>
    %dma_wait3A_132 = arith.constant 0 : i32
    %dma_wait3A_133 = tpu.memref_slice %arg5[%dma_wait3A, %dma_wait3A_132] : memref<80x128xi32, #tpu.memory_space<vmem>> -> memref<1x128xi32, #tpu.memory_space<vmem>>
    %dma_wait3A_134 = tpu.memref_squeeze %dma_wait3A_133 : memref<1x128xi32, #tpu.memory_space<vmem>> -> memref<128xi32, #tpu.memory_space<vmem>>
    %dma_wait3A_135 = arith.constant 0 : i32
    %dma_wait3A_136 = arith.constant 0 : i32
    %dma_wait3A_137 = tpu.memref_slice %arg9[%dma_wait3A_135, %dma_wait3A_136] : memref<10016x16xf32, #tpu.memory_space<vmem_shared>> -> memref<10016x16xf32, #tpu.memory_space<vmem_shared>>
    %dma_wait3A_138 = tpu.memref_slice %arg10[%dma_wait3A_127] : memref<8x!tpu.dma_semaphore, #tpu.memory_space<semaphore_mem>> -> memref<1x!tpu.dma_semaphore, #tpu.memory_space<semaphore_mem>>
    %dma_wait3A_139 = tpu.memref_squeeze %dma_wait3A_138 : memref<1x!tpu.dma_semaphore, #tpu.memory_space<semaphore_mem>> -> memref<!tpu.dma_semaphore, #tpu.memory_space<semaphore_mem>>
    tpu.wait_indirect_dma semaphore(%dma_wait3A_139 : memref<!tpu.dma_semaphore, #tpu.memory_space<semaphore_mem>>) src(%dma_wait3A_137 : memref<10016x16xf32, #tpu.memory_space<vmem_shared>>) dst(%dma_wait3A_131 : memref<128x16xf32, #tpu.memory_space<vmem>>)
    %dma_start3A_140 = arith.constant 0 : i32
    %dma_start3A_141 = arith.constant 72 : i32
    %dma_start3A_142 = arith.constant 0 : i32
    %dma_start3A_143 = arith.constant 0 : i32
    %dma_start3A_144 = arith.constant 0 : i32
    %dma_start3A_145 = tpu.memref_slice %arg7[%dma_start3A_140, %dma_start3A_143, %dma_start3A_144] : memref<8x128x16xf32, #tpu.memory_space<vmem>> -> memref<1x128x16xf32, #tpu.memory_space<vmem>>
    %dma_start3A_146 = tpu.memref_squeeze %dma_start3A_145 : memref<1x128x16xf32, #tpu.memory_space<vmem>> -> memref<128x16xf32, #tpu.memory_space<vmem>>
    %dma_start3A_147 = arith.constant 0 : i32
    %dma_start3A_148 = tpu.memref_slice %arg6[%dma_start3A_141, %dma_start3A_147] : memref<80x128xi32, #tpu.memory_space<vmem>> -> memref<1x128xi32, #tpu.memory_space<vmem>>
    %dma_start3A_149 = tpu.memref_squeeze %dma_start3A_148 : memref<1x128xi32, #tpu.memory_space<vmem>> -> memref<128xi32, #tpu.memory_space<vmem>>
    %dma_start3A_150 = arith.constant 0 : i32
    %dma_start3A_151 = arith.constant 0 : i32
    %dma_start3A_152 = tpu.memref_slice %arg8[%dma_start3A_150, %dma_start3A_151] : memref<10016x16xf32, #tpu.memory_space<vmem_shared>> -> memref<10016x16xf32, #tpu.memory_space<vmem_shared>>
    %dma_start3A_153 = tpu.memref_slice %arg11[%dma_start3A_142] : memref<8x!tpu.dma_semaphore, #tpu.memory_space<semaphore_mem>> -> memref<1x!tpu.dma_semaphore, #tpu.memory_space<semaphore_mem>>
    %dma_start3A_154 = tpu.memref_squeeze %dma_start3A_153 : memref<1x!tpu.dma_semaphore, #tpu.memory_space<semaphore_mem>> -> memref<!tpu.dma_semaphore, #tpu.memory_space<semaphore_mem>>
    tpu.enqueue_indirect_dma source(%dma_start3A_146 : memref<128x16xf32, #tpu.memory_space<vmem>>) target(%dma_start3A_152 : memref<10016x16xf32, #tpu.memory_space<vmem_shared>>) offsets(%dma_start3A_149 : memref<128xi32, #tpu.memory_space<vmem>>) semaphore(%dma_start3A_154 : memref<!tpu.dma_semaphore, #tpu.memory_space<semaphore_mem>>) {add = true}
    %dma_wait3A_155 = arith.constant 73 : i32
    %dma_wait3A_156 = arith.constant 1 : i32
    %dma_wait3A_157 = arith.constant 1 : i32
    %dma_wait3A_158 = arith.constant 0 : i32
    %dma_wait3A_159 = arith.constant 0 : i32
    %dma_wait3A_160 = tpu.memref_slice %arg7[%dma_wait3A_156, %dma_wait3A_158, %dma_wait3A_159] : memref<8x128x16xf32, #tpu.memory_space<vmem>> -> memref<1x128x16xf32, #tpu.memory_space<vmem>>
    %dma_wait3A_161 = tpu.memref_squeeze %dma_wait3A_160 : memref<1x128x16xf32, #tpu.memory_space<vmem>> -> memref<128x16xf32, #tpu.memory_space<vmem>>
    %dma_wait3A_162 = arith.constant 0 : i32
    %dma_wait3A_163 = tpu.memref_slice %arg5[%dma_wait3A_155, %dma_wait3A_162] : memref<80x128xi32, #tpu.memory_space<vmem>> -> memref<1x128xi32, #tpu.memory_space<vmem>>
    %dma_wait3A_164 = tpu.memref_squeeze %dma_wait3A_163 : memref<1x128xi32, #tpu.memory_space<vmem>> -> memref<128xi32, #tpu.memory_space<vmem>>
    %dma_wait3A_165 = arith.constant 0 : i32
    %dma_wait3A_166 = arith.constant 0 : i32
    %dma_wait3A_167 = tpu.memref_slice %arg9[%dma_wait3A_165, %dma_wait3A_166] : memref<10016x16xf32, #tpu.memory_space<vmem_shared>> -> memref<10016x16xf32, #tpu.memory_space<vmem_shared>>
    %dma_wait3A_168 = tpu.memref_slice %arg10[%dma_wait3A_157] : memref<8x!tpu.dma_semaphore, #tpu.memory_space<semaphore_mem>> -> memref<1x!tpu.dma_semaphore, #tpu.memory_space<semaphore_mem>>
    %dma_wait3A_169 = tpu.memref_squeeze %dma_wait3A_168 : memref<1x!tpu.dma_semaphore, #tpu.memory_space<semaphore_mem>> -> memref<!tpu.dma_semaphore, #tpu.memory_space<semaphore_mem>>
    tpu.wait_indirect_dma semaphore(%dma_wait3A_169 : memref<!tpu.dma_semaphore, #tpu.memory_space<semaphore_mem>>) src(%dma_wait3A_167 : memref<10016x16xf32, #tpu.memory_space<vmem_shared>>) dst(%dma_wait3A_161 : memref<128x16xf32, #tpu.memory_space<vmem>>)
    %dma_start3A_170 = arith.constant 1 : i32
    %dma_start3A_171 = arith.constant 73 : i32
    %dma_start3A_172 = arith.constant 1 : i32
    %dma_start3A_173 = arith.constant 0 : i32
    %dma_start3A_174 = arith.constant 0 : i32
    %dma_start3A_175 = tpu.memref_slice %arg7[%dma_start3A_170, %dma_start3A_173, %dma_start3A_174] : memref<8x128x16xf32, #tpu.memory_space<vmem>> -> memref<1x128x16xf32, #tpu.memory_space<vmem>>
    %dma_start3A_176 = tpu.memref_squeeze %dma_start3A_175 : memref<1x128x16xf32, #tpu.memory_space<vmem>> -> memref<128x16xf32, #tpu.memory_space<vmem>>
    %dma_start3A_177 = arith.constant 0 : i32
    %dma_start3A_178 = tpu.memref_slice %arg6[%dma_start3A_171, %dma_start3A_177] : memref<80x128xi32, #tpu.memory_space<vmem>> -> memref<1x128xi32, #tpu.memory_space<vmem>>
    %dma_start3A_179 = tpu.memref_squeeze %dma_start3A_178 : memref<1x128xi32, #tpu.memory_space<vmem>> -> memref<128xi32, #tpu.memory_space<vmem>>
    %dma_start3A_180 = arith.constant 0 : i32
    %dma_start3A_181 = arith.constant 0 : i32
    %dma_start3A_182 = tpu.memref_slice %arg8[%dma_start3A_180, %dma_start3A_181] : memref<10016x16xf32, #tpu.memory_space<vmem_shared>> -> memref<10016x16xf32, #tpu.memory_space<vmem_shared>>
    %dma_start3A_183 = tpu.memref_slice %arg11[%dma_start3A_172] : memref<8x!tpu.dma_semaphore, #tpu.memory_space<semaphore_mem>> -> memref<1x!tpu.dma_semaphore, #tpu.memory_space<semaphore_mem>>
    %dma_start3A_184 = tpu.memref_squeeze %dma_start3A_183 : memref<1x!tpu.dma_semaphore, #tpu.memory_space<semaphore_mem>> -> memref<!tpu.dma_semaphore, #tpu.memory_space<semaphore_mem>>
    tpu.enqueue_indirect_dma source(%dma_start3A_176 : memref<128x16xf32, #tpu.memory_space<vmem>>) target(%dma_start3A_182 : memref<10016x16xf32, #tpu.memory_space<vmem_shared>>) offsets(%dma_start3A_179 : memref<128xi32, #tpu.memory_space<vmem>>) semaphore(%dma_start3A_184 : memref<!tpu.dma_semaphore, #tpu.memory_space<semaphore_mem>>) {add = true}
    %dma_wait3A_185 = arith.constant 74 : i32
    %dma_wait3A_186 = arith.constant 2 : i32
    %dma_wait3A_187 = arith.constant 2 : i32
    %dma_wait3A_188 = arith.constant 0 : i32
    %dma_wait3A_189 = arith.constant 0 : i32
    %dma_wait3A_190 = tpu.memref_slice %arg7[%dma_wait3A_186, %dma_wait3A_188, %dma_wait3A_189] : memref<8x128x16xf32, #tpu.memory_space<vmem>> -> memref<1x128x16xf32, #tpu.memory_space<vmem>>
    %dma_wait3A_191 = tpu.memref_squeeze %dma_wait3A_190 : memref<1x128x16xf32, #tpu.memory_space<vmem>> -> memref<128x16xf32, #tpu.memory_space<vmem>>
    %dma_wait3A_192 = arith.constant 0 : i32
    %dma_wait3A_193 = tpu.memref_slice %arg5[%dma_wait3A_185, %dma_wait3A_192] : memref<80x128xi32, #tpu.memory_space<vmem>> -> memref<1x128xi32, #tpu.memory_space<vmem>>
    %dma_wait3A_194 = tpu.memref_squeeze %dma_wait3A_193 : memref<1x128xi32, #tpu.memory_space<vmem>> -> memref<128xi32, #tpu.memory_space<vmem>>
    %dma_wait3A_195 = arith.constant 0 : i32
    %dma_wait3A_196 = arith.constant 0 : i32
    %dma_wait3A_197 = tpu.memref_slice %arg9[%dma_wait3A_195, %dma_wait3A_196] : memref<10016x16xf32, #tpu.memory_space<vmem_shared>> -> memref<10016x16xf32, #tpu.memory_space<vmem_shared>>
    %dma_wait3A_198 = tpu.memref_slice %arg10[%dma_wait3A_187] : memref<8x!tpu.dma_semaphore, #tpu.memory_space<semaphore_mem>> -> memref<1x!tpu.dma_semaphore, #tpu.memory_space<semaphore_mem>>
    %dma_wait3A_199 = tpu.memref_squeeze %dma_wait3A_198 : memref<1x!tpu.dma_semaphore, #tpu.memory_space<semaphore_mem>> -> memref<!tpu.dma_semaphore, #tpu.memory_space<semaphore_mem>>
    tpu.wait_indirect_dma semaphore(%dma_wait3A_199 : memref<!tpu.dma_semaphore, #tpu.memory_space<semaphore_mem>>) src(%dma_wait3A_197 : memref<10016x16xf32, #tpu.memory_space<vmem_shared>>) dst(%dma_wait3A_191 : memref<128x16xf32, #tpu.memory_space<vmem>>)
    %dma_start3A_200 = arith.constant 2 : i32
    %dma_start3A_201 = arith.constant 74 : i32
    %dma_start3A_202 = arith.constant 2 : i32
    %dma_start3A_203 = arith.constant 0 : i32
    %dma_start3A_204 = arith.constant 0 : i32
    %dma_start3A_205 = tpu.memref_slice %arg7[%dma_start3A_200, %dma_start3A_203, %dma_start3A_204] : memref<8x128x16xf32, #tpu.memory_space<vmem>> -> memref<1x128x16xf32, #tpu.memory_space<vmem>>
    %dma_start3A_206 = tpu.memref_squeeze %dma_start3A_205 : memref<1x128x16xf32, #tpu.memory_space<vmem>> -> memref<128x16xf32, #tpu.memory_space<vmem>>
    %dma_start3A_207 = arith.constant 0 : i32
    %dma_start3A_208 = tpu.memref_slice %arg6[%dma_start3A_201, %dma_start3A_207] : memref<80x128xi32, #tpu.memory_space<vmem>> -> memref<1x128xi32, #tpu.memory_space<vmem>>
    %dma_start3A_209 = tpu.memref_squeeze %dma_start3A_208 : memref<1x128xi32, #tpu.memory_space<vmem>> -> memref<128xi32, #tpu.memory_space<vmem>>
    %dma_start3A_210 = arith.constant 0 : i32
    %dma_start3A_211 = arith.constant 0 : i32
    %dma_start3A_212 = tpu.memref_slice %arg8[%dma_start3A_210, %dma_start3A_211] : memref<10016x16xf32, #tpu.memory_space<vmem_shared>> -> memref<10016x16xf32, #tpu.memory_space<vmem_shared>>
    %dma_start3A_213 = tpu.memref_slice %arg11[%dma_start3A_202] : memref<8x!tpu.dma_semaphore, #tpu.memory_space<semaphore_mem>> -> memref<1x!tpu.dma_semaphore, #tpu.memory_space<semaphore_mem>>
    %dma_start3A_214 = tpu.memref_squeeze %dma_start3A_213 : memref<1x!tpu.dma_semaphore, #tpu.memory_space<semaphore_mem>> -> memref<!tpu.dma_semaphore, #tpu.memory_space<semaphore_mem>>
    tpu.enqueue_indirect_dma source(%dma_start3A_206 : memref<128x16xf32, #tpu.memory_space<vmem>>) target(%dma_start3A_212 : memref<10016x16xf32, #tpu.memory_space<vmem_shared>>) offsets(%dma_start3A_209 : memref<128xi32, #tpu.memory_space<vmem>>) semaphore(%dma_start3A_214 : memref<!tpu.dma_semaphore, #tpu.memory_space<semaphore_mem>>) {add = true}
    %dma_wait3A_215 = arith.constant 75 : i32
    %dma_wait3A_216 = arith.constant 3 : i32
    %dma_wait3A_217 = arith.constant 3 : i32
    %dma_wait3A_218 = arith.constant 0 : i32
    %dma_wait3A_219 = arith.constant 0 : i32
    %dma_wait3A_220 = tpu.memref_slice %arg7[%dma_wait3A_216, %dma_wait3A_218, %dma_wait3A_219] : memref<8x128x16xf32, #tpu.memory_space<vmem>> -> memref<1x128x16xf32, #tpu.memory_space<vmem>>
    %dma_wait3A_221 = tpu.memref_squeeze %dma_wait3A_220 : memref<1x128x16xf32, #tpu.memory_space<vmem>> -> memref<128x16xf32, #tpu.memory_space<vmem>>
    %dma_wait3A_222 = arith.constant 0 : i32
    %dma_wait3A_223 = tpu.memref_slice %arg5[%dma_wait3A_215, %dma_wait3A_222] : memref<80x128xi32, #tpu.memory_space<vmem>> -> memref<1x128xi32, #tpu.memory_space<vmem>>
    %dma_wait3A_224 = tpu.memref_squeeze %dma_wait3A_223 : memref<1x128xi32, #tpu.memory_space<vmem>> -> memref<128xi32, #tpu.memory_space<vmem>>
    %dma_wait3A_225 = arith.constant 0 : i32
    %dma_wait3A_226 = arith.constant 0 : i32
    %dma_wait3A_227 = tpu.memref_slice %arg9[%dma_wait3A_225, %dma_wait3A_226] : memref<10016x16xf32, #tpu.memory_space<vmem_shared>> -> memref<10016x16xf32, #tpu.memory_space<vmem_shared>>
    %dma_wait3A_228 = tpu.memref_slice %arg10[%dma_wait3A_217] : memref<8x!tpu.dma_semaphore, #tpu.memory_space<semaphore_mem>> -> memref<1x!tpu.dma_semaphore, #tpu.memory_space<semaphore_mem>>
    %dma_wait3A_229 = tpu.memref_squeeze %dma_wait3A_228 : memref<1x!tpu.dma_semaphore, #tpu.memory_space<semaphore_mem>> -> memref<!tpu.dma_semaphore, #tpu.memory_space<semaphore_mem>>
    tpu.wait_indirect_dma semaphore(%dma_wait3A_229 : memref<!tpu.dma_semaphore, #tpu.memory_space<semaphore_mem>>) src(%dma_wait3A_227 : memref<10016x16xf32, #tpu.memory_space<vmem_shared>>) dst(%dma_wait3A_221 : memref<128x16xf32, #tpu.memory_space<vmem>>)
    %dma_start3A_230 = arith.constant 3 : i32
    %dma_start3A_231 = arith.constant 75 : i32
    %dma_start3A_232 = arith.constant 3 : i32
    %dma_start3A_233 = arith.constant 0 : i32
    %dma_start3A_234 = arith.constant 0 : i32
    %dma_start3A_235 = tpu.memref_slice %arg7[%dma_start3A_230, %dma_start3A_233, %dma_start3A_234] : memref<8x128x16xf32, #tpu.memory_space<vmem>> -> memref<1x128x16xf32, #tpu.memory_space<vmem>>
    %dma_start3A_236 = tpu.memref_squeeze %dma_start3A_235 : memref<1x128x16xf32, #tpu.memory_space<vmem>> -> memref<128x16xf32, #tpu.memory_space<vmem>>
    %dma_start3A_237 = arith.constant 0 : i32
    %dma_start3A_238 = tpu.memref_slice %arg6[%dma_start3A_231, %dma_start3A_237] : memref<80x128xi32, #tpu.memory_space<vmem>> -> memref<1x128xi32, #tpu.memory_space<vmem>>
    %dma_start3A_239 = tpu.memref_squeeze %dma_start3A_238 : memref<1x128xi32, #tpu.memory_space<vmem>> -> memref<128xi32, #tpu.memory_space<vmem>>
    %dma_start3A_240 = arith.constant 0 : i32
    %dma_start3A_241 = arith.constant 0 : i32
    %dma_start3A_242 = tpu.memref_slice %arg8[%dma_start3A_240, %dma_start3A_241] : memref<10016x16xf32, #tpu.memory_space<vmem_shared>> -> memref<10016x16xf32, #tpu.memory_space<vmem_shared>>
    %dma_start3A_243 = tpu.memref_slice %arg11[%dma_start3A_232] : memref<8x!tpu.dma_semaphore, #tpu.memory_space<semaphore_mem>> -> memref<1x!tpu.dma_semaphore, #tpu.memory_space<semaphore_mem>>
    %dma_start3A_244 = tpu.memref_squeeze %dma_start3A_243 : memref<1x!tpu.dma_semaphore, #tpu.memory_space<semaphore_mem>> -> memref<!tpu.dma_semaphore, #tpu.memory_space<semaphore_mem>>
    tpu.enqueue_indirect_dma source(%dma_start3A_236 : memref<128x16xf32, #tpu.memory_space<vmem>>) target(%dma_start3A_242 : memref<10016x16xf32, #tpu.memory_space<vmem_shared>>) offsets(%dma_start3A_239 : memref<128xi32, #tpu.memory_space<vmem>>) semaphore(%dma_start3A_244 : memref<!tpu.dma_semaphore, #tpu.memory_space<semaphore_mem>>) {add = true}
    %dma_wait3A_245 = arith.constant 76 : i32
    %dma_wait3A_246 = arith.constant 4 : i32
    %dma_wait3A_247 = arith.constant 4 : i32
    %dma_wait3A_248 = arith.constant 0 : i32
    %dma_wait3A_249 = arith.constant 0 : i32
    %dma_wait3A_250 = tpu.memref_slice %arg7[%dma_wait3A_246, %dma_wait3A_248, %dma_wait3A_249] : memref<8x128x16xf32, #tpu.memory_space<vmem>> -> memref<1x128x16xf32, #tpu.memory_space<vmem>>
    %dma_wait3A_251 = tpu.memref_squeeze %dma_wait3A_250 : memref<1x128x16xf32, #tpu.memory_space<vmem>> -> memref<128x16xf32, #tpu.memory_space<vmem>>
    %dma_wait3A_252 = arith.constant 0 : i32
    %dma_wait3A_253 = tpu.memref_slice %arg5[%dma_wait3A_245, %dma_wait3A_252] : memref<80x128xi32, #tpu.memory_space<vmem>> -> memref<1x128xi32, #tpu.memory_space<vmem>>
    %dma_wait3A_254 = tpu.memref_squeeze %dma_wait3A_253 : memref<1x128xi32, #tpu.memory_space<vmem>> -> memref<128xi32, #tpu.memory_space<vmem>>
    %dma_wait3A_255 = arith.constant 0 : i32
    %dma_wait3A_256 = arith.constant 0 : i32
    %dma_wait3A_257 = tpu.memref_slice %arg9[%dma_wait3A_255, %dma_wait3A_256] : memref<10016x16xf32, #tpu.memory_space<vmem_shared>> -> memref<10016x16xf32, #tpu.memory_space<vmem_shared>>
    %dma_wait3A_258 = tpu.memref_slice %arg10[%dma_wait3A_247] : memref<8x!tpu.dma_semaphore, #tpu.memory_space<semaphore_mem>> -> memref<1x!tpu.dma_semaphore, #tpu.memory_space<semaphore_mem>>
    %dma_wait3A_259 = tpu.memref_squeeze %dma_wait3A_258 : memref<1x!tpu.dma_semaphore, #tpu.memory_space<semaphore_mem>> -> memref<!tpu.dma_semaphore, #tpu.memory_space<semaphore_mem>>
    tpu.wait_indirect_dma semaphore(%dma_wait3A_259 : memref<!tpu.dma_semaphore, #tpu.memory_space<semaphore_mem>>) src(%dma_wait3A_257 : memref<10016x16xf32, #tpu.memory_space<vmem_shared>>) dst(%dma_wait3A_251 : memref<128x16xf32, #tpu.memory_space<vmem>>)
    %dma_start3A_260 = arith.constant 4 : i32
    %dma_start3A_261 = arith.constant 76 : i32
    %dma_start3A_262 = arith.constant 4 : i32
    %dma_start3A_263 = arith.constant 0 : i32
    %dma_start3A_264 = arith.constant 0 : i32
    %dma_start3A_265 = tpu.memref_slice %arg7[%dma_start3A_260, %dma_start3A_263, %dma_start3A_264] : memref<8x128x16xf32, #tpu.memory_space<vmem>> -> memref<1x128x16xf32, #tpu.memory_space<vmem>>
    %dma_start3A_266 = tpu.memref_squeeze %dma_start3A_265 : memref<1x128x16xf32, #tpu.memory_space<vmem>> -> memref<128x16xf32, #tpu.memory_space<vmem>>
    %dma_start3A_267 = arith.constant 0 : i32
    %dma_start3A_268 = tpu.memref_slice %arg6[%dma_start3A_261, %dma_start3A_267] : memref<80x128xi32, #tpu.memory_space<vmem>> -> memref<1x128xi32, #tpu.memory_space<vmem>>
    %dma_start3A_269 = tpu.memref_squeeze %dma_start3A_268 : memref<1x128xi32, #tpu.memory_space<vmem>> -> memref<128xi32, #tpu.memory_space<vmem>>
    %dma_start3A_270 = arith.constant 0 : i32
    %dma_start3A_271 = arith.constant 0 : i32
    %dma_start3A_272 = tpu.memref_slice %arg8[%dma_start3A_270, %dma_start3A_271] : memref<10016x16xf32, #tpu.memory_space<vmem_shared>> -> memref<10016x16xf32, #tpu.memory_space<vmem_shared>>
    %dma_start3A_273 = tpu.memref_slice %arg11[%dma_start3A_262] : memref<8x!tpu.dma_semaphore, #tpu.memory_space<semaphore_mem>> -> memref<1x!tpu.dma_semaphore, #tpu.memory_space<semaphore_mem>>
    %dma_start3A_274 = tpu.memref_squeeze %dma_start3A_273 : memref<1x!tpu.dma_semaphore, #tpu.memory_space<semaphore_mem>> -> memref<!tpu.dma_semaphore, #tpu.memory_space<semaphore_mem>>
    tpu.enqueue_indirect_dma source(%dma_start3A_266 : memref<128x16xf32, #tpu.memory_space<vmem>>) target(%dma_start3A_272 : memref<10016x16xf32, #tpu.memory_space<vmem_shared>>) offsets(%dma_start3A_269 : memref<128xi32, #tpu.memory_space<vmem>>) semaphore(%dma_start3A_274 : memref<!tpu.dma_semaphore, #tpu.memory_space<semaphore_mem>>) {add = true}
    %dma_wait3A_275 = arith.constant 77 : i32
    %dma_wait3A_276 = arith.constant 5 : i32
    %dma_wait3A_277 = arith.constant 5 : i32
    %dma_wait3A_278 = arith.constant 0 : i32
    %dma_wait3A_279 = arith.constant 0 : i32
    %dma_wait3A_280 = tpu.memref_slice %arg7[%dma_wait3A_276, %dma_wait3A_278, %dma_wait3A_279] : memref<8x128x16xf32, #tpu.memory_space<vmem>> -> memref<1x128x16xf32, #tpu.memory_space<vmem>>
    %dma_wait3A_281 = tpu.memref_squeeze %dma_wait3A_280 : memref<1x128x16xf32, #tpu.memory_space<vmem>> -> memref<128x16xf32, #tpu.memory_space<vmem>>
    %dma_wait3A_282 = arith.constant 0 : i32
    %dma_wait3A_283 = tpu.memref_slice %arg5[%dma_wait3A_275, %dma_wait3A_282] : memref<80x128xi32, #tpu.memory_space<vmem>> -> memref<1x128xi32, #tpu.memory_space<vmem>>
    %dma_wait3A_284 = tpu.memref_squeeze %dma_wait3A_283 : memref<1x128xi32, #tpu.memory_space<vmem>> -> memref<128xi32, #tpu.memory_space<vmem>>
    %dma_wait3A_285 = arith.constant 0 : i32
    %dma_wait3A_286 = arith.constant 0 : i32
    %dma_wait3A_287 = tpu.memref_slice %arg9[%dma_wait3A_285, %dma_wait3A_286] : memref<10016x16xf32, #tpu.memory_space<vmem_shared>> -> memref<10016x16xf32, #tpu.memory_space<vmem_shared>>
    %dma_wait3A_288 = tpu.memref_slice %arg10[%dma_wait3A_277] : memref<8x!tpu.dma_semaphore, #tpu.memory_space<semaphore_mem>> -> memref<1x!tpu.dma_semaphore, #tpu.memory_space<semaphore_mem>>
    %dma_wait3A_289 = tpu.memref_squeeze %dma_wait3A_288 : memref<1x!tpu.dma_semaphore, #tpu.memory_space<semaphore_mem>> -> memref<!tpu.dma_semaphore, #tpu.memory_space<semaphore_mem>>
    tpu.wait_indirect_dma semaphore(%dma_wait3A_289 : memref<!tpu.dma_semaphore, #tpu.memory_space<semaphore_mem>>) src(%dma_wait3A_287 : memref<10016x16xf32, #tpu.memory_space<vmem_shared>>) dst(%dma_wait3A_281 : memref<128x16xf32, #tpu.memory_space<vmem>>)
    %dma_start3A_290 = arith.constant 5 : i32
    %dma_start3A_291 = arith.constant 77 : i32
    %dma_start3A_292 = arith.constant 5 : i32
    %dma_start3A_293 = arith.constant 0 : i32
    %dma_start3A_294 = arith.constant 0 : i32
    %dma_start3A_295 = tpu.memref_slice %arg7[%dma_start3A_290, %dma_start3A_293, %dma_start3A_294] : memref<8x128x16xf32, #tpu.memory_space<vmem>> -> memref<1x128x16xf32, #tpu.memory_space<vmem>>
    %dma_start3A_296 = tpu.memref_squeeze %dma_start3A_295 : memref<1x128x16xf32, #tpu.memory_space<vmem>> -> memref<128x16xf32, #tpu.memory_space<vmem>>
    %dma_start3A_297 = arith.constant 0 : i32
    %dma_start3A_298 = tpu.memref_slice %arg6[%dma_start3A_291, %dma_start3A_297] : memref<80x128xi32, #tpu.memory_space<vmem>> -> memref<1x128xi32, #tpu.memory_space<vmem>>
    %dma_start3A_299 = tpu.memref_squeeze %dma_start3A_298 : memref<1x128xi32, #tpu.memory_space<vmem>> -> memref<128xi32, #tpu.memory_space<vmem>>
    %dma_start3A_300 = arith.constant 0 : i32
    %dma_start3A_301 = arith.constant 0 : i32
    %dma_start3A_302 = tpu.memref_slice %arg8[%dma_start3A_300, %dma_start3A_301] : memref<10016x16xf32, #tpu.memory_space<vmem_shared>> -> memref<10016x16xf32, #tpu.memory_space<vmem_shared>>
    %dma_start3A_303 = tpu.memref_slice %arg11[%dma_start3A_292] : memref<8x!tpu.dma_semaphore, #tpu.memory_space<semaphore_mem>> -> memref<1x!tpu.dma_semaphore, #tpu.memory_space<semaphore_mem>>
    %dma_start3A_304 = tpu.memref_squeeze %dma_start3A_303 : memref<1x!tpu.dma_semaphore, #tpu.memory_space<semaphore_mem>> -> memref<!tpu.dma_semaphore, #tpu.memory_space<semaphore_mem>>
    tpu.enqueue_indirect_dma source(%dma_start3A_296 : memref<128x16xf32, #tpu.memory_space<vmem>>) target(%dma_start3A_302 : memref<10016x16xf32, #tpu.memory_space<vmem_shared>>) offsets(%dma_start3A_299 : memref<128xi32, #tpu.memory_space<vmem>>) semaphore(%dma_start3A_304 : memref<!tpu.dma_semaphore, #tpu.memory_space<semaphore_mem>>) {add = true}
    %dma_wait3A_305 = arith.constant 78 : i32
    %dma_wait3A_306 = arith.constant 6 : i32
    %dma_wait3A_307 = arith.constant 6 : i32
    %dma_wait3A_308 = arith.constant 0 : i32
    %dma_wait3A_309 = arith.constant 0 : i32
    %dma_wait3A_310 = tpu.memref_slice %arg7[%dma_wait3A_306, %dma_wait3A_308, %dma_wait3A_309] : memref<8x128x16xf32, #tpu.memory_space<vmem>> -> memref<1x128x16xf32, #tpu.memory_space<vmem>>
    %dma_wait3A_311 = tpu.memref_squeeze %dma_wait3A_310 : memref<1x128x16xf32, #tpu.memory_space<vmem>> -> memref<128x16xf32, #tpu.memory_space<vmem>>
    %dma_wait3A_312 = arith.constant 0 : i32
    %dma_wait3A_313 = tpu.memref_slice %arg5[%dma_wait3A_305, %dma_wait3A_312] : memref<80x128xi32, #tpu.memory_space<vmem>> -> memref<1x128xi32, #tpu.memory_space<vmem>>
    %dma_wait3A_314 = tpu.memref_squeeze %dma_wait3A_313 : memref<1x128xi32, #tpu.memory_space<vmem>> -> memref<128xi32, #tpu.memory_space<vmem>>
    %dma_wait3A_315 = arith.constant 0 : i32
    %dma_wait3A_316 = arith.constant 0 : i32
    %dma_wait3A_317 = tpu.memref_slice %arg9[%dma_wait3A_315, %dma_wait3A_316] : memref<10016x16xf32, #tpu.memory_space<vmem_shared>> -> memref<10016x16xf32, #tpu.memory_space<vmem_shared>>
    %dma_wait3A_318 = tpu.memref_slice %arg10[%dma_wait3A_307] : memref<8x!tpu.dma_semaphore, #tpu.memory_space<semaphore_mem>> -> memref<1x!tpu.dma_semaphore, #tpu.memory_space<semaphore_mem>>
    %dma_wait3A_319 = tpu.memref_squeeze %dma_wait3A_318 : memref<1x!tpu.dma_semaphore, #tpu.memory_space<semaphore_mem>> -> memref<!tpu.dma_semaphore, #tpu.memory_space<semaphore_mem>>
    tpu.wait_indirect_dma semaphore(%dma_wait3A_319 : memref<!tpu.dma_semaphore, #tpu.memory_space<semaphore_mem>>) src(%dma_wait3A_317 : memref<10016x16xf32, #tpu.memory_space<vmem_shared>>) dst(%dma_wait3A_311 : memref<128x16xf32, #tpu.memory_space<vmem>>)
    %dma_start3A_320 = arith.constant 6 : i32
    %dma_start3A_321 = arith.constant 78 : i32
    %dma_start3A_322 = arith.constant 6 : i32
    %dma_start3A_323 = arith.constant 0 : i32
    %dma_start3A_324 = arith.constant 0 : i32
    %dma_start3A_325 = tpu.memref_slice %arg7[%dma_start3A_320, %dma_start3A_323, %dma_start3A_324] : memref<8x128x16xf32, #tpu.memory_space<vmem>> -> memref<1x128x16xf32, #tpu.memory_space<vmem>>
    %dma_start3A_326 = tpu.memref_squeeze %dma_start3A_325 : memref<1x128x16xf32, #tpu.memory_space<vmem>> -> memref<128x16xf32, #tpu.memory_space<vmem>>
    %dma_start3A_327 = arith.constant 0 : i32
    %dma_start3A_328 = tpu.memref_slice %arg6[%dma_start3A_321, %dma_start3A_327] : memref<80x128xi32, #tpu.memory_space<vmem>> -> memref<1x128xi32, #tpu.memory_space<vmem>>
    %dma_start3A_329 = tpu.memref_squeeze %dma_start3A_328 : memref<1x128xi32, #tpu.memory_space<vmem>> -> memref<128xi32, #tpu.memory_space<vmem>>
    %dma_start3A_330 = arith.constant 0 : i32
    %dma_start3A_331 = arith.constant 0 : i32
    %dma_start3A_332 = tpu.memref_slice %arg8[%dma_start3A_330, %dma_start3A_331] : memref<10016x16xf32, #tpu.memory_space<vmem_shared>> -> memref<10016x16xf32, #tpu.memory_space<vmem_shared>>
    %dma_start3A_333 = tpu.memref_slice %arg11[%dma_start3A_322] : memref<8x!tpu.dma_semaphore, #tpu.memory_space<semaphore_mem>> -> memref<1x!tpu.dma_semaphore, #tpu.memory_space<semaphore_mem>>
    %dma_start3A_334 = tpu.memref_squeeze %dma_start3A_333 : memref<1x!tpu.dma_semaphore, #tpu.memory_space<semaphore_mem>> -> memref<!tpu.dma_semaphore, #tpu.memory_space<semaphore_mem>>
    tpu.enqueue_indirect_dma source(%dma_start3A_326 : memref<128x16xf32, #tpu.memory_space<vmem>>) target(%dma_start3A_332 : memref<10016x16xf32, #tpu.memory_space<vmem_shared>>) offsets(%dma_start3A_329 : memref<128xi32, #tpu.memory_space<vmem>>) semaphore(%dma_start3A_334 : memref<!tpu.dma_semaphore, #tpu.memory_space<semaphore_mem>>) {add = true}
    %dma_wait3A_335 = arith.constant 79 : i32
    %dma_wait3A_336 = arith.constant 7 : i32
    %dma_wait3A_337 = arith.constant 7 : i32
    %dma_wait3A_338 = arith.constant 0 : i32
    %dma_wait3A_339 = arith.constant 0 : i32
    %dma_wait3A_340 = tpu.memref_slice %arg7[%dma_wait3A_336, %dma_wait3A_338, %dma_wait3A_339] : memref<8x128x16xf32, #tpu.memory_space<vmem>> -> memref<1x128x16xf32, #tpu.memory_space<vmem>>
    %dma_wait3A_341 = tpu.memref_squeeze %dma_wait3A_340 : memref<1x128x16xf32, #tpu.memory_space<vmem>> -> memref<128x16xf32, #tpu.memory_space<vmem>>
    %dma_wait3A_342 = arith.constant 0 : i32
    %dma_wait3A_343 = tpu.memref_slice %arg5[%dma_wait3A_335, %dma_wait3A_342] : memref<80x128xi32, #tpu.memory_space<vmem>> -> memref<1x128xi32, #tpu.memory_space<vmem>>
    %dma_wait3A_344 = tpu.memref_squeeze %dma_wait3A_343 : memref<1x128xi32, #tpu.memory_space<vmem>> -> memref<128xi32, #tpu.memory_space<vmem>>
    %dma_wait3A_345 = arith.constant 0 : i32
    %dma_wait3A_346 = arith.constant 0 : i32
    %dma_wait3A_347 = tpu.memref_slice %arg9[%dma_wait3A_345, %dma_wait3A_346] : memref<10016x16xf32, #tpu.memory_space<vmem_shared>> -> memref<10016x16xf32, #tpu.memory_space<vmem_shared>>
    %dma_wait3A_348 = tpu.memref_slice %arg10[%dma_wait3A_337] : memref<8x!tpu.dma_semaphore, #tpu.memory_space<semaphore_mem>> -> memref<1x!tpu.dma_semaphore, #tpu.memory_space<semaphore_mem>>
    %dma_wait3A_349 = tpu.memref_squeeze %dma_wait3A_348 : memref<1x!tpu.dma_semaphore, #tpu.memory_space<semaphore_mem>> -> memref<!tpu.dma_semaphore, #tpu.memory_space<semaphore_mem>>
    tpu.wait_indirect_dma semaphore(%dma_wait3A_349 : memref<!tpu.dma_semaphore, #tpu.memory_space<semaphore_mem>>) src(%dma_wait3A_347 : memref<10016x16xf32, #tpu.memory_space<vmem_shared>>) dst(%dma_wait3A_341 : memref<128x16xf32, #tpu.memory_space<vmem>>)
    %dma_start3A_350 = arith.constant 7 : i32
    %dma_start3A_351 = arith.constant 79 : i32
    %dma_start3A_352 = arith.constant 7 : i32
    %dma_start3A_353 = arith.constant 0 : i32
    %dma_start3A_354 = arith.constant 0 : i32
    %dma_start3A_355 = tpu.memref_slice %arg7[%dma_start3A_350, %dma_start3A_353, %dma_start3A_354] : memref<8x128x16xf32, #tpu.memory_space<vmem>> -> memref<1x128x16xf32, #tpu.memory_space<vmem>>
    %dma_start3A_356 = tpu.memref_squeeze %dma_start3A_355 : memref<1x128x16xf32, #tpu.memory_space<vmem>> -> memref<128x16xf32, #tpu.memory_space<vmem>>
    %dma_start3A_357 = arith.constant 0 : i32
    %dma_start3A_358 = tpu.memref_slice %arg6[%dma_start3A_351, %dma_start3A_357] : memref<80x128xi32, #tpu.memory_space<vmem>> -> memref<1x128xi32, #tpu.memory_space<vmem>>
    %dma_start3A_359 = tpu.memref_squeeze %dma_start3A_358 : memref<1x128xi32, #tpu.memory_space<vmem>> -> memref<128xi32, #tpu.memory_space<vmem>>
    %dma_start3A_360 = arith.constant 0 : i32
    %dma_start3A_361 = arith.constant 0 : i32
    %dma_start3A_362 = tpu.memref_slice %arg8[%dma_start3A_360, %dma_start3A_361] : memref<10016x16xf32, #tpu.memory_space<vmem_shared>> -> memref<10016x16xf32, #tpu.memory_space<vmem_shared>>
    %dma_start3A_363 = tpu.memref_slice %arg11[%dma_start3A_352] : memref<8x!tpu.dma_semaphore, #tpu.memory_space<semaphore_mem>> -> memref<1x!tpu.dma_semaphore, #tpu.memory_space<semaphore_mem>>
    %dma_start3A_364 = tpu.memref_squeeze %dma_start3A_363 : memref<1x!tpu.dma_semaphore, #tpu.memory_space<semaphore_mem>> -> memref<!tpu.dma_semaphore, #tpu.memory_space<semaphore_mem>>
    tpu.enqueue_indirect_dma source(%dma_start3A_356 : memref<128x16xf32, #tpu.memory_space<vmem>>) target(%dma_start3A_362 : memref<10016x16xf32, #tpu.memory_space<vmem_shared>>) offsets(%dma_start3A_359 : memref<128xi32, #tpu.memory_space<vmem>>) semaphore(%dma_start3A_364 : memref<!tpu.dma_semaphore, #tpu.memory_space<semaphore_mem>>) {add = true}
    %dma_wait3A_365 = arith.constant 0 : i32
    %dma_wait3A_366 = arith.constant 72 : i32
    %dma_wait3A_367 = arith.constant 0 : i32
    %dma_wait3A_368 = arith.constant 0 : i32
    %dma_wait3A_369 = arith.constant 0 : i32
    %dma_wait3A_370 = tpu.memref_slice %arg7[%dma_wait3A_365, %dma_wait3A_368, %dma_wait3A_369] : memref<8x128x16xf32, #tpu.memory_space<vmem>> -> memref<1x128x16xf32, #tpu.memory_space<vmem>>
    %dma_wait3A_371 = tpu.memref_squeeze %dma_wait3A_370 : memref<1x128x16xf32, #tpu.memory_space<vmem>> -> memref<128x16xf32, #tpu.memory_space<vmem>>
    %dma_wait3A_372 = arith.constant 0 : i32
    %dma_wait3A_373 = tpu.memref_slice %arg6[%dma_wait3A_366, %dma_wait3A_372] : memref<80x128xi32, #tpu.memory_space<vmem>> -> memref<1x128xi32, #tpu.memory_space<vmem>>
    %dma_wait3A_374 = tpu.memref_squeeze %dma_wait3A_373 : memref<1x128xi32, #tpu.memory_space<vmem>> -> memref<128xi32, #tpu.memory_space<vmem>>
    %dma_wait3A_375 = arith.constant 0 : i32
    %dma_wait3A_376 = arith.constant 0 : i32
    %dma_wait3A_377 = tpu.memref_slice %arg8[%dma_wait3A_375, %dma_wait3A_376] : memref<10016x16xf32, #tpu.memory_space<vmem_shared>> -> memref<10016x16xf32, #tpu.memory_space<vmem_shared>>
    %dma_wait3A_378 = tpu.memref_slice %arg11[%dma_wait3A_367] : memref<8x!tpu.dma_semaphore, #tpu.memory_space<semaphore_mem>> -> memref<1x!tpu.dma_semaphore, #tpu.memory_space<semaphore_mem>>
    %dma_wait3A_379 = tpu.memref_squeeze %dma_wait3A_378 : memref<1x!tpu.dma_semaphore, #tpu.memory_space<semaphore_mem>> -> memref<!tpu.dma_semaphore, #tpu.memory_space<semaphore_mem>>
    tpu.wait_indirect_dma semaphore(%dma_wait3A_379 : memref<!tpu.dma_semaphore, #tpu.memory_space<semaphore_mem>>) src(%dma_wait3A_371 : memref<128x16xf32, #tpu.memory_space<vmem>>) dst(%dma_wait3A_377 : memref<10016x16xf32, #tpu.memory_space<vmem_shared>>)
    %dma_wait3A_380 = arith.constant 1 : i32
    %dma_wait3A_381 = arith.constant 73 : i32
    %dma_wait3A_382 = arith.constant 1 : i32
    %dma_wait3A_383 = arith.constant 0 : i32
    %dma_wait3A_384 = arith.constant 0 : i32
    %dma_wait3A_385 = tpu.memref_slice %arg7[%dma_wait3A_380, %dma_wait3A_383, %dma_wait3A_384] : memref<8x128x16xf32, #tpu.memory_space<vmem>> -> memref<1x128x16xf32, #tpu.memory_space<vmem>>
    %dma_wait3A_386 = tpu.memref_squeeze %dma_wait3A_385 : memref<1x128x16xf32, #tpu.memory_space<vmem>> -> memref<128x16xf32, #tpu.memory_space<vmem>>
    %dma_wait3A_387 = arith.constant 0 : i32
    %dma_wait3A_388 = tpu.memref_slice %arg6[%dma_wait3A_381, %dma_wait3A_387] : memref<80x128xi32, #tpu.memory_space<vmem>> -> memref<1x128xi32, #tpu.memory_space<vmem>>
    %dma_wait3A_389 = tpu.memref_squeeze %dma_wait3A_388 : memref<1x128xi32, #tpu.memory_space<vmem>> -> memref<128xi32, #tpu.memory_space<vmem>>
    %dma_wait3A_390 = arith.constant 0 : i32
    %dma_wait3A_391 = arith.constant 0 : i32
    %dma_wait3A_392 = tpu.memref_slice %arg8[%dma_wait3A_390, %dma_wait3A_391] : memref<10016x16xf32, #tpu.memory_space<vmem_shared>> -> memref<10016x16xf32, #tpu.memory_space<vmem_shared>>
    %dma_wait3A_393 = tpu.memref_slice %arg11[%dma_wait3A_382] : memref<8x!tpu.dma_semaphore, #tpu.memory_space<semaphore_mem>> -> memref<1x!tpu.dma_semaphore, #tpu.memory_space<semaphore_mem>>
    %dma_wait3A_394 = tpu.memref_squeeze %dma_wait3A_393 : memref<1x!tpu.dma_semaphore, #tpu.memory_space<semaphore_mem>> -> memref<!tpu.dma_semaphore, #tpu.memory_space<semaphore_mem>>
    tpu.wait_indirect_dma semaphore(%dma_wait3A_394 : memref<!tpu.dma_semaphore, #tpu.memory_space<semaphore_mem>>) src(%dma_wait3A_386 : memref<128x16xf32, #tpu.memory_space<vmem>>) dst(%dma_wait3A_392 : memref<10016x16xf32, #tpu.memory_space<vmem_shared>>)
    %dma_wait3A_395 = arith.constant 2 : i32
    %dma_wait3A_396 = arith.constant 74 : i32
    %dma_wait3A_397 = arith.constant 2 : i32
    %dma_wait3A_398 = arith.constant 0 : i32
    %dma_wait3A_399 = arith.constant 0 : i32
    %dma_wait3A_400 = tpu.memref_slice %arg7[%dma_wait3A_395, %dma_wait3A_398, %dma_wait3A_399] : memref<8x128x16xf32, #tpu.memory_space<vmem>> -> memref<1x128x16xf32, #tpu.memory_space<vmem>>
    %dma_wait3A_401 = tpu.memref_squeeze %dma_wait3A_400 : memref<1x128x16xf32, #tpu.memory_space<vmem>> -> memref<128x16xf32, #tpu.memory_space<vmem>>
    %dma_wait3A_402 = arith.constant 0 : i32
    %dma_wait3A_403 = tpu.memref_slice %arg6[%dma_wait3A_396, %dma_wait3A_402] : memref<80x128xi32, #tpu.memory_space<vmem>> -> memref<1x128xi32, #tpu.memory_space<vmem>>
    %dma_wait3A_404 = tpu.memref_squeeze %dma_wait3A_403 : memref<1x128xi32, #tpu.memory_space<vmem>> -> memref<128xi32, #tpu.memory_space<vmem>>
    %dma_wait3A_405 = arith.constant 0 : i32
    %dma_wait3A_406 = arith.constant 0 : i32
    %dma_wait3A_407 = tpu.memref_slice %arg8[%dma_wait3A_405, %dma_wait3A_406] : memref<10016x16xf32, #tpu.memory_space<vmem_shared>> -> memref<10016x16xf32, #tpu.memory_space<vmem_shared>>
    %dma_wait3A_408 = tpu.memref_slice %arg11[%dma_wait3A_397] : memref<8x!tpu.dma_semaphore, #tpu.memory_space<semaphore_mem>> -> memref<1x!tpu.dma_semaphore, #tpu.memory_space<semaphore_mem>>
    %dma_wait3A_409 = tpu.memref_squeeze %dma_wait3A_408 : memref<1x!tpu.dma_semaphore, #tpu.memory_space<semaphore_mem>> -> memref<!tpu.dma_semaphore, #tpu.memory_space<semaphore_mem>>
    tpu.wait_indirect_dma semaphore(%dma_wait3A_409 : memref<!tpu.dma_semaphore, #tpu.memory_space<semaphore_mem>>) src(%dma_wait3A_401 : memref<128x16xf32, #tpu.memory_space<vmem>>) dst(%dma_wait3A_407 : memref<10016x16xf32, #tpu.memory_space<vmem_shared>>)
    %dma_wait3A_410 = arith.constant 3 : i32
    %dma_wait3A_411 = arith.constant 75 : i32
    %dma_wait3A_412 = arith.constant 3 : i32
    %dma_wait3A_413 = arith.constant 0 : i32
    %dma_wait3A_414 = arith.constant 0 : i32
    %dma_wait3A_415 = tpu.memref_slice %arg7[%dma_wait3A_410, %dma_wait3A_413, %dma_wait3A_414] : memref<8x128x16xf32, #tpu.memory_space<vmem>> -> memref<1x128x16xf32, #tpu.memory_space<vmem>>
    %dma_wait3A_416 = tpu.memref_squeeze %dma_wait3A_415 : memref<1x128x16xf32, #tpu.memory_space<vmem>> -> memref<128x16xf32, #tpu.memory_space<vmem>>
    %dma_wait3A_417 = arith.constant 0 : i32
    %dma_wait3A_418 = tpu.memref_slice %arg6[%dma_wait3A_411, %dma_wait3A_417] : memref<80x128xi32, #tpu.memory_space<vmem>> -> memref<1x128xi32, #tpu.memory_space<vmem>>
    %dma_wait3A_419 = tpu.memref_squeeze %dma_wait3A_418 : memref<1x128xi32, #tpu.memory_space<vmem>> -> memref<128xi32, #tpu.memory_space<vmem>>
    %dma_wait3A_420 = arith.constant 0 : i32
    %dma_wait3A_421 = arith.constant 0 : i32
    %dma_wait3A_422 = tpu.memref_slice %arg8[%dma_wait3A_420, %dma_wait3A_421] : memref<10016x16xf32, #tpu.memory_space<vmem_shared>> -> memref<10016x16xf32, #tpu.memory_space<vmem_shared>>
    %dma_wait3A_423 = tpu.memref_slice %arg11[%dma_wait3A_412] : memref<8x!tpu.dma_semaphore, #tpu.memory_space<semaphore_mem>> -> memref<1x!tpu.dma_semaphore, #tpu.memory_space<semaphore_mem>>
    %dma_wait3A_424 = tpu.memref_squeeze %dma_wait3A_423 : memref<1x!tpu.dma_semaphore, #tpu.memory_space<semaphore_mem>> -> memref<!tpu.dma_semaphore, #tpu.memory_space<semaphore_mem>>
    tpu.wait_indirect_dma semaphore(%dma_wait3A_424 : memref<!tpu.dma_semaphore, #tpu.memory_space<semaphore_mem>>) src(%dma_wait3A_416 : memref<128x16xf32, #tpu.memory_space<vmem>>) dst(%dma_wait3A_422 : memref<10016x16xf32, #tpu.memory_space<vmem_shared>>)
    %dma_wait3A_425 = arith.constant 4 : i32
    %dma_wait3A_426 = arith.constant 76 : i32
    %dma_wait3A_427 = arith.constant 4 : i32
    %dma_wait3A_428 = arith.constant 0 : i32
    %dma_wait3A_429 = arith.constant 0 : i32
    %dma_wait3A_430 = tpu.memref_slice %arg7[%dma_wait3A_425, %dma_wait3A_428, %dma_wait3A_429] : memref<8x128x16xf32, #tpu.memory_space<vmem>> -> memref<1x128x16xf32, #tpu.memory_space<vmem>>
    %dma_wait3A_431 = tpu.memref_squeeze %dma_wait3A_430 : memref<1x128x16xf32, #tpu.memory_space<vmem>> -> memref<128x16xf32, #tpu.memory_space<vmem>>
    %dma_wait3A_432 = arith.constant 0 : i32
    %dma_wait3A_433 = tpu.memref_slice %arg6[%dma_wait3A_426, %dma_wait3A_432] : memref<80x128xi32, #tpu.memory_space<vmem>> -> memref<1x128xi32, #tpu.memory_space<vmem>>
    %dma_wait3A_434 = tpu.memref_squeeze %dma_wait3A_433 : memref<1x128xi32, #tpu.memory_space<vmem>> -> memref<128xi32, #tpu.memory_space<vmem>>
    %dma_wait3A_435 = arith.constant 0 : i32
    %dma_wait3A_436 = arith.constant 0 : i32
    %dma_wait3A_437 = tpu.memref_slice %arg8[%dma_wait3A_435, %dma_wait3A_436] : memref<10016x16xf32, #tpu.memory_space<vmem_shared>> -> memref<10016x16xf32, #tpu.memory_space<vmem_shared>>
    %dma_wait3A_438 = tpu.memref_slice %arg11[%dma_wait3A_427] : memref<8x!tpu.dma_semaphore, #tpu.memory_space<semaphore_mem>> -> memref<1x!tpu.dma_semaphore, #tpu.memory_space<semaphore_mem>>
    %dma_wait3A_439 = tpu.memref_squeeze %dma_wait3A_438 : memref<1x!tpu.dma_semaphore, #tpu.memory_space<semaphore_mem>> -> memref<!tpu.dma_semaphore, #tpu.memory_space<semaphore_mem>>
    tpu.wait_indirect_dma semaphore(%dma_wait3A_439 : memref<!tpu.dma_semaphore, #tpu.memory_space<semaphore_mem>>) src(%dma_wait3A_431 : memref<128x16xf32, #tpu.memory_space<vmem>>) dst(%dma_wait3A_437 : memref<10016x16xf32, #tpu.memory_space<vmem_shared>>)
    %dma_wait3A_440 = arith.constant 5 : i32
    %dma_wait3A_441 = arith.constant 77 : i32
    %dma_wait3A_442 = arith.constant 5 : i32
    %dma_wait3A_443 = arith.constant 0 : i32
    %dma_wait3A_444 = arith.constant 0 : i32
    %dma_wait3A_445 = tpu.memref_slice %arg7[%dma_wait3A_440, %dma_wait3A_443, %dma_wait3A_444] : memref<8x128x16xf32, #tpu.memory_space<vmem>> -> memref<1x128x16xf32, #tpu.memory_space<vmem>>
    %dma_wait3A_446 = tpu.memref_squeeze %dma_wait3A_445 : memref<1x128x16xf32, #tpu.memory_space<vmem>> -> memref<128x16xf32, #tpu.memory_space<vmem>>
    %dma_wait3A_447 = arith.constant 0 : i32
    %dma_wait3A_448 = tpu.memref_slice %arg6[%dma_wait3A_441, %dma_wait3A_447] : memref<80x128xi32, #tpu.memory_space<vmem>> -> memref<1x128xi32, #tpu.memory_space<vmem>>
    %dma_wait3A_449 = tpu.memref_squeeze %dma_wait3A_448 : memref<1x128xi32, #tpu.memory_space<vmem>> -> memref<128xi32, #tpu.memory_space<vmem>>
    %dma_wait3A_450 = arith.constant 0 : i32
    %dma_wait3A_451 = arith.constant 0 : i32
    %dma_wait3A_452 = tpu.memref_slice %arg8[%dma_wait3A_450, %dma_wait3A_451] : memref<10016x16xf32, #tpu.memory_space<vmem_shared>> -> memref<10016x16xf32, #tpu.memory_space<vmem_shared>>
    %dma_wait3A_453 = tpu.memref_slice %arg11[%dma_wait3A_442] : memref<8x!tpu.dma_semaphore, #tpu.memory_space<semaphore_mem>> -> memref<1x!tpu.dma_semaphore, #tpu.memory_space<semaphore_mem>>
    %dma_wait3A_454 = tpu.memref_squeeze %dma_wait3A_453 : memref<1x!tpu.dma_semaphore, #tpu.memory_space<semaphore_mem>> -> memref<!tpu.dma_semaphore, #tpu.memory_space<semaphore_mem>>
    tpu.wait_indirect_dma semaphore(%dma_wait3A_454 : memref<!tpu.dma_semaphore, #tpu.memory_space<semaphore_mem>>) src(%dma_wait3A_446 : memref<128x16xf32, #tpu.memory_space<vmem>>) dst(%dma_wait3A_452 : memref<10016x16xf32, #tpu.memory_space<vmem_shared>>)
    %dma_wait3A_455 = arith.constant 6 : i32
    %dma_wait3A_456 = arith.constant 78 : i32
    %dma_wait3A_457 = arith.constant 6 : i32
    %dma_wait3A_458 = arith.constant 0 : i32
    %dma_wait3A_459 = arith.constant 0 : i32
    %dma_wait3A_460 = tpu.memref_slice %arg7[%dma_wait3A_455, %dma_wait3A_458, %dma_wait3A_459] : memref<8x128x16xf32, #tpu.memory_space<vmem>> -> memref<1x128x16xf32, #tpu.memory_space<vmem>>
    %dma_wait3A_461 = tpu.memref_squeeze %dma_wait3A_460 : memref<1x128x16xf32, #tpu.memory_space<vmem>> -> memref<128x16xf32, #tpu.memory_space<vmem>>
    %dma_wait3A_462 = arith.constant 0 : i32
    %dma_wait3A_463 = tpu.memref_slice %arg6[%dma_wait3A_456, %dma_wait3A_462] : memref<80x128xi32, #tpu.memory_space<vmem>> -> memref<1x128xi32, #tpu.memory_space<vmem>>
    %dma_wait3A_464 = tpu.memref_squeeze %dma_wait3A_463 : memref<1x128xi32, #tpu.memory_space<vmem>> -> memref<128xi32, #tpu.memory_space<vmem>>
    %dma_wait3A_465 = arith.constant 0 : i32
    %dma_wait3A_466 = arith.constant 0 : i32
    %dma_wait3A_467 = tpu.memref_slice %arg8[%dma_wait3A_465, %dma_wait3A_466] : memref<10016x16xf32, #tpu.memory_space<vmem_shared>> -> memref<10016x16xf32, #tpu.memory_space<vmem_shared>>
    %dma_wait3A_468 = tpu.memref_slice %arg11[%dma_wait3A_457] : memref<8x!tpu.dma_semaphore, #tpu.memory_space<semaphore_mem>> -> memref<1x!tpu.dma_semaphore, #tpu.memory_space<semaphore_mem>>
    %dma_wait3A_469 = tpu.memref_squeeze %dma_wait3A_468 : memref<1x!tpu.dma_semaphore, #tpu.memory_space<semaphore_mem>> -> memref<!tpu.dma_semaphore, #tpu.memory_space<semaphore_mem>>
    tpu.wait_indirect_dma semaphore(%dma_wait3A_469 : memref<!tpu.dma_semaphore, #tpu.memory_space<semaphore_mem>>) src(%dma_wait3A_461 : memref<128x16xf32, #tpu.memory_space<vmem>>) dst(%dma_wait3A_467 : memref<10016x16xf32, #tpu.memory_space<vmem_shared>>)
    %dma_wait3A_470 = arith.constant 7 : i32
    %dma_wait3A_471 = arith.constant 79 : i32
    %dma_wait3A_472 = arith.constant 7 : i32
    %dma_wait3A_473 = arith.constant 0 : i32
    %dma_wait3A_474 = arith.constant 0 : i32
    %dma_wait3A_475 = tpu.memref_slice %arg7[%dma_wait3A_470, %dma_wait3A_473, %dma_wait3A_474] : memref<8x128x16xf32, #tpu.memory_space<vmem>> -> memref<1x128x16xf32, #tpu.memory_space<vmem>>
    %dma_wait3A_476 = tpu.memref_squeeze %dma_wait3A_475 : memref<1x128x16xf32, #tpu.memory_space<vmem>> -> memref<128x16xf32, #tpu.memory_space<vmem>>
    %dma_wait3A_477 = arith.constant 0 : i32
    %dma_wait3A_478 = tpu.memref_slice %arg6[%dma_wait3A_471, %dma_wait3A_477] : memref<80x128xi32, #tpu.memory_space<vmem>> -> memref<1x128xi32, #tpu.memory_space<vmem>>
    %dma_wait3A_479 = tpu.memref_squeeze %dma_wait3A_478 : memref<1x128xi32, #tpu.memory_space<vmem>> -> memref<128xi32, #tpu.memory_space<vmem>>
    %dma_wait3A_480 = arith.constant 0 : i32
    %dma_wait3A_481 = arith.constant 0 : i32
    %dma_wait3A_482 = tpu.memref_slice %arg8[%dma_wait3A_480, %dma_wait3A_481] : memref<10016x16xf32, #tpu.memory_space<vmem_shared>> -> memref<10016x16xf32, #tpu.memory_space<vmem_shared>>
    %dma_wait3A_483 = tpu.memref_slice %arg11[%dma_wait3A_472] : memref<8x!tpu.dma_semaphore, #tpu.memory_space<semaphore_mem>> -> memref<1x!tpu.dma_semaphore, #tpu.memory_space<semaphore_mem>>
    %dma_wait3A_484 = tpu.memref_squeeze %dma_wait3A_483 : memref<1x!tpu.dma_semaphore, #tpu.memory_space<semaphore_mem>> -> memref<!tpu.dma_semaphore, #tpu.memory_space<semaphore_mem>>
    tpu.wait_indirect_dma semaphore(%dma_wait3A_484 : memref<!tpu.dma_semaphore, #tpu.memory_space<semaphore_mem>>) src(%dma_wait3A_476 : memref<128x16xf32, #tpu.memory_space<vmem>>) dst(%dma_wait3A_482 : memref<10016x16xf32, #tpu.memory_space<vmem_shared>>)
    %barrier3A_485 = arith.constant 0 : index
    tpu.barrier barrier_id(%barrier3A_485)
    "tpu.region"() ({
      %run_scoped3A_486 = tpu.sem_alloc : memref<!tpu.dma_semaphore, #tpu.memory_space<semaphore_mem>>
      %dma_start3A_487 = arith.constant 0 : i32
      %dma_start3A_488 = tpu.memref_slice %arg4[%arg0, %mul3A_0, %dma_start3A_487] : memref<2x10000x16xf32, #tpu.memory_space<hbm>> -> memref<1x625x16xf32, #tpu.memory_space<hbm>>
      %dma_start3A_489 = tpu.memref_squeeze %dma_start3A_488 : memref<1x625x16xf32, #tpu.memory_space<hbm>> -> memref<625x16xf32, #tpu.memory_space<hbm>>
      %dma_start3A_490 = arith.constant 0 : i32
      %dma_start3A_491 = tpu.memref_slice %arg8[%mul3A_0, %dma_start3A_490] : memref<10016x16xf32, #tpu.memory_space<vmem_shared>> -> memref<625x16xf32, #tpu.memory_space<vmem_shared>>
      tpu.enqueue_dma source(%dma_start3A_491 : memref<625x16xf32, #tpu.memory_space<vmem_shared>>) target(%dma_start3A_489 : memref<625x16xf32, #tpu.memory_space<hbm>>) target_semaphore(%run_scoped3A_486 : memref<!tpu.dma_semaphore, #tpu.memory_space<semaphore_mem>>)
      %dma_wait3A_492 = arith.constant 0 : i32
      %dma_wait3A_493 = tpu.memref_slice %arg4[%arg0, %mul3A_0, %dma_wait3A_492] : memref<2x10000x16xf32, #tpu.memory_space<hbm>> -> memref<1x625x16xf32, #tpu.memory_space<hbm>>
      %dma_wait3A_494 = tpu.memref_squeeze %dma_wait3A_493 : memref<1x625x16xf32, #tpu.memory_space<hbm>> -> memref<625x16xf32, #tpu.memory_space<hbm>>
      %dma_wait3A_495 = arith.constant 0 : i32
      %dma_wait3A_496 = tpu.memref_slice %arg8[%mul3A_0, %dma_wait3A_495] : memref<10016x16xf32, #tpu.memory_space<vmem_shared>> -> memref<625x16xf32, #tpu.memory_space<vmem_shared>>
      tpu.wait_dma2 semaphore(%run_scoped3A_486 : memref<!tpu.dma_semaphore, #tpu.memory_space<semaphore_mem>>) src(%dma_wait3A_496 : memref<625x16xf32, #tpu.memory_space<vmem_shared>>) dst(%dma_wait3A_494 : memref<625x16xf32, #tpu.memory_space<hbm>>)
      tpu.yield
    }) : () -> ()
    return
  }
}

#map = affine_map<(d0, d1) -> (0, 0)>
#map1 = affine_map<(d0, d1) -> (0, 0, 0, 0, 0)>
#map2 = affine_map<(d0, d1) -> (0, 0, 0)>
module attributes {stable_mosaic.version = 14 : i64} {
  func.func @k(%arg0: i32, %arg1: i32, %arg2: memref<10000x48xf32, #tpu.memory_space<hbm>>, %arg3: memref<2x2x16x80x128xi32, #tpu.memory_space<hbm>>, %arg4: memref<2x10000x48xf32, #tpu.memory_space<hbm>>, %arg5: memref<80x128xi32, #tpu.memory_space<vmem>>, %arg6: memref<80x128xi32, #tpu.memory_space<vmem>>, %arg7: memref<8x128x48xf32, #tpu.memory_space<vmem>>, %arg8: memref<10016x48xf32, #tpu.memory_space<vmem_shared>>, %arg9: memref<10016x48xf32, #tpu.memory_space<vmem_shared>>, %arg10: memref<8x!tpu.dma_semaphore, #tpu.memory_space<semaphore_mem>>, %arg11: memref<8x!tpu.dma_semaphore, #tpu.memory_space<semaphore_mem>>) attributes {dimension_semantics = [#tpu.dimension_semantics<core_parallel>, #tpu.dimension_semantics<subcore_parallel>], iteration_bounds = array<i64: 2, 16>, scalar_prefetch = 0 : i64, scratch_operands = 7 : i64, tpu.core_type = #tpu.core_type<sc_vector_subcore>, window_params = [{transform_indices = #map}, {transform_indices = #map1}, {transform_indices = #map2}]} {
    %mul3A = arith.constant 625 : i32
    %mul3A_0 = arith.muli %arg1, %mul3A : i32
    %run_scoped3A = arith.constant 0 : i32
    "tpu.region"() ({
      %run_scoped3A_486 = tpu.sem_alloc : memref<!tpu.dma_semaphore, #tpu.memory_space<semaphore_mem>>
      %dma_start3A_487 = arith.constant 0 : i32
      %dma_start3A_488 = arith.constant 0 : i32
      %dma_start3A_489 = tpu.memref_slice %arg3[%run_scoped3A, %arg0, %arg1, %dma_start3A_487, %dma_start3A_488] : memref<2x2x16x80x128xi32, #tpu.memory_space<hbm>> -> memref<1x1x1x80x128xi32, #tpu.memory_space<hbm>>
      %dma_start3A_490 = tpu.memref_squeeze %dma_start3A_489 : memref<1x1x1x80x128xi32, #tpu.memory_space<hbm>> -> memref<80x128xi32, #tpu.memory_space<hbm>>
      %dma_start3A_491 = arith.constant 0 : i32
      %dma_start3A_492 = arith.constant 0 : i32
      %dma_start3A_493 = tpu.memref_slice %arg3[%run_scoped3A, %arg0, %arg1, %dma_start3A_491, %dma_start3A_492] : memref<2x2x16x80x128xi32, #tpu.memory_space<hbm>> -> memref<1x1x1x80x128xi32, #tpu.memory_space<hbm>>
      %dma_start3A_494 = tpu.memref_squeeze %dma_start3A_493 : memref<1x1x1x80x128xi32, #tpu.memory_space<hbm>> -> memref<80x128xi32, #tpu.memory_space<hbm>>
      tpu.enqueue_dma source(%dma_start3A_494 : memref<80x128xi32, #tpu.memory_space<hbm>>) target(%arg5 : memref<80x128xi32, #tpu.memory_space<vmem>>) target_semaphore(%run_scoped3A_486 : memref<!tpu.dma_semaphore, #tpu.memory_space<semaphore_mem>>)
      %dma_wait3A_495 = arith.constant 0 : i32
      %dma_wait3A_496 = arith.constant 0 : i32
      %dma_wait3A_497 = tpu.memref_slice %arg3[%run_scoped3A, %arg0, %arg1, %dma_wait3A_495, %dma_wait3A_496] : memref<2x2x16x80x128xi32, #tpu.memory_space<hbm>> -> memref<1x1x1x80x128xi32, #tpu.memory_space<hbm>>
      %dma_wait3A_498 = tpu.memref_squeeze %dma_wait3A_497 : memref<1x1x1x80x128xi32, #tpu.memory_space<hbm>> -> memref<80x128xi32, #tpu.memory_space<hbm>>
      %dma_wait3A_499 = arith.constant 0 : i32
      %dma_wait3A_500 = arith.constant 0 : i32
      %dma_wait3A_501 = tpu.memref_slice %arg3[%run_scoped3A, %arg0, %arg1, %dma_wait3A_499, %dma_wait3A_500] : memref<2x2x16x80x128xi32, #tpu.memory_space<hbm>> -> memref<1x1x1x80x128xi32, #tpu.memory_space<hbm>>
      %dma_wait3A_502 = tpu.memref_squeeze %dma_wait3A_501 : memref<1x1x1x80x128xi32, #tpu.memory_space<hbm>> -> memref<80x128xi32, #tpu.memory_space<hbm>>
      tpu.wait_dma2 semaphore(%run_scoped3A_486 : memref<!tpu.dma_semaphore, #tpu.memory_space<semaphore_mem>>) src(%dma_wait3A_502 : memref<80x128xi32, #tpu.memory_space<hbm>>) dst(%arg5 : memref<80x128xi32, #tpu.memory_space<vmem>>)
      tpu.yield
    }) : () -> ()
    %run_scoped3A_1 = arith.constant 1 : i32
    "tpu.region"() ({
      %run_scoped3A_486 = tpu.sem_alloc : memref<!tpu.dma_semaphore, #tpu.memory_space<semaphore_mem>>
      %dma_start3A_487 = arith.constant 0 : i32
      %dma_start3A_488 = arith.constant 0 : i32
      %dma_start3A_489 = tpu.memref_slice %arg3[%run_scoped3A_1, %arg0, %arg1, %dma_start3A_487, %dma_start3A_488] : memref<2x2x16x80x128xi32, #tpu.memory_space<hbm>> -> memref<1x1x1x80x128xi32, #tpu.memory_space<hbm>>
      %dma_start3A_490 = tpu.memref_squeeze %dma_start3A_489 : memref<1x1x1x80x128xi32, #tpu.memory_space<hbm>> -> memref<80x128xi32, #tpu.memory_space<hbm>>
      %dma_start3A_491 = arith.constant 0 : i32
      %dma_start3A_492 = arith.constant 0 : i32
      %dma_start3A_493 = tpu.memref_slice %arg3[%run_scoped3A_1, %arg0, %arg1, %dma_start3A_491, %dma_start3A_492] : memref<2x2x16x80x128xi32, #tpu.memory_space<hbm>> -> memref<1x1x1x80x128xi32, #tpu.memory_space<hbm>>
      %dma_start3A_494 = tpu.memref_squeeze %dma_start3A_493 : memref<1x1x1x80x128xi32, #tpu.memory_space<hbm>> -> memref<80x128xi32, #tpu.memory_space<hbm>>
      tpu.enqueue_dma source(%dma_start3A_494 : memref<80x128xi32, #tpu.memory_space<hbm>>) target(%arg6 : memref<80x128xi32, #tpu.memory_space<vmem>>) target_semaphore(%run_scoped3A_486 : memref<!tpu.dma_semaphore, #tpu.memory_space<semaphore_mem>>)
      %dma_wait3A_495 = arith.constant 0 : i32
      %dma_wait3A_496 = arith.constant 0 : i32
      %dma_wait3A_497 = tpu.memref_slice %arg3[%run_scoped3A_1, %arg0, %arg1, %dma_wait3A_495, %dma_wait3A_496] : memref<2x2x16x80x128xi32, #tpu.memory_space<hbm>> -> memref<1x1x1x80x128xi32, #tpu.memory_space<hbm>>
      %dma_wait3A_498 = tpu.memref_squeeze %dma_wait3A_497 : memref<1x1x1x80x128xi32, #tpu.memory_space<hbm>> -> memref<80x128xi32, #tpu.memory_space<hbm>>
      %dma_wait3A_499 = arith.constant 0 : i32
      %dma_wait3A_500 = arith.constant 0 : i32
      %dma_wait3A_501 = tpu.memref_slice %arg3[%run_scoped3A_1, %arg0, %arg1, %dma_wait3A_499, %dma_wait3A_500] : memref<2x2x16x80x128xi32, #tpu.memory_space<hbm>> -> memref<1x1x1x80x128xi32, #tpu.memory_space<hbm>>
      %dma_wait3A_502 = tpu.memref_squeeze %dma_wait3A_501 : memref<1x1x1x80x128xi32, #tpu.memory_space<hbm>> -> memref<80x128xi32, #tpu.memory_space<hbm>>
      tpu.wait_dma2 semaphore(%run_scoped3A_486 : memref<!tpu.dma_semaphore, #tpu.memory_space<semaphore_mem>>) src(%dma_wait3A_502 : memref<80x128xi32, #tpu.memory_space<hbm>>) dst(%arg6 : memref<80x128xi32, #tpu.memory_space<vmem>>)
      tpu.yield
    }) : () -> ()
    "tpu.region"() ({
      %run_scoped3A_486 = tpu.sem_alloc : memref<!tpu.dma_semaphore, #tpu.memory_space<semaphore_mem>>
      %dma_start3A_487 = arith.constant 0 : i32
      %dma_start3A_488 = tpu.memref_slice %arg8[%mul3A_0, %dma_start3A_487] : memref<10016x48xf32, #tpu.memory_space<vmem_shared>> -> memref<625x48xf32, #tpu.memory_space<vmem_shared>>
      %dma_start3A_489 = arith.constant 0 : i32
      %dma_start3A_490 = tpu.memref_slice %arg2[%mul3A_0, %dma_start3A_489] : memref<10000x48xf32, #tpu.memory_space<hbm>> -> memref<625x48xf32, #tpu.memory_space<hbm>>
      tpu.enqueue_dma source(%dma_start3A_490 : memref<625x48xf32, #tpu.memory_space<hbm>>) target(%dma_start3A_488 : memref<625x48xf32, #tpu.memory_space<vmem_shared>>) target_semaphore(%run_scoped3A_486 : memref<!tpu.dma_semaphore, #tpu.memory_space<semaphore_mem>>)
      %dma_wait3A_491 = arith.constant 0 : i32
      %dma_wait3A_492 = tpu.memref_slice %arg8[%mul3A_0, %dma_wait3A_491] : memref<10016x48xf32, #tpu.memory_space<vmem_shared>> -> memref<625x48xf32, #tpu.memory_space<vmem_shared>>
      %dma_wait3A_493 = arith.constant 0 : i32
      %dma_wait3A_494 = tpu.memref_slice %arg2[%mul3A_0, %dma_wait3A_493] : memref<10000x48xf32, #tpu.memory_space<hbm>> -> memref<625x48xf32, #tpu.memory_space<hbm>>
      tpu.wait_dma2 semaphore(%run_scoped3A_486 : memref<!tpu.dma_semaphore, #tpu.memory_space<semaphore_mem>>) src(%dma_wait3A_494 : memref<625x48xf32, #tpu.memory_space<hbm>>) dst(%dma_wait3A_492 : memref<625x48xf32, #tpu.memory_space<vmem_shared>>)
      tpu.yield
    }) : () -> ()
    "tpu.region"() ({
      %run_scoped3A_486 = tpu.sem_alloc : memref<!tpu.dma_semaphore, #tpu.memory_space<semaphore_mem>>
      %dma_start3A_487 = arith.constant 0 : i32
      %dma_start3A_488 = tpu.memref_slice %arg9[%mul3A_0, %dma_start3A_487] : memref<10016x48xf32, #tpu.memory_space<vmem_shared>> -> memref<625x48xf32, #tpu.memory_space<vmem_shared>>
      %dma_start3A_489 = arith.constant 0 : i32
      %dma_start3A_490 = tpu.memref_slice %arg2[%mul3A_0, %dma_start3A_489] : memref<10000x48xf32, #tpu.memory_space<hbm>> -> memref<625x48xf32, #tpu.memory_space<hbm>>
      tpu.enqueue_dma source(%dma_start3A_490 : memref<625x48xf32, #tpu.memory_space<hbm>>) target(%dma_start3A_488 : memref<625x48xf32, #tpu.memory_space<vmem_shared>>) target_semaphore(%run_scoped3A_486 : memref<!tpu.dma_semaphore, #tpu.memory_space<semaphore_mem>>)
      %dma_wait3A_491 = arith.constant 0 : i32
      %dma_wait3A_492 = tpu.memref_slice %arg9[%mul3A_0, %dma_wait3A_491] : memref<10016x48xf32, #tpu.memory_space<vmem_shared>> -> memref<625x48xf32, #tpu.memory_space<vmem_shared>>
      %dma_wait3A_493 = arith.constant 0 : i32
      %dma_wait3A_494 = tpu.memref_slice %arg2[%mul3A_0, %dma_wait3A_493] : memref<10000x48xf32, #tpu.memory_space<hbm>> -> memref<625x48xf32, #tpu.memory_space<hbm>>
      tpu.wait_dma2 semaphore(%run_scoped3A_486 : memref<!tpu.dma_semaphore, #tpu.memory_space<semaphore_mem>>) src(%dma_wait3A_494 : memref<625x48xf32, #tpu.memory_space<hbm>>) dst(%dma_wait3A_492 : memref<625x48xf32, #tpu.memory_space<vmem_shared>>)
      tpu.yield
    }) : () -> ()
    %barrier3A = arith.constant 0 : index
    tpu.barrier barrier_id(%barrier3A)
    %dma_start3A = arith.constant 0 : i32
    %dma_start3A_2 = arith.constant 0 : i32
    %dma_start3A_3 = arith.constant 0 : i32
    %dma_start3A_4 = arith.constant 0 : i32
    %dma_start3A_5 = arith.constant 0 : i32
    %dma_start3A_6 = tpu.memref_slice %arg7[%dma_start3A_2, %dma_start3A_4, %dma_start3A_5] : memref<8x128x48xf32, #tpu.memory_space<vmem>> -> memref<1x128x48xf32, #tpu.memory_space<vmem>>
    %dma_start3A_7 = tpu.memref_squeeze %dma_start3A_6 : memref<1x128x48xf32, #tpu.memory_space<vmem>> -> memref<128x48xf32, #tpu.memory_space<vmem>>
    %dma_start3A_8 = arith.constant 0 : i32
    %dma_start3A_9 = tpu.memref_slice %arg5[%dma_start3A, %dma_start3A_8] : memref<80x128xi32, #tpu.memory_space<vmem>> -> memref<1x128xi32, #tpu.memory_space<vmem>>
    %dma_start3A_10 = tpu.memref_squeeze %dma_start3A_9 : memref<1x128xi32, #tpu.memory_space<vmem>> -> memref<128xi32, #tpu.memory_space<vmem>>
    %dma_start3A_11 = arith.constant 0 : i32
    %dma_start3A_12 = arith.constant 0 : i32
    %dma_start3A_13 = tpu.memref_slice %arg9[%dma_start3A_11, %dma_start3A_12] : memref<10016x48xf32, #tpu.memory_space<vmem_shared>> -> memref<10016x48xf32, #tpu.memory_space<vmem_shared>>
    %dma_start3A_14 = tpu.memref_slice %arg10[%dma_start3A_3] : memref<8x!tpu.dma_semaphore, #tpu.memory_space<semaphore_mem>> -> memref<1x!tpu.dma_semaphore, #tpu.memory_space<semaphore_mem>>
    %dma_start3A_15 = tpu.memref_squeeze %dma_start3A_14 : memref<1x!tpu.dma_semaphore, #tpu.memory_space<semaphore_mem>> -> memref<!tpu.dma_semaphore, #tpu.memory_space<semaphore_mem>>
    tpu.enqueue_indirect_dma source(%dma_start3A_13 : memref<10016x48xf32, #tpu.memory_space<vmem_shared>>) target(%dma_start3A_7 : memref<128x48xf32, #tpu.memory_space<vmem>>) offsets(%dma_start3A_10 : memref<128xi32, #tpu.memory_space<vmem>>) semaphore(%dma_start3A_15 : memref<!tpu.dma_semaphore, #tpu.memory_space<semaphore_mem>>)
    %dma_start3A_16 = arith.constant 1 : i32
    %dma_start3A_17 = arith.constant 1 : i32
    %dma_start3A_18 = arith.constant 1 : i32
    %dma_start3A_19 = arith.constant 0 : i32
    %dma_start3A_20 = arith.constant 0 : i32
    %dma_start3A_21 = tpu.memref_slice %arg7[%dma_start3A_17, %dma_start3A_19, %dma_start3A_20] : memref<8x128x48xf32, #tpu.memory_space<vmem>> -> memref<1x128x48xf32, #tpu.memory_space<vmem>>
    %dma_start3A_22 = tpu.memref_squeeze %dma_start3A_21 : memref<1x128x48xf32, #tpu.memory_space<vmem>> -> memref<128x48xf32, #tpu.memory_space<vmem>>
    %dma_start3A_23 = arith.constant 0 : i32
    %dma_start3A_24 = tpu.memref_slice %arg5[%dma_start3A_16, %dma_start3A_23] : memref<80x128xi32, #tpu.memory_space<vmem>> -> memref<1x128xi32, #tpu.memory_space<vmem>>
    %dma_start3A_25 = tpu.memref_squeeze %dma_start3A_24 : memref<1x128xi32, #tpu.memory_space<vmem>> -> memref<128xi32, #tpu.memory_space<vmem>>
    %dma_start3A_26 = arith.constant 0 : i32
    %dma_start3A_27 = arith.constant 0 : i32
    %dma_start3A_28 = tpu.memref_slice %arg9[%dma_start3A_26, %dma_start3A_27] : memref<10016x48xf32, #tpu.memory_space<vmem_shared>> -> memref<10016x48xf32, #tpu.memory_space<vmem_shared>>
    %dma_start3A_29 = tpu.memref_slice %arg10[%dma_start3A_18] : memref<8x!tpu.dma_semaphore, #tpu.memory_space<semaphore_mem>> -> memref<1x!tpu.dma_semaphore, #tpu.memory_space<semaphore_mem>>
    %dma_start3A_30 = tpu.memref_squeeze %dma_start3A_29 : memref<1x!tpu.dma_semaphore, #tpu.memory_space<semaphore_mem>> -> memref<!tpu.dma_semaphore, #tpu.memory_space<semaphore_mem>>
    tpu.enqueue_indirect_dma source(%dma_start3A_28 : memref<10016x48xf32, #tpu.memory_space<vmem_shared>>) target(%dma_start3A_22 : memref<128x48xf32, #tpu.memory_space<vmem>>) offsets(%dma_start3A_25 : memref<128xi32, #tpu.memory_space<vmem>>) semaphore(%dma_start3A_30 : memref<!tpu.dma_semaphore, #tpu.memory_space<semaphore_mem>>)
    %dma_start3A_31 = arith.constant 2 : i32
    %dma_start3A_32 = arith.constant 2 : i32
    %dma_start3A_33 = arith.constant 2 : i32
    %dma_start3A_34 = arith.constant 0 : i32
    %dma_start3A_35 = arith.constant 0 : i32
    %dma_start3A_36 = tpu.memref_slice %arg7[%dma_start3A_32, %dma_start3A_34, %dma_start3A_35] : memref<8x128x48xf32, #tpu.memory_space<vmem>> -> memref<1x128x48xf32, #tpu.memory_space<vmem>>
    %dma_start3A_37 = tpu.memref_squeeze %dma_start3A_36 : memref<1x128x48xf32, #tpu.memory_space<vmem>> -> memref<128x48xf32, #tpu.memory_space<vmem>>
    %dma_start3A_38 = arith.constant 0 : i32
    %dma_start3A_39 = tpu.memref_slice %arg5[%dma_start3A_31, %dma_start3A_38] : memref<80x128xi32, #tpu.memory_space<vmem>> -> memref<1x128xi32, #tpu.memory_space<vmem>>
    %dma_start3A_40 = tpu.memref_squeeze %dma_start3A_39 : memref<1x128xi32, #tpu.memory_space<vmem>> -> memref<128xi32, #tpu.memory_space<vmem>>
    %dma_start3A_41 = arith.constant 0 : i32
    %dma_start3A_42 = arith.constant 0 : i32
    %dma_start3A_43 = tpu.memref_slice %arg9[%dma_start3A_41, %dma_start3A_42] : memref<10016x48xf32, #tpu.memory_space<vmem_shared>> -> memref<10016x48xf32, #tpu.memory_space<vmem_shared>>
    %dma_start3A_44 = tpu.memref_slice %arg10[%dma_start3A_33] : memref<8x!tpu.dma_semaphore, #tpu.memory_space<semaphore_mem>> -> memref<1x!tpu.dma_semaphore, #tpu.memory_space<semaphore_mem>>
    %dma_start3A_45 = tpu.memref_squeeze %dma_start3A_44 : memref<1x!tpu.dma_semaphore, #tpu.memory_space<semaphore_mem>> -> memref<!tpu.dma_semaphore, #tpu.memory_space<semaphore_mem>>
    tpu.enqueue_indirect_dma source(%dma_start3A_43 : memref<10016x48xf32, #tpu.memory_space<vmem_shared>>) target(%dma_start3A_37 : memref<128x48xf32, #tpu.memory_space<vmem>>) offsets(%dma_start3A_40 : memref<128xi32, #tpu.memory_space<vmem>>) semaphore(%dma_start3A_45 : memref<!tpu.dma_semaphore, #tpu.memory_space<semaphore_mem>>)
    %dma_start3A_46 = arith.constant 3 : i32
    %dma_start3A_47 = arith.constant 3 : i32
    %dma_start3A_48 = arith.constant 3 : i32
    %dma_start3A_49 = arith.constant 0 : i32
    %dma_start3A_50 = arith.constant 0 : i32
    %dma_start3A_51 = tpu.memref_slice %arg7[%dma_start3A_47, %dma_start3A_49, %dma_start3A_50] : memref<8x128x48xf32, #tpu.memory_space<vmem>> -> memref<1x128x48xf32, #tpu.memory_space<vmem>>
    %dma_start3A_52 = tpu.memref_squeeze %dma_start3A_51 : memref<1x128x48xf32, #tpu.memory_space<vmem>> -> memref<128x48xf32, #tpu.memory_space<vmem>>
    %dma_start3A_53 = arith.constant 0 : i32
    %dma_start3A_54 = tpu.memref_slice %arg5[%dma_start3A_46, %dma_start3A_53] : memref<80x128xi32, #tpu.memory_space<vmem>> -> memref<1x128xi32, #tpu.memory_space<vmem>>
    %dma_start3A_55 = tpu.memref_squeeze %dma_start3A_54 : memref<1x128xi32, #tpu.memory_space<vmem>> -> memref<128xi32, #tpu.memory_space<vmem>>
    %dma_start3A_56 = arith.constant 0 : i32
    %dma_start3A_57 = arith.constant 0 : i32
    %dma_start3A_58 = tpu.memref_slice %arg9[%dma_start3A_56, %dma_start3A_57] : memref<10016x48xf32, #tpu.memory_space<vmem_shared>> -> memref<10016x48xf32, #tpu.memory_space<vmem_shared>>
    %dma_start3A_59 = tpu.memref_slice %arg10[%dma_start3A_48] : memref<8x!tpu.dma_semaphore, #tpu.memory_space<semaphore_mem>> -> memref<1x!tpu.dma_semaphore, #tpu.memory_space<semaphore_mem>>
    %dma_start3A_60 = tpu.memref_squeeze %dma_start3A_59 : memref<1x!tpu.dma_semaphore, #tpu.memory_space<semaphore_mem>> -> memref<!tpu.dma_semaphore, #tpu.memory_space<semaphore_mem>>
    tpu.enqueue_indirect_dma source(%dma_start3A_58 : memref<10016x48xf32, #tpu.memory_space<vmem_shared>>) target(%dma_start3A_52 : memref<128x48xf32, #tpu.memory_space<vmem>>) offsets(%dma_start3A_55 : memref<128xi32, #tpu.memory_space<vmem>>) semaphore(%dma_start3A_60 : memref<!tpu.dma_semaphore, #tpu.memory_space<semaphore_mem>>)
    %dma_start3A_61 = arith.constant 4 : i32
    %dma_start3A_62 = arith.constant 4 : i32
    %dma_start3A_63 = arith.constant 4 : i32
    %dma_start3A_64 = arith.constant 0 : i32
    %dma_start3A_65 = arith.constant 0 : i32
    %dma_start3A_66 = tpu.memref_slice %arg7[%dma_start3A_62, %dma_start3A_64, %dma_start3A_65] : memref<8x128x48xf32, #tpu.memory_space<vmem>> -> memref<1x128x48xf32, #tpu.memory_space<vmem>>
    %dma_start3A_67 = tpu.memref_squeeze %dma_start3A_66 : memref<1x128x48xf32, #tpu.memory_space<vmem>> -> memref<128x48xf32, #tpu.memory_space<vmem>>
    %dma_start3A_68 = arith.constant 0 : i32
    %dma_start3A_69 = tpu.memref_slice %arg5[%dma_start3A_61, %dma_start3A_68] : memref<80x128xi32, #tpu.memory_space<vmem>> -> memref<1x128xi32, #tpu.memory_space<vmem>>
    %dma_start3A_70 = tpu.memref_squeeze %dma_start3A_69 : memref<1x128xi32, #tpu.memory_space<vmem>> -> memref<128xi32, #tpu.memory_space<vmem>>
    %dma_start3A_71 = arith.constant 0 : i32
    %dma_start3A_72 = arith.constant 0 : i32
    %dma_start3A_73 = tpu.memref_slice %arg9[%dma_start3A_71, %dma_start3A_72] : memref<10016x48xf32, #tpu.memory_space<vmem_shared>> -> memref<10016x48xf32, #tpu.memory_space<vmem_shared>>
    %dma_start3A_74 = tpu.memref_slice %arg10[%dma_start3A_63] : memref<8x!tpu.dma_semaphore, #tpu.memory_space<semaphore_mem>> -> memref<1x!tpu.dma_semaphore, #tpu.memory_space<semaphore_mem>>
    %dma_start3A_75 = tpu.memref_squeeze %dma_start3A_74 : memref<1x!tpu.dma_semaphore, #tpu.memory_space<semaphore_mem>> -> memref<!tpu.dma_semaphore, #tpu.memory_space<semaphore_mem>>
    tpu.enqueue_indirect_dma source(%dma_start3A_73 : memref<10016x48xf32, #tpu.memory_space<vmem_shared>>) target(%dma_start3A_67 : memref<128x48xf32, #tpu.memory_space<vmem>>) offsets(%dma_start3A_70 : memref<128xi32, #tpu.memory_space<vmem>>) semaphore(%dma_start3A_75 : memref<!tpu.dma_semaphore, #tpu.memory_space<semaphore_mem>>)
    %dma_start3A_76 = arith.constant 5 : i32
    %dma_start3A_77 = arith.constant 5 : i32
    %dma_start3A_78 = arith.constant 5 : i32
    %dma_start3A_79 = arith.constant 0 : i32
    %dma_start3A_80 = arith.constant 0 : i32
    %dma_start3A_81 = tpu.memref_slice %arg7[%dma_start3A_77, %dma_start3A_79, %dma_start3A_80] : memref<8x128x48xf32, #tpu.memory_space<vmem>> -> memref<1x128x48xf32, #tpu.memory_space<vmem>>
    %dma_start3A_82 = tpu.memref_squeeze %dma_start3A_81 : memref<1x128x48xf32, #tpu.memory_space<vmem>> -> memref<128x48xf32, #tpu.memory_space<vmem>>
    %dma_start3A_83 = arith.constant 0 : i32
    %dma_start3A_84 = tpu.memref_slice %arg5[%dma_start3A_76, %dma_start3A_83] : memref<80x128xi32, #tpu.memory_space<vmem>> -> memref<1x128xi32, #tpu.memory_space<vmem>>
    %dma_start3A_85 = tpu.memref_squeeze %dma_start3A_84 : memref<1x128xi32, #tpu.memory_space<vmem>> -> memref<128xi32, #tpu.memory_space<vmem>>
    %dma_start3A_86 = arith.constant 0 : i32
    %dma_start3A_87 = arith.constant 0 : i32
    %dma_start3A_88 = tpu.memref_slice %arg9[%dma_start3A_86, %dma_start3A_87] : memref<10016x48xf32, #tpu.memory_space<vmem_shared>> -> memref<10016x48xf32, #tpu.memory_space<vmem_shared>>
    %dma_start3A_89 = tpu.memref_slice %arg10[%dma_start3A_78] : memref<8x!tpu.dma_semaphore, #tpu.memory_space<semaphore_mem>> -> memref<1x!tpu.dma_semaphore, #tpu.memory_space<semaphore_mem>>
    %dma_start3A_90 = tpu.memref_squeeze %dma_start3A_89 : memref<1x!tpu.dma_semaphore, #tpu.memory_space<semaphore_mem>> -> memref<!tpu.dma_semaphore, #tpu.memory_space<semaphore_mem>>
    tpu.enqueue_indirect_dma source(%dma_start3A_88 : memref<10016x48xf32, #tpu.memory_space<vmem_shared>>) target(%dma_start3A_82 : memref<128x48xf32, #tpu.memory_space<vmem>>) offsets(%dma_start3A_85 : memref<128xi32, #tpu.memory_space<vmem>>) semaphore(%dma_start3A_90 : memref<!tpu.dma_semaphore, #tpu.memory_space<semaphore_mem>>)
    %dma_start3A_91 = arith.constant 6 : i32
    %dma_start3A_92 = arith.constant 6 : i32
    %dma_start3A_93 = arith.constant 6 : i32
    %dma_start3A_94 = arith.constant 0 : i32
    %dma_start3A_95 = arith.constant 0 : i32
    %dma_start3A_96 = tpu.memref_slice %arg7[%dma_start3A_92, %dma_start3A_94, %dma_start3A_95] : memref<8x128x48xf32, #tpu.memory_space<vmem>> -> memref<1x128x48xf32, #tpu.memory_space<vmem>>
    %dma_start3A_97 = tpu.memref_squeeze %dma_start3A_96 : memref<1x128x48xf32, #tpu.memory_space<vmem>> -> memref<128x48xf32, #tpu.memory_space<vmem>>
    %dma_start3A_98 = arith.constant 0 : i32
    %dma_start3A_99 = tpu.memref_slice %arg5[%dma_start3A_91, %dma_start3A_98] : memref<80x128xi32, #tpu.memory_space<vmem>> -> memref<1x128xi32, #tpu.memory_space<vmem>>
    %dma_start3A_100 = tpu.memref_squeeze %dma_start3A_99 : memref<1x128xi32, #tpu.memory_space<vmem>> -> memref<128xi32, #tpu.memory_space<vmem>>
    %dma_start3A_101 = arith.constant 0 : i32
    %dma_start3A_102 = arith.constant 0 : i32
    %dma_start3A_103 = tpu.memref_slice %arg9[%dma_start3A_101, %dma_start3A_102] : memref<10016x48xf32, #tpu.memory_space<vmem_shared>> -> memref<10016x48xf32, #tpu.memory_space<vmem_shared>>
    %dma_start3A_104 = tpu.memref_slice %arg10[%dma_start3A_93] : memref<8x!tpu.dma_semaphore, #tpu.memory_space<semaphore_mem>> -> memref<1x!tpu.dma_semaphore, #tpu.memory_space<semaphore_mem>>
    %dma_start3A_105 = tpu.memref_squeeze %dma_start3A_104 : memref<1x!tpu.dma_semaphore, #tpu.memory_space<semaphore_mem>> -> memref<!tpu.dma_semaphore, #tpu.memory_space<semaphore_mem>>
    tpu.enqueue_indirect_dma source(%dma_start3A_103 : memref<10016x48xf32, #tpu.memory_space<vmem_shared>>) target(%dma_start3A_97 : memref<128x48xf32, #tpu.memory_space<vmem>>) offsets(%dma_start3A_100 : memref<128xi32, #tpu.memory_space<vmem>>) semaphore(%dma_start3A_105 : memref<!tpu.dma_semaphore, #tpu.memory_space<semaphore_mem>>)
    %dma_start3A_106 = arith.constant 7 : i32
    %dma_start3A_107 = arith.constant 7 : i32
    %dma_start3A_108 = arith.constant 7 : i32
    %dma_start3A_109 = arith.constant 0 : i32
    %dma_start3A_110 = arith.constant 0 : i32
    %dma_start3A_111 = tpu.memref_slice %arg7[%dma_start3A_107, %dma_start3A_109, %dma_start3A_110] : memref<8x128x48xf32, #tpu.memory_space<vmem>> -> memref<1x128x48xf32, #tpu.memory_space<vmem>>
    %dma_start3A_112 = tpu.memref_squeeze %dma_start3A_111 : memref<1x128x48xf32, #tpu.memory_space<vmem>> -> memref<128x48xf32, #tpu.memory_space<vmem>>
    %dma_start3A_113 = arith.constant 0 : i32
    %dma_start3A_114 = tpu.memref_slice %arg5[%dma_start3A_106, %dma_start3A_113] : memref<80x128xi32, #tpu.memory_space<vmem>> -> memref<1x128xi32, #tpu.memory_space<vmem>>
    %dma_start3A_115 = tpu.memref_squeeze %dma_start3A_114 : memref<1x128xi32, #tpu.memory_space<vmem>> -> memref<128xi32, #tpu.memory_space<vmem>>
    %dma_start3A_116 = arith.constant 0 : i32
    %dma_start3A_117 = arith.constant 0 : i32
    %dma_start3A_118 = tpu.memref_slice %arg9[%dma_start3A_116, %dma_start3A_117] : memref<10016x48xf32, #tpu.memory_space<vmem_shared>> -> memref<10016x48xf32, #tpu.memory_space<vmem_shared>>
    %dma_start3A_119 = tpu.memref_slice %arg10[%dma_start3A_108] : memref<8x!tpu.dma_semaphore, #tpu.memory_space<semaphore_mem>> -> memref<1x!tpu.dma_semaphore, #tpu.memory_space<semaphore_mem>>
    %dma_start3A_120 = tpu.memref_squeeze %dma_start3A_119 : memref<1x!tpu.dma_semaphore, #tpu.memory_space<semaphore_mem>> -> memref<!tpu.dma_semaphore, #tpu.memory_space<semaphore_mem>>
    tpu.enqueue_indirect_dma source(%dma_start3A_118 : memref<10016x48xf32, #tpu.memory_space<vmem_shared>>) target(%dma_start3A_112 : memref<128x48xf32, #tpu.memory_space<vmem>>) offsets(%dma_start3A_115 : memref<128xi32, #tpu.memory_space<vmem>>) semaphore(%dma_start3A_120 : memref<!tpu.dma_semaphore, #tpu.memory_space<semaphore_mem>>)
    %scan3A = arith.constant 0 : i32
    %scan3A_121 = arith.constant 0 : i32
    %scan3A_122 = arith.constant 9 : i32
    %scan3A_123 = arith.addi %scan3A_121, %scan3A_122 : i32
    %scan3A_124 = arith.constant 1 : i32
    scf.for %scan3A_486 = %scan3A_121 to %scan3A_123 step %scan3A_124  : i32 {
      %mul3A_487 = arith.constant 8 : i32
      %mul3A_488 = arith.muli %scan3A_486, %mul3A_487 : i32
      %add3A = arith.constant 0 : i32
      %add3A_489 = arith.addi %mul3A_488, %add3A : i32
      %dma_wait3A_490 = arith.constant 0 : i32
      %dma_wait3A_491 = arith.constant 0 : i32
      %dma_wait3A_492 = arith.constant 0 : i32
      %dma_wait3A_493 = arith.constant 0 : i32
      %dma_wait3A_494 = tpu.memref_slice %arg7[%dma_wait3A_490, %dma_wait3A_492, %dma_wait3A_493] : memref<8x128x48xf32, #tpu.memory_space<vmem>> -> memref<1x128x48xf32, #tpu.memory_space<vmem>>
      %dma_wait3A_495 = tpu.memref_squeeze %dma_wait3A_494 : memref<1x128x48xf32, #tpu.memory_space<vmem>> -> memref<128x48xf32, #tpu.memory_space<vmem>>
      %dma_wait3A_496 = arith.constant 0 : i32
      %dma_wait3A_497 = tpu.memref_slice %arg5[%add3A_489, %dma_wait3A_496] : memref<80x128xi32, #tpu.memory_space<vmem>> -> memref<1x128xi32, #tpu.memory_space<vmem>>
      %dma_wait3A_498 = tpu.memref_squeeze %dma_wait3A_497 : memref<1x128xi32, #tpu.memory_space<vmem>> -> memref<128xi32, #tpu.memory_space<vmem>>
      %dma_wait3A_499 = arith.constant 0 : i32
      %dma_wait3A_500 = arith.constant 0 : i32
      %dma_wait3A_501 = tpu.memref_slice %arg9[%dma_wait3A_499, %dma_wait3A_500] : memref<10016x48xf32, #tpu.memory_space<vmem_shared>> -> memref<10016x48xf32, #tpu.memory_space<vmem_shared>>
      %dma_wait3A_502 = tpu.memref_slice %arg10[%dma_wait3A_491] : memref<8x!tpu.dma_semaphore, #tpu.memory_space<semaphore_mem>> -> memref<1x!tpu.dma_semaphore, #tpu.memory_space<semaphore_mem>>
      %dma_wait3A_503 = tpu.memref_squeeze %dma_wait3A_502 : memref<1x!tpu.dma_semaphore, #tpu.memory_space<semaphore_mem>> -> memref<!tpu.dma_semaphore, #tpu.memory_space<semaphore_mem>>
      tpu.wait_indirect_dma semaphore(%dma_wait3A_503 : memref<!tpu.dma_semaphore, #tpu.memory_space<semaphore_mem>>) src(%dma_wait3A_501 : memref<10016x48xf32, #tpu.memory_space<vmem_shared>>) dst(%dma_wait3A_495 : memref<128x48xf32, #tpu.memory_space<vmem>>)
      %mul3A_504 = arith.constant 8 : i32
      %mul3A_505 = arith.muli %scan3A_486, %mul3A_504 : i32
      %add3A_506 = arith.constant 0 : i32
      %add3A_507 = arith.addi %mul3A_505, %add3A_506 : i32
      %dma_start3A_508 = arith.constant 0 : i32
      %dma_start3A_509 = arith.constant 0 : i32
      %dma_start3A_510 = arith.constant 0 : i32
      %dma_start3A_511 = arith.constant 0 : i32
      %dma_start3A_512 = tpu.memref_slice %arg7[%dma_start3A_508, %dma_start3A_510, %dma_start3A_511] : memref<8x128x48xf32, #tpu.memory_space<vmem>> -> memref<1x128x48xf32, #tpu.memory_space<vmem>>
      %dma_start3A_513 = tpu.memref_squeeze %dma_start3A_512 : memref<1x128x48xf32, #tpu.memory_space<vmem>> -> memref<128x48xf32, #tpu.memory_space<vmem>>
      %dma_start3A_514 = arith.constant 0 : i32
      %dma_start3A_515 = tpu.memref_slice %arg6[%add3A_507, %dma_start3A_514] : memref<80x128xi32, #tpu.memory_space<vmem>> -> memref<1x128xi32, #tpu.memory_space<vmem>>
      %dma_start3A_516 = tpu.memref_squeeze %dma_start3A_515 : memref<1x128xi32, #tpu.memory_space<vmem>> -> memref<128xi32, #tpu.memory_space<vmem>>
      %dma_start3A_517 = arith.constant 0 : i32
      %dma_start3A_518 = arith.constant 0 : i32
      %dma_start3A_519 = tpu.memref_slice %arg8[%dma_start3A_517, %dma_start3A_518] : memref<10016x48xf32, #tpu.memory_space<vmem_shared>> -> memref<10016x48xf32, #tpu.memory_space<vmem_shared>>
      %dma_start3A_520 = tpu.memref_slice %arg11[%dma_start3A_509] : memref<8x!tpu.dma_semaphore, #tpu.memory_space<semaphore_mem>> -> memref<1x!tpu.dma_semaphore, #tpu.memory_space<semaphore_mem>>
      %dma_start3A_521 = tpu.memref_squeeze %dma_start3A_520 : memref<1x!tpu.dma_semaphore, #tpu.memory_space<semaphore_mem>> -> memref<!tpu.dma_semaphore, #tpu.memory_space<semaphore_mem>>
      tpu.enqueue_indirect_dma source(%dma_start3A_513 : memref<128x48xf32, #tpu.memory_space<vmem>>) target(%dma_start3A_519 : memref<10016x48xf32, #tpu.memory_space<vmem_shared>>) offsets(%dma_start3A_516 : memref<128xi32, #tpu.memory_space<vmem>>) semaphore(%dma_start3A_521 : memref<!tpu.dma_semaphore, #tpu.memory_space<semaphore_mem>>) {add = true}
      %mul3A_522 = arith.constant 8 : i32
      %mul3A_523 = arith.muli %scan3A_486, %mul3A_522 : i32
      %add3A_524 = arith.constant 1 : i32
      %add3A_525 = arith.addi %mul3A_523, %add3A_524 : i32
      %dma_wait3A_526 = arith.constant 1 : i32
      %dma_wait3A_527 = arith.constant 1 : i32
      %dma_wait3A_528 = arith.constant 0 : i32
      %dma_wait3A_529 = arith.constant 0 : i32
      %dma_wait3A_530 = tpu.memref_slice %arg7[%dma_wait3A_526, %dma_wait3A_528, %dma_wait3A_529] : memref<8x128x48xf32, #tpu.memory_space<vmem>> -> memref<1x128x48xf32, #tpu.memory_space<vmem>>
      %dma_wait3A_531 = tpu.memref_squeeze %dma_wait3A_530 : memref<1x128x48xf32, #tpu.memory_space<vmem>> -> memref<128x48xf32, #tpu.memory_space<vmem>>
      %dma_wait3A_532 = arith.constant 0 : i32
      %dma_wait3A_533 = tpu.memref_slice %arg5[%add3A_525, %dma_wait3A_532] : memref<80x128xi32, #tpu.memory_space<vmem>> -> memref<1x128xi32, #tpu.memory_space<vmem>>
      %dma_wait3A_534 = tpu.memref_squeeze %dma_wait3A_533 : memref<1x128xi32, #tpu.memory_space<vmem>> -> memref<128xi32, #tpu.memory_space<vmem>>
      %dma_wait3A_535 = arith.constant 0 : i32
      %dma_wait3A_536 = arith.constant 0 : i32
      %dma_wait3A_537 = tpu.memref_slice %arg9[%dma_wait3A_535, %dma_wait3A_536] : memref<10016x48xf32, #tpu.memory_space<vmem_shared>> -> memref<10016x48xf32, #tpu.memory_space<vmem_shared>>
      %dma_wait3A_538 = tpu.memref_slice %arg10[%dma_wait3A_527] : memref<8x!tpu.dma_semaphore, #tpu.memory_space<semaphore_mem>> -> memref<1x!tpu.dma_semaphore, #tpu.memory_space<semaphore_mem>>
      %dma_wait3A_539 = tpu.memref_squeeze %dma_wait3A_538 : memref<1x!tpu.dma_semaphore, #tpu.memory_space<semaphore_mem>> -> memref<!tpu.dma_semaphore, #tpu.memory_space<semaphore_mem>>
      tpu.wait_indirect_dma semaphore(%dma_wait3A_539 : memref<!tpu.dma_semaphore, #tpu.memory_space<semaphore_mem>>) src(%dma_wait3A_537 : memref<10016x48xf32, #tpu.memory_space<vmem_shared>>) dst(%dma_wait3A_531 : memref<128x48xf32, #tpu.memory_space<vmem>>)
      %mul3A_540 = arith.constant 8 : i32
      %mul3A_541 = arith.muli %scan3A_486, %mul3A_540 : i32
      %add3A_542 = arith.constant 1 : i32
      %add3A_543 = arith.addi %mul3A_541, %add3A_542 : i32
      %dma_start3A_544 = arith.constant 1 : i32
      %dma_start3A_545 = arith.constant 1 : i32
      %dma_start3A_546 = arith.constant 0 : i32
      %dma_start3A_547 = arith.constant 0 : i32
      %dma_start3A_548 = tpu.memref_slice %arg7[%dma_start3A_544, %dma_start3A_546, %dma_start3A_547] : memref<8x128x48xf32, #tpu.memory_space<vmem>> -> memref<1x128x48xf32, #tpu.memory_space<vmem>>
      %dma_start3A_549 = tpu.memref_squeeze %dma_start3A_548 : memref<1x128x48xf32, #tpu.memory_space<vmem>> -> memref<128x48xf32, #tpu.memory_space<vmem>>
      %dma_start3A_550 = arith.constant 0 : i32
      %dma_start3A_551 = tpu.memref_slice %arg6[%add3A_543, %dma_start3A_550] : memref<80x128xi32, #tpu.memory_space<vmem>> -> memref<1x128xi32, #tpu.memory_space<vmem>>
      %dma_start3A_552 = tpu.memref_squeeze %dma_start3A_551 : memref<1x128xi32, #tpu.memory_space<vmem>> -> memref<128xi32, #tpu.memory_space<vmem>>
      %dma_start3A_553 = arith.constant 0 : i32
      %dma_start3A_554 = arith.constant 0 : i32
      %dma_start3A_555 = tpu.memref_slice %arg8[%dma_start3A_553, %dma_start3A_554] : memref<10016x48xf32, #tpu.memory_space<vmem_shared>> -> memref<10016x48xf32, #tpu.memory_space<vmem_shared>>
      %dma_start3A_556 = tpu.memref_slice %arg11[%dma_start3A_545] : memref<8x!tpu.dma_semaphore, #tpu.memory_space<semaphore_mem>> -> memref<1x!tpu.dma_semaphore, #tpu.memory_space<semaphore_mem>>
      %dma_start3A_557 = tpu.memref_squeeze %dma_start3A_556 : memref<1x!tpu.dma_semaphore, #tpu.memory_space<semaphore_mem>> -> memref<!tpu.dma_semaphore, #tpu.memory_space<semaphore_mem>>
      tpu.enqueue_indirect_dma source(%dma_start3A_549 : memref<128x48xf32, #tpu.memory_space<vmem>>) target(%dma_start3A_555 : memref<10016x48xf32, #tpu.memory_space<vmem_shared>>) offsets(%dma_start3A_552 : memref<128xi32, #tpu.memory_space<vmem>>) semaphore(%dma_start3A_557 : memref<!tpu.dma_semaphore, #tpu.memory_space<semaphore_mem>>) {add = true}
      %mul3A_558 = arith.constant 8 : i32
      %mul3A_559 = arith.muli %scan3A_486, %mul3A_558 : i32
      %add3A_560 = arith.constant 2 : i32
      %add3A_561 = arith.addi %mul3A_559, %add3A_560 : i32
      %dma_wait3A_562 = arith.constant 2 : i32
      %dma_wait3A_563 = arith.constant 2 : i32
      %dma_wait3A_564 = arith.constant 0 : i32
      %dma_wait3A_565 = arith.constant 0 : i32
      %dma_wait3A_566 = tpu.memref_slice %arg7[%dma_wait3A_562, %dma_wait3A_564, %dma_wait3A_565] : memref<8x128x48xf32, #tpu.memory_space<vmem>> -> memref<1x128x48xf32, #tpu.memory_space<vmem>>
      %dma_wait3A_567 = tpu.memref_squeeze %dma_wait3A_566 : memref<1x128x48xf32, #tpu.memory_space<vmem>> -> memref<128x48xf32, #tpu.memory_space<vmem>>
      %dma_wait3A_568 = arith.constant 0 : i32
      %dma_wait3A_569 = tpu.memref_slice %arg5[%add3A_561, %dma_wait3A_568] : memref<80x128xi32, #tpu.memory_space<vmem>> -> memref<1x128xi32, #tpu.memory_space<vmem>>
      %dma_wait3A_570 = tpu.memref_squeeze %dma_wait3A_569 : memref<1x128xi32, #tpu.memory_space<vmem>> -> memref<128xi32, #tpu.memory_space<vmem>>
      %dma_wait3A_571 = arith.constant 0 : i32
      %dma_wait3A_572 = arith.constant 0 : i32
      %dma_wait3A_573 = tpu.memref_slice %arg9[%dma_wait3A_571, %dma_wait3A_572] : memref<10016x48xf32, #tpu.memory_space<vmem_shared>> -> memref<10016x48xf32, #tpu.memory_space<vmem_shared>>
      %dma_wait3A_574 = tpu.memref_slice %arg10[%dma_wait3A_563] : memref<8x!tpu.dma_semaphore, #tpu.memory_space<semaphore_mem>> -> memref<1x!tpu.dma_semaphore, #tpu.memory_space<semaphore_mem>>
      %dma_wait3A_575 = tpu.memref_squeeze %dma_wait3A_574 : memref<1x!tpu.dma_semaphore, #tpu.memory_space<semaphore_mem>> -> memref<!tpu.dma_semaphore, #tpu.memory_space<semaphore_mem>>
      tpu.wait_indirect_dma semaphore(%dma_wait3A_575 : memref<!tpu.dma_semaphore, #tpu.memory_space<semaphore_mem>>) src(%dma_wait3A_573 : memref<10016x48xf32, #tpu.memory_space<vmem_shared>>) dst(%dma_wait3A_567 : memref<128x48xf32, #tpu.memory_space<vmem>>)
      %mul3A_576 = arith.constant 8 : i32
      %mul3A_577 = arith.muli %scan3A_486, %mul3A_576 : i32
      %add3A_578 = arith.constant 2 : i32
      %add3A_579 = arith.addi %mul3A_577, %add3A_578 : i32
      %dma_start3A_580 = arith.constant 2 : i32
      %dma_start3A_581 = arith.constant 2 : i32
      %dma_start3A_582 = arith.constant 0 : i32
      %dma_start3A_583 = arith.constant 0 : i32
      %dma_start3A_584 = tpu.memref_slice %arg7[%dma_start3A_580, %dma_start3A_582, %dma_start3A_583] : memref<8x128x48xf32, #tpu.memory_space<vmem>> -> memref<1x128x48xf32, #tpu.memory_space<vmem>>
      %dma_start3A_585 = tpu.memref_squeeze %dma_start3A_584 : memref<1x128x48xf32, #tpu.memory_space<vmem>> -> memref<128x48xf32, #tpu.memory_space<vmem>>
      %dma_start3A_586 = arith.constant 0 : i32
      %dma_start3A_587 = tpu.memref_slice %arg6[%add3A_579, %dma_start3A_586] : memref<80x128xi32, #tpu.memory_space<vmem>> -> memref<1x128xi32, #tpu.memory_space<vmem>>
      %dma_start3A_588 = tpu.memref_squeeze %dma_start3A_587 : memref<1x128xi32, #tpu.memory_space<vmem>> -> memref<128xi32, #tpu.memory_space<vmem>>
      %dma_start3A_589 = arith.constant 0 : i32
      %dma_start3A_590 = arith.constant 0 : i32
      %dma_start3A_591 = tpu.memref_slice %arg8[%dma_start3A_589, %dma_start3A_590] : memref<10016x48xf32, #tpu.memory_space<vmem_shared>> -> memref<10016x48xf32, #tpu.memory_space<vmem_shared>>
      %dma_start3A_592 = tpu.memref_slice %arg11[%dma_start3A_581] : memref<8x!tpu.dma_semaphore, #tpu.memory_space<semaphore_mem>> -> memref<1x!tpu.dma_semaphore, #tpu.memory_space<semaphore_mem>>
      %dma_start3A_593 = tpu.memref_squeeze %dma_start3A_592 : memref<1x!tpu.dma_semaphore, #tpu.memory_space<semaphore_mem>> -> memref<!tpu.dma_semaphore, #tpu.memory_space<semaphore_mem>>
      tpu.enqueue_indirect_dma source(%dma_start3A_585 : memref<128x48xf32, #tpu.memory_space<vmem>>) target(%dma_start3A_591 : memref<10016x48xf32, #tpu.memory_space<vmem_shared>>) offsets(%dma_start3A_588 : memref<128xi32, #tpu.memory_space<vmem>>) semaphore(%dma_start3A_593 : memref<!tpu.dma_semaphore, #tpu.memory_space<semaphore_mem>>) {add = true}
      %mul3A_594 = arith.constant 8 : i32
      %mul3A_595 = arith.muli %scan3A_486, %mul3A_594 : i32
      %add3A_596 = arith.constant 3 : i32
      %add3A_597 = arith.addi %mul3A_595, %add3A_596 : i32
      %dma_wait3A_598 = arith.constant 3 : i32
      %dma_wait3A_599 = arith.constant 3 : i32
      %dma_wait3A_600 = arith.constant 0 : i32
      %dma_wait3A_601 = arith.constant 0 : i32
      %dma_wait3A_602 = tpu.memref_slice %arg7[%dma_wait3A_598, %dma_wait3A_600, %dma_wait3A_601] : memref<8x128x48xf32, #tpu.memory_space<vmem>> -> memref<1x128x48xf32, #tpu.memory_space<vmem>>
      %dma_wait3A_603 = tpu.memref_squeeze %dma_wait3A_602 : memref<1x128x48xf32, #tpu.memory_space<vmem>> -> memref<128x48xf32, #tpu.memory_space<vmem>>
      %dma_wait3A_604 = arith.constant 0 : i32
      %dma_wait3A_605 = tpu.memref_slice %arg5[%add3A_597, %dma_wait3A_604] : memref<80x128xi32, #tpu.memory_space<vmem>> -> memref<1x128xi32, #tpu.memory_space<vmem>>
      %dma_wait3A_606 = tpu.memref_squeeze %dma_wait3A_605 : memref<1x128xi32, #tpu.memory_space<vmem>> -> memref<128xi32, #tpu.memory_space<vmem>>
      %dma_wait3A_607 = arith.constant 0 : i32
      %dma_wait3A_608 = arith.constant 0 : i32
      %dma_wait3A_609 = tpu.memref_slice %arg9[%dma_wait3A_607, %dma_wait3A_608] : memref<10016x48xf32, #tpu.memory_space<vmem_shared>> -> memref<10016x48xf32, #tpu.memory_space<vmem_shared>>
      %dma_wait3A_610 = tpu.memref_slice %arg10[%dma_wait3A_599] : memref<8x!tpu.dma_semaphore, #tpu.memory_space<semaphore_mem>> -> memref<1x!tpu.dma_semaphore, #tpu.memory_space<semaphore_mem>>
      %dma_wait3A_611 = tpu.memref_squeeze %dma_wait3A_610 : memref<1x!tpu.dma_semaphore, #tpu.memory_space<semaphore_mem>> -> memref<!tpu.dma_semaphore, #tpu.memory_space<semaphore_mem>>
      tpu.wait_indirect_dma semaphore(%dma_wait3A_611 : memref<!tpu.dma_semaphore, #tpu.memory_space<semaphore_mem>>) src(%dma_wait3A_609 : memref<10016x48xf32, #tpu.memory_space<vmem_shared>>) dst(%dma_wait3A_603 : memref<128x48xf32, #tpu.memory_space<vmem>>)
      %mul3A_612 = arith.constant 8 : i32
      %mul3A_613 = arith.muli %scan3A_486, %mul3A_612 : i32
      %add3A_614 = arith.constant 3 : i32
      %add3A_615 = arith.addi %mul3A_613, %add3A_614 : i32
      %dma_start3A_616 = arith.constant 3 : i32
      %dma_start3A_617 = arith.constant 3 : i32
      %dma_start3A_618 = arith.constant 0 : i32
      %dma_start3A_619 = arith.constant 0 : i32
      %dma_start3A_620 = tpu.memref_slice %arg7[%dma_start3A_616, %dma_start3A_618, %dma_start3A_619] : memref<8x128x48xf32, #tpu.memory_space<vmem>> -> memref<1x128x48xf32, #tpu.memory_space<vmem>>
      %dma_start3A_621 = tpu.memref_squeeze %dma_start3A_620 : memref<1x128x48xf32, #tpu.memory_space<vmem>> -> memref<128x48xf32, #tpu.memory_space<vmem>>
      %dma_start3A_622 = arith.constant 0 : i32
      %dma_start3A_623 = tpu.memref_slice %arg6[%add3A_615, %dma_start3A_622] : memref<80x128xi32, #tpu.memory_space<vmem>> -> memref<1x128xi32, #tpu.memory_space<vmem>>
      %dma_start3A_624 = tpu.memref_squeeze %dma_start3A_623 : memref<1x128xi32, #tpu.memory_space<vmem>> -> memref<128xi32, #tpu.memory_space<vmem>>
      %dma_start3A_625 = arith.constant 0 : i32
      %dma_start3A_626 = arith.constant 0 : i32
      %dma_start3A_627 = tpu.memref_slice %arg8[%dma_start3A_625, %dma_start3A_626] : memref<10016x48xf32, #tpu.memory_space<vmem_shared>> -> memref<10016x48xf32, #tpu.memory_space<vmem_shared>>
      %dma_start3A_628 = tpu.memref_slice %arg11[%dma_start3A_617] : memref<8x!tpu.dma_semaphore, #tpu.memory_space<semaphore_mem>> -> memref<1x!tpu.dma_semaphore, #tpu.memory_space<semaphore_mem>>
      %dma_start3A_629 = tpu.memref_squeeze %dma_start3A_628 : memref<1x!tpu.dma_semaphore, #tpu.memory_space<semaphore_mem>> -> memref<!tpu.dma_semaphore, #tpu.memory_space<semaphore_mem>>
      tpu.enqueue_indirect_dma source(%dma_start3A_621 : memref<128x48xf32, #tpu.memory_space<vmem>>) target(%dma_start3A_627 : memref<10016x48xf32, #tpu.memory_space<vmem_shared>>) offsets(%dma_start3A_624 : memref<128xi32, #tpu.memory_space<vmem>>) semaphore(%dma_start3A_629 : memref<!tpu.dma_semaphore, #tpu.memory_space<semaphore_mem>>) {add = true}
      %mul3A_630 = arith.constant 8 : i32
      %mul3A_631 = arith.muli %scan3A_486, %mul3A_630 : i32
      %add3A_632 = arith.constant 4 : i32
      %add3A_633 = arith.addi %mul3A_631, %add3A_632 : i32
      %dma_wait3A_634 = arith.constant 4 : i32
      %dma_wait3A_635 = arith.constant 4 : i32
      %dma_wait3A_636 = arith.constant 0 : i32
      %dma_wait3A_637 = arith.constant 0 : i32
      %dma_wait3A_638 = tpu.memref_slice %arg7[%dma_wait3A_634, %dma_wait3A_636, %dma_wait3A_637] : memref<8x128x48xf32, #tpu.memory_space<vmem>> -> memref<1x128x48xf32, #tpu.memory_space<vmem>>
      %dma_wait3A_639 = tpu.memref_squeeze %dma_wait3A_638 : memref<1x128x48xf32, #tpu.memory_space<vmem>> -> memref<128x48xf32, #tpu.memory_space<vmem>>
      %dma_wait3A_640 = arith.constant 0 : i32
      %dma_wait3A_641 = tpu.memref_slice %arg5[%add3A_633, %dma_wait3A_640] : memref<80x128xi32, #tpu.memory_space<vmem>> -> memref<1x128xi32, #tpu.memory_space<vmem>>
      %dma_wait3A_642 = tpu.memref_squeeze %dma_wait3A_641 : memref<1x128xi32, #tpu.memory_space<vmem>> -> memref<128xi32, #tpu.memory_space<vmem>>
      %dma_wait3A_643 = arith.constant 0 : i32
      %dma_wait3A_644 = arith.constant 0 : i32
      %dma_wait3A_645 = tpu.memref_slice %arg9[%dma_wait3A_643, %dma_wait3A_644] : memref<10016x48xf32, #tpu.memory_space<vmem_shared>> -> memref<10016x48xf32, #tpu.memory_space<vmem_shared>>
      %dma_wait3A_646 = tpu.memref_slice %arg10[%dma_wait3A_635] : memref<8x!tpu.dma_semaphore, #tpu.memory_space<semaphore_mem>> -> memref<1x!tpu.dma_semaphore, #tpu.memory_space<semaphore_mem>>
      %dma_wait3A_647 = tpu.memref_squeeze %dma_wait3A_646 : memref<1x!tpu.dma_semaphore, #tpu.memory_space<semaphore_mem>> -> memref<!tpu.dma_semaphore, #tpu.memory_space<semaphore_mem>>
      tpu.wait_indirect_dma semaphore(%dma_wait3A_647 : memref<!tpu.dma_semaphore, #tpu.memory_space<semaphore_mem>>) src(%dma_wait3A_645 : memref<10016x48xf32, #tpu.memory_space<vmem_shared>>) dst(%dma_wait3A_639 : memref<128x48xf32, #tpu.memory_space<vmem>>)
      %mul3A_648 = arith.constant 8 : i32
      %mul3A_649 = arith.muli %scan3A_486, %mul3A_648 : i32
      %add3A_650 = arith.constant 4 : i32
      %add3A_651 = arith.addi %mul3A_649, %add3A_650 : i32
      %dma_start3A_652 = arith.constant 4 : i32
      %dma_start3A_653 = arith.constant 4 : i32
      %dma_start3A_654 = arith.constant 0 : i32
      %dma_start3A_655 = arith.constant 0 : i32
      %dma_start3A_656 = tpu.memref_slice %arg7[%dma_start3A_652, %dma_start3A_654, %dma_start3A_655] : memref<8x128x48xf32, #tpu.memory_space<vmem>> -> memref<1x128x48xf32, #tpu.memory_space<vmem>>
      %dma_start3A_657 = tpu.memref_squeeze %dma_start3A_656 : memref<1x128x48xf32, #tpu.memory_space<vmem>> -> memref<128x48xf32, #tpu.memory_space<vmem>>
      %dma_start3A_658 = arith.constant 0 : i32
      %dma_start3A_659 = tpu.memref_slice %arg6[%add3A_651, %dma_start3A_658] : memref<80x128xi32, #tpu.memory_space<vmem>> -> memref<1x128xi32, #tpu.memory_space<vmem>>
      %dma_start3A_660 = tpu.memref_squeeze %dma_start3A_659 : memref<1x128xi32, #tpu.memory_space<vmem>> -> memref<128xi32, #tpu.memory_space<vmem>>
      %dma_start3A_661 = arith.constant 0 : i32
      %dma_start3A_662 = arith.constant 0 : i32
      %dma_start3A_663 = tpu.memref_slice %arg8[%dma_start3A_661, %dma_start3A_662] : memref<10016x48xf32, #tpu.memory_space<vmem_shared>> -> memref<10016x48xf32, #tpu.memory_space<vmem_shared>>
      %dma_start3A_664 = tpu.memref_slice %arg11[%dma_start3A_653] : memref<8x!tpu.dma_semaphore, #tpu.memory_space<semaphore_mem>> -> memref<1x!tpu.dma_semaphore, #tpu.memory_space<semaphore_mem>>
      %dma_start3A_665 = tpu.memref_squeeze %dma_start3A_664 : memref<1x!tpu.dma_semaphore, #tpu.memory_space<semaphore_mem>> -> memref<!tpu.dma_semaphore, #tpu.memory_space<semaphore_mem>>
      tpu.enqueue_indirect_dma source(%dma_start3A_657 : memref<128x48xf32, #tpu.memory_space<vmem>>) target(%dma_start3A_663 : memref<10016x48xf32, #tpu.memory_space<vmem_shared>>) offsets(%dma_start3A_660 : memref<128xi32, #tpu.memory_space<vmem>>) semaphore(%dma_start3A_665 : memref<!tpu.dma_semaphore, #tpu.memory_space<semaphore_mem>>) {add = true}
      %mul3A_666 = arith.constant 8 : i32
      %mul3A_667 = arith.muli %scan3A_486, %mul3A_666 : i32
      %add3A_668 = arith.constant 5 : i32
      %add3A_669 = arith.addi %mul3A_667, %add3A_668 : i32
      %dma_wait3A_670 = arith.constant 5 : i32
      %dma_wait3A_671 = arith.constant 5 : i32
      %dma_wait3A_672 = arith.constant 0 : i32
      %dma_wait3A_673 = arith.constant 0 : i32
      %dma_wait3A_674 = tpu.memref_slice %arg7[%dma_wait3A_670, %dma_wait3A_672, %dma_wait3A_673] : memref<8x128x48xf32, #tpu.memory_space<vmem>> -> memref<1x128x48xf32, #tpu.memory_space<vmem>>
      %dma_wait3A_675 = tpu.memref_squeeze %dma_wait3A_674 : memref<1x128x48xf32, #tpu.memory_space<vmem>> -> memref<128x48xf32, #tpu.memory_space<vmem>>
      %dma_wait3A_676 = arith.constant 0 : i32
      %dma_wait3A_677 = tpu.memref_slice %arg5[%add3A_669, %dma_wait3A_676] : memref<80x128xi32, #tpu.memory_space<vmem>> -> memref<1x128xi32, #tpu.memory_space<vmem>>
      %dma_wait3A_678 = tpu.memref_squeeze %dma_wait3A_677 : memref<1x128xi32, #tpu.memory_space<vmem>> -> memref<128xi32, #tpu.memory_space<vmem>>
      %dma_wait3A_679 = arith.constant 0 : i32
      %dma_wait3A_680 = arith.constant 0 : i32
      %dma_wait3A_681 = tpu.memref_slice %arg9[%dma_wait3A_679, %dma_wait3A_680] : memref<10016x48xf32, #tpu.memory_space<vmem_shared>> -> memref<10016x48xf32, #tpu.memory_space<vmem_shared>>
      %dma_wait3A_682 = tpu.memref_slice %arg10[%dma_wait3A_671] : memref<8x!tpu.dma_semaphore, #tpu.memory_space<semaphore_mem>> -> memref<1x!tpu.dma_semaphore, #tpu.memory_space<semaphore_mem>>
      %dma_wait3A_683 = tpu.memref_squeeze %dma_wait3A_682 : memref<1x!tpu.dma_semaphore, #tpu.memory_space<semaphore_mem>> -> memref<!tpu.dma_semaphore, #tpu.memory_space<semaphore_mem>>
      tpu.wait_indirect_dma semaphore(%dma_wait3A_683 : memref<!tpu.dma_semaphore, #tpu.memory_space<semaphore_mem>>) src(%dma_wait3A_681 : memref<10016x48xf32, #tpu.memory_space<vmem_shared>>) dst(%dma_wait3A_675 : memref<128x48xf32, #tpu.memory_space<vmem>>)
      %mul3A_684 = arith.constant 8 : i32
      %mul3A_685 = arith.muli %scan3A_486, %mul3A_684 : i32
      %add3A_686 = arith.constant 5 : i32
      %add3A_687 = arith.addi %mul3A_685, %add3A_686 : i32
      %dma_start3A_688 = arith.constant 5 : i32
      %dma_start3A_689 = arith.constant 5 : i32
      %dma_start3A_690 = arith.constant 0 : i32
      %dma_start3A_691 = arith.constant 0 : i32
      %dma_start3A_692 = tpu.memref_slice %arg7[%dma_start3A_688, %dma_start3A_690, %dma_start3A_691] : memref<8x128x48xf32, #tpu.memory_space<vmem>> -> memref<1x128x48xf32, #tpu.memory_space<vmem>>
      %dma_start3A_693 = tpu.memref_squeeze %dma_start3A_692 : memref<1x128x48xf32, #tpu.memory_space<vmem>> -> memref<128x48xf32, #tpu.memory_space<vmem>>
      %dma_start3A_694 = arith.constant 0 : i32
      %dma_start3A_695 = tpu.memref_slice %arg6[%add3A_687, %dma_start3A_694] : memref<80x128xi32, #tpu.memory_space<vmem>> -> memref<1x128xi32, #tpu.memory_space<vmem>>
      %dma_start3A_696 = tpu.memref_squeeze %dma_start3A_695 : memref<1x128xi32, #tpu.memory_space<vmem>> -> memref<128xi32, #tpu.memory_space<vmem>>
      %dma_start3A_697 = arith.constant 0 : i32
      %dma_start3A_698 = arith.constant 0 : i32
      %dma_start3A_699 = tpu.memref_slice %arg8[%dma_start3A_697, %dma_start3A_698] : memref<10016x48xf32, #tpu.memory_space<vmem_shared>> -> memref<10016x48xf32, #tpu.memory_space<vmem_shared>>
      %dma_start3A_700 = tpu.memref_slice %arg11[%dma_start3A_689] : memref<8x!tpu.dma_semaphore, #tpu.memory_space<semaphore_mem>> -> memref<1x!tpu.dma_semaphore, #tpu.memory_space<semaphore_mem>>
      %dma_start3A_701 = tpu.memref_squeeze %dma_start3A_700 : memref<1x!tpu.dma_semaphore, #tpu.memory_space<semaphore_mem>> -> memref<!tpu.dma_semaphore, #tpu.memory_space<semaphore_mem>>
      tpu.enqueue_indirect_dma source(%dma_start3A_693 : memref<128x48xf32, #tpu.memory_space<vmem>>) target(%dma_start3A_699 : memref<10016x48xf32, #tpu.memory_space<vmem_shared>>) offsets(%dma_start3A_696 : memref<128xi32, #tpu.memory_space<vmem>>) semaphore(%dma_start3A_701 : memref<!tpu.dma_semaphore, #tpu.memory_space<semaphore_mem>>) {add = true}
      %mul3A_702 = arith.constant 8 : i32
      %mul3A_703 = arith.muli %scan3A_486, %mul3A_702 : i32
      %add3A_704 = arith.constant 6 : i32
      %add3A_705 = arith.addi %mul3A_703, %add3A_704 : i32
      %dma_wait3A_706 = arith.constant 6 : i32
      %dma_wait3A_707 = arith.constant 6 : i32
      %dma_wait3A_708 = arith.constant 0 : i32
      %dma_wait3A_709 = arith.constant 0 : i32
      %dma_wait3A_710 = tpu.memref_slice %arg7[%dma_wait3A_706, %dma_wait3A_708, %dma_wait3A_709] : memref<8x128x48xf32, #tpu.memory_space<vmem>> -> memref<1x128x48xf32, #tpu.memory_space<vmem>>
      %dma_wait3A_711 = tpu.memref_squeeze %dma_wait3A_710 : memref<1x128x48xf32, #tpu.memory_space<vmem>> -> memref<128x48xf32, #tpu.memory_space<vmem>>
      %dma_wait3A_712 = arith.constant 0 : i32
      %dma_wait3A_713 = tpu.memref_slice %arg5[%add3A_705, %dma_wait3A_712] : memref<80x128xi32, #tpu.memory_space<vmem>> -> memref<1x128xi32, #tpu.memory_space<vmem>>
      %dma_wait3A_714 = tpu.memref_squeeze %dma_wait3A_713 : memref<1x128xi32, #tpu.memory_space<vmem>> -> memref<128xi32, #tpu.memory_space<vmem>>
      %dma_wait3A_715 = arith.constant 0 : i32
      %dma_wait3A_716 = arith.constant 0 : i32
      %dma_wait3A_717 = tpu.memref_slice %arg9[%dma_wait3A_715, %dma_wait3A_716] : memref<10016x48xf32, #tpu.memory_space<vmem_shared>> -> memref<10016x48xf32, #tpu.memory_space<vmem_shared>>
      %dma_wait3A_718 = tpu.memref_slice %arg10[%dma_wait3A_707] : memref<8x!tpu.dma_semaphore, #tpu.memory_space<semaphore_mem>> -> memref<1x!tpu.dma_semaphore, #tpu.memory_space<semaphore_mem>>
      %dma_wait3A_719 = tpu.memref_squeeze %dma_wait3A_718 : memref<1x!tpu.dma_semaphore, #tpu.memory_space<semaphore_mem>> -> memref<!tpu.dma_semaphore, #tpu.memory_space<semaphore_mem>>
      tpu.wait_indirect_dma semaphore(%dma_wait3A_719 : memref<!tpu.dma_semaphore, #tpu.memory_space<semaphore_mem>>) src(%dma_wait3A_717 : memref<10016x48xf32, #tpu.memory_space<vmem_shared>>) dst(%dma_wait3A_711 : memref<128x48xf32, #tpu.memory_space<vmem>>)
      %mul3A_720 = arith.constant 8 : i32
      %mul3A_721 = arith.muli %scan3A_486, %mul3A_720 : i32
      %add3A_722 = arith.constant 6 : i32
      %add3A_723 = arith.addi %mul3A_721, %add3A_722 : i32
      %dma_start3A_724 = arith.constant 6 : i32
      %dma_start3A_725 = arith.constant 6 : i32
      %dma_start3A_726 = arith.constant 0 : i32
      %dma_start3A_727 = arith.constant 0 : i32
      %dma_start3A_728 = tpu.memref_slice %arg7[%dma_start3A_724, %dma_start3A_726, %dma_start3A_727] : memref<8x128x48xf32, #tpu.memory_space<vmem>> -> memref<1x128x48xf32, #tpu.memory_space<vmem>>
      %dma_start3A_729 = tpu.memref_squeeze %dma_start3A_728 : memref<1x128x48xf32, #tpu.memory_space<vmem>> -> memref<128x48xf32, #tpu.memory_space<vmem>>
      %dma_start3A_730 = arith.constant 0 : i32
      %dma_start3A_731 = tpu.memref_slice %arg6[%add3A_723, %dma_start3A_730] : memref<80x128xi32, #tpu.memory_space<vmem>> -> memref<1x128xi32, #tpu.memory_space<vmem>>
      %dma_start3A_732 = tpu.memref_squeeze %dma_start3A_731 : memref<1x128xi32, #tpu.memory_space<vmem>> -> memref<128xi32, #tpu.memory_space<vmem>>
      %dma_start3A_733 = arith.constant 0 : i32
      %dma_start3A_734 = arith.constant 0 : i32
      %dma_start3A_735 = tpu.memref_slice %arg8[%dma_start3A_733, %dma_start3A_734] : memref<10016x48xf32, #tpu.memory_space<vmem_shared>> -> memref<10016x48xf32, #tpu.memory_space<vmem_shared>>
      %dma_start3A_736 = tpu.memref_slice %arg11[%dma_start3A_725] : memref<8x!tpu.dma_semaphore, #tpu.memory_space<semaphore_mem>> -> memref<1x!tpu.dma_semaphore, #tpu.memory_space<semaphore_mem>>
      %dma_start3A_737 = tpu.memref_squeeze %dma_start3A_736 : memref<1x!tpu.dma_semaphore, #tpu.memory_space<semaphore_mem>> -> memref<!tpu.dma_semaphore, #tpu.memory_space<semaphore_mem>>
      tpu.enqueue_indirect_dma source(%dma_start3A_729 : memref<128x48xf32, #tpu.memory_space<vmem>>) target(%dma_start3A_735 : memref<10016x48xf32, #tpu.memory_space<vmem_shared>>) offsets(%dma_start3A_732 : memref<128xi32, #tpu.memory_space<vmem>>) semaphore(%dma_start3A_737 : memref<!tpu.dma_semaphore, #tpu.memory_space<semaphore_mem>>) {add = true}
      %mul3A_738 = arith.constant 8 : i32
      %mul3A_739 = arith.muli %scan3A_486, %mul3A_738 : i32
      %add3A_740 = arith.constant 7 : i32
      %add3A_741 = arith.addi %mul3A_739, %add3A_740 : i32
      %dma_wait3A_742 = arith.constant 7 : i32
      %dma_wait3A_743 = arith.constant 7 : i32
      %dma_wait3A_744 = arith.constant 0 : i32
      %dma_wait3A_745 = arith.constant 0 : i32
      %dma_wait3A_746 = tpu.memref_slice %arg7[%dma_wait3A_742, %dma_wait3A_744, %dma_wait3A_745] : memref<8x128x48xf32, #tpu.memory_space<vmem>> -> memref<1x128x48xf32, #tpu.memory_space<vmem>>
      %dma_wait3A_747 = tpu.memref_squeeze %dma_wait3A_746 : memref<1x128x48xf32, #tpu.memory_space<vmem>> -> memref<128x48xf32, #tpu.memory_space<vmem>>
      %dma_wait3A_748 = arith.constant 0 : i32
      %dma_wait3A_749 = tpu.memref_slice %arg5[%add3A_741, %dma_wait3A_748] : memref<80x128xi32, #tpu.memory_space<vmem>> -> memref<1x128xi32, #tpu.memory_space<vmem>>
      %dma_wait3A_750 = tpu.memref_squeeze %dma_wait3A_749 : memref<1x128xi32, #tpu.memory_space<vmem>> -> memref<128xi32, #tpu.memory_space<vmem>>
      %dma_wait3A_751 = arith.constant 0 : i32
      %dma_wait3A_752 = arith.constant 0 : i32
      %dma_wait3A_753 = tpu.memref_slice %arg9[%dma_wait3A_751, %dma_wait3A_752] : memref<10016x48xf32, #tpu.memory_space<vmem_shared>> -> memref<10016x48xf32, #tpu.memory_space<vmem_shared>>
      %dma_wait3A_754 = tpu.memref_slice %arg10[%dma_wait3A_743] : memref<8x!tpu.dma_semaphore, #tpu.memory_space<semaphore_mem>> -> memref<1x!tpu.dma_semaphore, #tpu.memory_space<semaphore_mem>>
      %dma_wait3A_755 = tpu.memref_squeeze %dma_wait3A_754 : memref<1x!tpu.dma_semaphore, #tpu.memory_space<semaphore_mem>> -> memref<!tpu.dma_semaphore, #tpu.memory_space<semaphore_mem>>
      tpu.wait_indirect_dma semaphore(%dma_wait3A_755 : memref<!tpu.dma_semaphore, #tpu.memory_space<semaphore_mem>>) src(%dma_wait3A_753 : memref<10016x48xf32, #tpu.memory_space<vmem_shared>>) dst(%dma_wait3A_747 : memref<128x48xf32, #tpu.memory_space<vmem>>)
      %mul3A_756 = arith.constant 8 : i32
      %mul3A_757 = arith.muli %scan3A_486, %mul3A_756 : i32
      %add3A_758 = arith.constant 7 : i32
      %add3A_759 = arith.addi %mul3A_757, %add3A_758 : i32
      %dma_start3A_760 = arith.constant 7 : i32
      %dma_start3A_761 = arith.constant 7 : i32
      %dma_start3A_762 = arith.constant 0 : i32
      %dma_start3A_763 = arith.constant 0 : i32
      %dma_start3A_764 = tpu.memref_slice %arg7[%dma_start3A_760, %dma_start3A_762, %dma_start3A_763] : memref<8x128x48xf32, #tpu.memory_space<vmem>> -> memref<1x128x48xf32, #tpu.memory_space<vmem>>
      %dma_start3A_765 = tpu.memref_squeeze %dma_start3A_764 : memref<1x128x48xf32, #tpu.memory_space<vmem>> -> memref<128x48xf32, #tpu.memory_space<vmem>>
      %dma_start3A_766 = arith.constant 0 : i32
      %dma_start3A_767 = tpu.memref_slice %arg6[%add3A_759, %dma_start3A_766] : memref<80x128xi32, #tpu.memory_space<vmem>> -> memref<1x128xi32, #tpu.memory_space<vmem>>
      %dma_start3A_768 = tpu.memref_squeeze %dma_start3A_767 : memref<1x128xi32, #tpu.memory_space<vmem>> -> memref<128xi32, #tpu.memory_space<vmem>>
      %dma_start3A_769 = arith.constant 0 : i32
      %dma_start3A_770 = arith.constant 0 : i32
      %dma_start3A_771 = tpu.memref_slice %arg8[%dma_start3A_769, %dma_start3A_770] : memref<10016x48xf32, #tpu.memory_space<vmem_shared>> -> memref<10016x48xf32, #tpu.memory_space<vmem_shared>>
      %dma_start3A_772 = tpu.memref_slice %arg11[%dma_start3A_761] : memref<8x!tpu.dma_semaphore, #tpu.memory_space<semaphore_mem>> -> memref<1x!tpu.dma_semaphore, #tpu.memory_space<semaphore_mem>>
      %dma_start3A_773 = tpu.memref_squeeze %dma_start3A_772 : memref<1x!tpu.dma_semaphore, #tpu.memory_space<semaphore_mem>> -> memref<!tpu.dma_semaphore, #tpu.memory_space<semaphore_mem>>
      tpu.enqueue_indirect_dma source(%dma_start3A_765 : memref<128x48xf32, #tpu.memory_space<vmem>>) target(%dma_start3A_771 : memref<10016x48xf32, #tpu.memory_space<vmem_shared>>) offsets(%dma_start3A_768 : memref<128xi32, #tpu.memory_space<vmem>>) semaphore(%dma_start3A_773 : memref<!tpu.dma_semaphore, #tpu.memory_space<semaphore_mem>>) {add = true}
      %mul3A_774 = arith.constant 8 : i32
      %mul3A_775 = arith.muli %scan3A_486, %mul3A_774 : i32
      %add3A_776 = arith.constant 0 : i32
      %add3A_777 = arith.addi %mul3A_775, %add3A_776 : i32
      %dma_wait3A_778 = arith.constant 0 : i32
      %dma_wait3A_779 = arith.constant 0 : i32
      %dma_wait3A_780 = arith.constant 0 : i32
      %dma_wait3A_781 = arith.constant 0 : i32
      %dma_wait3A_782 = tpu.memref_slice %arg7[%dma_wait3A_778, %dma_wait3A_780, %dma_wait3A_781] : memref<8x128x48xf32, #tpu.memory_space<vmem>> -> memref<1x128x48xf32, #tpu.memory_space<vmem>>
      %dma_wait3A_783 = tpu.memref_squeeze %dma_wait3A_782 : memref<1x128x48xf32, #tpu.memory_space<vmem>> -> memref<128x48xf32, #tpu.memory_space<vmem>>
      %dma_wait3A_784 = arith.constant 0 : i32
      %dma_wait3A_785 = tpu.memref_slice %arg6[%add3A_777, %dma_wait3A_784] : memref<80x128xi32, #tpu.memory_space<vmem>> -> memref<1x128xi32, #tpu.memory_space<vmem>>
      %dma_wait3A_786 = tpu.memref_squeeze %dma_wait3A_785 : memref<1x128xi32, #tpu.memory_space<vmem>> -> memref<128xi32, #tpu.memory_space<vmem>>
      %dma_wait3A_787 = arith.constant 0 : i32
      %dma_wait3A_788 = arith.constant 0 : i32
      %dma_wait3A_789 = tpu.memref_slice %arg8[%dma_wait3A_787, %dma_wait3A_788] : memref<10016x48xf32, #tpu.memory_space<vmem_shared>> -> memref<10016x48xf32, #tpu.memory_space<vmem_shared>>
      %dma_wait3A_790 = tpu.memref_slice %arg11[%dma_wait3A_779] : memref<8x!tpu.dma_semaphore, #tpu.memory_space<semaphore_mem>> -> memref<1x!tpu.dma_semaphore, #tpu.memory_space<semaphore_mem>>
      %dma_wait3A_791 = tpu.memref_squeeze %dma_wait3A_790 : memref<1x!tpu.dma_semaphore, #tpu.memory_space<semaphore_mem>> -> memref<!tpu.dma_semaphore, #tpu.memory_space<semaphore_mem>>
      tpu.wait_indirect_dma semaphore(%dma_wait3A_791 : memref<!tpu.dma_semaphore, #tpu.memory_space<semaphore_mem>>) src(%dma_wait3A_783 : memref<128x48xf32, #tpu.memory_space<vmem>>) dst(%dma_wait3A_789 : memref<10016x48xf32, #tpu.memory_space<vmem_shared>>)
      %add3A_792 = arith.constant 1 : i32
      %add3A_793 = arith.addi %scan3A_486, %add3A_792 : i32
      %mul3A_794 = arith.constant 8 : i32
      %mul3A_795 = arith.muli %add3A_793, %mul3A_794 : i32
      %add3A_796 = arith.constant 0 : i32
      %add3A_797 = arith.addi %mul3A_795, %add3A_796 : i32
      %dma_start3A_798 = arith.constant 0 : i32
      %dma_start3A_799 = arith.constant 0 : i32
      %dma_start3A_800 = arith.constant 0 : i32
      %dma_start3A_801 = arith.constant 0 : i32
      %dma_start3A_802 = tpu.memref_slice %arg7[%dma_start3A_798, %dma_start3A_800, %dma_start3A_801] : memref<8x128x48xf32, #tpu.memory_space<vmem>> -> memref<1x128x48xf32, #tpu.memory_space<vmem>>
      %dma_start3A_803 = tpu.memref_squeeze %dma_start3A_802 : memref<1x128x48xf32, #tpu.memory_space<vmem>> -> memref<128x48xf32, #tpu.memory_space<vmem>>
      %dma_start3A_804 = arith.constant 0 : i32
      %dma_start3A_805 = tpu.memref_slice %arg5[%add3A_797, %dma_start3A_804] : memref<80x128xi32, #tpu.memory_space<vmem>> -> memref<1x128xi32, #tpu.memory_space<vmem>>
      %dma_start3A_806 = tpu.memref_squeeze %dma_start3A_805 : memref<1x128xi32, #tpu.memory_space<vmem>> -> memref<128xi32, #tpu.memory_space<vmem>>
      %dma_start3A_807 = arith.constant 0 : i32
      %dma_start3A_808 = arith.constant 0 : i32
      %dma_start3A_809 = tpu.memref_slice %arg9[%dma_start3A_807, %dma_start3A_808] : memref<10016x48xf32, #tpu.memory_space<vmem_shared>> -> memref<10016x48xf32, #tpu.memory_space<vmem_shared>>
      %dma_start3A_810 = tpu.memref_slice %arg10[%dma_start3A_799] : memref<8x!tpu.dma_semaphore, #tpu.memory_space<semaphore_mem>> -> memref<1x!tpu.dma_semaphore, #tpu.memory_space<semaphore_mem>>
      %dma_start3A_811 = tpu.memref_squeeze %dma_start3A_810 : memref<1x!tpu.dma_semaphore, #tpu.memory_space<semaphore_mem>> -> memref<!tpu.dma_semaphore, #tpu.memory_space<semaphore_mem>>
      tpu.enqueue_indirect_dma source(%dma_start3A_809 : memref<10016x48xf32, #tpu.memory_space<vmem_shared>>) target(%dma_start3A_803 : memref<128x48xf32, #tpu.memory_space<vmem>>) offsets(%dma_start3A_806 : memref<128xi32, #tpu.memory_space<vmem>>) semaphore(%dma_start3A_811 : memref<!tpu.dma_semaphore, #tpu.memory_space<semaphore_mem>>)
      %mul3A_812 = arith.constant 8 : i32
      %mul3A_813 = arith.muli %scan3A_486, %mul3A_812 : i32
      %add3A_814 = arith.constant 1 : i32
      %add3A_815 = arith.addi %mul3A_813, %add3A_814 : i32
      %dma_wait3A_816 = arith.constant 1 : i32
      %dma_wait3A_817 = arith.constant 1 : i32
      %dma_wait3A_818 = arith.constant 0 : i32
      %dma_wait3A_819 = arith.constant 0 : i32
      %dma_wait3A_820 = tpu.memref_slice %arg7[%dma_wait3A_816, %dma_wait3A_818, %dma_wait3A_819] : memref<8x128x48xf32, #tpu.memory_space<vmem>> -> memref<1x128x48xf32, #tpu.memory_space<vmem>>
      %dma_wait3A_821 = tpu.memref_squeeze %dma_wait3A_820 : memref<1x128x48xf32, #tpu.memory_space<vmem>> -> memref<128x48xf32, #tpu.memory_space<vmem>>
      %dma_wait3A_822 = arith.constant 0 : i32
      %dma_wait3A_823 = tpu.memref_slice %arg6[%add3A_815, %dma_wait3A_822] : memref<80x128xi32, #tpu.memory_space<vmem>> -> memref<1x128xi32, #tpu.memory_space<vmem>>
      %dma_wait3A_824 = tpu.memref_squeeze %dma_wait3A_823 : memref<1x128xi32, #tpu.memory_space<vmem>> -> memref<128xi32, #tpu.memory_space<vmem>>
      %dma_wait3A_825 = arith.constant 0 : i32
      %dma_wait3A_826 = arith.constant 0 : i32
      %dma_wait3A_827 = tpu.memref_slice %arg8[%dma_wait3A_825, %dma_wait3A_826] : memref<10016x48xf32, #tpu.memory_space<vmem_shared>> -> memref<10016x48xf32, #tpu.memory_space<vmem_shared>>
      %dma_wait3A_828 = tpu.memref_slice %arg11[%dma_wait3A_817] : memref<8x!tpu.dma_semaphore, #tpu.memory_space<semaphore_mem>> -> memref<1x!tpu.dma_semaphore, #tpu.memory_space<semaphore_mem>>
      %dma_wait3A_829 = tpu.memref_squeeze %dma_wait3A_828 : memref<1x!tpu.dma_semaphore, #tpu.memory_space<semaphore_mem>> -> memref<!tpu.dma_semaphore, #tpu.memory_space<semaphore_mem>>
      tpu.wait_indirect_dma semaphore(%dma_wait3A_829 : memref<!tpu.dma_semaphore, #tpu.memory_space<semaphore_mem>>) src(%dma_wait3A_821 : memref<128x48xf32, #tpu.memory_space<vmem>>) dst(%dma_wait3A_827 : memref<10016x48xf32, #tpu.memory_space<vmem_shared>>)
      %add3A_830 = arith.constant 1 : i32
      %add3A_831 = arith.addi %scan3A_486, %add3A_830 : i32
      %mul3A_832 = arith.constant 8 : i32
      %mul3A_833 = arith.muli %add3A_831, %mul3A_832 : i32
      %add3A_834 = arith.constant 1 : i32
      %add3A_835 = arith.addi %mul3A_833, %add3A_834 : i32
      %dma_start3A_836 = arith.constant 1 : i32
      %dma_start3A_837 = arith.constant 1 : i32
      %dma_start3A_838 = arith.constant 0 : i32
      %dma_start3A_839 = arith.constant 0 : i32
      %dma_start3A_840 = tpu.memref_slice %arg7[%dma_start3A_836, %dma_start3A_838, %dma_start3A_839] : memref<8x128x48xf32, #tpu.memory_space<vmem>> -> memref<1x128x48xf32, #tpu.memory_space<vmem>>
      %dma_start3A_841 = tpu.memref_squeeze %dma_start3A_840 : memref<1x128x48xf32, #tpu.memory_space<vmem>> -> memref<128x48xf32, #tpu.memory_space<vmem>>
      %dma_start3A_842 = arith.constant 0 : i32
      %dma_start3A_843 = tpu.memref_slice %arg5[%add3A_835, %dma_start3A_842] : memref<80x128xi32, #tpu.memory_space<vmem>> -> memref<1x128xi32, #tpu.memory_space<vmem>>
      %dma_start3A_844 = tpu.memref_squeeze %dma_start3A_843 : memref<1x128xi32, #tpu.memory_space<vmem>> -> memref<128xi32, #tpu.memory_space<vmem>>
      %dma_start3A_845 = arith.constant 0 : i32
      %dma_start3A_846 = arith.constant 0 : i32
      %dma_start3A_847 = tpu.memref_slice %arg9[%dma_start3A_845, %dma_start3A_846] : memref<10016x48xf32, #tpu.memory_space<vmem_shared>> -> memref<10016x48xf32, #tpu.memory_space<vmem_shared>>
      %dma_start3A_848 = tpu.memref_slice %arg10[%dma_start3A_837] : memref<8x!tpu.dma_semaphore, #tpu.memory_space<semaphore_mem>> -> memref<1x!tpu.dma_semaphore, #tpu.memory_space<semaphore_mem>>
      %dma_start3A_849 = tpu.memref_squeeze %dma_start3A_848 : memref<1x!tpu.dma_semaphore, #tpu.memory_space<semaphore_mem>> -> memref<!tpu.dma_semaphore, #tpu.memory_space<semaphore_mem>>
      tpu.enqueue_indirect_dma source(%dma_start3A_847 : memref<10016x48xf32, #tpu.memory_space<vmem_shared>>) target(%dma_start3A_841 : memref<128x48xf32, #tpu.memory_space<vmem>>) offsets(%dma_start3A_844 : memref<128xi32, #tpu.memory_space<vmem>>) semaphore(%dma_start3A_849 : memref<!tpu.dma_semaphore, #tpu.memory_space<semaphore_mem>>)
      %mul3A_850 = arith.constant 8 : i32
      %mul3A_851 = arith.muli %scan3A_486, %mul3A_850 : i32
      %add3A_852 = arith.constant 2 : i32
      %add3A_853 = arith.addi %mul3A_851, %add3A_852 : i32
      %dma_wait3A_854 = arith.constant 2 : i32
      %dma_wait3A_855 = arith.constant 2 : i32
      %dma_wait3A_856 = arith.constant 0 : i32
      %dma_wait3A_857 = arith.constant 0 : i32
      %dma_wait3A_858 = tpu.memref_slice %arg7[%dma_wait3A_854, %dma_wait3A_856, %dma_wait3A_857] : memref<8x128x48xf32, #tpu.memory_space<vmem>> -> memref<1x128x48xf32, #tpu.memory_space<vmem>>
      %dma_wait3A_859 = tpu.memref_squeeze %dma_wait3A_858 : memref<1x128x48xf32, #tpu.memory_space<vmem>> -> memref<128x48xf32, #tpu.memory_space<vmem>>
      %dma_wait3A_860 = arith.constant 0 : i32
      %dma_wait3A_861 = tpu.memref_slice %arg6[%add3A_853, %dma_wait3A_860] : memref<80x128xi32, #tpu.memory_space<vmem>> -> memref<1x128xi32, #tpu.memory_space<vmem>>
      %dma_wait3A_862 = tpu.memref_squeeze %dma_wait3A_861 : memref<1x128xi32, #tpu.memory_space<vmem>> -> memref<128xi32, #tpu.memory_space<vmem>>
      %dma_wait3A_863 = arith.constant 0 : i32
      %dma_wait3A_864 = arith.constant 0 : i32
      %dma_wait3A_865 = tpu.memref_slice %arg8[%dma_wait3A_863, %dma_wait3A_864] : memref<10016x48xf32, #tpu.memory_space<vmem_shared>> -> memref<10016x48xf32, #tpu.memory_space<vmem_shared>>
      %dma_wait3A_866 = tpu.memref_slice %arg11[%dma_wait3A_855] : memref<8x!tpu.dma_semaphore, #tpu.memory_space<semaphore_mem>> -> memref<1x!tpu.dma_semaphore, #tpu.memory_space<semaphore_mem>>
      %dma_wait3A_867 = tpu.memref_squeeze %dma_wait3A_866 : memref<1x!tpu.dma_semaphore, #tpu.memory_space<semaphore_mem>> -> memref<!tpu.dma_semaphore, #tpu.memory_space<semaphore_mem>>
      tpu.wait_indirect_dma semaphore(%dma_wait3A_867 : memref<!tpu.dma_semaphore, #tpu.memory_space<semaphore_mem>>) src(%dma_wait3A_859 : memref<128x48xf32, #tpu.memory_space<vmem>>) dst(%dma_wait3A_865 : memref<10016x48xf32, #tpu.memory_space<vmem_shared>>)
      %add3A_868 = arith.constant 1 : i32
      %add3A_869 = arith.addi %scan3A_486, %add3A_868 : i32
      %mul3A_870 = arith.constant 8 : i32
      %mul3A_871 = arith.muli %add3A_869, %mul3A_870 : i32
      %add3A_872 = arith.constant 2 : i32
      %add3A_873 = arith.addi %mul3A_871, %add3A_872 : i32
      %dma_start3A_874 = arith.constant 2 : i32
      %dma_start3A_875 = arith.constant 2 : i32
      %dma_start3A_876 = arith.constant 0 : i32
      %dma_start3A_877 = arith.constant 0 : i32
      %dma_start3A_878 = tpu.memref_slice %arg7[%dma_start3A_874, %dma_start3A_876, %dma_start3A_877] : memref<8x128x48xf32, #tpu.memory_space<vmem>> -> memref<1x128x48xf32, #tpu.memory_space<vmem>>
      %dma_start3A_879 = tpu.memref_squeeze %dma_start3A_878 : memref<1x128x48xf32, #tpu.memory_space<vmem>> -> memref<128x48xf32, #tpu.memory_space<vmem>>
      %dma_start3A_880 = arith.constant 0 : i32
      %dma_start3A_881 = tpu.memref_slice %arg5[%add3A_873, %dma_start3A_880] : memref<80x128xi32, #tpu.memory_space<vmem>> -> memref<1x128xi32, #tpu.memory_space<vmem>>
      %dma_start3A_882 = tpu.memref_squeeze %dma_start3A_881 : memref<1x128xi32, #tpu.memory_space<vmem>> -> memref<128xi32, #tpu.memory_space<vmem>>
      %dma_start3A_883 = arith.constant 0 : i32
      %dma_start3A_884 = arith.constant 0 : i32
      %dma_start3A_885 = tpu.memref_slice %arg9[%dma_start3A_883, %dma_start3A_884] : memref<10016x48xf32, #tpu.memory_space<vmem_shared>> -> memref<10016x48xf32, #tpu.memory_space<vmem_shared>>
      %dma_start3A_886 = tpu.memref_slice %arg10[%dma_start3A_875] : memref<8x!tpu.dma_semaphore, #tpu.memory_space<semaphore_mem>> -> memref<1x!tpu.dma_semaphore, #tpu.memory_space<semaphore_mem>>
      %dma_start3A_887 = tpu.memref_squeeze %dma_start3A_886 : memref<1x!tpu.dma_semaphore, #tpu.memory_space<semaphore_mem>> -> memref<!tpu.dma_semaphore, #tpu.memory_space<semaphore_mem>>
      tpu.enqueue_indirect_dma source(%dma_start3A_885 : memref<10016x48xf32, #tpu.memory_space<vmem_shared>>) target(%dma_start3A_879 : memref<128x48xf32, #tpu.memory_space<vmem>>) offsets(%dma_start3A_882 : memref<128xi32, #tpu.memory_space<vmem>>) semaphore(%dma_start3A_887 : memref<!tpu.dma_semaphore, #tpu.memory_space<semaphore_mem>>)
      %mul3A_888 = arith.constant 8 : i32
      %mul3A_889 = arith.muli %scan3A_486, %mul3A_888 : i32
      %add3A_890 = arith.constant 3 : i32
      %add3A_891 = arith.addi %mul3A_889, %add3A_890 : i32
      %dma_wait3A_892 = arith.constant 3 : i32
      %dma_wait3A_893 = arith.constant 3 : i32
      %dma_wait3A_894 = arith.constant 0 : i32
      %dma_wait3A_895 = arith.constant 0 : i32
      %dma_wait3A_896 = tpu.memref_slice %arg7[%dma_wait3A_892, %dma_wait3A_894, %dma_wait3A_895] : memref<8x128x48xf32, #tpu.memory_space<vmem>> -> memref<1x128x48xf32, #tpu.memory_space<vmem>>
      %dma_wait3A_897 = tpu.memref_squeeze %dma_wait3A_896 : memref<1x128x48xf32, #tpu.memory_space<vmem>> -> memref<128x48xf32, #tpu.memory_space<vmem>>
      %dma_wait3A_898 = arith.constant 0 : i32
      %dma_wait3A_899 = tpu.memref_slice %arg6[%add3A_891, %dma_wait3A_898] : memref<80x128xi32, #tpu.memory_space<vmem>> -> memref<1x128xi32, #tpu.memory_space<vmem>>
      %dma_wait3A_900 = tpu.memref_squeeze %dma_wait3A_899 : memref<1x128xi32, #tpu.memory_space<vmem>> -> memref<128xi32, #tpu.memory_space<vmem>>
      %dma_wait3A_901 = arith.constant 0 : i32
      %dma_wait3A_902 = arith.constant 0 : i32
      %dma_wait3A_903 = tpu.memref_slice %arg8[%dma_wait3A_901, %dma_wait3A_902] : memref<10016x48xf32, #tpu.memory_space<vmem_shared>> -> memref<10016x48xf32, #tpu.memory_space<vmem_shared>>
      %dma_wait3A_904 = tpu.memref_slice %arg11[%dma_wait3A_893] : memref<8x!tpu.dma_semaphore, #tpu.memory_space<semaphore_mem>> -> memref<1x!tpu.dma_semaphore, #tpu.memory_space<semaphore_mem>>
      %dma_wait3A_905 = tpu.memref_squeeze %dma_wait3A_904 : memref<1x!tpu.dma_semaphore, #tpu.memory_space<semaphore_mem>> -> memref<!tpu.dma_semaphore, #tpu.memory_space<semaphore_mem>>
      tpu.wait_indirect_dma semaphore(%dma_wait3A_905 : memref<!tpu.dma_semaphore, #tpu.memory_space<semaphore_mem>>) src(%dma_wait3A_897 : memref<128x48xf32, #tpu.memory_space<vmem>>) dst(%dma_wait3A_903 : memref<10016x48xf32, #tpu.memory_space<vmem_shared>>)
      %add3A_906 = arith.constant 1 : i32
      %add3A_907 = arith.addi %scan3A_486, %add3A_906 : i32
      %mul3A_908 = arith.constant 8 : i32
      %mul3A_909 = arith.muli %add3A_907, %mul3A_908 : i32
      %add3A_910 = arith.constant 3 : i32
      %add3A_911 = arith.addi %mul3A_909, %add3A_910 : i32
      %dma_start3A_912 = arith.constant 3 : i32
      %dma_start3A_913 = arith.constant 3 : i32
      %dma_start3A_914 = arith.constant 0 : i32
      %dma_start3A_915 = arith.constant 0 : i32
      %dma_start3A_916 = tpu.memref_slice %arg7[%dma_start3A_912, %dma_start3A_914, %dma_start3A_915] : memref<8x128x48xf32, #tpu.memory_space<vmem>> -> memref<1x128x48xf32, #tpu.memory_space<vmem>>
      %dma_start3A_917 = tpu.memref_squeeze %dma_start3A_916 : memref<1x128x48xf32, #tpu.memory_space<vmem>> -> memref<128x48xf32, #tpu.memory_space<vmem>>
      %dma_start3A_918 = arith.constant 0 : i32
      %dma_start3A_919 = tpu.memref_slice %arg5[%add3A_911, %dma_start3A_918] : memref<80x128xi32, #tpu.memory_space<vmem>> -> memref<1x128xi32, #tpu.memory_space<vmem>>
      %dma_start3A_920 = tpu.memref_squeeze %dma_start3A_919 : memref<1x128xi32, #tpu.memory_space<vmem>> -> memref<128xi32, #tpu.memory_space<vmem>>
      %dma_start3A_921 = arith.constant 0 : i32
      %dma_start3A_922 = arith.constant 0 : i32
      %dma_start3A_923 = tpu.memref_slice %arg9[%dma_start3A_921, %dma_start3A_922] : memref<10016x48xf32, #tpu.memory_space<vmem_shared>> -> memref<10016x48xf32, #tpu.memory_space<vmem_shared>>
      %dma_start3A_924 = tpu.memref_slice %arg10[%dma_start3A_913] : memref<8x!tpu.dma_semaphore, #tpu.memory_space<semaphore_mem>> -> memref<1x!tpu.dma_semaphore, #tpu.memory_space<semaphore_mem>>
      %dma_start3A_925 = tpu.memref_squeeze %dma_start3A_924 : memref<1x!tpu.dma_semaphore, #tpu.memory_space<semaphore_mem>> -> memref<!tpu.dma_semaphore, #tpu.memory_space<semaphore_mem>>
      tpu.enqueue_indirect_dma source(%dma_start3A_923 : memref<10016x48xf32, #tpu.memory_space<vmem_shared>>) target(%dma_start3A_917 : memref<128x48xf32, #tpu.memory_space<vmem>>) offsets(%dma_start3A_920 : memref<128xi32, #tpu.memory_space<vmem>>) semaphore(%dma_start3A_925 : memref<!tpu.dma_semaphore, #tpu.memory_space<semaphore_mem>>)
      %mul3A_926 = arith.constant 8 : i32
      %mul3A_927 = arith.muli %scan3A_486, %mul3A_926 : i32
      %add3A_928 = arith.constant 4 : i32
      %add3A_929 = arith.addi %mul3A_927, %add3A_928 : i32
      %dma_wait3A_930 = arith.constant 4 : i32
      %dma_wait3A_931 = arith.constant 4 : i32
      %dma_wait3A_932 = arith.constant 0 : i32
      %dma_wait3A_933 = arith.constant 0 : i32
      %dma_wait3A_934 = tpu.memref_slice %arg7[%dma_wait3A_930, %dma_wait3A_932, %dma_wait3A_933] : memref<8x128x48xf32, #tpu.memory_space<vmem>> -> memref<1x128x48xf32, #tpu.memory_space<vmem>>
      %dma_wait3A_935 = tpu.memref_squeeze %dma_wait3A_934 : memref<1x128x48xf32, #tpu.memory_space<vmem>> -> memref<128x48xf32, #tpu.memory_space<vmem>>
      %dma_wait3A_936 = arith.constant 0 : i32
      %dma_wait3A_937 = tpu.memref_slice %arg6[%add3A_929, %dma_wait3A_936] : memref<80x128xi32, #tpu.memory_space<vmem>> -> memref<1x128xi32, #tpu.memory_space<vmem>>
      %dma_wait3A_938 = tpu.memref_squeeze %dma_wait3A_937 : memref<1x128xi32, #tpu.memory_space<vmem>> -> memref<128xi32, #tpu.memory_space<vmem>>
      %dma_wait3A_939 = arith.constant 0 : i32
      %dma_wait3A_940 = arith.constant 0 : i32
      %dma_wait3A_941 = tpu.memref_slice %arg8[%dma_wait3A_939, %dma_wait3A_940] : memref<10016x48xf32, #tpu.memory_space<vmem_shared>> -> memref<10016x48xf32, #tpu.memory_space<vmem_shared>>
      %dma_wait3A_942 = tpu.memref_slice %arg11[%dma_wait3A_931] : memref<8x!tpu.dma_semaphore, #tpu.memory_space<semaphore_mem>> -> memref<1x!tpu.dma_semaphore, #tpu.memory_space<semaphore_mem>>
      %dma_wait3A_943 = tpu.memref_squeeze %dma_wait3A_942 : memref<1x!tpu.dma_semaphore, #tpu.memory_space<semaphore_mem>> -> memref<!tpu.dma_semaphore, #tpu.memory_space<semaphore_mem>>
      tpu.wait_indirect_dma semaphore(%dma_wait3A_943 : memref<!tpu.dma_semaphore, #tpu.memory_space<semaphore_mem>>) src(%dma_wait3A_935 : memref<128x48xf32, #tpu.memory_space<vmem>>) dst(%dma_wait3A_941 : memref<10016x48xf32, #tpu.memory_space<vmem_shared>>)
      %add3A_944 = arith.constant 1 : i32
      %add3A_945 = arith.addi %scan3A_486, %add3A_944 : i32
      %mul3A_946 = arith.constant 8 : i32
      %mul3A_947 = arith.muli %add3A_945, %mul3A_946 : i32
      %add3A_948 = arith.constant 4 : i32
      %add3A_949 = arith.addi %mul3A_947, %add3A_948 : i32
      %dma_start3A_950 = arith.constant 4 : i32
      %dma_start3A_951 = arith.constant 4 : i32
      %dma_start3A_952 = arith.constant 0 : i32
      %dma_start3A_953 = arith.constant 0 : i32
      %dma_start3A_954 = tpu.memref_slice %arg7[%dma_start3A_950, %dma_start3A_952, %dma_start3A_953] : memref<8x128x48xf32, #tpu.memory_space<vmem>> -> memref<1x128x48xf32, #tpu.memory_space<vmem>>
      %dma_start3A_955 = tpu.memref_squeeze %dma_start3A_954 : memref<1x128x48xf32, #tpu.memory_space<vmem>> -> memref<128x48xf32, #tpu.memory_space<vmem>>
      %dma_start3A_956 = arith.constant 0 : i32
      %dma_start3A_957 = tpu.memref_slice %arg5[%add3A_949, %dma_start3A_956] : memref<80x128xi32, #tpu.memory_space<vmem>> -> memref<1x128xi32, #tpu.memory_space<vmem>>
      %dma_start3A_958 = tpu.memref_squeeze %dma_start3A_957 : memref<1x128xi32, #tpu.memory_space<vmem>> -> memref<128xi32, #tpu.memory_space<vmem>>
      %dma_start3A_959 = arith.constant 0 : i32
      %dma_start3A_960 = arith.constant 0 : i32
      %dma_start3A_961 = tpu.memref_slice %arg9[%dma_start3A_959, %dma_start3A_960] : memref<10016x48xf32, #tpu.memory_space<vmem_shared>> -> memref<10016x48xf32, #tpu.memory_space<vmem_shared>>
      %dma_start3A_962 = tpu.memref_slice %arg10[%dma_start3A_951] : memref<8x!tpu.dma_semaphore, #tpu.memory_space<semaphore_mem>> -> memref<1x!tpu.dma_semaphore, #tpu.memory_space<semaphore_mem>>
      %dma_start3A_963 = tpu.memref_squeeze %dma_start3A_962 : memref<1x!tpu.dma_semaphore, #tpu.memory_space<semaphore_mem>> -> memref<!tpu.dma_semaphore, #tpu.memory_space<semaphore_mem>>
      tpu.enqueue_indirect_dma source(%dma_start3A_961 : memref<10016x48xf32, #tpu.memory_space<vmem_shared>>) target(%dma_start3A_955 : memref<128x48xf32, #tpu.memory_space<vmem>>) offsets(%dma_start3A_958 : memref<128xi32, #tpu.memory_space<vmem>>) semaphore(%dma_start3A_963 : memref<!tpu.dma_semaphore, #tpu.memory_space<semaphore_mem>>)
      %mul3A_964 = arith.constant 8 : i32
      %mul3A_965 = arith.muli %scan3A_486, %mul3A_964 : i32
      %add3A_966 = arith.constant 5 : i32
      %add3A_967 = arith.addi %mul3A_965, %add3A_966 : i32
      %dma_wait3A_968 = arith.constant 5 : i32
      %dma_wait3A_969 = arith.constant 5 : i32
      %dma_wait3A_970 = arith.constant 0 : i32
      %dma_wait3A_971 = arith.constant 0 : i32
      %dma_wait3A_972 = tpu.memref_slice %arg7[%dma_wait3A_968, %dma_wait3A_970, %dma_wait3A_971] : memref<8x128x48xf32, #tpu.memory_space<vmem>> -> memref<1x128x48xf32, #tpu.memory_space<vmem>>
      %dma_wait3A_973 = tpu.memref_squeeze %dma_wait3A_972 : memref<1x128x48xf32, #tpu.memory_space<vmem>> -> memref<128x48xf32, #tpu.memory_space<vmem>>
      %dma_wait3A_974 = arith.constant 0 : i32
      %dma_wait3A_975 = tpu.memref_slice %arg6[%add3A_967, %dma_wait3A_974] : memref<80x128xi32, #tpu.memory_space<vmem>> -> memref<1x128xi32, #tpu.memory_space<vmem>>
      %dma_wait3A_976 = tpu.memref_squeeze %dma_wait3A_975 : memref<1x128xi32, #tpu.memory_space<vmem>> -> memref<128xi32, #tpu.memory_space<vmem>>
      %dma_wait3A_977 = arith.constant 0 : i32
      %dma_wait3A_978 = arith.constant 0 : i32
      %dma_wait3A_979 = tpu.memref_slice %arg8[%dma_wait3A_977, %dma_wait3A_978] : memref<10016x48xf32, #tpu.memory_space<vmem_shared>> -> memref<10016x48xf32, #tpu.memory_space<vmem_shared>>
      %dma_wait3A_980 = tpu.memref_slice %arg11[%dma_wait3A_969] : memref<8x!tpu.dma_semaphore, #tpu.memory_space<semaphore_mem>> -> memref<1x!tpu.dma_semaphore, #tpu.memory_space<semaphore_mem>>
      %dma_wait3A_981 = tpu.memref_squeeze %dma_wait3A_980 : memref<1x!tpu.dma_semaphore, #tpu.memory_space<semaphore_mem>> -> memref<!tpu.dma_semaphore, #tpu.memory_space<semaphore_mem>>
      tpu.wait_indirect_dma semaphore(%dma_wait3A_981 : memref<!tpu.dma_semaphore, #tpu.memory_space<semaphore_mem>>) src(%dma_wait3A_973 : memref<128x48xf32, #tpu.memory_space<vmem>>) dst(%dma_wait3A_979 : memref<10016x48xf32, #tpu.memory_space<vmem_shared>>)
      %add3A_982 = arith.constant 1 : i32
      %add3A_983 = arith.addi %scan3A_486, %add3A_982 : i32
      %mul3A_984 = arith.constant 8 : i32
      %mul3A_985 = arith.muli %add3A_983, %mul3A_984 : i32
      %add3A_986 = arith.constant 5 : i32
      %add3A_987 = arith.addi %mul3A_985, %add3A_986 : i32
      %dma_start3A_988 = arith.constant 5 : i32
      %dma_start3A_989 = arith.constant 5 : i32
      %dma_start3A_990 = arith.constant 0 : i32
      %dma_start3A_991 = arith.constant 0 : i32
      %dma_start3A_992 = tpu.memref_slice %arg7[%dma_start3A_988, %dma_start3A_990, %dma_start3A_991] : memref<8x128x48xf32, #tpu.memory_space<vmem>> -> memref<1x128x48xf32, #tpu.memory_space<vmem>>
      %dma_start3A_993 = tpu.memref_squeeze %dma_start3A_992 : memref<1x128x48xf32, #tpu.memory_space<vmem>> -> memref<128x48xf32, #tpu.memory_space<vmem>>
      %dma_start3A_994 = arith.constant 0 : i32
      %dma_start3A_995 = tpu.memref_slice %arg5[%add3A_987, %dma_start3A_994] : memref<80x128xi32, #tpu.memory_space<vmem>> -> memref<1x128xi32, #tpu.memory_space<vmem>>
      %dma_start3A_996 = tpu.memref_squeeze %dma_start3A_995 : memref<1x128xi32, #tpu.memory_space<vmem>> -> memref<128xi32, #tpu.memory_space<vmem>>
      %dma_start3A_997 = arith.constant 0 : i32
      %dma_start3A_998 = arith.constant 0 : i32
      %dma_start3A_999 = tpu.memref_slice %arg9[%dma_start3A_997, %dma_start3A_998] : memref<10016x48xf32, #tpu.memory_space<vmem_shared>> -> memref<10016x48xf32, #tpu.memory_space<vmem_shared>>
      %dma_start3A_1000 = tpu.memref_slice %arg10[%dma_start3A_989] : memref<8x!tpu.dma_semaphore, #tpu.memory_space<semaphore_mem>> -> memref<1x!tpu.dma_semaphore, #tpu.memory_space<semaphore_mem>>
      %dma_start3A_1001 = tpu.memref_squeeze %dma_start3A_1000 : memref<1x!tpu.dma_semaphore, #tpu.memory_space<semaphore_mem>> -> memref<!tpu.dma_semaphore, #tpu.memory_space<semaphore_mem>>
      tpu.enqueue_indirect_dma source(%dma_start3A_999 : memref<10016x48xf32, #tpu.memory_space<vmem_shared>>) target(%dma_start3A_993 : memref<128x48xf32, #tpu.memory_space<vmem>>) offsets(%dma_start3A_996 : memref<128xi32, #tpu.memory_space<vmem>>) semaphore(%dma_start3A_1001 : memref<!tpu.dma_semaphore, #tpu.memory_space<semaphore_mem>>)
      %mul3A_1002 = arith.constant 8 : i32
      %mul3A_1003 = arith.muli %scan3A_486, %mul3A_1002 : i32
      %add3A_1004 = arith.constant 6 : i32
      %add3A_1005 = arith.addi %mul3A_1003, %add3A_1004 : i32
      %dma_wait3A_1006 = arith.constant 6 : i32
      %dma_wait3A_1007 = arith.constant 6 : i32
      %dma_wait3A_1008 = arith.constant 0 : i32
      %dma_wait3A_1009 = arith.constant 0 : i32
      %dma_wait3A_1010 = tpu.memref_slice %arg7[%dma_wait3A_1006, %dma_wait3A_1008, %dma_wait3A_1009] : memref<8x128x48xf32, #tpu.memory_space<vmem>> -> memref<1x128x48xf32, #tpu.memory_space<vmem>>
      %dma_wait3A_1011 = tpu.memref_squeeze %dma_wait3A_1010 : memref<1x128x48xf32, #tpu.memory_space<vmem>> -> memref<128x48xf32, #tpu.memory_space<vmem>>
      %dma_wait3A_1012 = arith.constant 0 : i32
      %dma_wait3A_1013 = tpu.memref_slice %arg6[%add3A_1005, %dma_wait3A_1012] : memref<80x128xi32, #tpu.memory_space<vmem>> -> memref<1x128xi32, #tpu.memory_space<vmem>>
      %dma_wait3A_1014 = tpu.memref_squeeze %dma_wait3A_1013 : memref<1x128xi32, #tpu.memory_space<vmem>> -> memref<128xi32, #tpu.memory_space<vmem>>
      %dma_wait3A_1015 = arith.constant 0 : i32
      %dma_wait3A_1016 = arith.constant 0 : i32
      %dma_wait3A_1017 = tpu.memref_slice %arg8[%dma_wait3A_1015, %dma_wait3A_1016] : memref<10016x48xf32, #tpu.memory_space<vmem_shared>> -> memref<10016x48xf32, #tpu.memory_space<vmem_shared>>
      %dma_wait3A_1018 = tpu.memref_slice %arg11[%dma_wait3A_1007] : memref<8x!tpu.dma_semaphore, #tpu.memory_space<semaphore_mem>> -> memref<1x!tpu.dma_semaphore, #tpu.memory_space<semaphore_mem>>
      %dma_wait3A_1019 = tpu.memref_squeeze %dma_wait3A_1018 : memref<1x!tpu.dma_semaphore, #tpu.memory_space<semaphore_mem>> -> memref<!tpu.dma_semaphore, #tpu.memory_space<semaphore_mem>>
      tpu.wait_indirect_dma semaphore(%dma_wait3A_1019 : memref<!tpu.dma_semaphore, #tpu.memory_space<semaphore_mem>>) src(%dma_wait3A_1011 : memref<128x48xf32, #tpu.memory_space<vmem>>) dst(%dma_wait3A_1017 : memref<10016x48xf32, #tpu.memory_space<vmem_shared>>)
      %add3A_1020 = arith.constant 1 : i32
      %add3A_1021 = arith.addi %scan3A_486, %add3A_1020 : i32
      %mul3A_1022 = arith.constant 8 : i32
      %mul3A_1023 = arith.muli %add3A_1021, %mul3A_1022 : i32
      %add3A_1024 = arith.constant 6 : i32
      %add3A_1025 = arith.addi %mul3A_1023, %add3A_1024 : i32
      %dma_start3A_1026 = arith.constant 6 : i32
      %dma_start3A_1027 = arith.constant 6 : i32
      %dma_start3A_1028 = arith.constant 0 : i32
      %dma_start3A_1029 = arith.constant 0 : i32
      %dma_start3A_1030 = tpu.memref_slice %arg7[%dma_start3A_1026, %dma_start3A_1028, %dma_start3A_1029] : memref<8x128x48xf32, #tpu.memory_space<vmem>> -> memref<1x128x48xf32, #tpu.memory_space<vmem>>
      %dma_start3A_1031 = tpu.memref_squeeze %dma_start3A_1030 : memref<1x128x48xf32, #tpu.memory_space<vmem>> -> memref<128x48xf32, #tpu.memory_space<vmem>>
      %dma_start3A_1032 = arith.constant 0 : i32
      %dma_start3A_1033 = tpu.memref_slice %arg5[%add3A_1025, %dma_start3A_1032] : memref<80x128xi32, #tpu.memory_space<vmem>> -> memref<1x128xi32, #tpu.memory_space<vmem>>
      %dma_start3A_1034 = tpu.memref_squeeze %dma_start3A_1033 : memref<1x128xi32, #tpu.memory_space<vmem>> -> memref<128xi32, #tpu.memory_space<vmem>>
      %dma_start3A_1035 = arith.constant 0 : i32
      %dma_start3A_1036 = arith.constant 0 : i32
      %dma_start3A_1037 = tpu.memref_slice %arg9[%dma_start3A_1035, %dma_start3A_1036] : memref<10016x48xf32, #tpu.memory_space<vmem_shared>> -> memref<10016x48xf32, #tpu.memory_space<vmem_shared>>
      %dma_start3A_1038 = tpu.memref_slice %arg10[%dma_start3A_1027] : memref<8x!tpu.dma_semaphore, #tpu.memory_space<semaphore_mem>> -> memref<1x!tpu.dma_semaphore, #tpu.memory_space<semaphore_mem>>
      %dma_start3A_1039 = tpu.memref_squeeze %dma_start3A_1038 : memref<1x!tpu.dma_semaphore, #tpu.memory_space<semaphore_mem>> -> memref<!tpu.dma_semaphore, #tpu.memory_space<semaphore_mem>>
      tpu.enqueue_indirect_dma source(%dma_start3A_1037 : memref<10016x48xf32, #tpu.memory_space<vmem_shared>>) target(%dma_start3A_1031 : memref<128x48xf32, #tpu.memory_space<vmem>>) offsets(%dma_start3A_1034 : memref<128xi32, #tpu.memory_space<vmem>>) semaphore(%dma_start3A_1039 : memref<!tpu.dma_semaphore, #tpu.memory_space<semaphore_mem>>)
      %mul3A_1040 = arith.constant 8 : i32
      %mul3A_1041 = arith.muli %scan3A_486, %mul3A_1040 : i32
      %add3A_1042 = arith.constant 7 : i32
      %add3A_1043 = arith.addi %mul3A_1041, %add3A_1042 : i32
      %dma_wait3A_1044 = arith.constant 7 : i32
      %dma_wait3A_1045 = arith.constant 7 : i32
      %dma_wait3A_1046 = arith.constant 0 : i32
      %dma_wait3A_1047 = arith.constant 0 : i32
      %dma_wait3A_1048 = tpu.memref_slice %arg7[%dma_wait3A_1044, %dma_wait3A_1046, %dma_wait3A_1047] : memref<8x128x48xf32, #tpu.memory_space<vmem>> -> memref<1x128x48xf32, #tpu.memory_space<vmem>>
      %dma_wait3A_1049 = tpu.memref_squeeze %dma_wait3A_1048 : memref<1x128x48xf32, #tpu.memory_space<vmem>> -> memref<128x48xf32, #tpu.memory_space<vmem>>
      %dma_wait3A_1050 = arith.constant 0 : i32
      %dma_wait3A_1051 = tpu.memref_slice %arg6[%add3A_1043, %dma_wait3A_1050] : memref<80x128xi32, #tpu.memory_space<vmem>> -> memref<1x128xi32, #tpu.memory_space<vmem>>
      %dma_wait3A_1052 = tpu.memref_squeeze %dma_wait3A_1051 : memref<1x128xi32, #tpu.memory_space<vmem>> -> memref<128xi32, #tpu.memory_space<vmem>>
      %dma_wait3A_1053 = arith.constant 0 : i32
      %dma_wait3A_1054 = arith.constant 0 : i32
      %dma_wait3A_1055 = tpu.memref_slice %arg8[%dma_wait3A_1053, %dma_wait3A_1054] : memref<10016x48xf32, #tpu.memory_space<vmem_shared>> -> memref<10016x48xf32, #tpu.memory_space<vmem_shared>>
      %dma_wait3A_1056 = tpu.memref_slice %arg11[%dma_wait3A_1045] : memref<8x!tpu.dma_semaphore, #tpu.memory_space<semaphore_mem>> -> memref<1x!tpu.dma_semaphore, #tpu.memory_space<semaphore_mem>>
      %dma_wait3A_1057 = tpu.memref_squeeze %dma_wait3A_1056 : memref<1x!tpu.dma_semaphore, #tpu.memory_space<semaphore_mem>> -> memref<!tpu.dma_semaphore, #tpu.memory_space<semaphore_mem>>
      tpu.wait_indirect_dma semaphore(%dma_wait3A_1057 : memref<!tpu.dma_semaphore, #tpu.memory_space<semaphore_mem>>) src(%dma_wait3A_1049 : memref<128x48xf32, #tpu.memory_space<vmem>>) dst(%dma_wait3A_1055 : memref<10016x48xf32, #tpu.memory_space<vmem_shared>>)
      %add3A_1058 = arith.constant 1 : i32
      %add3A_1059 = arith.addi %scan3A_486, %add3A_1058 : i32
      %mul3A_1060 = arith.constant 8 : i32
      %mul3A_1061 = arith.muli %add3A_1059, %mul3A_1060 : i32
      %add3A_1062 = arith.constant 7 : i32
      %add3A_1063 = arith.addi %mul3A_1061, %add3A_1062 : i32
      %dma_start3A_1064 = arith.constant 7 : i32
      %dma_start3A_1065 = arith.constant 7 : i32
      %dma_start3A_1066 = arith.constant 0 : i32
      %dma_start3A_1067 = arith.constant 0 : i32
      %dma_start3A_1068 = tpu.memref_slice %arg7[%dma_start3A_1064, %dma_start3A_1066, %dma_start3A_1067] : memref<8x128x48xf32, #tpu.memory_space<vmem>> -> memref<1x128x48xf32, #tpu.memory_space<vmem>>
      %dma_start3A_1069 = tpu.memref_squeeze %dma_start3A_1068 : memref<1x128x48xf32, #tpu.memory_space<vmem>> -> memref<128x48xf32, #tpu.memory_space<vmem>>
      %dma_start3A_1070 = arith.constant 0 : i32
      %dma_start3A_1071 = tpu.memref_slice %arg5[%add3A_1063, %dma_start3A_1070] : memref<80x128xi32, #tpu.memory_space<vmem>> -> memref<1x128xi32, #tpu.memory_space<vmem>>
      %dma_start3A_1072 = tpu.memref_squeeze %dma_start3A_1071 : memref<1x128xi32, #tpu.memory_space<vmem>> -> memref<128xi32, #tpu.memory_space<vmem>>
      %dma_start3A_1073 = arith.constant 0 : i32
      %dma_start3A_1074 = arith.constant 0 : i32
      %dma_start3A_1075 = tpu.memref_slice %arg9[%dma_start3A_1073, %dma_start3A_1074] : memref<10016x48xf32, #tpu.memory_space<vmem_shared>> -> memref<10016x48xf32, #tpu.memory_space<vmem_shared>>
      %dma_start3A_1076 = tpu.memref_slice %arg10[%dma_start3A_1065] : memref<8x!tpu.dma_semaphore, #tpu.memory_space<semaphore_mem>> -> memref<1x!tpu.dma_semaphore, #tpu.memory_space<semaphore_mem>>
      %dma_start3A_1077 = tpu.memref_squeeze %dma_start3A_1076 : memref<1x!tpu.dma_semaphore, #tpu.memory_space<semaphore_mem>> -> memref<!tpu.dma_semaphore, #tpu.memory_space<semaphore_mem>>
      tpu.enqueue_indirect_dma source(%dma_start3A_1075 : memref<10016x48xf32, #tpu.memory_space<vmem_shared>>) target(%dma_start3A_1069 : memref<128x48xf32, #tpu.memory_space<vmem>>) offsets(%dma_start3A_1072 : memref<128xi32, #tpu.memory_space<vmem>>) semaphore(%dma_start3A_1077 : memref<!tpu.dma_semaphore, #tpu.memory_space<semaphore_mem>>)
    }
    %scan3A_125 = arith.constant 9 : i32
    %dma_wait3A = arith.constant 72 : i32
    %dma_wait3A_126 = arith.constant 0 : i32
    %dma_wait3A_127 = arith.constant 0 : i32
    %dma_wait3A_128 = arith.constant 0 : i32
    %dma_wait3A_129 = arith.constant 0 : i32
    %dma_wait3A_130 = tpu.memref_slice %arg7[%dma_wait3A_126, %dma_wait3A_128, %dma_wait3A_129] : memref<8x128x48xf32, #tpu.memory_space<vmem>> -> memref<1x128x48xf32, #tpu.memory_space<vmem>>
    %dma_wait3A_131 = tpu.memref_squeeze %dma_wait3A_130 : memref<1x128x48xf32, #tpu.memory_space<vmem>> -> memref<128x48xf32, #tpu.memory_space<vmem>>
    %dma_wait3A_132 = arith.constant 0 : i32
    %dma_wait3A_133 = tpu.memref_slice %arg5[%dma_wait3A, %dma_wait3A_132] : memref<80x128xi32, #tpu.memory_space<vmem>> -> memref<1x128xi32, #tpu.memory_space<vmem>>
    %dma_wait3A_134 = tpu.memref_squeeze %dma_wait3A_133 : memref<1x128xi32, #tpu.memory_space<vmem>> -> memref<128xi32, #tpu.memory_space<vmem>>
    %dma_wait3A_135 = arith.constant 0 : i32
    %dma_wait3A_136 = arith.constant 0 : i32
    %dma_wait3A_137 = tpu.memref_slice %arg9[%dma_wait3A_135, %dma_wait3A_136] : memref<10016x48xf32, #tpu.memory_space<vmem_shared>> -> memref<10016x48xf32, #tpu.memory_space<vmem_shared>>
    %dma_wait3A_138 = tpu.memref_slice %arg10[%dma_wait3A_127] : memref<8x!tpu.dma_semaphore, #tpu.memory_space<semaphore_mem>> -> memref<1x!tpu.dma_semaphore, #tpu.memory_space<semaphore_mem>>
    %dma_wait3A_139 = tpu.memref_squeeze %dma_wait3A_138 : memref<1x!tpu.dma_semaphore, #tpu.memory_space<semaphore_mem>> -> memref<!tpu.dma_semaphore, #tpu.memory_space<semaphore_mem>>
    tpu.wait_indirect_dma semaphore(%dma_wait3A_139 : memref<!tpu.dma_semaphore, #tpu.memory_space<semaphore_mem>>) src(%dma_wait3A_137 : memref<10016x48xf32, #tpu.memory_space<vmem_shared>>) dst(%dma_wait3A_131 : memref<128x48xf32, #tpu.memory_space<vmem>>)
    %dma_start3A_140 = arith.constant 0 : i32
    %dma_start3A_141 = arith.constant 72 : i32
    %dma_start3A_142 = arith.constant 0 : i32
    %dma_start3A_143 = arith.constant 0 : i32
    %dma_start3A_144 = arith.constant 0 : i32
    %dma_start3A_145 = tpu.memref_slice %arg7[%dma_start3A_140, %dma_start3A_143, %dma_start3A_144] : memref<8x128x48xf32, #tpu.memory_space<vmem>> -> memref<1x128x48xf32, #tpu.memory_space<vmem>>
    %dma_start3A_146 = tpu.memref_squeeze %dma_start3A_145 : memref<1x128x48xf32, #tpu.memory_space<vmem>> -> memref<128x48xf32, #tpu.memory_space<vmem>>
    %dma_start3A_147 = arith.constant 0 : i32
    %dma_start3A_148 = tpu.memref_slice %arg6[%dma_start3A_141, %dma_start3A_147] : memref<80x128xi32, #tpu.memory_space<vmem>> -> memref<1x128xi32, #tpu.memory_space<vmem>>
    %dma_start3A_149 = tpu.memref_squeeze %dma_start3A_148 : memref<1x128xi32, #tpu.memory_space<vmem>> -> memref<128xi32, #tpu.memory_space<vmem>>
    %dma_start3A_150 = arith.constant 0 : i32
    %dma_start3A_151 = arith.constant 0 : i32
    %dma_start3A_152 = tpu.memref_slice %arg8[%dma_start3A_150, %dma_start3A_151] : memref<10016x48xf32, #tpu.memory_space<vmem_shared>> -> memref<10016x48xf32, #tpu.memory_space<vmem_shared>>
    %dma_start3A_153 = tpu.memref_slice %arg11[%dma_start3A_142] : memref<8x!tpu.dma_semaphore, #tpu.memory_space<semaphore_mem>> -> memref<1x!tpu.dma_semaphore, #tpu.memory_space<semaphore_mem>>
    %dma_start3A_154 = tpu.memref_squeeze %dma_start3A_153 : memref<1x!tpu.dma_semaphore, #tpu.memory_space<semaphore_mem>> -> memref<!tpu.dma_semaphore, #tpu.memory_space<semaphore_mem>>
    tpu.enqueue_indirect_dma source(%dma_start3A_146 : memref<128x48xf32, #tpu.memory_space<vmem>>) target(%dma_start3A_152 : memref<10016x48xf32, #tpu.memory_space<vmem_shared>>) offsets(%dma_start3A_149 : memref<128xi32, #tpu.memory_space<vmem>>) semaphore(%dma_start3A_154 : memref<!tpu.dma_semaphore, #tpu.memory_space<semaphore_mem>>) {add = true}
    %dma_wait3A_155 = arith.constant 73 : i32
    %dma_wait3A_156 = arith.constant 1 : i32
    %dma_wait3A_157 = arith.constant 1 : i32
    %dma_wait3A_158 = arith.constant 0 : i32
    %dma_wait3A_159 = arith.constant 0 : i32
    %dma_wait3A_160 = tpu.memref_slice %arg7[%dma_wait3A_156, %dma_wait3A_158, %dma_wait3A_159] : memref<8x128x48xf32, #tpu.memory_space<vmem>> -> memref<1x128x48xf32, #tpu.memory_space<vmem>>
    %dma_wait3A_161 = tpu.memref_squeeze %dma_wait3A_160 : memref<1x128x48xf32, #tpu.memory_space<vmem>> -> memref<128x48xf32, #tpu.memory_space<vmem>>
    %dma_wait3A_162 = arith.constant 0 : i32
    %dma_wait3A_163 = tpu.memref_slice %arg5[%dma_wait3A_155, %dma_wait3A_162] : memref<80x128xi32, #tpu.memory_space<vmem>> -> memref<1x128xi32, #tpu.memory_space<vmem>>
    %dma_wait3A_164 = tpu.memref_squeeze %dma_wait3A_163 : memref<1x128xi32, #tpu.memory_space<vmem>> -> memref<128xi32, #tpu.memory_space<vmem>>
    %dma_wait3A_165 = arith.constant 0 : i32
    %dma_wait3A_166 = arith.constant 0 : i32
    %dma_wait3A_167 = tpu.memref_slice %arg9[%dma_wait3A_165, %dma_wait3A_166] : memref<10016x48xf32, #tpu.memory_space<vmem_shared>> -> memref<10016x48xf32, #tpu.memory_space<vmem_shared>>
    %dma_wait3A_168 = tpu.memref_slice %arg10[%dma_wait3A_157] : memref<8x!tpu.dma_semaphore, #tpu.memory_space<semaphore_mem>> -> memref<1x!tpu.dma_semaphore, #tpu.memory_space<semaphore_mem>>
    %dma_wait3A_169 = tpu.memref_squeeze %dma_wait3A_168 : memref<1x!tpu.dma_semaphore, #tpu.memory_space<semaphore_mem>> -> memref<!tpu.dma_semaphore, #tpu.memory_space<semaphore_mem>>
    tpu.wait_indirect_dma semaphore(%dma_wait3A_169 : memref<!tpu.dma_semaphore, #tpu.memory_space<semaphore_mem>>) src(%dma_wait3A_167 : memref<10016x48xf32, #tpu.memory_space<vmem_shared>>) dst(%dma_wait3A_161 : memref<128x48xf32, #tpu.memory_space<vmem>>)
    %dma_start3A_170 = arith.constant 1 : i32
    %dma_start3A_171 = arith.constant 73 : i32
    %dma_start3A_172 = arith.constant 1 : i32
    %dma_start3A_173 = arith.constant 0 : i32
    %dma_start3A_174 = arith.constant 0 : i32
    %dma_start3A_175 = tpu.memref_slice %arg7[%dma_start3A_170, %dma_start3A_173, %dma_start3A_174] : memref<8x128x48xf32, #tpu.memory_space<vmem>> -> memref<1x128x48xf32, #tpu.memory_space<vmem>>
    %dma_start3A_176 = tpu.memref_squeeze %dma_start3A_175 : memref<1x128x48xf32, #tpu.memory_space<vmem>> -> memref<128x48xf32, #tpu.memory_space<vmem>>
    %dma_start3A_177 = arith.constant 0 : i32
    %dma_start3A_178 = tpu.memref_slice %arg6[%dma_start3A_171, %dma_start3A_177] : memref<80x128xi32, #tpu.memory_space<vmem>> -> memref<1x128xi32, #tpu.memory_space<vmem>>
    %dma_start3A_179 = tpu.memref_squeeze %dma_start3A_178 : memref<1x128xi32, #tpu.memory_space<vmem>> -> memref<128xi32, #tpu.memory_space<vmem>>
    %dma_start3A_180 = arith.constant 0 : i32
    %dma_start3A_181 = arith.constant 0 : i32
    %dma_start3A_182 = tpu.memref_slice %arg8[%dma_start3A_180, %dma_start3A_181] : memref<10016x48xf32, #tpu.memory_space<vmem_shared>> -> memref<10016x48xf32, #tpu.memory_space<vmem_shared>>
    %dma_start3A_183 = tpu.memref_slice %arg11[%dma_start3A_172] : memref<8x!tpu.dma_semaphore, #tpu.memory_space<semaphore_mem>> -> memref<1x!tpu.dma_semaphore, #tpu.memory_space<semaphore_mem>>
    %dma_start3A_184 = tpu.memref_squeeze %dma_start3A_183 : memref<1x!tpu.dma_semaphore, #tpu.memory_space<semaphore_mem>> -> memref<!tpu.dma_semaphore, #tpu.memory_space<semaphore_mem>>
    tpu.enqueue_indirect_dma source(%dma_start3A_176 : memref<128x48xf32, #tpu.memory_space<vmem>>) target(%dma_start3A_182 : memref<10016x48xf32, #tpu.memory_space<vmem_shared>>) offsets(%dma_start3A_179 : memref<128xi32, #tpu.memory_space<vmem>>) semaphore(%dma_start3A_184 : memref<!tpu.dma_semaphore, #tpu.memory_space<semaphore_mem>>) {add = true}
    %dma_wait3A_185 = arith.constant 74 : i32
    %dma_wait3A_186 = arith.constant 2 : i32
    %dma_wait3A_187 = arith.constant 2 : i32
    %dma_wait3A_188 = arith.constant 0 : i32
    %dma_wait3A_189 = arith.constant 0 : i32
    %dma_wait3A_190 = tpu.memref_slice %arg7[%dma_wait3A_186, %dma_wait3A_188, %dma_wait3A_189] : memref<8x128x48xf32, #tpu.memory_space<vmem>> -> memref<1x128x48xf32, #tpu.memory_space<vmem>>
    %dma_wait3A_191 = tpu.memref_squeeze %dma_wait3A_190 : memref<1x128x48xf32, #tpu.memory_space<vmem>> -> memref<128x48xf32, #tpu.memory_space<vmem>>
    %dma_wait3A_192 = arith.constant 0 : i32
    %dma_wait3A_193 = tpu.memref_slice %arg5[%dma_wait3A_185, %dma_wait3A_192] : memref<80x128xi32, #tpu.memory_space<vmem>> -> memref<1x128xi32, #tpu.memory_space<vmem>>
    %dma_wait3A_194 = tpu.memref_squeeze %dma_wait3A_193 : memref<1x128xi32, #tpu.memory_space<vmem>> -> memref<128xi32, #tpu.memory_space<vmem>>
    %dma_wait3A_195 = arith.constant 0 : i32
    %dma_wait3A_196 = arith.constant 0 : i32
    %dma_wait3A_197 = tpu.memref_slice %arg9[%dma_wait3A_195, %dma_wait3A_196] : memref<10016x48xf32, #tpu.memory_space<vmem_shared>> -> memref<10016x48xf32, #tpu.memory_space<vmem_shared>>
    %dma_wait3A_198 = tpu.memref_slice %arg10[%dma_wait3A_187] : memref<8x!tpu.dma_semaphore, #tpu.memory_space<semaphore_mem>> -> memref<1x!tpu.dma_semaphore, #tpu.memory_space<semaphore_mem>>
    %dma_wait3A_199 = tpu.memref_squeeze %dma_wait3A_198 : memref<1x!tpu.dma_semaphore, #tpu.memory_space<semaphore_mem>> -> memref<!tpu.dma_semaphore, #tpu.memory_space<semaphore_mem>>
    tpu.wait_indirect_dma semaphore(%dma_wait3A_199 : memref<!tpu.dma_semaphore, #tpu.memory_space<semaphore_mem>>) src(%dma_wait3A_197 : memref<10016x48xf32, #tpu.memory_space<vmem_shared>>) dst(%dma_wait3A_191 : memref<128x48xf32, #tpu.memory_space<vmem>>)
    %dma_start3A_200 = arith.constant 2 : i32
    %dma_start3A_201 = arith.constant 74 : i32
    %dma_start3A_202 = arith.constant 2 : i32
    %dma_start3A_203 = arith.constant 0 : i32
    %dma_start3A_204 = arith.constant 0 : i32
    %dma_start3A_205 = tpu.memref_slice %arg7[%dma_start3A_200, %dma_start3A_203, %dma_start3A_204] : memref<8x128x48xf32, #tpu.memory_space<vmem>> -> memref<1x128x48xf32, #tpu.memory_space<vmem>>
    %dma_start3A_206 = tpu.memref_squeeze %dma_start3A_205 : memref<1x128x48xf32, #tpu.memory_space<vmem>> -> memref<128x48xf32, #tpu.memory_space<vmem>>
    %dma_start3A_207 = arith.constant 0 : i32
    %dma_start3A_208 = tpu.memref_slice %arg6[%dma_start3A_201, %dma_start3A_207] : memref<80x128xi32, #tpu.memory_space<vmem>> -> memref<1x128xi32, #tpu.memory_space<vmem>>
    %dma_start3A_209 = tpu.memref_squeeze %dma_start3A_208 : memref<1x128xi32, #tpu.memory_space<vmem>> -> memref<128xi32, #tpu.memory_space<vmem>>
    %dma_start3A_210 = arith.constant 0 : i32
    %dma_start3A_211 = arith.constant 0 : i32
    %dma_start3A_212 = tpu.memref_slice %arg8[%dma_start3A_210, %dma_start3A_211] : memref<10016x48xf32, #tpu.memory_space<vmem_shared>> -> memref<10016x48xf32, #tpu.memory_space<vmem_shared>>
    %dma_start3A_213 = tpu.memref_slice %arg11[%dma_start3A_202] : memref<8x!tpu.dma_semaphore, #tpu.memory_space<semaphore_mem>> -> memref<1x!tpu.dma_semaphore, #tpu.memory_space<semaphore_mem>>
    %dma_start3A_214 = tpu.memref_squeeze %dma_start3A_213 : memref<1x!tpu.dma_semaphore, #tpu.memory_space<semaphore_mem>> -> memref<!tpu.dma_semaphore, #tpu.memory_space<semaphore_mem>>
    tpu.enqueue_indirect_dma source(%dma_start3A_206 : memref<128x48xf32, #tpu.memory_space<vmem>>) target(%dma_start3A_212 : memref<10016x48xf32, #tpu.memory_space<vmem_shared>>) offsets(%dma_start3A_209 : memref<128xi32, #tpu.memory_space<vmem>>) semaphore(%dma_start3A_214 : memref<!tpu.dma_semaphore, #tpu.memory_space<semaphore_mem>>) {add = true}
    %dma_wait3A_215 = arith.constant 75 : i32
    %dma_wait3A_216 = arith.constant 3 : i32
    %dma_wait3A_217 = arith.constant 3 : i32
    %dma_wait3A_218 = arith.constant 0 : i32
    %dma_wait3A_219 = arith.constant 0 : i32
    %dma_wait3A_220 = tpu.memref_slice %arg7[%dma_wait3A_216, %dma_wait3A_218, %dma_wait3A_219] : memref<8x128x48xf32, #tpu.memory_space<vmem>> -> memref<1x128x48xf32, #tpu.memory_space<vmem>>
    %dma_wait3A_221 = tpu.memref_squeeze %dma_wait3A_220 : memref<1x128x48xf32, #tpu.memory_space<vmem>> -> memref<128x48xf32, #tpu.memory_space<vmem>>
    %dma_wait3A_222 = arith.constant 0 : i32
    %dma_wait3A_223 = tpu.memref_slice %arg5[%dma_wait3A_215, %dma_wait3A_222] : memref<80x128xi32, #tpu.memory_space<vmem>> -> memref<1x128xi32, #tpu.memory_space<vmem>>
    %dma_wait3A_224 = tpu.memref_squeeze %dma_wait3A_223 : memref<1x128xi32, #tpu.memory_space<vmem>> -> memref<128xi32, #tpu.memory_space<vmem>>
    %dma_wait3A_225 = arith.constant 0 : i32
    %dma_wait3A_226 = arith.constant 0 : i32
    %dma_wait3A_227 = tpu.memref_slice %arg9[%dma_wait3A_225, %dma_wait3A_226] : memref<10016x48xf32, #tpu.memory_space<vmem_shared>> -> memref<10016x48xf32, #tpu.memory_space<vmem_shared>>
    %dma_wait3A_228 = tpu.memref_slice %arg10[%dma_wait3A_217] : memref<8x!tpu.dma_semaphore, #tpu.memory_space<semaphore_mem>> -> memref<1x!tpu.dma_semaphore, #tpu.memory_space<semaphore_mem>>
    %dma_wait3A_229 = tpu.memref_squeeze %dma_wait3A_228 : memref<1x!tpu.dma_semaphore, #tpu.memory_space<semaphore_mem>> -> memref<!tpu.dma_semaphore, #tpu.memory_space<semaphore_mem>>
    tpu.wait_indirect_dma semaphore(%dma_wait3A_229 : memref<!tpu.dma_semaphore, #tpu.memory_space<semaphore_mem>>) src(%dma_wait3A_227 : memref<10016x48xf32, #tpu.memory_space<vmem_shared>>) dst(%dma_wait3A_221 : memref<128x48xf32, #tpu.memory_space<vmem>>)
    %dma_start3A_230 = arith.constant 3 : i32
    %dma_start3A_231 = arith.constant 75 : i32
    %dma_start3A_232 = arith.constant 3 : i32
    %dma_start3A_233 = arith.constant 0 : i32
    %dma_start3A_234 = arith.constant 0 : i32
    %dma_start3A_235 = tpu.memref_slice %arg7[%dma_start3A_230, %dma_start3A_233, %dma_start3A_234] : memref<8x128x48xf32, #tpu.memory_space<vmem>> -> memref<1x128x48xf32, #tpu.memory_space<vmem>>
    %dma_start3A_236 = tpu.memref_squeeze %dma_start3A_235 : memref<1x128x48xf32, #tpu.memory_space<vmem>> -> memref<128x48xf32, #tpu.memory_space<vmem>>
    %dma_start3A_237 = arith.constant 0 : i32
    %dma_start3A_238 = tpu.memref_slice %arg6[%dma_start3A_231, %dma_start3A_237] : memref<80x128xi32, #tpu.memory_space<vmem>> -> memref<1x128xi32, #tpu.memory_space<vmem>>
    %dma_start3A_239 = tpu.memref_squeeze %dma_start3A_238 : memref<1x128xi32, #tpu.memory_space<vmem>> -> memref<128xi32, #tpu.memory_space<vmem>>
    %dma_start3A_240 = arith.constant 0 : i32
    %dma_start3A_241 = arith.constant 0 : i32
    %dma_start3A_242 = tpu.memref_slice %arg8[%dma_start3A_240, %dma_start3A_241] : memref<10016x48xf32, #tpu.memory_space<vmem_shared>> -> memref<10016x48xf32, #tpu.memory_space<vmem_shared>>
    %dma_start3A_243 = tpu.memref_slice %arg11[%dma_start3A_232] : memref<8x!tpu.dma_semaphore, #tpu.memory_space<semaphore_mem>> -> memref<1x!tpu.dma_semaphore, #tpu.memory_space<semaphore_mem>>
    %dma_start3A_244 = tpu.memref_squeeze %dma_start3A_243 : memref<1x!tpu.dma_semaphore, #tpu.memory_space<semaphore_mem>> -> memref<!tpu.dma_semaphore, #tpu.memory_space<semaphore_mem>>
    tpu.enqueue_indirect_dma source(%dma_start3A_236 : memref<128x48xf32, #tpu.memory_space<vmem>>) target(%dma_start3A_242 : memref<10016x48xf32, #tpu.memory_space<vmem_shared>>) offsets(%dma_start3A_239 : memref<128xi32, #tpu.memory_space<vmem>>) semaphore(%dma_start3A_244 : memref<!tpu.dma_semaphore, #tpu.memory_space<semaphore_mem>>) {add = true}
    %dma_wait3A_245 = arith.constant 76 : i32
    %dma_wait3A_246 = arith.constant 4 : i32
    %dma_wait3A_247 = arith.constant 4 : i32
    %dma_wait3A_248 = arith.constant 0 : i32
    %dma_wait3A_249 = arith.constant 0 : i32
    %dma_wait3A_250 = tpu.memref_slice %arg7[%dma_wait3A_246, %dma_wait3A_248, %dma_wait3A_249] : memref<8x128x48xf32, #tpu.memory_space<vmem>> -> memref<1x128x48xf32, #tpu.memory_space<vmem>>
    %dma_wait3A_251 = tpu.memref_squeeze %dma_wait3A_250 : memref<1x128x48xf32, #tpu.memory_space<vmem>> -> memref<128x48xf32, #tpu.memory_space<vmem>>
    %dma_wait3A_252 = arith.constant 0 : i32
    %dma_wait3A_253 = tpu.memref_slice %arg5[%dma_wait3A_245, %dma_wait3A_252] : memref<80x128xi32, #tpu.memory_space<vmem>> -> memref<1x128xi32, #tpu.memory_space<vmem>>
    %dma_wait3A_254 = tpu.memref_squeeze %dma_wait3A_253 : memref<1x128xi32, #tpu.memory_space<vmem>> -> memref<128xi32, #tpu.memory_space<vmem>>
    %dma_wait3A_255 = arith.constant 0 : i32
    %dma_wait3A_256 = arith.constant 0 : i32
    %dma_wait3A_257 = tpu.memref_slice %arg9[%dma_wait3A_255, %dma_wait3A_256] : memref<10016x48xf32, #tpu.memory_space<vmem_shared>> -> memref<10016x48xf32, #tpu.memory_space<vmem_shared>>
    %dma_wait3A_258 = tpu.memref_slice %arg10[%dma_wait3A_247] : memref<8x!tpu.dma_semaphore, #tpu.memory_space<semaphore_mem>> -> memref<1x!tpu.dma_semaphore, #tpu.memory_space<semaphore_mem>>
    %dma_wait3A_259 = tpu.memref_squeeze %dma_wait3A_258 : memref<1x!tpu.dma_semaphore, #tpu.memory_space<semaphore_mem>> -> memref<!tpu.dma_semaphore, #tpu.memory_space<semaphore_mem>>
    tpu.wait_indirect_dma semaphore(%dma_wait3A_259 : memref<!tpu.dma_semaphore, #tpu.memory_space<semaphore_mem>>) src(%dma_wait3A_257 : memref<10016x48xf32, #tpu.memory_space<vmem_shared>>) dst(%dma_wait3A_251 : memref<128x48xf32, #tpu.memory_space<vmem>>)
    %dma_start3A_260 = arith.constant 4 : i32
    %dma_start3A_261 = arith.constant 76 : i32
    %dma_start3A_262 = arith.constant 4 : i32
    %dma_start3A_263 = arith.constant 0 : i32
    %dma_start3A_264 = arith.constant 0 : i32
    %dma_start3A_265 = tpu.memref_slice %arg7[%dma_start3A_260, %dma_start3A_263, %dma_start3A_264] : memref<8x128x48xf32, #tpu.memory_space<vmem>> -> memref<1x128x48xf32, #tpu.memory_space<vmem>>
    %dma_start3A_266 = tpu.memref_squeeze %dma_start3A_265 : memref<1x128x48xf32, #tpu.memory_space<vmem>> -> memref<128x48xf32, #tpu.memory_space<vmem>>
    %dma_start3A_267 = arith.constant 0 : i32
    %dma_start3A_268 = tpu.memref_slice %arg6[%dma_start3A_261, %dma_start3A_267] : memref<80x128xi32, #tpu.memory_space<vmem>> -> memref<1x128xi32, #tpu.memory_space<vmem>>
    %dma_start3A_269 = tpu.memref_squeeze %dma_start3A_268 : memref<1x128xi32, #tpu.memory_space<vmem>> -> memref<128xi32, #tpu.memory_space<vmem>>
    %dma_start3A_270 = arith.constant 0 : i32
    %dma_start3A_271 = arith.constant 0 : i32
    %dma_start3A_272 = tpu.memref_slice %arg8[%dma_start3A_270, %dma_start3A_271] : memref<10016x48xf32, #tpu.memory_space<vmem_shared>> -> memref<10016x48xf32, #tpu.memory_space<vmem_shared>>
    %dma_start3A_273 = tpu.memref_slice %arg11[%dma_start3A_262] : memref<8x!tpu.dma_semaphore, #tpu.memory_space<semaphore_mem>> -> memref<1x!tpu.dma_semaphore, #tpu.memory_space<semaphore_mem>>
    %dma_start3A_274 = tpu.memref_squeeze %dma_start3A_273 : memref<1x!tpu.dma_semaphore, #tpu.memory_space<semaphore_mem>> -> memref<!tpu.dma_semaphore, #tpu.memory_space<semaphore_mem>>
    tpu.enqueue_indirect_dma source(%dma_start3A_266 : memref<128x48xf32, #tpu.memory_space<vmem>>) target(%dma_start3A_272 : memref<10016x48xf32, #tpu.memory_space<vmem_shared>>) offsets(%dma_start3A_269 : memref<128xi32, #tpu.memory_space<vmem>>) semaphore(%dma_start3A_274 : memref<!tpu.dma_semaphore, #tpu.memory_space<semaphore_mem>>) {add = true}
    %dma_wait3A_275 = arith.constant 77 : i32
    %dma_wait3A_276 = arith.constant 5 : i32
    %dma_wait3A_277 = arith.constant 5 : i32
    %dma_wait3A_278 = arith.constant 0 : i32
    %dma_wait3A_279 = arith.constant 0 : i32
    %dma_wait3A_280 = tpu.memref_slice %arg7[%dma_wait3A_276, %dma_wait3A_278, %dma_wait3A_279] : memref<8x128x48xf32, #tpu.memory_space<vmem>> -> memref<1x128x48xf32, #tpu.memory_space<vmem>>
    %dma_wait3A_281 = tpu.memref_squeeze %dma_wait3A_280 : memref<1x128x48xf32, #tpu.memory_space<vmem>> -> memref<128x48xf32, #tpu.memory_space<vmem>>
    %dma_wait3A_282 = arith.constant 0 : i32
    %dma_wait3A_283 = tpu.memref_slice %arg5[%dma_wait3A_275, %dma_wait3A_282] : memref<80x128xi32, #tpu.memory_space<vmem>> -> memref<1x128xi32, #tpu.memory_space<vmem>>
    %dma_wait3A_284 = tpu.memref_squeeze %dma_wait3A_283 : memref<1x128xi32, #tpu.memory_space<vmem>> -> memref<128xi32, #tpu.memory_space<vmem>>
    %dma_wait3A_285 = arith.constant 0 : i32
    %dma_wait3A_286 = arith.constant 0 : i32
    %dma_wait3A_287 = tpu.memref_slice %arg9[%dma_wait3A_285, %dma_wait3A_286] : memref<10016x48xf32, #tpu.memory_space<vmem_shared>> -> memref<10016x48xf32, #tpu.memory_space<vmem_shared>>
    %dma_wait3A_288 = tpu.memref_slice %arg10[%dma_wait3A_277] : memref<8x!tpu.dma_semaphore, #tpu.memory_space<semaphore_mem>> -> memref<1x!tpu.dma_semaphore, #tpu.memory_space<semaphore_mem>>
    %dma_wait3A_289 = tpu.memref_squeeze %dma_wait3A_288 : memref<1x!tpu.dma_semaphore, #tpu.memory_space<semaphore_mem>> -> memref<!tpu.dma_semaphore, #tpu.memory_space<semaphore_mem>>
    tpu.wait_indirect_dma semaphore(%dma_wait3A_289 : memref<!tpu.dma_semaphore, #tpu.memory_space<semaphore_mem>>) src(%dma_wait3A_287 : memref<10016x48xf32, #tpu.memory_space<vmem_shared>>) dst(%dma_wait3A_281 : memref<128x48xf32, #tpu.memory_space<vmem>>)
    %dma_start3A_290 = arith.constant 5 : i32
    %dma_start3A_291 = arith.constant 77 : i32
    %dma_start3A_292 = arith.constant 5 : i32
    %dma_start3A_293 = arith.constant 0 : i32
    %dma_start3A_294 = arith.constant 0 : i32
    %dma_start3A_295 = tpu.memref_slice %arg7[%dma_start3A_290, %dma_start3A_293, %dma_start3A_294] : memref<8x128x48xf32, #tpu.memory_space<vmem>> -> memref<1x128x48xf32, #tpu.memory_space<vmem>>
    %dma_start3A_296 = tpu.memref_squeeze %dma_start3A_295 : memref<1x128x48xf32, #tpu.memory_space<vmem>> -> memref<128x48xf32, #tpu.memory_space<vmem>>
    %dma_start3A_297 = arith.constant 0 : i32
    %dma_start3A_298 = tpu.memref_slice %arg6[%dma_start3A_291, %dma_start3A_297] : memref<80x128xi32, #tpu.memory_space<vmem>> -> memref<1x128xi32, #tpu.memory_space<vmem>>
    %dma_start3A_299 = tpu.memref_squeeze %dma_start3A_298 : memref<1x128xi32, #tpu.memory_space<vmem>> -> memref<128xi32, #tpu.memory_space<vmem>>
    %dma_start3A_300 = arith.constant 0 : i32
    %dma_start3A_301 = arith.constant 0 : i32
    %dma_start3A_302 = tpu.memref_slice %arg8[%dma_start3A_300, %dma_start3A_301] : memref<10016x48xf32, #tpu.memory_space<vmem_shared>> -> memref<10016x48xf32, #tpu.memory_space<vmem_shared>>
    %dma_start3A_303 = tpu.memref_slice %arg11[%dma_start3A_292] : memref<8x!tpu.dma_semaphore, #tpu.memory_space<semaphore_mem>> -> memref<1x!tpu.dma_semaphore, #tpu.memory_space<semaphore_mem>>
    %dma_start3A_304 = tpu.memref_squeeze %dma_start3A_303 : memref<1x!tpu.dma_semaphore, #tpu.memory_space<semaphore_mem>> -> memref<!tpu.dma_semaphore, #tpu.memory_space<semaphore_mem>>
    tpu.enqueue_indirect_dma source(%dma_start3A_296 : memref<128x48xf32, #tpu.memory_space<vmem>>) target(%dma_start3A_302 : memref<10016x48xf32, #tpu.memory_space<vmem_shared>>) offsets(%dma_start3A_299 : memref<128xi32, #tpu.memory_space<vmem>>) semaphore(%dma_start3A_304 : memref<!tpu.dma_semaphore, #tpu.memory_space<semaphore_mem>>) {add = true}
    %dma_wait3A_305 = arith.constant 78 : i32
    %dma_wait3A_306 = arith.constant 6 : i32
    %dma_wait3A_307 = arith.constant 6 : i32
    %dma_wait3A_308 = arith.constant 0 : i32
    %dma_wait3A_309 = arith.constant 0 : i32
    %dma_wait3A_310 = tpu.memref_slice %arg7[%dma_wait3A_306, %dma_wait3A_308, %dma_wait3A_309] : memref<8x128x48xf32, #tpu.memory_space<vmem>> -> memref<1x128x48xf32, #tpu.memory_space<vmem>>
    %dma_wait3A_311 = tpu.memref_squeeze %dma_wait3A_310 : memref<1x128x48xf32, #tpu.memory_space<vmem>> -> memref<128x48xf32, #tpu.memory_space<vmem>>
    %dma_wait3A_312 = arith.constant 0 : i32
    %dma_wait3A_313 = tpu.memref_slice %arg5[%dma_wait3A_305, %dma_wait3A_312] : memref<80x128xi32, #tpu.memory_space<vmem>> -> memref<1x128xi32, #tpu.memory_space<vmem>>
    %dma_wait3A_314 = tpu.memref_squeeze %dma_wait3A_313 : memref<1x128xi32, #tpu.memory_space<vmem>> -> memref<128xi32, #tpu.memory_space<vmem>>
    %dma_wait3A_315 = arith.constant 0 : i32
    %dma_wait3A_316 = arith.constant 0 : i32
    %dma_wait3A_317 = tpu.memref_slice %arg9[%dma_wait3A_315, %dma_wait3A_316] : memref<10016x48xf32, #tpu.memory_space<vmem_shared>> -> memref<10016x48xf32, #tpu.memory_space<vmem_shared>>
    %dma_wait3A_318 = tpu.memref_slice %arg10[%dma_wait3A_307] : memref<8x!tpu.dma_semaphore, #tpu.memory_space<semaphore_mem>> -> memref<1x!tpu.dma_semaphore, #tpu.memory_space<semaphore_mem>>
    %dma_wait3A_319 = tpu.memref_squeeze %dma_wait3A_318 : memref<1x!tpu.dma_semaphore, #tpu.memory_space<semaphore_mem>> -> memref<!tpu.dma_semaphore, #tpu.memory_space<semaphore_mem>>
    tpu.wait_indirect_dma semaphore(%dma_wait3A_319 : memref<!tpu.dma_semaphore, #tpu.memory_space<semaphore_mem>>) src(%dma_wait3A_317 : memref<10016x48xf32, #tpu.memory_space<vmem_shared>>) dst(%dma_wait3A_311 : memref<128x48xf32, #tpu.memory_space<vmem>>)
    %dma_start3A_320 = arith.constant 6 : i32
    %dma_start3A_321 = arith.constant 78 : i32
    %dma_start3A_322 = arith.constant 6 : i32
    %dma_start3A_323 = arith.constant 0 : i32
    %dma_start3A_324 = arith.constant 0 : i32
    %dma_start3A_325 = tpu.memref_slice %arg7[%dma_start3A_320, %dma_start3A_323, %dma_start3A_324] : memref<8x128x48xf32, #tpu.memory_space<vmem>> -> memref<1x128x48xf32, #tpu.memory_space<vmem>>
    %dma_start3A_326 = tpu.memref_squeeze %dma_start3A_325 : memref<1x128x48xf32, #tpu.memory_space<vmem>> -> memref<128x48xf32, #tpu.memory_space<vmem>>
    %dma_start3A_327 = arith.constant 0 : i32
    %dma_start3A_328 = tpu.memref_slice %arg6[%dma_start3A_321, %dma_start3A_327] : memref<80x128xi32, #tpu.memory_space<vmem>> -> memref<1x128xi32, #tpu.memory_space<vmem>>
    %dma_start3A_329 = tpu.memref_squeeze %dma_start3A_328 : memref<1x128xi32, #tpu.memory_space<vmem>> -> memref<128xi32, #tpu.memory_space<vmem>>
    %dma_start3A_330 = arith.constant 0 : i32
    %dma_start3A_331 = arith.constant 0 : i32
    %dma_start3A_332 = tpu.memref_slice %arg8[%dma_start3A_330, %dma_start3A_331] : memref<10016x48xf32, #tpu.memory_space<vmem_shared>> -> memref<10016x48xf32, #tpu.memory_space<vmem_shared>>
    %dma_start3A_333 = tpu.memref_slice %arg11[%dma_start3A_322] : memref<8x!tpu.dma_semaphore, #tpu.memory_space<semaphore_mem>> -> memref<1x!tpu.dma_semaphore, #tpu.memory_space<semaphore_mem>>
    %dma_start3A_334 = tpu.memref_squeeze %dma_start3A_333 : memref<1x!tpu.dma_semaphore, #tpu.memory_space<semaphore_mem>> -> memref<!tpu.dma_semaphore, #tpu.memory_space<semaphore_mem>>
    tpu.enqueue_indirect_dma source(%dma_start3A_326 : memref<128x48xf32, #tpu.memory_space<vmem>>) target(%dma_start3A_332 : memref<10016x48xf32, #tpu.memory_space<vmem_shared>>) offsets(%dma_start3A_329 : memref<128xi32, #tpu.memory_space<vmem>>) semaphore(%dma_start3A_334 : memref<!tpu.dma_semaphore, #tpu.memory_space<semaphore_mem>>) {add = true}
    %dma_wait3A_335 = arith.constant 79 : i32
    %dma_wait3A_336 = arith.constant 7 : i32
    %dma_wait3A_337 = arith.constant 7 : i32
    %dma_wait3A_338 = arith.constant 0 : i32
    %dma_wait3A_339 = arith.constant 0 : i32
    %dma_wait3A_340 = tpu.memref_slice %arg7[%dma_wait3A_336, %dma_wait3A_338, %dma_wait3A_339] : memref<8x128x48xf32, #tpu.memory_space<vmem>> -> memref<1x128x48xf32, #tpu.memory_space<vmem>>
    %dma_wait3A_341 = tpu.memref_squeeze %dma_wait3A_340 : memref<1x128x48xf32, #tpu.memory_space<vmem>> -> memref<128x48xf32, #tpu.memory_space<vmem>>
    %dma_wait3A_342 = arith.constant 0 : i32
    %dma_wait3A_343 = tpu.memref_slice %arg5[%dma_wait3A_335, %dma_wait3A_342] : memref<80x128xi32, #tpu.memory_space<vmem>> -> memref<1x128xi32, #tpu.memory_space<vmem>>
    %dma_wait3A_344 = tpu.memref_squeeze %dma_wait3A_343 : memref<1x128xi32, #tpu.memory_space<vmem>> -> memref<128xi32, #tpu.memory_space<vmem>>
    %dma_wait3A_345 = arith.constant 0 : i32
    %dma_wait3A_346 = arith.constant 0 : i32
    %dma_wait3A_347 = tpu.memref_slice %arg9[%dma_wait3A_345, %dma_wait3A_346] : memref<10016x48xf32, #tpu.memory_space<vmem_shared>> -> memref<10016x48xf32, #tpu.memory_space<vmem_shared>>
    %dma_wait3A_348 = tpu.memref_slice %arg10[%dma_wait3A_337] : memref<8x!tpu.dma_semaphore, #tpu.memory_space<semaphore_mem>> -> memref<1x!tpu.dma_semaphore, #tpu.memory_space<semaphore_mem>>
    %dma_wait3A_349 = tpu.memref_squeeze %dma_wait3A_348 : memref<1x!tpu.dma_semaphore, #tpu.memory_space<semaphore_mem>> -> memref<!tpu.dma_semaphore, #tpu.memory_space<semaphore_mem>>
    tpu.wait_indirect_dma semaphore(%dma_wait3A_349 : memref<!tpu.dma_semaphore, #tpu.memory_space<semaphore_mem>>) src(%dma_wait3A_347 : memref<10016x48xf32, #tpu.memory_space<vmem_shared>>) dst(%dma_wait3A_341 : memref<128x48xf32, #tpu.memory_space<vmem>>)
    %dma_start3A_350 = arith.constant 7 : i32
    %dma_start3A_351 = arith.constant 79 : i32
    %dma_start3A_352 = arith.constant 7 : i32
    %dma_start3A_353 = arith.constant 0 : i32
    %dma_start3A_354 = arith.constant 0 : i32
    %dma_start3A_355 = tpu.memref_slice %arg7[%dma_start3A_350, %dma_start3A_353, %dma_start3A_354] : memref<8x128x48xf32, #tpu.memory_space<vmem>> -> memref<1x128x48xf32, #tpu.memory_space<vmem>>
    %dma_start3A_356 = tpu.memref_squeeze %dma_start3A_355 : memref<1x128x48xf32, #tpu.memory_space<vmem>> -> memref<128x48xf32, #tpu.memory_space<vmem>>
    %dma_start3A_357 = arith.constant 0 : i32
    %dma_start3A_358 = tpu.memref_slice %arg6[%dma_start3A_351, %dma_start3A_357] : memref<80x128xi32, #tpu.memory_space<vmem>> -> memref<1x128xi32, #tpu.memory_space<vmem>>
    %dma_start3A_359 = tpu.memref_squeeze %dma_start3A_358 : memref<1x128xi32, #tpu.memory_space<vmem>> -> memref<128xi32, #tpu.memory_space<vmem>>
    %dma_start3A_360 = arith.constant 0 : i32
    %dma_start3A_361 = arith.constant 0 : i32
    %dma_start3A_362 = tpu.memref_slice %arg8[%dma_start3A_360, %dma_start3A_361] : memref<10016x48xf32, #tpu.memory_space<vmem_shared>> -> memref<10016x48xf32, #tpu.memory_space<vmem_shared>>
    %dma_start3A_363 = tpu.memref_slice %arg11[%dma_start3A_352] : memref<8x!tpu.dma_semaphore, #tpu.memory_space<semaphore_mem>> -> memref<1x!tpu.dma_semaphore, #tpu.memory_space<semaphore_mem>>
    %dma_start3A_364 = tpu.memref_squeeze %dma_start3A_363 : memref<1x!tpu.dma_semaphore, #tpu.memory_space<semaphore_mem>> -> memref<!tpu.dma_semaphore, #tpu.memory_space<semaphore_mem>>
    tpu.enqueue_indirect_dma source(%dma_start3A_356 : memref<128x48xf32, #tpu.memory_space<vmem>>) target(%dma_start3A_362 : memref<10016x48xf32, #tpu.memory_space<vmem_shared>>) offsets(%dma_start3A_359 : memref<128xi32, #tpu.memory_space<vmem>>) semaphore(%dma_start3A_364 : memref<!tpu.dma_semaphore, #tpu.memory_space<semaphore_mem>>) {add = true}
    %dma_wait3A_365 = arith.constant 0 : i32
    %dma_wait3A_366 = arith.constant 72 : i32
    %dma_wait3A_367 = arith.constant 0 : i32
    %dma_wait3A_368 = arith.constant 0 : i32
    %dma_wait3A_369 = arith.constant 0 : i32
    %dma_wait3A_370 = tpu.memref_slice %arg7[%dma_wait3A_365, %dma_wait3A_368, %dma_wait3A_369] : memref<8x128x48xf32, #tpu.memory_space<vmem>> -> memref<1x128x48xf32, #tpu.memory_space<vmem>>
    %dma_wait3A_371 = tpu.memref_squeeze %dma_wait3A_370 : memref<1x128x48xf32, #tpu.memory_space<vmem>> -> memref<128x48xf32, #tpu.memory_space<vmem>>
    %dma_wait3A_372 = arith.constant 0 : i32
    %dma_wait3A_373 = tpu.memref_slice %arg6[%dma_wait3A_366, %dma_wait3A_372] : memref<80x128xi32, #tpu.memory_space<vmem>> -> memref<1x128xi32, #tpu.memory_space<vmem>>
    %dma_wait3A_374 = tpu.memref_squeeze %dma_wait3A_373 : memref<1x128xi32, #tpu.memory_space<vmem>> -> memref<128xi32, #tpu.memory_space<vmem>>
    %dma_wait3A_375 = arith.constant 0 : i32
    %dma_wait3A_376 = arith.constant 0 : i32
    %dma_wait3A_377 = tpu.memref_slice %arg8[%dma_wait3A_375, %dma_wait3A_376] : memref<10016x48xf32, #tpu.memory_space<vmem_shared>> -> memref<10016x48xf32, #tpu.memory_space<vmem_shared>>
    %dma_wait3A_378 = tpu.memref_slice %arg11[%dma_wait3A_367] : memref<8x!tpu.dma_semaphore, #tpu.memory_space<semaphore_mem>> -> memref<1x!tpu.dma_semaphore, #tpu.memory_space<semaphore_mem>>
    %dma_wait3A_379 = tpu.memref_squeeze %dma_wait3A_378 : memref<1x!tpu.dma_semaphore, #tpu.memory_space<semaphore_mem>> -> memref<!tpu.dma_semaphore, #tpu.memory_space<semaphore_mem>>
    tpu.wait_indirect_dma semaphore(%dma_wait3A_379 : memref<!tpu.dma_semaphore, #tpu.memory_space<semaphore_mem>>) src(%dma_wait3A_371 : memref<128x48xf32, #tpu.memory_space<vmem>>) dst(%dma_wait3A_377 : memref<10016x48xf32, #tpu.memory_space<vmem_shared>>)
    %dma_wait3A_380 = arith.constant 1 : i32
    %dma_wait3A_381 = arith.constant 73 : i32
    %dma_wait3A_382 = arith.constant 1 : i32
    %dma_wait3A_383 = arith.constant 0 : i32
    %dma_wait3A_384 = arith.constant 0 : i32
    %dma_wait3A_385 = tpu.memref_slice %arg7[%dma_wait3A_380, %dma_wait3A_383, %dma_wait3A_384] : memref<8x128x48xf32, #tpu.memory_space<vmem>> -> memref<1x128x48xf32, #tpu.memory_space<vmem>>
    %dma_wait3A_386 = tpu.memref_squeeze %dma_wait3A_385 : memref<1x128x48xf32, #tpu.memory_space<vmem>> -> memref<128x48xf32, #tpu.memory_space<vmem>>
    %dma_wait3A_387 = arith.constant 0 : i32
    %dma_wait3A_388 = tpu.memref_slice %arg6[%dma_wait3A_381, %dma_wait3A_387] : memref<80x128xi32, #tpu.memory_space<vmem>> -> memref<1x128xi32, #tpu.memory_space<vmem>>
    %dma_wait3A_389 = tpu.memref_squeeze %dma_wait3A_388 : memref<1x128xi32, #tpu.memory_space<vmem>> -> memref<128xi32, #tpu.memory_space<vmem>>
    %dma_wait3A_390 = arith.constant 0 : i32
    %dma_wait3A_391 = arith.constant 0 : i32
    %dma_wait3A_392 = tpu.memref_slice %arg8[%dma_wait3A_390, %dma_wait3A_391] : memref<10016x48xf32, #tpu.memory_space<vmem_shared>> -> memref<10016x48xf32, #tpu.memory_space<vmem_shared>>
    %dma_wait3A_393 = tpu.memref_slice %arg11[%dma_wait3A_382] : memref<8x!tpu.dma_semaphore, #tpu.memory_space<semaphore_mem>> -> memref<1x!tpu.dma_semaphore, #tpu.memory_space<semaphore_mem>>
    %dma_wait3A_394 = tpu.memref_squeeze %dma_wait3A_393 : memref<1x!tpu.dma_semaphore, #tpu.memory_space<semaphore_mem>> -> memref<!tpu.dma_semaphore, #tpu.memory_space<semaphore_mem>>
    tpu.wait_indirect_dma semaphore(%dma_wait3A_394 : memref<!tpu.dma_semaphore, #tpu.memory_space<semaphore_mem>>) src(%dma_wait3A_386 : memref<128x48xf32, #tpu.memory_space<vmem>>) dst(%dma_wait3A_392 : memref<10016x48xf32, #tpu.memory_space<vmem_shared>>)
    %dma_wait3A_395 = arith.constant 2 : i32
    %dma_wait3A_396 = arith.constant 74 : i32
    %dma_wait3A_397 = arith.constant 2 : i32
    %dma_wait3A_398 = arith.constant 0 : i32
    %dma_wait3A_399 = arith.constant 0 : i32
    %dma_wait3A_400 = tpu.memref_slice %arg7[%dma_wait3A_395, %dma_wait3A_398, %dma_wait3A_399] : memref<8x128x48xf32, #tpu.memory_space<vmem>> -> memref<1x128x48xf32, #tpu.memory_space<vmem>>
    %dma_wait3A_401 = tpu.memref_squeeze %dma_wait3A_400 : memref<1x128x48xf32, #tpu.memory_space<vmem>> -> memref<128x48xf32, #tpu.memory_space<vmem>>
    %dma_wait3A_402 = arith.constant 0 : i32
    %dma_wait3A_403 = tpu.memref_slice %arg6[%dma_wait3A_396, %dma_wait3A_402] : memref<80x128xi32, #tpu.memory_space<vmem>> -> memref<1x128xi32, #tpu.memory_space<vmem>>
    %dma_wait3A_404 = tpu.memref_squeeze %dma_wait3A_403 : memref<1x128xi32, #tpu.memory_space<vmem>> -> memref<128xi32, #tpu.memory_space<vmem>>
    %dma_wait3A_405 = arith.constant 0 : i32
    %dma_wait3A_406 = arith.constant 0 : i32
    %dma_wait3A_407 = tpu.memref_slice %arg8[%dma_wait3A_405, %dma_wait3A_406] : memref<10016x48xf32, #tpu.memory_space<vmem_shared>> -> memref<10016x48xf32, #tpu.memory_space<vmem_shared>>
    %dma_wait3A_408 = tpu.memref_slice %arg11[%dma_wait3A_397] : memref<8x!tpu.dma_semaphore, #tpu.memory_space<semaphore_mem>> -> memref<1x!tpu.dma_semaphore, #tpu.memory_space<semaphore_mem>>
    %dma_wait3A_409 = tpu.memref_squeeze %dma_wait3A_408 : memref<1x!tpu.dma_semaphore, #tpu.memory_space<semaphore_mem>> -> memref<!tpu.dma_semaphore, #tpu.memory_space<semaphore_mem>>
    tpu.wait_indirect_dma semaphore(%dma_wait3A_409 : memref<!tpu.dma_semaphore, #tpu.memory_space<semaphore_mem>>) src(%dma_wait3A_401 : memref<128x48xf32, #tpu.memory_space<vmem>>) dst(%dma_wait3A_407 : memref<10016x48xf32, #tpu.memory_space<vmem_shared>>)
    %dma_wait3A_410 = arith.constant 3 : i32
    %dma_wait3A_411 = arith.constant 75 : i32
    %dma_wait3A_412 = arith.constant 3 : i32
    %dma_wait3A_413 = arith.constant 0 : i32
    %dma_wait3A_414 = arith.constant 0 : i32
    %dma_wait3A_415 = tpu.memref_slice %arg7[%dma_wait3A_410, %dma_wait3A_413, %dma_wait3A_414] : memref<8x128x48xf32, #tpu.memory_space<vmem>> -> memref<1x128x48xf32, #tpu.memory_space<vmem>>
    %dma_wait3A_416 = tpu.memref_squeeze %dma_wait3A_415 : memref<1x128x48xf32, #tpu.memory_space<vmem>> -> memref<128x48xf32, #tpu.memory_space<vmem>>
    %dma_wait3A_417 = arith.constant 0 : i32
    %dma_wait3A_418 = tpu.memref_slice %arg6[%dma_wait3A_411, %dma_wait3A_417] : memref<80x128xi32, #tpu.memory_space<vmem>> -> memref<1x128xi32, #tpu.memory_space<vmem>>
    %dma_wait3A_419 = tpu.memref_squeeze %dma_wait3A_418 : memref<1x128xi32, #tpu.memory_space<vmem>> -> memref<128xi32, #tpu.memory_space<vmem>>
    %dma_wait3A_420 = arith.constant 0 : i32
    %dma_wait3A_421 = arith.constant 0 : i32
    %dma_wait3A_422 = tpu.memref_slice %arg8[%dma_wait3A_420, %dma_wait3A_421] : memref<10016x48xf32, #tpu.memory_space<vmem_shared>> -> memref<10016x48xf32, #tpu.memory_space<vmem_shared>>
    %dma_wait3A_423 = tpu.memref_slice %arg11[%dma_wait3A_412] : memref<8x!tpu.dma_semaphore, #tpu.memory_space<semaphore_mem>> -> memref<1x!tpu.dma_semaphore, #tpu.memory_space<semaphore_mem>>
    %dma_wait3A_424 = tpu.memref_squeeze %dma_wait3A_423 : memref<1x!tpu.dma_semaphore, #tpu.memory_space<semaphore_mem>> -> memref<!tpu.dma_semaphore, #tpu.memory_space<semaphore_mem>>
    tpu.wait_indirect_dma semaphore(%dma_wait3A_424 : memref<!tpu.dma_semaphore, #tpu.memory_space<semaphore_mem>>) src(%dma_wait3A_416 : memref<128x48xf32, #tpu.memory_space<vmem>>) dst(%dma_wait3A_422 : memref<10016x48xf32, #tpu.memory_space<vmem_shared>>)
    %dma_wait3A_425 = arith.constant 4 : i32
    %dma_wait3A_426 = arith.constant 76 : i32
    %dma_wait3A_427 = arith.constant 4 : i32
    %dma_wait3A_428 = arith.constant 0 : i32
    %dma_wait3A_429 = arith.constant 0 : i32
    %dma_wait3A_430 = tpu.memref_slice %arg7[%dma_wait3A_425, %dma_wait3A_428, %dma_wait3A_429] : memref<8x128x48xf32, #tpu.memory_space<vmem>> -> memref<1x128x48xf32, #tpu.memory_space<vmem>>
    %dma_wait3A_431 = tpu.memref_squeeze %dma_wait3A_430 : memref<1x128x48xf32, #tpu.memory_space<vmem>> -> memref<128x48xf32, #tpu.memory_space<vmem>>
    %dma_wait3A_432 = arith.constant 0 : i32
    %dma_wait3A_433 = tpu.memref_slice %arg6[%dma_wait3A_426, %dma_wait3A_432] : memref<80x128xi32, #tpu.memory_space<vmem>> -> memref<1x128xi32, #tpu.memory_space<vmem>>
    %dma_wait3A_434 = tpu.memref_squeeze %dma_wait3A_433 : memref<1x128xi32, #tpu.memory_space<vmem>> -> memref<128xi32, #tpu.memory_space<vmem>>
    %dma_wait3A_435 = arith.constant 0 : i32
    %dma_wait3A_436 = arith.constant 0 : i32
    %dma_wait3A_437 = tpu.memref_slice %arg8[%dma_wait3A_435, %dma_wait3A_436] : memref<10016x48xf32, #tpu.memory_space<vmem_shared>> -> memref<10016x48xf32, #tpu.memory_space<vmem_shared>>
    %dma_wait3A_438 = tpu.memref_slice %arg11[%dma_wait3A_427] : memref<8x!tpu.dma_semaphore, #tpu.memory_space<semaphore_mem>> -> memref<1x!tpu.dma_semaphore, #tpu.memory_space<semaphore_mem>>
    %dma_wait3A_439 = tpu.memref_squeeze %dma_wait3A_438 : memref<1x!tpu.dma_semaphore, #tpu.memory_space<semaphore_mem>> -> memref<!tpu.dma_semaphore, #tpu.memory_space<semaphore_mem>>
    tpu.wait_indirect_dma semaphore(%dma_wait3A_439 : memref<!tpu.dma_semaphore, #tpu.memory_space<semaphore_mem>>) src(%dma_wait3A_431 : memref<128x48xf32, #tpu.memory_space<vmem>>) dst(%dma_wait3A_437 : memref<10016x48xf32, #tpu.memory_space<vmem_shared>>)
    %dma_wait3A_440 = arith.constant 5 : i32
    %dma_wait3A_441 = arith.constant 77 : i32
    %dma_wait3A_442 = arith.constant 5 : i32
    %dma_wait3A_443 = arith.constant 0 : i32
    %dma_wait3A_444 = arith.constant 0 : i32
    %dma_wait3A_445 = tpu.memref_slice %arg7[%dma_wait3A_440, %dma_wait3A_443, %dma_wait3A_444] : memref<8x128x48xf32, #tpu.memory_space<vmem>> -> memref<1x128x48xf32, #tpu.memory_space<vmem>>
    %dma_wait3A_446 = tpu.memref_squeeze %dma_wait3A_445 : memref<1x128x48xf32, #tpu.memory_space<vmem>> -> memref<128x48xf32, #tpu.memory_space<vmem>>
    %dma_wait3A_447 = arith.constant 0 : i32
    %dma_wait3A_448 = tpu.memref_slice %arg6[%dma_wait3A_441, %dma_wait3A_447] : memref<80x128xi32, #tpu.memory_space<vmem>> -> memref<1x128xi32, #tpu.memory_space<vmem>>
    %dma_wait3A_449 = tpu.memref_squeeze %dma_wait3A_448 : memref<1x128xi32, #tpu.memory_space<vmem>> -> memref<128xi32, #tpu.memory_space<vmem>>
    %dma_wait3A_450 = arith.constant 0 : i32
    %dma_wait3A_451 = arith.constant 0 : i32
    %dma_wait3A_452 = tpu.memref_slice %arg8[%dma_wait3A_450, %dma_wait3A_451] : memref<10016x48xf32, #tpu.memory_space<vmem_shared>> -> memref<10016x48xf32, #tpu.memory_space<vmem_shared>>
    %dma_wait3A_453 = tpu.memref_slice %arg11[%dma_wait3A_442] : memref<8x!tpu.dma_semaphore, #tpu.memory_space<semaphore_mem>> -> memref<1x!tpu.dma_semaphore, #tpu.memory_space<semaphore_mem>>
    %dma_wait3A_454 = tpu.memref_squeeze %dma_wait3A_453 : memref<1x!tpu.dma_semaphore, #tpu.memory_space<semaphore_mem>> -> memref<!tpu.dma_semaphore, #tpu.memory_space<semaphore_mem>>
    tpu.wait_indirect_dma semaphore(%dma_wait3A_454 : memref<!tpu.dma_semaphore, #tpu.memory_space<semaphore_mem>>) src(%dma_wait3A_446 : memref<128x48xf32, #tpu.memory_space<vmem>>) dst(%dma_wait3A_452 : memref<10016x48xf32, #tpu.memory_space<vmem_shared>>)
    %dma_wait3A_455 = arith.constant 6 : i32
    %dma_wait3A_456 = arith.constant 78 : i32
    %dma_wait3A_457 = arith.constant 6 : i32
    %dma_wait3A_458 = arith.constant 0 : i32
    %dma_wait3A_459 = arith.constant 0 : i32
    %dma_wait3A_460 = tpu.memref_slice %arg7[%dma_wait3A_455, %dma_wait3A_458, %dma_wait3A_459] : memref<8x128x48xf32, #tpu.memory_space<vmem>> -> memref<1x128x48xf32, #tpu.memory_space<vmem>>
    %dma_wait3A_461 = tpu.memref_squeeze %dma_wait3A_460 : memref<1x128x48xf32, #tpu.memory_space<vmem>> -> memref<128x48xf32, #tpu.memory_space<vmem>>
    %dma_wait3A_462 = arith.constant 0 : i32
    %dma_wait3A_463 = tpu.memref_slice %arg6[%dma_wait3A_456, %dma_wait3A_462] : memref<80x128xi32, #tpu.memory_space<vmem>> -> memref<1x128xi32, #tpu.memory_space<vmem>>
    %dma_wait3A_464 = tpu.memref_squeeze %dma_wait3A_463 : memref<1x128xi32, #tpu.memory_space<vmem>> -> memref<128xi32, #tpu.memory_space<vmem>>
    %dma_wait3A_465 = arith.constant 0 : i32
    %dma_wait3A_466 = arith.constant 0 : i32
    %dma_wait3A_467 = tpu.memref_slice %arg8[%dma_wait3A_465, %dma_wait3A_466] : memref<10016x48xf32, #tpu.memory_space<vmem_shared>> -> memref<10016x48xf32, #tpu.memory_space<vmem_shared>>
    %dma_wait3A_468 = tpu.memref_slice %arg11[%dma_wait3A_457] : memref<8x!tpu.dma_semaphore, #tpu.memory_space<semaphore_mem>> -> memref<1x!tpu.dma_semaphore, #tpu.memory_space<semaphore_mem>>
    %dma_wait3A_469 = tpu.memref_squeeze %dma_wait3A_468 : memref<1x!tpu.dma_semaphore, #tpu.memory_space<semaphore_mem>> -> memref<!tpu.dma_semaphore, #tpu.memory_space<semaphore_mem>>
    tpu.wait_indirect_dma semaphore(%dma_wait3A_469 : memref<!tpu.dma_semaphore, #tpu.memory_space<semaphore_mem>>) src(%dma_wait3A_461 : memref<128x48xf32, #tpu.memory_space<vmem>>) dst(%dma_wait3A_467 : memref<10016x48xf32, #tpu.memory_space<vmem_shared>>)
    %dma_wait3A_470 = arith.constant 7 : i32
    %dma_wait3A_471 = arith.constant 79 : i32
    %dma_wait3A_472 = arith.constant 7 : i32
    %dma_wait3A_473 = arith.constant 0 : i32
    %dma_wait3A_474 = arith.constant 0 : i32
    %dma_wait3A_475 = tpu.memref_slice %arg7[%dma_wait3A_470, %dma_wait3A_473, %dma_wait3A_474] : memref<8x128x48xf32, #tpu.memory_space<vmem>> -> memref<1x128x48xf32, #tpu.memory_space<vmem>>
    %dma_wait3A_476 = tpu.memref_squeeze %dma_wait3A_475 : memref<1x128x48xf32, #tpu.memory_space<vmem>> -> memref<128x48xf32, #tpu.memory_space<vmem>>
    %dma_wait3A_477 = arith.constant 0 : i32
    %dma_wait3A_478 = tpu.memref_slice %arg6[%dma_wait3A_471, %dma_wait3A_477] : memref<80x128xi32, #tpu.memory_space<vmem>> -> memref<1x128xi32, #tpu.memory_space<vmem>>
    %dma_wait3A_479 = tpu.memref_squeeze %dma_wait3A_478 : memref<1x128xi32, #tpu.memory_space<vmem>> -> memref<128xi32, #tpu.memory_space<vmem>>
    %dma_wait3A_480 = arith.constant 0 : i32
    %dma_wait3A_481 = arith.constant 0 : i32
    %dma_wait3A_482 = tpu.memref_slice %arg8[%dma_wait3A_480, %dma_wait3A_481] : memref<10016x48xf32, #tpu.memory_space<vmem_shared>> -> memref<10016x48xf32, #tpu.memory_space<vmem_shared>>
    %dma_wait3A_483 = tpu.memref_slice %arg11[%dma_wait3A_472] : memref<8x!tpu.dma_semaphore, #tpu.memory_space<semaphore_mem>> -> memref<1x!tpu.dma_semaphore, #tpu.memory_space<semaphore_mem>>
    %dma_wait3A_484 = tpu.memref_squeeze %dma_wait3A_483 : memref<1x!tpu.dma_semaphore, #tpu.memory_space<semaphore_mem>> -> memref<!tpu.dma_semaphore, #tpu.memory_space<semaphore_mem>>
    tpu.wait_indirect_dma semaphore(%dma_wait3A_484 : memref<!tpu.dma_semaphore, #tpu.memory_space<semaphore_mem>>) src(%dma_wait3A_476 : memref<128x48xf32, #tpu.memory_space<vmem>>) dst(%dma_wait3A_482 : memref<10016x48xf32, #tpu.memory_space<vmem_shared>>)
    %barrier3A_485 = arith.constant 0 : index
    tpu.barrier barrier_id(%barrier3A_485)
    "tpu.region"() ({
      %run_scoped3A_486 = tpu.sem_alloc : memref<!tpu.dma_semaphore, #tpu.memory_space<semaphore_mem>>
      %dma_start3A_487 = arith.constant 0 : i32
      %dma_start3A_488 = tpu.memref_slice %arg4[%arg0, %mul3A_0, %dma_start3A_487] : memref<2x10000x48xf32, #tpu.memory_space<hbm>> -> memref<1x625x48xf32, #tpu.memory_space<hbm>>
      %dma_start3A_489 = tpu.memref_squeeze %dma_start3A_488 : memref<1x625x48xf32, #tpu.memory_space<hbm>> -> memref<625x48xf32, #tpu.memory_space<hbm>>
      %dma_start3A_490 = arith.constant 0 : i32
      %dma_start3A_491 = tpu.memref_slice %arg8[%mul3A_0, %dma_start3A_490] : memref<10016x48xf32, #tpu.memory_space<vmem_shared>> -> memref<625x48xf32, #tpu.memory_space<vmem_shared>>
      tpu.enqueue_dma source(%dma_start3A_491 : memref<625x48xf32, #tpu.memory_space<vmem_shared>>) target(%dma_start3A_489 : memref<625x48xf32, #tpu.memory_space<hbm>>) target_semaphore(%run_scoped3A_486 : memref<!tpu.dma_semaphore, #tpu.memory_space<semaphore_mem>>)
      %dma_wait3A_492 = arith.constant 0 : i32
      %dma_wait3A_493 = tpu.memref_slice %arg4[%arg0, %mul3A_0, %dma_wait3A_492] : memref<2x10000x48xf32, #tpu.memory_space<hbm>> -> memref<1x625x48xf32, #tpu.memory_space<hbm>>
      %dma_wait3A_494 = tpu.memref_squeeze %dma_wait3A_493 : memref<1x625x48xf32, #tpu.memory_space<hbm>> -> memref<625x48xf32, #tpu.memory_space<hbm>>
      %dma_wait3A_495 = arith.constant 0 : i32
      %dma_wait3A_496 = tpu.memref_slice %arg8[%mul3A_0, %dma_wait3A_495] : memref<10016x48xf32, #tpu.memory_space<vmem_shared>> -> memref<625x48xf32, #tpu.memory_space<vmem_shared>>
      tpu.wait_dma2 semaphore(%run_scoped3A_486 : memref<!tpu.dma_semaphore, #tpu.memory_space<semaphore_mem>>) src(%dma_wait3A_496 : memref<625x48xf32, #tpu.memory_space<vmem_shared>>) dst(%dma_wait3A_494 : memref<625x48xf32, #tpu.memory_space<hbm>>)
      tpu.yield
    }) : () -> ()
    return
  }
}

module attributes {stable_mosaic.version = 14 : i64} {
  func.func @_tc_b_body(%arg0: i32, %arg1: memref<2x5000x16xf32, #tpu.memory_space<vmem>>, %arg2: memref<5000x128xf32, #tpu.memory_space<vmem>>, %arg3: memref<128x36xf32, #tpu.memory_space<vmem>>, %arg4: memref<5000x48xf32, #tpu.memory_space<vmem>>, %arg5: memref<5000x1xf32, #tpu.memory_space<vmem>>) attributes {dimension_semantics = [#tpu.dimension_semantics<arbitrary>], iteration_bounds = array<i64: 2>, scalar_prefetch = 0 : i64, scratch_operands = 0 : i64, tpu.core_type = #tpu.core_type<tc>, window_params = [{transform_indices = @transform_0, window_bounds = array<i64: 2, 5000, 16>}, {transform_indices = @transform_1, window_bounds = array<i64: 5000, 128>}, {pipeline_mode = #tpu.pipeline_mode<synchronous>, transform_indices = @transform_2, window_bounds = array<i64: 128, 36>}, {transform_indices = @transform_3, window_bounds = array<i64: 5000, 48>}, {transform_indices = @transform_4, window_bounds = array<i64: 5000, 1>}]} {
    %get3A = arith.constant 0 : index
    %get3A_0 = arith.constant 0 : index
    %get3A_1 = arith.constant 0 : index
    %get3A_2 = vector.load %arg1[%get3A, %get3A_0, %get3A_1] : memref<2x5000x16xf32, #tpu.memory_space<vmem>>, vector<1x5000x1xf32>
    %get3A_3 = vector.shape_cast %get3A_2 : vector<1x5000x1xf32> to vector<5000x1xf32>
    %get3A_4 = arith.constant 1 : index
    %get3A_5 = arith.constant 0 : index
    %get3A_6 = arith.constant 0 : index
    %get3A_7 = vector.load %arg1[%get3A_4, %get3A_5, %get3A_6] : memref<2x5000x16xf32, #tpu.memory_space<vmem>>, vector<1x5000x1xf32>
    %get3A_8 = vector.shape_cast %get3A_7 : vector<1x5000x1xf32> to vector<5000x1xf32>
    %add3A = arith.addf %get3A_3, %get3A_8 : vector<5000x1xf32>
    %add3A_9 = arith.constant 1.000000e+00 : f32
    %add3A_10 = vector.broadcast %add3A_9 : f32 to vector<5000x1xf32>
    %add3A_11 = arith.addf %add3A, %add3A_10 : vector<5000x1xf32>
    %rsqrt3A = math.rsqrt %add3A_11 : vector<5000x1xf32>
    %get3A_12 = arith.constant 0 : index
    %get3A_13 = arith.constant 0 : index
    %get3A_14 = vector.load %arg2[%get3A_12, %get3A_13] : memref<5000x128xf32, #tpu.memory_space<vmem>>, vector<5000x128xf32>
    %get3A_15 = arith.constant 0 : index
    %get3A_16 = arith.constant 0 : index
    %get3A_17 = vector.load %arg3[%get3A_15, %get3A_16] : memref<128x36xf32, #tpu.memory_space<vmem>>, vector<128x36xf32>
    %convert_element_type3A = arith.truncf %get3A_14 : vector<5000x128xf32> to vector<5000x128xbf16>
    %convert_element_type3A_18 = arith.extf %convert_element_type3A : vector<5000x128xbf16> to vector<5000x128xf32>
    %convert_element_type3A_19 = arith.truncf %get3A_17 : vector<128x36xf32> to vector<128x36xbf16>
    %convert_element_type3A_20 = arith.extf %convert_element_type3A_19 : vector<128x36xbf16> to vector<128x36xf32>
    %dot_general3A = arith.constant dense<0.000000e+00> : vector<5000x36xf32>
    %dot_general3A_21 = tpu.matmul %convert_element_type3A_18, %convert_element_type3A_20, %dot_general3A {dimension_numbers = #tpu.dot_dimension_numbers<[1], [0], [0], [1], [0, 0, 1, 1], [], []>, transpose_lhs_hint = false} : vector<5000x128xf32>, vector<128x36xf32>, vector<5000x36xf32> -> vector<5000x36xf32>
    %mul3A = vector.broadcast %rsqrt3A : vector<5000x1xf32> to vector<5000x36xf32>
    %mul3A_22 = arith.mulf %mul3A, %dot_general3A_21 : vector<5000x36xf32>
    %broadcast_in_dim3A = arith.constant 0.000000e+00 : f32
    %broadcast_in_dim3A_23 = vector.broadcast %broadcast_in_dim3A : f32 to vector<5000x12xf32>
    %concatenate3A = tpu.concatenate %mul3A_22, %broadcast_in_dim3A_23 in 1 : vector<5000x36xf32>, vector<5000x12xf32> -> vector<5000x48xf32>
    %swap3A = arith.constant 0 : index
    %swap3A_24 = arith.constant 0 : index
    %swap3A_25 = vector.load %arg4[%swap3A, %swap3A_24] : memref<5000x48xf32, #tpu.memory_space<vmem>>, vector<5000x48xf32>
    tpu.vector_store %arg4[%swap3A, %swap3A_24], %concatenate3A {strides = array<i32>} : memref<5000x48xf32, #tpu.memory_space<vmem>>, vector<5000x48xf32>,
    %swap3A_26 = arith.constant 0 : index
    %swap3A_27 = arith.constant 0 : index
    %swap3A_28 = vector.load %arg5[%swap3A_26, %swap3A_27] : memref<5000x1xf32, #tpu.memory_space<vmem>>, vector<5000x1xf32>
    tpu.vector_store %arg5[%swap3A_26, %swap3A_27], %rsqrt3A {strides = array<i32>} : memref<5000x1xf32, #tpu.memory_space<vmem>>, vector<5000x1xf32>,
    return
  }
  func.func @transform_0(%arg0: i32) -> (i32, i32, i32) {
    %c0_i32 = arith.constant 0 : i32
    %c0_i32_0 = arith.constant 0 : i32
    %c0_i32_1 = arith.constant 0 : i32
    return %c0_i32, %arg0, %c0_i32_0 : i32, i32, i32
  }
  func.func @transform_1(%arg0: i32) -> (i32, i32) {
    %c0_i32 = arith.constant 0 : i32
    %c0_i32_0 = arith.constant 0 : i32
    return %arg0, %c0_i32 : i32, i32
  }
  func.func @transform_2(%arg0: i32) -> (i32, i32) {
    %c0_i32 = arith.constant 0 : i32
    %c0_i32_0 = arith.constant 0 : i32
    %c0_i32_1 = arith.constant 0 : i32
    return %c0_i32, %c0_i32_0 : i32, i32
  }
  func.func @transform_3(%arg0: i32) -> (i32, i32) {
    %c0_i32 = arith.constant 0 : i32
    %c0_i32_0 = arith.constant 0 : i32
    return %arg0, %c0_i32 : i32, i32
  }
  func.func @transform_4(%arg0: i32) -> (i32, i32) {
    %c0_i32 = arith.constant 0 : i32
    %c0_i32_0 = arith.constant 0 : i32
    return %arg0, %c0_i32 : i32, i32
  }
}

module attributes {stable_mosaic.version = 14 : i64} {
  func.func @_tc_d_body(%arg0: i32, %arg1: memref<2x5000x48xf32, #tpu.memory_space<vmem>>, %arg2: memref<5000x48xf32, #tpu.memory_space<vmem>>, %arg3: memref<5000x1xf32, #tpu.memory_space<vmem>>, %arg4: memref<1x48xf32, #tpu.memory_space<vmem>>, %arg5: memref<48x16xf32, #tpu.memory_space<vmem>>, %arg6: memref<5000x16xf32, #tpu.memory_space<vmem>>) attributes {dimension_semantics = [#tpu.dimension_semantics<arbitrary>], iteration_bounds = array<i64: 2>, scalar_prefetch = 0 : i64, scratch_operands = 0 : i64, tpu.core_type = #tpu.core_type<tc>, window_params = [{transform_indices = @transform_0, window_bounds = array<i64: 2, 5000, 48>}, {transform_indices = @transform_1, window_bounds = array<i64: 5000, 48>}, {transform_indices = @transform_2, window_bounds = array<i64: 5000, 1>}, {pipeline_mode = #tpu.pipeline_mode<synchronous>, transform_indices = @transform_3, window_bounds = array<i64: 1, 48>}, {pipeline_mode = #tpu.pipeline_mode<synchronous>, transform_indices = @transform_4, window_bounds = array<i64: 48, 16>}, {transform_indices = @transform_5, window_bounds = array<i64: 5000, 16>}]} {
    %get3A = arith.constant 0 : index
    %get3A_0 = arith.constant 0 : index
    %get3A_1 = arith.constant 0 : index
    %get3A_2 = vector.load %arg1[%get3A, %get3A_0, %get3A_1] : memref<2x5000x48xf32, #tpu.memory_space<vmem>>, vector<1x5000x48xf32>
    %get3A_3 = vector.shape_cast %get3A_2 : vector<1x5000x48xf32> to vector<5000x48xf32>
    %get3A_4 = arith.constant 1 : index
    %get3A_5 = arith.constant 0 : index
    %get3A_6 = arith.constant 0 : index
    %get3A_7 = vector.load %arg1[%get3A_4, %get3A_5, %get3A_6] : memref<2x5000x48xf32, #tpu.memory_space<vmem>>, vector<1x5000x48xf32>
    %get3A_8 = vector.shape_cast %get3A_7 : vector<1x5000x48xf32> to vector<5000x48xf32>
    %add3A = arith.addf %get3A_3, %get3A_8 : vector<5000x48xf32>
    %get3A_9 = arith.constant 0 : index
    %get3A_10 = arith.constant 0 : index
    %get3A_11 = vector.load %arg2[%get3A_9, %get3A_10] : memref<5000x48xf32, #tpu.memory_space<vmem>>, vector<5000x48xf32>
    %sub3A = arith.subf %add3A, %get3A_11 : vector<5000x48xf32>
    %get3A_12 = arith.constant 0 : index
    %get3A_13 = arith.constant 0 : index
    %get3A_14 = vector.load %arg3[%get3A_12, %get3A_13] : memref<5000x1xf32, #tpu.memory_space<vmem>>, vector<5000x1xf32>
    %mul3A = vector.broadcast %get3A_14 : vector<5000x1xf32> to vector<5000x48xf32>
    %mul3A_15 = arith.mulf %sub3A, %mul3A : vector<5000x48xf32>
    %get3A_16 = arith.constant 0 : index
    %get3A_17 = arith.constant 0 : index
    %get3A_18 = vector.load %arg4[%get3A_16, %get3A_17] : memref<1x48xf32, #tpu.memory_space<vmem>>, vector<1x48xf32>
    %add3A_19 = vector.broadcast %get3A_18 : vector<1x48xf32> to vector<5000x48xf32>
    %add3A_20 = arith.addf %mul3A_15, %add3A_19 : vector<5000x48xf32>
    %max3A = arith.constant 0.000000e+00 : f32
    %max3A_21 = vector.broadcast %max3A : f32 to vector<5000x48xf32>
    %max3A_22 = arith.maximumf %add3A_20, %max3A_21 : vector<5000x48xf32>
    %get3A_23 = arith.constant 0 : index
    %get3A_24 = arith.constant 0 : index
    %get3A_25 = vector.load %arg5[%get3A_23, %get3A_24] : memref<48x16xf32, #tpu.memory_space<vmem>>, vector<48x16xf32>
    %convert_element_type3A = arith.truncf %max3A_22 : vector<5000x48xf32> to vector<5000x48xbf16>
    %convert_element_type3A_26 = arith.extf %convert_element_type3A : vector<5000x48xbf16> to vector<5000x48xf32>
    %convert_element_type3A_27 = arith.truncf %get3A_25 : vector<48x16xf32> to vector<48x16xbf16>
    %convert_element_type3A_28 = arith.extf %convert_element_type3A_27 : vector<48x16xbf16> to vector<48x16xf32>
    %dot_general3A = arith.constant dense<0.000000e+00> : vector<5000x16xf32>
    %dot_general3A_29 = tpu.matmul %convert_element_type3A_26, %convert_element_type3A_28, %dot_general3A {dimension_numbers = #tpu.dot_dimension_numbers<[1], [0], [0], [1], [0, 0, 1, 1], [], []>, transpose_lhs_hint = false} : vector<5000x48xf32>, vector<48x16xf32>, vector<5000x16xf32> -> vector<5000x16xf32>
    %get3A_30 = arith.constant 0 : index
    %get3A_31 = arith.constant 0 : index
    %get3A_32 = vector.load %arg3[%get3A_30, %get3A_31] : memref<5000x1xf32, #tpu.memory_space<vmem>>, vector<5000x1xf32>
    %mul3A_33 = vector.broadcast %get3A_32 : vector<5000x1xf32> to vector<5000x16xf32>
    %mul3A_34 = arith.mulf %mul3A_33, %dot_general3A_29 : vector<5000x16xf32>
    %swap3A = arith.constant 0 : index
    %swap3A_35 = arith.constant 0 : index
    %swap3A_36 = vector.load %arg6[%swap3A, %swap3A_35] : memref<5000x16xf32, #tpu.memory_space<vmem>>, vector<5000x16xf32>
    tpu.vector_store %arg6[%swap3A, %swap3A_35], %mul3A_34 {strides = array<i32>} : memref<5000x16xf32, #tpu.memory_space<vmem>>, vector<5000x16xf32>,
    return
  }
  func.func @transform_0(%arg0: i32) -> (i32, i32, i32) {
    %c0_i32 = arith.constant 0 : i32
    %c0_i32_0 = arith.constant 0 : i32
    %c0_i32_1 = arith.constant 0 : i32
    return %c0_i32, %arg0, %c0_i32_0 : i32, i32, i32
  }
  func.func @transform_1(%arg0: i32) -> (i32, i32) {
    %c0_i32 = arith.constant 0 : i32
    %c0_i32_0 = arith.constant 0 : i32
    return %arg0, %c0_i32 : i32, i32
  }
  func.func @transform_2(%arg0: i32) -> (i32, i32) {
    %c0_i32 = arith.constant 0 : i32
    %c0_i32_0 = arith.constant 0 : i32
    return %arg0, %c0_i32 : i32, i32
  }
  func.func @transform_3(%arg0: i32) -> (i32, i32) {
    %c0_i32 = arith.constant 0 : i32
    %c0_i32_0 = arith.constant 0 : i32
    %c0_i32_1 = arith.constant 0 : i32
    return %c0_i32, %c0_i32_0 : i32, i32
  }
  func.func @transform_4(%arg0: i32) -> (i32, i32) {
    %c0_i32 = arith.constant 0 : i32
    %c0_i32_0 = arith.constant 0 : i32
    %c0_i32_1 = arith.constant 0 : i32
    return %c0_i32, %c0_i32_0 : i32, i32
  }
  func.func @transform_5(%arg0: i32) -> (i32, i32) {
    %c0_i32 = arith.constant 0 : i32
    %c0_i32_0 = arith.constant 0 : i32
    return %arg0, %c0_i32 : i32, i32
  }
}

module attributes {stable_mosaic.version = 14 : i64} {
  func.func @_tc_f_body(%arg0: i32, %arg1: memref<2x5000x16xf32, #tpu.memory_space<vmem>>, %arg2: memref<5000x16xf32, #tpu.memory_space<vmem>>, %arg3: memref<5000x1xf32, #tpu.memory_space<vmem>>, %arg4: memref<1x16xf32, #tpu.memory_space<vmem>>, %arg5: memref<1x1x5000xi32, #tpu.memory_space<vmem>>, %arg6: memref<1x16xf32, #tpu.memory_space<vmem>>, %arg7: memref<1x16xf32, #tpu.memory_space<vmem>>, %arg8: memref<16x24xf32, #tpu.memory_space<vmem>>, %arg9: memref<1x24xf32, #tpu.memory_space<vmem>>, %arg10: memref<24x1xf32, #tpu.memory_space<vmem>>, %arg11: memref<1x1xf32, #tpu.memory_space<vmem>>, %arg12: memref<64x1xf32, #tpu.memory_space<vmem>>, %arg13: memref<64x16xf32, #tpu.memory_space<vmem>>, %arg14: memref<64x16xf32, #tpu.memory_space<vmem>>) attributes {dimension_semantics = [#tpu.dimension_semantics<arbitrary>], iteration_bounds = array<i64: 2>, scalar_prefetch = 0 : i64, scratch_operands = 1 : i64, tpu.core_type = #tpu.core_type<tc>, window_params = [{transform_indices = @transform_0, window_bounds = array<i64: 2, 5000, 16>}, {transform_indices = @transform_1, window_bounds = array<i64: 5000, 16>}, {transform_indices = @transform_2, window_bounds = array<i64: 5000, 1>}, {pipeline_mode = #tpu.pipeline_mode<synchronous>, transform_indices = @transform_3, window_bounds = array<i64: 1, 16>}, {transform_indices = @transform_4, window_bounds = array<i64: 1, 1, 5000>}, {pipeline_mode = #tpu.pipeline_mode<synchronous>, transform_indices = @transform_5, window_bounds = array<i64: 1, 16>}, {pipeline_mode = #tpu.pipeline_mode<synchronous>, transform_indices = @transform_6, window_bounds = array<i64: 1, 16>}, {pipeline_mode = #tpu.pipeline_mode<synchronous>, transform_indices = @transform_7, window_bounds = array<i64: 16, 24>}, {pipeline_mode = #tpu.pipeline_mode<synchronous>, transform_indices = @transform_8, window_bounds = array<i64: 1, 24>}, {pipeline_mode = #tpu.pipeline_mode<synchronous>, transform_indices = @transform_9, window_bounds = array<i64: 24, 1>}, {pipeline_mode = #tpu.pipeline_mode<synchronous>, transform_indices = @transform_10, window_bounds = array<i64: 1, 1>}, {pipeline_mode = #tpu.pipeline_mode<synchronous>, transform_indices = @transform_11, window_bounds = array<i64: 64, 1>}, {pipeline_mode = #tpu.pipeline_mode<synchronous>, transform_indices = @transform_12, window_bounds = array<i64: 64, 16>}]} {
    %eq3A = arith.constant 0 : i32
    %eq3A_0 = arith.cmpi eq, %arg0, %eq3A : i32
    %convert_element_type3A = arith.extui %eq3A_0 : i1 to i32
    %cond3A = arith.constant 0 : i32
    %cond3A_1 = arith.cmpi ne, %convert_element_type3A, %cond3A : i32
    scf.if %cond3A_1 {
      %broadcast_in_dim3A = arith.constant 0.000000e+00 : f32
      %broadcast_in_dim3A_46 = vector.broadcast %broadcast_in_dim3A : f32 to vector<64x16xf32>
      %swap3A_47 = arith.constant 0 : index
      %swap3A_48 = arith.constant 0 : index
      %swap3A_49 = vector.load %arg14[%swap3A_47, %swap3A_48] : memref<64x16xf32, #tpu.memory_space<vmem>>, vector<64x16xf32>
      tpu.vector_store %arg14[%swap3A_47, %swap3A_48], %broadcast_in_dim3A_46 {strides = array<i32>} : memref<64x16xf32, #tpu.memory_space<vmem>>, vector<64x16xf32>,
    } else {
    }
    %get3A = arith.constant 0 : index
    %get3A_2 = arith.constant 0 : index
    %get3A_3 = arith.constant 0 : index
    %get3A_4 = vector.load %arg1[%get3A, %get3A_2, %get3A_3] : memref<2x5000x16xf32, #tpu.memory_space<vmem>>, vector<1x5000x16xf32>
    %get3A_5 = vector.shape_cast %get3A_4 : vector<1x5000x16xf32> to vector<5000x16xf32>
    %get3A_6 = arith.constant 1 : index
    %get3A_7 = arith.constant 0 : index
    %get3A_8 = arith.constant 0 : index
    %get3A_9 = vector.load %arg1[%get3A_6, %get3A_7, %get3A_8] : memref<2x5000x16xf32, #tpu.memory_space<vmem>>, vector<1x5000x16xf32>
    %get3A_10 = vector.shape_cast %get3A_9 : vector<1x5000x16xf32> to vector<5000x16xf32>
    %add3A = arith.addf %get3A_5, %get3A_10 : vector<5000x16xf32>
    %get3A_11 = arith.constant 0 : index
    %get3A_12 = arith.constant 0 : index
    %get3A_13 = vector.load %arg2[%get3A_11, %get3A_12] : memref<5000x16xf32, #tpu.memory_space<vmem>>, vector<5000x16xf32>
    %sub3A = arith.subf %add3A, %get3A_13 : vector<5000x16xf32>
    %get3A_14 = arith.constant 0 : index
    %get3A_15 = arith.constant 0 : index
    %get3A_16 = vector.load %arg3[%get3A_14, %get3A_15] : memref<5000x1xf32, #tpu.memory_space<vmem>>, vector<5000x1xf32>
    %mul3A = vector.broadcast %get3A_16 : vector<5000x1xf32> to vector<5000x16xf32>
    %mul3A_17 = arith.mulf %sub3A, %mul3A : vector<5000x16xf32>
    %get3A_18 = arith.constant 0 : index
    %get3A_19 = arith.constant 0 : index
    %get3A_20 = vector.load %arg4[%get3A_18, %get3A_19] : memref<1x16xf32, #tpu.memory_space<vmem>>, vector<1x16xf32>
    %add3A_21 = vector.broadcast %get3A_20 : vector<1x16xf32> to vector<5000x16xf32>
    %add3A_22 = arith.addf %mul3A_17, %add3A_21 : vector<5000x16xf32>
    %max3A = arith.constant 0.000000e+00 : f32
    %max3A_23 = vector.broadcast %max3A : f32 to vector<5000x16xf32>
    %max3A_24 = arith.maximumf %add3A_22, %max3A_23 : vector<5000x16xf32>
    %get3A_25 = arith.constant 0 : index
    %get3A_26 = arith.constant 0 : index
    %get3A_27 = arith.constant 0 : index
    %get3A_28 = vector.load %arg5[%get3A_25, %get3A_26, %get3A_27] : memref<1x1x5000xi32, #tpu.memory_space<vmem>>, vector<1x1x5000xi32>
    %get3A_29 = vector.shape_cast %get3A_28 : vector<1x1x5000xi32> to vector<1x5000xi32>
    %iota3A = tpu.iota {dimensions = array<i32: 0>} : vector<64x5000xi32>
    %eq3A_30 = vector.broadcast %get3A_29 : vector<1x5000xi32> to vector<64x5000xi32>
    %eq3A_31 = arith.cmpi eq, %iota3A, %eq3A_30 : vector<64x5000xi32>
    %convert_element_type3A_32 = arith.extui %eq3A_31 : vector<64x5000xi1> to vector<64x5000xi32>
    %convert_element_type3A_33 = arith.sitofp %convert_element_type3A_32 : vector<64x5000xi32> to vector<64x5000xf32>
    %get3A_34 = arith.constant 0 : index
    %get3A_35 = arith.constant 0 : index
    %get3A_36 = vector.load %arg14[%get3A_34, %get3A_35] : memref<64x16xf32, #tpu.memory_space<vmem>>, vector<64x16xf32>
    %dot_general3A = arith.constant dense<0.000000e+00> : vector<64x16xf32>
    %dot_general3A_37 = tpu.matmul %convert_element_type3A_33, %max3A_24, %dot_general3A {dimension_numbers = #tpu.dot_dimension_numbers<[1], [0], [0], [1], [0, 0, 1, 1], [], []>, precision = #tpu.contract_precision<fp32>, transpose_lhs_hint = false} : vector<64x5000xf32>, vector<5000x16xf32>, vector<64x16xf32> -> vector<64x16xf32>
    %add3A_38 = arith.addf %get3A_36, %dot_general3A_37 : vector<64x16xf32>
    %swap3A = arith.constant 0 : index
    %swap3A_39 = arith.constant 0 : index
    %swap3A_40 = vector.load %arg14[%swap3A, %swap3A_39] : memref<64x16xf32, #tpu.memory_space<vmem>>, vector<64x16xf32>
    tpu.vector_store %arg14[%swap3A, %swap3A_39], %add3A_38 {strides = array<i32>} : memref<64x16xf32, #tpu.memory_space<vmem>>, vector<64x16xf32>,
    %eq3A_41 = arith.constant 1 : i32
    %eq3A_42 = arith.cmpi eq, %arg0, %eq3A_41 : i32
    %convert_element_type3A_43 = arith.extui %eq3A_42 : i1 to i32
    %cond3A_44 = arith.constant 0 : i32
    %cond3A_45 = arith.cmpi ne, %convert_element_type3A_43, %cond3A_44 : i32
    scf.if %cond3A_45 {
      %get3A_46 = arith.constant 0 : index
      %get3A_47 = arith.constant 0 : index
      %get3A_48 = vector.load %arg14[%get3A_46, %get3A_47] : memref<64x16xf32, #tpu.memory_space<vmem>>, vector<64x16xf32>
      %swap3A_49 = arith.constant 0 : index
      %swap3A_50 = arith.constant 0 : index
      %swap3A_51 = vector.load %arg13[%swap3A_49, %swap3A_50] : memref<64x16xf32, #tpu.memory_space<vmem>>, vector<64x16xf32>
      tpu.vector_store %arg13[%swap3A_49, %swap3A_50], %get3A_48 {strides = array<i32>} : memref<64x16xf32, #tpu.memory_space<vmem>>, vector<64x16xf32>,
      %reduce_sum3A = arith.constant dense<0.000000e+00> : vector<16xf32>
      %reduce_sum3A_52 = vector.multi_reduction <add>, %get3A_48, %reduce_sum3A [0] : vector<64x16xf32> to vector<16xf32>
      %broadcast_in_dim3A = vector.shape_cast %reduce_sum3A_52 : vector<16xf32> to vector<1x16xf32>
      %div3A = arith.constant 6.400000e+01 : f32
      %div3A_53 = vector.broadcast %div3A : f32 to vector<1x16xf32>
      %div3A_54 = arith.divf %broadcast_in_dim3A, %div3A_53 : vector<1x16xf32>
      %sub3A_55 = vector.broadcast %div3A_54 : vector<1x16xf32> to vector<64x16xf32>
      %sub3A_56 = arith.subf %get3A_48, %sub3A_55 : vector<64x16xf32>
      %integer_pow3A = arith.mulf %sub3A_56, %sub3A_56 : vector<64x16xf32>
      %reduce_sum3A_57 = arith.constant dense<0.000000e+00> : vector<16xf32>
      %reduce_sum3A_58 = vector.multi_reduction <add>, %integer_pow3A, %reduce_sum3A_57 [0] : vector<64x16xf32> to vector<16xf32>
      %broadcast_in_dim3A_59 = vector.shape_cast %reduce_sum3A_58 : vector<16xf32> to vector<1x16xf32>
      %div3A_60 = arith.constant 6.400000e+01 : f32
      %div3A_61 = vector.broadcast %div3A_60 : f32 to vector<1x16xf32>
      %div3A_62 = arith.divf %broadcast_in_dim3A_59, %div3A_61 : vector<1x16xf32>
      %sub3A_63 = vector.broadcast %div3A_54 : vector<1x16xf32> to vector<64x16xf32>
      %sub3A_64 = arith.subf %get3A_48, %sub3A_63 : vector<64x16xf32>
      %add3A_65 = arith.constant 9.99999974E-6 : f32
      %add3A_66 = vector.broadcast %add3A_65 : f32 to vector<1x16xf32>
      %add3A_67 = arith.addf %div3A_62, %add3A_66 : vector<1x16xf32>
      %sqrt3A = math.sqrt %add3A_67 : vector<1x16xf32>
      %div3A_68 = vector.broadcast %sqrt3A : vector<1x16xf32> to vector<64x16xf32>
      %div3A_69 = arith.divf %sub3A_64, %div3A_68 : vector<64x16xf32>
      %get3A_70 = arith.constant 0 : index
      %get3A_71 = arith.constant 0 : index
      %get3A_72 = vector.load %arg6[%get3A_70, %get3A_71] : memref<1x16xf32, #tpu.memory_space<vmem>>, vector<1x16xf32>
      %mul3A_73 = vector.broadcast %get3A_72 : vector<1x16xf32> to vector<64x16xf32>
      %mul3A_74 = arith.mulf %div3A_69, %mul3A_73 : vector<64x16xf32>
      %get3A_75 = arith.constant 0 : index
      %get3A_76 = arith.constant 0 : index
      %get3A_77 = vector.load %arg7[%get3A_75, %get3A_76] : memref<1x16xf32, #tpu.memory_space<vmem>>, vector<1x16xf32>
      %add3A_78 = vector.broadcast %get3A_77 : vector<1x16xf32> to vector<64x16xf32>
      %add3A_79 = arith.addf %mul3A_74, %add3A_78 : vector<64x16xf32>
      %get3A_80 = arith.constant 0 : index
      %get3A_81 = arith.constant 0 : index
      %get3A_82 = vector.load %arg8[%get3A_80, %get3A_81] : memref<16x24xf32, #tpu.memory_space<vmem>>, vector<16x24xf32>
      %convert_element_type3A_83 = arith.truncf %add3A_79 : vector<64x16xf32> to vector<64x16xbf16>
      %convert_element_type3A_84 = arith.extf %convert_element_type3A_83 : vector<64x16xbf16> to vector<64x16xf32>
      %convert_element_type3A_85 = arith.truncf %get3A_82 : vector<16x24xf32> to vector<16x24xbf16>
      %convert_element_type3A_86 = arith.extf %convert_element_type3A_85 : vector<16x24xbf16> to vector<16x24xf32>
      %dot_general3A_87 = arith.constant dense<0.000000e+00> : vector<64x24xf32>
      %dot_general3A_88 = tpu.matmul %convert_element_type3A_84, %convert_element_type3A_86, %dot_general3A_87 {dimension_numbers = #tpu.dot_dimension_numbers<[1], [0], [0], [1], [0, 0, 1, 1], [], []>, transpose_lhs_hint = false} : vector<64x16xf32>, vector<16x24xf32>, vector<64x24xf32> -> vector<64x24xf32>
      %get3A_89 = arith.constant 0 : index
      %get3A_90 = arith.constant 0 : index
      %get3A_91 = vector.load %arg9[%get3A_89, %get3A_90] : memref<1x24xf32, #tpu.memory_space<vmem>>, vector<1x24xf32>
      %add3A_92 = vector.broadcast %get3A_91 : vector<1x24xf32> to vector<64x24xf32>
      %add3A_93 = arith.addf %dot_general3A_88, %add3A_92 : vector<64x24xf32>
      %max3A_94 = arith.constant 0.000000e+00 : f32
      %max3A_95 = vector.broadcast %max3A_94 : f32 to vector<64x24xf32>
      %max3A_96 = arith.maximumf %add3A_93, %max3A_95 : vector<64x24xf32>
      %get3A_97 = arith.constant 0 : index
      %get3A_98 = arith.constant 0 : index
      %get3A_99 = vector.load %arg10[%get3A_97, %get3A_98] : memref<24x1xf32, #tpu.memory_space<vmem>>, vector<24x1xf32>
      %convert_element_type3A_100 = arith.truncf %max3A_96 : vector<64x24xf32> to vector<64x24xbf16>
      %convert_element_type3A_101 = arith.extf %convert_element_type3A_100 : vector<64x24xbf16> to vector<64x24xf32>
      %convert_element_type3A_102 = arith.truncf %get3A_99 : vector<24x1xf32> to vector<24x1xbf16>
      %convert_element_type3A_103 = arith.extf %convert_element_type3A_102 : vector<24x1xbf16> to vector<24x1xf32>
      %dot_general3A_104 = arith.constant dense<0.000000e+00> : vector<64x1xf32>
      %dot_general3A_105 = tpu.matmul %convert_element_type3A_101, %convert_element_type3A_103, %dot_general3A_104 {dimension_numbers = #tpu.dot_dimension_numbers<[1], [0], [0], [1], [0, 0, 1, 1], [], []>, transpose_lhs_hint = false} : vector<64x24xf32>, vector<24x1xf32>, vector<64x1xf32> -> vector<64x1xf32>
      %get3A_106 = arith.constant 0 : index
      %get3A_107 = arith.constant 0 : index
      %get3A_108 = vector.load %arg11[%get3A_106, %get3A_107] : memref<1x1xf32, #tpu.memory_space<vmem>>, vector<1x1xf32>
      %add3A_109 = vector.broadcast %get3A_108 : vector<1x1xf32> to vector<64x1xf32>
      %add3A_110 = arith.addf %dot_general3A_105, %add3A_109 : vector<64x1xf32>
      %swap3A_111 = arith.constant 0 : index
      %swap3A_112 = arith.constant 0 : index
      %swap3A_113 = vector.load %arg12[%swap3A_111, %swap3A_112] : memref<64x1xf32, #tpu.memory_space<vmem>>, vector<64x1xf32>
      tpu.vector_store %arg12[%swap3A_111, %swap3A_112], %add3A_110 {strides = array<i32>} : memref<64x1xf32, #tpu.memory_space<vmem>>, vector<64x1xf32>,
    } else {
    }
    return
  }
  func.func @transform_0(%arg0: i32) -> (i32, i32, i32) {
    %c0_i32 = arith.constant 0 : i32
    %c0_i32_0 = arith.constant 0 : i32
    %c0_i32_1 = arith.constant 0 : i32
    return %c0_i32, %arg0, %c0_i32_0 : i32, i32, i32
  }
  func.func @transform_1(%arg0: i32) -> (i32, i32) {
    %c0_i32 = arith.constant 0 : i32
    %c0_i32_0 = arith.constant 0 : i32
    return %arg0, %c0_i32 : i32, i32
  }
  func.func @transform_2(%arg0: i32) -> (i32, i32) {
    %c0_i32 = arith.constant 0 : i32
    %c0_i32_0 = arith.constant 0 : i32
    return %arg0, %c0_i32 : i32, i32
  }
  func.func @transform_3(%arg0: i32) -> (i32, i32) {
    %c0_i32 = arith.constant 0 : i32
    %c0_i32_0 = arith.constant 0 : i32
    %c0_i32_1 = arith.constant 0 : i32
    return %c0_i32, %c0_i32_0 : i32, i32
  }
  func.func @transform_4(%arg0: i32) -> (i32, i32, i32) {
    %c0_i32 = arith.constant 0 : i32
    %c0_i32_0 = arith.constant 0 : i32
    %c0_i32_1 = arith.constant 0 : i32
    return %arg0, %c0_i32, %c0_i32_0 : i32, i32, i32
  }
  func.func @transform_5(%arg0: i32) -> (i32, i32) {
    %c0_i32 = arith.constant 0 : i32
    %c0_i32_0 = arith.constant 0 : i32
    %c0_i32_1 = arith.constant 0 : i32
    return %c0_i32, %c0_i32_0 : i32, i32
  }
  func.func @transform_6(%arg0: i32) -> (i32, i32) {
    %c0_i32 = arith.constant 0 : i32
    %c0_i32_0 = arith.constant 0 : i32
    %c0_i32_1 = arith.constant 0 : i32
    return %c0_i32, %c0_i32_0 : i32, i32
  }
  func.func @transform_7(%arg0: i32) -> (i32, i32) {
    %c0_i32 = arith.constant 0 : i32
    %c0_i32_0 = arith.constant 0 : i32
    %c0_i32_1 = arith.constant 0 : i32
    return %c0_i32, %c0_i32_0 : i32, i32
  }
  func.func @transform_8(%arg0: i32) -> (i32, i32) {
    %c0_i32 = arith.constant 0 : i32
    %c0_i32_0 = arith.constant 0 : i32
    %c0_i32_1 = arith.constant 0 : i32
    return %c0_i32, %c0_i32_0 : i32, i32
  }
  func.func @transform_9(%arg0: i32) -> (i32, i32) {
    %c0_i32 = arith.constant 0 : i32
    %c0_i32_0 = arith.constant 0 : i32
    %c0_i32_1 = arith.constant 0 : i32
    return %c0_i32, %c0_i32_0 : i32, i32
  }
  func.func @transform_10(%arg0: i32) -> (i32, i32) {
    %c0_i32 = arith.constant 0 : i32
    %c0_i32_0 = arith.constant 0 : i32
    %c0_i32_1 = arith.constant 0 : i32
    return %c0_i32, %c0_i32_0 : i32, i32
  }
  func.func @transform_11(%arg0: i32) -> (i32, i32) {
    %c0_i32 = arith.constant 0 : i32
    %c0_i32_0 = arith.constant 0 : i32
    %c0_i32_1 = arith.constant 0 : i32
    return %c0_i32, %c0_i32_0 : i32, i32
  }
  func.func @transform_12(%arg0: i32) -> (i32, i32) {
    %c0_i32 = arith.constant 0 : i32
    %c0_i32_0 = arith.constant 0 : i32
    %c0_i32_1 = arith.constant 0 : i32
    return %c0_i32, %c0_i32_0 : i32, i32
  }
}

</mosaic_0001>

<sc_bundles>
// kernel: kernel.11.cloned.1.call-start
scs
__scs_entry_jumppad:
0x0: {  	(pc) =	sbr.rel $0x88, $3  }
0x1: {  	(tag) =	ssettag $0x0;
	lr =	simm.s32 $0x1  }
0x2: {  	[smem:$0x3F94] =	sst lr;
	_ =	strace $0xD0000000  }
0x3: {  	_ = 	snop  }
0x4: {  	_ = 	snop  }
0x5: {  	_ = 	snop  }
0x6: {  	_ = 	snop  }
0x7: {  	_ = 	snop  }
__scs_overlays_trampoline_lowered:
0x8: {  	[smem:$0x3FA3] =	sst s0  }
0x9: {  	[smem:$0x3FA4] =	sst s1  }
0xa: {  	[smem:$0x3FA5] =	sst s2  }
0xb: {  	[smem:$0x3FA6] =	sst s3  }
0xc: {  	[smem:$0x3FA7] =	sst s4  }
0xd: {  	[smem:$0x3FA8] =	sst s5  }
0xe: {  	[smem:$0x3FA9] =	sst s6  }
0xf: {  	[smem:$0x3FAA] =	sst s7  }
0x10: {  	[smem:$0x3FAB] =	sst s8  }
0x11: {  	[smem:$0x3FAC] =	sst s9;
	s0 =	simm.s32 @!p0 $0x0  }
0x12: {  	s1 =	sld [smem:$0x3F92];
	s0 =	simm.s32 @p0 $0x1  }
0x13: {  	[smem:$0x3FAD] =	sst s0;
	s0 =	simm.s32 @!p1 $0x0  }
0x14: {  	s2 =	sld [smem:$0x3F91];
	s0 =	simm.s32 @p1 $0x1  }
0x15: {  	[smem:$0x3FAE] =	sst s0;
	s0 =	simm.s32 @!p2 $0x0  }
0x16: {  	s3 =	sld [smem:$0x3FDB];
	s0 =	simm.s32 @p2 $0x1  }
0x17: {  	s4 =	simm.s32 $0x1BF5;
	[smem:$0x3FB0] =	sst s0  }
0x18: {  	s0 =	sld [smem:$0x3F93];
	_ =	swait.ge [sflag:s4], $0x0  }
0x19: {  	s7 =	sld [smem:$0x3F94]  }
0x1a: {  	s8 =	sadd.s32 $0xFFFFE003, lr  }
0x1b: {  	s9 =	sadd.s32 $0xFFFFFEF7, lr;
	s5 =	simm.s32 $0xFFFFFFFF;
	p2 =	slt.u32 s8, $0xFFFFF086  }
0x1c: {  	p1 =	slt.u32 s9, $0xF7A;
	s5 =	simm.s32 @!p2 $0x0  }
0x1d: {  	s5 =	simm.s32 @p1 $0x1;
	p0 =	seq.s32 s7, s2  }
0x1e: {  	s7 =	smul.u32 @!p0 $0xF7A, s2;
	p2 =	seq.s32 @!p0 s5, $0x0  }
0x1f: {  	s9 =	smul.u32 $0xF7A, s1;
	s8 =	simm.s32 @!p0 $0x1BF5;
	p2 =	por !p2, p0  }
0x20: {  	[sflag:s8] =	ssyncset.s32 @!p0 $0xFFFFF086;
	s6 =	sadd.s32 @!p0 s3, s7;
	s7 =	simm.s32 @!p0 $0x108  }
0x21: {  	s3 =	sadd.s32 s3, s9;
	s6 =	sadd.s32 @!p0 $0x88, s6;
	s7 =	simm.s32 @p2 $0x1082  }
0x22: {  	[simem:s7], [sflag:s8] =	dma.local @!p0 [hbm:s6], $0xF7A  }
0x23: {  	s9 =	sor.u32 $0xD0000000, s2;
	s6 =	simm.s32 $0x108;
	_ =	swait.ge @!p0 [sflag:s8], $0x0  }
0x24: {  	s3 =	sadd.s32 $0x88, s3;
	s6 =	simm.s32 @!p1 $0x1082;
	[sflag:s4] =	ssyncset.s32 $0xFFFFF086  }
0x25: {  	[simem:s6], [sflag:s4] =	dma.local [hbm:s3], $0xF7A  }
0x26: {  	[smem:$0x3F94] =	sst s1;
	(tag) =	ssettag s2;
	_ =	strace s9  }
0x27: {  	s1 =	sld [smem:$0x3FA4]  }
0x28: {  	s2 =	sld [smem:$0x3FA5]  }
0x29: {  	s4 =	sld [smem:$0x3FA7]  }
0x2a: {  	p0 =	seq.s32 s5, $0x0;
	s5 =	sld [smem:$0x3FA8]  }
0x2b: {  	s6 =	sld [smem:$0x3FA9]  }
0x2c: {  	s7 =	sld [smem:$0x3FAA]  }
0x2d: {  	s3 =	simm.s32 $0x108;
	s8 =	sld [smem:$0x3FAB]  }
0x2e: {  	s3 =	simm.s32 @!p0 $0x1082;
	s9 =	sld [smem:$0x3FAC]  }
0x2f: {  	lr =	sadd.s32 s0, s3;
	s0 =	sld [smem:$0x3FA3]  }
0x30: {  	s3 =	sld [smem:$0x3FA6]  }
0x31: {  	[smem:$0x3FAF] =	sst s10  }
0x32: {  	s10 =	sld [smem:$0x3FAD];
	_ =	sdelay $0x3  }
0x33: {  	p0 =	seq.s32 s10, $0x1;
	s10 =	sld [smem:$0x3FAF];
	_ =	sdelay $0x3  }
0x34: {  	[smem:$0x3FAF] =	sst s10  }
0x35: {  	s10 =	sld [smem:$0x3FAE];
	_ =	sdelay $0x3  }
0x36: {  	p1 =	seq.s32 s10, $0x1;
	s10 =	sld [smem:$0x3FAF];
	_ =	sdelay $0x3  }
0x37: {  	[smem:$0x3FAF] =	sst s10  }
0x38: {  	s10 =	sld [smem:$0x3FB0]  }
0x39: {  	_ = 	snop;
	(pc) =	sbr.ind lr, $3  }
0x3a: {  	_ = 	snop  }
0x3b: {  	_ = 	snop  }
0x3c: {  	p2 =	seq.s32 s10, $0x1;
	s10 =	sld [smem:$0x3FAF]  }
0x3d: {  	_ =	shalt  }
0x3e: {  	_ =	shalt  }
0x3f: {  	_ =	shalt  }
0x40: {  	_ =	shalt  }
0x41: {  	_ =	shalt  }
0x42: {  	_ =	shalt  }
0x43: {  	_ =	shalt  }
0x44: {  	_ =	shalt  }
0x45: {  	_ =	shalt  }
0x46: {  	_ =	shalt  }
0x47: {  	_ =	shalt  }
0x48: {  	_ =	shalt  }
0x49: {  	_ =	shalt  }
0x4a: {  	_ =	shalt  }
0x4b: {  	_ =	shalt  }
0x4c: {  	_ =	shalt  }
0x4d: {  	_ =	shalt  }
0x4e: {  	_ =	shalt  }
0x4f: {  	_ =	shalt  }
0x50: {  	_ =	shalt  }
0x51: {  	_ =	shalt  }
0x52: {  	_ =	shalt  }
0x53: {  	_ =	shalt  }
0x54: {  	_ =	shalt  }
0x55: {  	_ =	shalt  }
0x56: {  	_ =	shalt  }
0x57: {  	_ =	shalt  }
0x58: {  	_ =	shalt  }
0x59: {  	_ =	shalt  }
0x5a: {  	_ =	shalt  }
0x5b: {  	_ =	shalt  }
0x5c: {  	_ =	shalt  }
0x5d: {  	_ =	shalt  }
0x5e: {  	_ =	shalt  }
0x5f: {  	_ =	shalt  }
0x60: {  	_ =	shalt  }
0x61: {  	_ =	shalt  }
0x62: {  	_ =	shalt  }
0x63: {  	_ =	shalt  }
0x64: {  	_ =	shalt  }
0x65: {  	_ =	shalt  }
0x66: {  	_ =	shalt  }
0x67: {  	_ =	shalt  }
0x68: {  	_ =	shalt  }
0x69: {  	_ =	shalt  }
0x6a: {  	_ =	shalt  }
0x6b: {  	_ =	shalt  }
0x6c: {  	_ =	shalt  }
0x6d: {  	_ =	shalt  }
0x6e: {  	_ =	shalt  }
0x6f: {  	_ =	shalt  }
0x70: {  	_ =	shalt  }
0x71: {  	_ =	shalt  }
0x72: {  	_ =	shalt  }
0x73: {  	_ =	shalt  }
0x74: {  	_ =	shalt  }
0x75: {  	_ =	shalt  }
0x76: {  	_ =	shalt  }
0x77: {  	_ =	shalt  }
0x78: {  	_ =	shalt  }
0x79: {  	_ =	shalt  }
0x7a: {  	_ =	shalt  }
0x7b: {  	_ =	shalt  }
0x7c: {  	_ =	shalt  }
0x7d: {  	_ =	shalt  }
0x7e: {  	_ =	shalt  }
0x7f: {  	_ =	shalt  }
0x80: {  	_ =	shalt  }
0x81: {  	_ =	shalt  }
0x82: {  	_ =	shalt  }
0x83: {  	_ =	shalt  }
0x84: {  	_ =	shalt  }
0x85: {  	_ =	shalt  }
0x86: {  	_ =	shalt  }
0x87: {  	_ =	shalt  }
.Lfunc_end0:
.L_simem_size_0:
called_computation.1_lowered:
.L_overlay_start_0:
0x88: {  	s2 =	sld [smem:$0x3FD9]  }
0x89: {  	s3 =	sld [smem:$0x3FFE];
	_ =	sdelay $0x1  }
0x8a: {  	s1 =	srdreg.scid  }
0x8b: {  	s0 =	sand.u32 $0x1, s1  }
0x8c: {  	s16 =	sshll.u32 s0, $0xA;
	s2 =	sadd.s32 s3, s2  }
0x8d: {  	s2 =	sadd.s32 s2, s16  }
0x8e: {  	[smem:$0x3FBB] =	sst s2  }
0x8f: {  	_ = 	snop  }
0x90: {  	(tm) =	ssettm $0x1  }
0x91: {  	s17 =	sld [smem:$0x3FFB];
	_ =	sdelay $0x3  }
0x92: {  	_ =	strace s17  }
0x93: {  	s2 =	sld [smem:$0x3FFC];
	_ =	sdelay $0x3  }
0x94: {  	_ =	strace s2  }
0x95: {  	s2 =	sld [smem:$0x3FFD];
	_ =	sdelay $0x3  }
0x96: {  	_ =	strace s2  }
0x97: {  	_ =	strace $0x8FFFFFFF  }
0x98: {  	s18 =	sld [smem:$0x3FDB];
	_ =	sdelay $0x1  }
0x99: {  	s19 =	simm.s32 $_scs_section_size  }
0x9a: {  	s4 =	simm.s32 $_size__tile_overlayer_lowered;
	s5 =	simm.s32 $_tile_overlayer_lowered  }
0x9b: {  	s22 =	simm.s32 $0x1BFF;
	s21 =	sshll.u32 s5, $0x1;
	s2 =	sadd.s32 s19, s18  }
0x9c: {  	s6 =	simm.s32 $0x0;
	s20 =	sshll.u32 s4, $0x1;
	s4 =	sadd.s32 s21, s2  }
0x9d: {  	[timem:s6], [sflag:s22] =	dma.local [hbm:s4], s20  }
0x9e: {  	_ =	swait.ge [sflag:s22], s20  }
0x9f: {  	s3 =	ssub.s32 $0x0, s20;
	[sflag:s22] =	ssyncset.done $0x0  }
0xa0: {  	[sflag:s22] =	ssyncadd.s32 s3;
	_ =	sdelay $0x1  }
0xa1: {  	s23 =	simm.s32 $0x1B8B  }
0xa2: {  	_ =	swait.ge [sflag:s23], $0x1  }
0xa3: {  	[sflag:s23] =	ssyncset.done $0x0  }
0xa4: {  	s25 =	simm.s32 $0x1B8E;
	s24 =	sld [smem:$0x3FFE];
	[sflag:s23] =	ssyncadd.s32 $0xFFFFFFFF  }
0xa5: {  	s26 =	simm.s32 $execute0_lowered;
	[smem:$0x3FD2] =	sst s25  }
0xa6: {  	s4 =	sshll.u32 s26, $0x1;
	_ =	strace $0x80000049;
	[dreg:$0x1] =	wrdreg $0xFFFFFFFF  }
0xa7: {  	s28 =	simm.s32 $_size_execute0_lowered;
	s2 =	sadd.s32 s2, s4;
	[dreg:$0x0] =	wrdreg $0x0  }
0xa8: {  	s4 =	sshll.u32 s28, $0x1;
	[dreg:$0x2] =	wrdreg s2  }
0xa9: {  	[dreg:$0x3] =	wrdreg s4  }
0xaa: {  	[dreg:$0x4] =	wrdreg $0xC0  }
0xab: {  	_ =	task [dreg:s6], $0x5FFFF  }
0xac: {  	[dreg:$0x1] =	wrdreg $0xFFFFFFFF  }
0xad: {  	[dreg:$0x0] =	wrdreg $0x60  }
0xae: {  	[dreg:$0x2] =	wrdreg s24  }
0xaf: {  	[dreg:$0x3] =	wrdreg $0x110000  }
0xb0: {  	[dreg:$0x4] =	wrdreg $0x185600  }
0xb1: {  	[dreg:$0x5] =	wrdreg $0x9  }
0xb2: {  	_ =	task.clear_ibuf [dreg:s6], $0x6FFFF;
	_ =	strace $0x90000049  }
0xb3: {  	s29 =	simm.s32 $0x9;
	_ =	strace $0x8000004B  }
0xb4: {  	_ =	swait.ge [sflag:s29], $0x1  }
0xb5: {  	[sflag:s29] =	ssyncadd.s32 $0xFFFFFFFF  }
0xb6: {  	_ =	strace $0x9000004B  }
0xb7: {  	_ =	sfence  }
0xb8: {  	s30 =	sld [smem:$0x0];
	_ =	sdelay $0x2  }
0xb9: {  	s31 =	sshll.u32 s1, $0xD;
	s1 =	sshrl.u32 s1, $0x2  }
0xba: {  	s3 =	sand.u32 $0x4000, s31;
	s1 =	sadd.s32 s1, s30  }
0xbb: {  	s0 =	sor.u32 s3, s0;
	s1 =	sshll.u32 s1, $0x11  }
0xbc: {  	s0 =	sor.u32 s1, s0  }
0xbd: {  	s0 =	sadd.s32 $0x8F2B, s0  }
0xbe: {  	[sflag:s0] =	ssyncadd.remote.s32 $0x1  }
0xbf: {  	_ =	sfence.sel $0xFFFF  }
0xc0: {  	[dreg:$0x0] =	wrdreg $0xFFFFFFFF;
	(pc) =	sbr.abs _section_cstart, $3  }
0xc1: {  	[dreg:$0x1] =	wrdreg $0xFFFFFFFF  }
0xc2: {  	_ =	task.clear_ibuf [dreg:s6], $0x2FFFF;
	_ =	strace $0x9FFFFFFF  }
0xc3: {  	(tm) =	ssettm $0x7FFFFFFF  }
tec
execute0_lowered:
.L_overlay_start_1:
0x0: {  	(tag) =	ssettag $0x1  }
0x1: {  	s0 =	rddreg [dreg:$0x0]  }
0x2: {  	s9 =	stileid.u32;
	s2 =	rddreg [dreg:$0x1]  }
0x3: {  	s1 =	srdreg.scid;
	s3 =	rddreg [dreg:$0x2]  }
0x4: {  	s7 =	simm.s32 $0x0;
	s13 =	simm.s32 $0x11;
	s15 =	simm.s32 $0x80  }
0x5: {  	s16 =	simm.s32 $0x5000;
	s17 =	simm.s32 $0x6800;
	s28 =	simm.s32 $0xE000  }
0x6: {  	s30 =	simm.s32 $0xF800;
	s31 =	simm.s32 $0x1;
	s11 =	simm.s32 $0x4  }
0x7: {  	s29 =	simm.s32 $0xA;
	s14 =	simm.s32 $0xF;
	s4 =	smul.u32 $0x7530, s9  }
0x8: {  	s10 =	simm.s32 $0x0;
	s1 =	sand.u32 $0x1, s1;
	s6 =	smul.u32 $0x2800, s9  }
0x9: {  	[smem:$0x7FF] =	sst s7;
	s25 =	sshll.u32 s9, $0x6;
	s5 =	smul.u32 $0x28000, s1  }
0xa: {  	s9 =	simm.s32 $0xE;
	s18 =	smul.u32 $0x75300, s1;
	_ =	strace $0x8000004A  }
0xb: {  	s1 =	ssub.s32 $0x2, s1;
	[dreg:$0xc] =	wrdreg s10;
	s8 =	sshrl.u32 s4, $0x3  }
0xc: {  	s20 =	sshrl.u32 s1, $0x1;
	s22 =	sadd.s32 s4, s2;
	s8 =	sadd.s32 s8, s0  }
0xd: {  	s5 =	sadd.s32 s6, s5;
	s19 =	sadd.s32 s4, s18;
	s1 =	ssub.s32 s1, s20  }
0xe: {  	s4 =	sadd.s32 s4, s3;
	s12 =	sshrl.u32 s22, $0x3;
	s18 =	simm.s32 $0x5  }
0xf: {  	s20 =	simm.s32 $0x6;
	s22 =	simm.s32 $0x7;
	s5 =	sshrl.u32 s5, $0x3  }
0x10: {  	s6 =	sshrl.u32 s19, $0x3;
	s23 =	sadd.s32 $0x16C00, s8;
	s24 =	smax.u32 s1, $0x1  }
0x11: {  	s26 =	sshrl.u32 s4, $0x3;
	s19 =	simm.s32 $0x8000;
	[dreg:$0x9] =	wrdreg s12  }
0x12: {  	s1 =	simm.s32 $0x2;
	s8 =	simm.s32 $0xD;
	[dreg:$0x6] =	wrdreg s23  }
0x13: {  	s4 =	simm.s32 $0x10;
	s5 =	sadd.s32 s5, s0;
	[dreg:$0x8] =	wrdreg s24  }
0x14: {  	s0 =	sadd.s32 s6, s0;
	[dreg:$0xb] =	wrdreg s26;
	s21 =	sadd.s32 $0x2C00, s5  }
0x15: {  	s23 =	simm.s32 $0xB000;
	s5 =	sadd.s32 $0xCC00, s5;
	[dreg:$0x4] =	wrdreg s21  }
0x16: {  	s24 =	simm.s32 $0x8;
	s0 =	sadd.s32 $0x25800, s0;
	[dreg:$0x5] =	wrdreg s5  }
0x17: {  	s26 =	simm.s32 $0x9;
	s6 =	simm.s32 $0xC;
	[dreg:$0x7] =	wrdreg s0  }
0x18: {  	s0 =	sor.u32 $0x1C11, s25;
	s21 =	simm.s32 $0x9800;
	s25 =	simm.s32 $0xC800  }
0x19: {  	s5 =	simm.s32 $0xB;
	[dreg:$0xa] =	wrdreg s0;
	s0 =	simm.s32 $0x3  }
.LBB2_1:
0x1a: {  	s7 =	simm.s32 $0x0;
	s12 =	rddreg [dreg:$0x4]  }
0x1b: {  	[tilespmem:s7], [sflag:$0x11] =	stream.linear.gather [hbm4b:s12+s7], $0x2800, $0x38;
	[tilespmem:$0x1FAC0] =	vst v63  }
0x1c: {  	_ =	swait.ge [sflag:s13], $0x2800  }
0x1d: {  	s10 =	simm.s32 $0x0;
	[sflag:s13] =	ssyncset.done $0x0  }
0x1e: {  	s7 =	simm.s32 $0x2800;
	s12 =	rddreg [dreg:$0x5];
	[sflag:s13] =	ssyncadd.s32 $0xFFFFD800  }
0x1f: {  	[tilespmem:s7], [sflag:$0x11] =	stream.linear.gather [hbm4b:s12+s10], $0x2800, $0x38;
	[tilespmem:$0x1FAC0] =	vst v63  }
0x20: {  	s7 =	rddreg [dreg:$0xa];
	_ =	swait.ge [sflag:s13], $0x2800  }
0x21: {  	[sflag:s13] =	ssyncset.done $0x0;
	s12 =	rddreg [dreg:$0x6]  }
0x22: {  	s10 =	rddreg [dreg:$0x9];
	[sflag:s13] =	ssyncadd.s32 $0xFFFFD800  }
0x23: {  	[spmem:s10], [sflag:s7] =	dma.local [hbm:s12], $0xEA6  }
0x24: {  	_ =	swait.ge [sflag:s13], $0xEA6  }
0x25: {  	[sflag:s13] =	ssyncset.done $0x0  }
0x26: {  	s10 =	rddreg [dreg:$0xb];
	[sflag:s13] =	ssyncadd.s32 $0xFFFFF15A  }
0x27: {  	[spmem:s10], [sflag:s7] =	dma.local [hbm:s12], $0xEA6  }
0x28: {  	_ =	swait.ge [sflag:s13], $0xEA6  }
0x29: {  	[sflag:s13] =	ssyncset.done $0x0  }
0x2a: {  	[sflag:s13] =	ssyncadd.s32 $0xFFFFF15A  }
0x2b: {  	s13 =	simm.s32 $0x0;
	[bflag:$0x0] =	sbarrier.arrive $0xFFFF  }
0x2c: {  	[tilespmem:s16], [sflag:$0x1] =	stream.indirect.gather [spmem:s3], $0x30, s13, s15, $0xb8;
	[tilespmem:$0x1FAC0] =	vst v63  }
0x2d: {  	_ = 	snop  }
0x2e: {  	[tilespmem:s17], [sflag:$0x2] =	stream.indirect.gather [spmem:s3], $0x30, s15, s15, $0xb8;
	[tilespmem:$0x1FAC0] =	vst v63  }
0x2f: {  	s7 =	simm.s32 $0x100  }
0x30: {  	[tilespmem:s19], [sflag:$0x3] =	stream.indirect.gather [spmem:s3], $0x30, s7, s15, $0xb8;
	[tilespmem:$0x1FAC0] =	vst v63  }
0x31: {  	s12 =	simm.s32 $0x180  }
0x32: {  	[tilespmem:s21], [sflag:$0x4] =	stream.indirect.gather [spmem:s3], $0x30, s12, s15, $0xb8;
	[tilespmem:$0x1FAC0] =	vst v63  }
0x33: {  	s13 =	simm.s32 $0x200  }
0x34: {  	[tilespmem:s23], [sflag:$0x5] =	stream.indirect.gather [spmem:s3], $0x30, s13, s15, $0xb8;
	[tilespmem:$0x1FAC0] =	vst v63  }
0x35: {  	s7 =	simm.s32 $0x280  }
0x36: {  	[tilespmem:s25], [sflag:$0x6] =	stream.indirect.gather [spmem:s3], $0x30, s7, s15, $0xb8;
	[tilespmem:$0x1FAC0] =	vst v63  }
0x37: {  	s12 =	simm.s32 $0x300  }
0x38: {  	[tilespmem:s28], [sflag:$0x7] =	stream.indirect.gather [spmem:s3], $0x30, s12, s15, $0xb8;
	[tilespmem:$0x1FAC0] =	vst v63  }
0x39: {  	s13 =	simm.s32 $0x380  }
0x3a: {  	[tilespmem:s30], [sflag:$0x8] =	stream.indirect.gather [spmem:s3], $0x30, s13, s15, $0xb8;
	[tilespmem:$0x1FAC0] =	vst v63  }
0x3b: {  	_ =	swait.ge [sflag:s31], $0x1800  }
0x3c: {  	[sflag:s31] =	ssyncset.done $0x0  }
0x3d: {  	s7 =	simm.s32 $0x2800;
	[sflag:s31] =	ssyncadd.s32 $0xFFFFE800  }
0x3e: {  	[spmem:s2] =	stream.indirect.scatter.add.f32 [tilespmem:s16], [sflag:$0x9], $0x30, s7, s15, $0xb8;
	[tilespmem:$0x1FAC0] =	vst v63  }
0x3f: {  	_ =	swait.ge [sflag:s1], $0x1800  }
0x40: {  	[sflag:s1] =	ssyncset.done $0x0  }
0x41: {  	s10 =	simm.s32 $0x2880;
	[sflag:s1] =	ssyncadd.s32 $0xFFFFE800  }
0x42: {  	[spmem:s2] =	stream.indirect.scatter.add.f32 [tilespmem:s17], [sflag:$0xA], $0x30, s10, s15, $0xb8;
	[tilespmem:$0x1FAC0] =	vst v63  }
0x43: {  	_ =	swait.ge [sflag:s0], $0x1800  }
0x44: {  	[sflag:s0] =	ssyncset.done $0x0  }
0x45: {  	s13 =	simm.s32 $0x2900;
	[sflag:s0] =	ssyncadd.s32 $0xFFFFE800  }
0x46: {  	[spmem:s2] =	stream.indirect.scatter.add.f32 [tilespmem:s19], [sflag:$0xB], $0x30, s13, s15, $0xb8;
	[tilespmem:$0x1FAC0] =	vst v63  }
0x47: {  	_ =	swait.ge [sflag:s11], $0x1800  }
0x48: {  	[sflag:s11] =	ssyncset.done $0x0  }
0x49: {  	s7 =	simm.s32 $0x2980;
	[sflag:s11] =	ssyncadd.s32 $0xFFFFE800  }
0x4a: {  	[spmem:s2] =	stream.indirect.scatter.add.f32 [tilespmem:s21], [sflag:$0xC], $0x30, s7, s15, $0xb8;
	[tilespmem:$0x1FAC0] =	vst v63  }
0x4b: {  	_ =	swait.ge [sflag:s18], $0x1800  }
0x4c: {  	[sflag:s18] =	ssyncset.done $0x0  }
0x4d: {  	s10 =	simm.s32 $0x2A00;
	[sflag:s18] =	ssyncadd.s32 $0xFFFFE800  }
0x4e: {  	[spmem:s2] =	stream.indirect.scatter.add.f32 [tilespmem:s23], [sflag:$0xD], $0x30, s10, s15, $0xb8;
	[tilespmem:$0x1FAC0] =	vst v63  }
0x4f: {  	_ =	swait.ge [sflag:s20], $0x1800  }
0x50: {  	[sflag:s20] =	ssyncset.done $0x0  }
0x51: {  	s13 =	simm.s32 $0x2A80;
	[sflag:s20] =	ssyncadd.s32 $0xFFFFE800  }
0x52: {  	[spmem:s2] =	stream.indirect.scatter.add.f32 [tilespmem:s25], [sflag:$0xE], $0x30, s13, s15, $0xb8;
	[tilespmem:$0x1FAC0] =	vst v63  }
0x53: {  	_ =	swait.ge [sflag:s22], $0x1800  }
0x54: {  	[sflag:s22] =	ssyncset.done $0x0  }
0x55: {  	s7 =	simm.s32 $0x2B00;
	[sflag:s22] =	ssyncadd.s32 $0xFFFFE800  }
0x56: {  	[spmem:s2] =	stream.indirect.scatter.add.f32 [tilespmem:s28], [sflag:$0xF], $0x30, s7, s15, $0xb8;
	[tilespmem:$0x1FAC0] =	vst v63  }
0x57: {  	_ =	swait.ge [sflag:s24], $0x1800  }
0x58: {  	[sflag:s24] =	ssyncset.done $0x0  }
0x59: {  	s10 =	simm.s32 $0x2B80;
	[sflag:s24] =	ssyncadd.s32 $0xFFFFE800  }
0x5a: {  	[spmem:s2] =	stream.indirect.scatter.add.f32 [tilespmem:s30], [sflag:$0x10], $0x30, s10, s15, $0xb8;
	[tilespmem:$0x1FAC0] =	vst v63  }
0x5b: {  	_ =	swait.ge [sflag:s26], $0x1800  }
0x5c: {  	[sflag:s26] =	ssyncset.done $0x0  }
0x5d: {  	s13 =	simm.s32 $0x400;
	[sflag:s26] =	ssyncadd.s32 $0xFFFFE800  }
0x5e: {  	[tilespmem:s16], [sflag:$0x1] =	stream.indirect.gather [spmem:s3], $0x30, s13, s15, $0xb8;
	[tilespmem:$0x1FAC0] =	vst v63  }
0x5f: {  	_ =	swait.ge [sflag:s29], $0x1800  }
0x60: {  	[sflag:s29] =	ssyncset.done $0x0  }
0x61: {  	s7 =	simm.s32 $0x480;
	[sflag:s29] =	ssyncadd.s32 $0xFFFFE800  }
0x62: {  	[tilespmem:s17], [sflag:$0x2] =	stream.indirect.gather [spmem:s3], $0x30, s7, s15, $0xb8;
	[tilespmem:$0x1FAC0] =	vst v63  }
0x63: {  	_ =	swait.ge [sflag:s5], $0x1800  }
0x64: {  	[sflag:s5] =	ssyncset.done $0x0  }
0x65: {  	s10 =	simm.s32 $0x500;
	[sflag:s5] =	ssyncadd.s32 $0xFFFFE800  }
0x66: {  	[tilespmem:s19], [sflag:$0x3] =	stream.indirect.gather [spmem:s3], $0x30, s10, s15, $0xb8;
	[tilespmem:$0x1FAC0] =	vst v63  }
0x67: {  	_ =	swait.ge [sflag:s6], $0x1800  }
0x68: {  	[sflag:s6] =	ssyncset.done $0x0  }
0x69: {  	s13 =	simm.s32 $0x580;
	[sflag:s6] =	ssyncadd.s32 $0xFFFFE800  }
0x6a: {  	[tilespmem:s21], [sflag:$0x4] =	stream.indirect.gather [spmem:s3], $0x30, s13, s15, $0xb8;
	[tilespmem:$0x1FAC0] =	vst v63  }
0x6b: {  	_ =	swait.ge [sflag:s8], $0x1800  }
0x6c: {  	[sflag:s8] =	ssyncset.done $0x0  }
0x6d: {  	s7 =	simm.s32 $0x600;
	[sflag:s8] =	ssyncadd.s32 $0xFFFFE800  }
0x6e: {  	[tilespmem:s23], [sflag:$0x5] =	stream.indirect.gather [spmem:s3], $0x30, s7, s15, $0xb8;
	[tilespmem:$0x1FAC0] =	vst v63  }
0x6f: {  	_ =	swait.ge [sflag:s9], $0x1800  }
0x70: {  	[sflag:s9] =	ssyncset.done $0x0  }
0x71: {  	s10 =	simm.s32 $0x680;
	[sflag:s9] =	ssyncadd.s32 $0xFFFFE800  }
0x72: {  	[tilespmem:s25], [sflag:$0x6] =	stream.indirect.gather [spmem:s3], $0x30, s10, s15, $0xb8;
	[tilespmem:$0x1FAC0] =	vst v63  }
0x73: {  	_ =	swait.ge [sflag:s14], $0x1800  }
0x74: {  	[sflag:s14] =	ssyncset.done $0x0  }
0x75: {  	s13 =	simm.s32 $0x700;
	[sflag:s14] =	ssyncadd.s32 $0xFFFFE800  }
0x76: {  	[tilespmem:s28], [sflag:$0x7] =	stream.indirect.gather [spmem:s3], $0x30, s13, s15, $0xb8;
	[tilespmem:$0x1FAC0] =	vst v63  }
0x77: {  	_ =	swait.ge [sflag:s4], $0x1800  }
0x78: {  	[sflag:s4] =	ssyncset.done $0x0  }
0x79: {  	s12 =	simm.s32 $0x780;
	s13 =	simm.s32 $0x1000;
	[sflag:s4] =	ssyncadd.s32 $0xFFFFE800  }
.LBB2_2:
0x7a: {  	[tilespmem:s30], [sflag:$0x8] =	stream.indirect.gather [spmem:s3], $0x30, s12, s15, $0xb8;
	[tilespmem:$0x1FAC0] =	vst v63  }
0x7b: {  	s12 =	smov.u32 s13  }
0x7c: {  	p0 =	sne.s32 s13, $0x8000;
	s13 =	sadd.s32 $0x1000, s13;
	_ =	swait.ge [sflag:s31], $0x1800  }
0x7d: {  	s12 =	sshra.s32 s12, $0x2;
	[sflag:s31] =	ssyncset.done $0x0  }
0x7e: {  	s10 =	sadd.s32 $0x2800, s12;
	[sflag:s31] =	ssyncadd.s32 $0xFFFFE800  }
0x7f: {  	[spmem:s2] =	stream.indirect.scatter.add.f32 [tilespmem:s16], [sflag:$0x9], $0x30, s10, s15, $0xb8;
	[tilespmem:$0x1FAC0] =	vst v63  }
0x80: {  	_ =	swait.ge [sflag:s1], $0x1800  }
0x81: {  	[sflag:s1] =	ssyncset.done $0x0  }
0x82: {  	s10 =	sadd.s32 $0x2880, s12;
	[sflag:s1] =	ssyncadd.s32 $0xFFFFE800  }
0x83: {  	[spmem:s2] =	stream.indirect.scatter.add.f32 [tilespmem:s17], [sflag:$0xA], $0x30, s10, s15, $0xb8;
	[tilespmem:$0x1FAC0] =	vst v63  }
0x84: {  	_ =	swait.ge [sflag:s0], $0x1800  }
0x85: {  	[sflag:s0] =	ssyncset.done $0x0  }
0x86: {  	s10 =	sadd.s32 $0x2900, s12;
	[sflag:s0] =	ssyncadd.s32 $0xFFFFE800  }
0x87: {  	[spmem:s2] =	stream.indirect.scatter.add.f32 [tilespmem:s19], [sflag:$0xB], $0x30, s10, s15, $0xb8;
	[tilespmem:$0x1FAC0] =	vst v63  }
0x88: {  	_ =	swait.ge [sflag:s11], $0x1800  }
0x89: {  	[sflag:s11] =	ssyncset.done $0x0  }
0x8a: {  	s10 =	sadd.s32 $0x2980, s12;
	[sflag:s11] =	ssyncadd.s32 $0xFFFFE800  }
0x8b: {  	[spmem:s2] =	stream.indirect.scatter.add.f32 [tilespmem:s21], [sflag:$0xC], $0x30, s10, s15, $0xb8;
	[tilespmem:$0x1FAC0] =	vst v63  }
0x8c: {  	_ =	swait.ge [sflag:s18], $0x1800  }
0x8d: {  	[sflag:s18] =	ssyncset.done $0x0  }
0x8e: {  	s10 =	sadd.s32 $0x2A00, s12;
	[sflag:s18] =	ssyncadd.s32 $0xFFFFE800  }
0x8f: {  	[spmem:s2] =	stream.indirect.scatter.add.f32 [tilespmem:s23], [sflag:$0xD], $0x30, s10, s15, $0xb8;
	[tilespmem:$0x1FAC0] =	vst v63  }
0x90: {  	_ =	swait.ge [sflag:s20], $0x1800  }
0x91: {  	[sflag:s20] =	ssyncset.done $0x0  }
0x92: {  	s10 =	sadd.s32 $0x2A80, s12;
	[sflag:s20] =	ssyncadd.s32 $0xFFFFE800  }
0x93: {  	[spmem:s2] =	stream.indirect.scatter.add.f32 [tilespmem:s25], [sflag:$0xE], $0x30, s10, s15, $0xb8;
	[tilespmem:$0x1FAC0] =	vst v63  }
0x94: {  	_ =	swait.ge [sflag:s22], $0x1800  }
0x95: {  	[sflag:s22] =	ssyncset.done $0x0  }
0x96: {  	s10 =	sadd.s32 $0x2B00, s12;
	[sflag:s22] =	ssyncadd.s32 $0xFFFFE800  }
0x97: {  	[spmem:s2] =	stream.indirect.scatter.add.f32 [tilespmem:s28], [sflag:$0xF], $0x30, s10, s15, $0xb8;
	[tilespmem:$0x1FAC0] =	vst v63  }
0x98: {  	_ =	swait.ge [sflag:s24], $0x1800  }
0x99: {  	[sflag:s24] =	ssyncset.done $0x0  }
0x9a: {  	s10 =	sadd.s32 $0x2B80, s12;
	[sflag:s24] =	ssyncadd.s32 $0xFFFFE800  }
0x9b: {  	[spmem:s2] =	stream.indirect.scatter.add.f32 [tilespmem:s30], [sflag:$0x10], $0x30, s10, s15, $0xb8;
	[tilespmem:$0x1FAC0] =	vst v63  }
0x9c: {  	_ =	swait.ge [sflag:s26], $0x1800  }
0x9d: {  	[sflag:s26] =	ssyncset.done $0x0  }
0x9e: {  	s10 =	sadd.s32 $0x400, s12;
	[sflag:s26] =	ssyncadd.s32 $0xFFFFE800  }
0x9f: {  	[tilespmem:s16], [sflag:$0x1] =	stream.indirect.gather [spmem:s3], $0x30, s10, s15, $0xb8;
	[tilespmem:$0x1FAC0] =	vst v63  }
0xa0: {  	_ =	swait.ge [sflag:s29], $0x1800  }
0xa1: {  	[sflag:s29] =	ssyncset.done $0x0  }
0xa2: {  	s10 =	sadd.s32 $0x480, s12;
	[sflag:s29] =	ssyncadd.s32 $0xFFFFE800  }
0xa3: {  	[tilespmem:s17], [sflag:$0x2] =	stream.indirect.gather [spmem:s3], $0x30, s10, s15, $0xb8;
	[tilespmem:$0x1FAC0] =	vst v63  }
0xa4: {  	_ =	swait.ge [sflag:s5], $0x1800  }
0xa5: {  	[sflag:s5] =	ssyncset.done $0x0  }
0xa6: {  	s10 =	sadd.s32 $0x500, s12;
	[sflag:s5] =	ssyncadd.s32 $0xFFFFE800  }
0xa7: {  	[tilespmem:s19], [sflag:$0x3] =	stream.indirect.gather [spmem:s3], $0x30, s10, s15, $0xb8;
	[tilespmem:$0x1FAC0] =	vst v63  }
0xa8: {  	_ =	swait.ge [sflag:s6], $0x1800  }
0xa9: {  	[sflag:s6] =	ssyncset.done $0x0  }
0xaa: {  	s10 =	sadd.s32 $0x580, s12;
	[sflag:s6] =	ssyncadd.s32 $0xFFFFE800  }
0xab: {  	[tilespmem:s21], [sflag:$0x4] =	stream.indirect.gather [spmem:s3], $0x30, s10, s15, $0xb8;
	[tilespmem:$0x1FAC0] =	vst v63  }
0xac: {  	_ =	swait.ge [sflag:s8], $0x1800  }
0xad: {  	[sflag:s8] =	ssyncset.done $0x0  }
0xae: {  	s10 =	sadd.s32 $0x600, s12;
	[sflag:s8] =	ssyncadd.s32 $0xFFFFE800  }
0xaf: {  	[tilespmem:s23], [sflag:$0x5] =	stream.indirect.gather [spmem:s3], $0x30, s10, s15, $0xb8;
	[tilespmem:$0x1FAC0] =	vst v63  }
0xb0: {  	_ =	swait.ge [sflag:s9], $0x1800  }
0xb1: {  	[sflag:s9] =	ssyncset.done $0x0  }
0xb2: {  	s10 =	sadd.s32 $0x680, s12;
	[sflag:s9] =	ssyncadd.s32 $0xFFFFE800  }
0xb3: {  	[tilespmem:s25], [sflag:$0x6] =	stream.indirect.gather [spmem:s3], $0x30, s10, s15, $0xb8;
	[tilespmem:$0x1FAC0] =	vst v63  }
0xb4: {  	_ =	swait.ge [sflag:s14], $0x1800  }
0xb5: {  	[sflag:s14] =	ssyncset.done $0x0  }
.Ltmp0:
0xb6: {  	s10 =	sadd.s32 $0x700, s12;
	[sflag:s14] =	ssyncadd.s32 $0xFFFFE800;
	(pc) =	sbr.rel @p0 .LBB2_2-.Ltmp0, $4  }
0xb7: {  	[tilespmem:s28], [sflag:$0x7] =	stream.indirect.gather [spmem:s3], $0x30, s10, s15, $0xb8;
	[tilespmem:$0x1FAC0] =	vst v63  }
0xb8: {  	_ =	swait.ge [sflag:s4], $0x1800  }
0xb9: {  	[sflag:s4] =	ssyncset.done $0x0  }
0xba: {  	s12 =	sadd.s32 $0x780, s12;
	[sflag:s4] =	ssyncadd.s32 $0xFFFFE800  }
0xbb: {  	[tilespmem:s30], [sflag:$0x8] =	stream.indirect.gather [spmem:s3], $0x30, s12, s15, $0xb8;
	[tilespmem:$0x1FAC0] =	vst v63  }
0xbc: {  	_ =	swait.ge [sflag:s31], $0x1800  }
0xbd: {  	[sflag:s31] =	ssyncset.done $0x0  }
0xbe: {  	s10 =	simm.s32 $0x4C00;
	[sflag:s31] =	ssyncadd.s32 $0xFFFFE800  }
0xbf: {  	[spmem:s2] =	stream.indirect.scatter.add.f32 [tilespmem:s16], [sflag:$0x9], $0x30, s10, s15, $0xb8;
	[tilespmem:$0x1FAC0] =	vst v63  }
0xc0: {  	_ =	swait.ge [sflag:s1], $0x1800  }
0xc1: {  	[sflag:s1] =	ssyncset.done $0x0  }
0xc2: {  	s7 =	simm.s32 $0x4C80;
	[sflag:s1] =	ssyncadd.s32 $0xFFFFE800  }
0xc3: {  	[spmem:s2] =	stream.indirect.scatter.add.f32 [tilespmem:s17], [sflag:$0xA], $0x30, s7, s15, $0xb8;
	[tilespmem:$0x1FAC0] =	vst v63  }
0xc4: {  	_ =	swait.ge [sflag:s0], $0x1800  }
0xc5: {  	[sflag:s0] =	ssyncset.done $0x0  }
0xc6: {  	s12 =	simm.s32 $0x4D00;
	[sflag:s0] =	ssyncadd.s32 $0xFFFFE800  }
0xc7: {  	[spmem:s2] =	stream.indirect.scatter.add.f32 [tilespmem:s19], [sflag:$0xB], $0x30, s12, s15, $0xb8;
	[tilespmem:$0x1FAC0] =	vst v63  }
0xc8: {  	_ =	swait.ge [sflag:s11], $0x1800  }
0xc9: {  	[sflag:s11] =	ssyncset.done $0x0  }
0xca: {  	s13 =	simm.s32 $0x4D80;
	[sflag:s11] =	ssyncadd.s32 $0xFFFFE800  }
0xcb: {  	[spmem:s2] =	stream.indirect.scatter.add.f32 [tilespmem:s21], [sflag:$0xC], $0x30, s13, s15, $0xb8;
	[tilespmem:$0x1FAC0] =	vst v63  }
0xcc: {  	_ =	swait.ge [sflag:s18], $0x1800  }
0xcd: {  	[sflag:s18] =	ssyncset.done $0x0  }
0xce: {  	s7 =	simm.s32 $0x4E00;
	[sflag:s18] =	ssyncadd.s32 $0xFFFFE800  }
0xcf: {  	[spmem:s2] =	stream.indirect.scatter.add.f32 [tilespmem:s23], [sflag:$0xD], $0x30, s7, s15, $0xb8;
	[tilespmem:$0x1FAC0] =	vst v63  }
0xd0: {  	_ =	swait.ge [sflag:s20], $0x1800  }
0xd1: {  	[sflag:s20] =	ssyncset.done $0x0  }
0xd2: {  	s12 =	simm.s32 $0x4E80;
	[sflag:s20] =	ssyncadd.s32 $0xFFFFE800  }
0xd3: {  	[spmem:s2] =	stream.indirect.scatter.add.f32 [tilespmem:s25], [sflag:$0xE], $0x30, s12, s15, $0xb8;
	[tilespmem:$0x1FAC0] =	vst v63  }
0xd4: {  	_ =	swait.ge [sflag:s22], $0x1800  }
0xd5: {  	[sflag:s22] =	ssyncset.done $0x0  }
0xd6: {  	s13 =	simm.s32 $0x4F00;
	[sflag:s22] =	ssyncadd.s32 $0xFFFFE800  }
0xd7: {  	[spmem:s2] =	stream.indirect.scatter.add.f32 [tilespmem:s28], [sflag:$0xF], $0x30, s13, s15, $0xb8;
	[tilespmem:$0x1FAC0] =	vst v63  }
0xd8: {  	_ =	swait.ge [sflag:s24], $0x1800  }
0xd9: {  	[sflag:s24] =	ssyncset.done $0x0  }
0xda: {  	s7 =	simm.s32 $0x4F80;
	[sflag:s24] =	ssyncadd.s32 $0xFFFFE800  }
0xdb: {  	[spmem:s2] =	stream.indirect.scatter.add.f32 [tilespmem:s30], [sflag:$0x10], $0x30, s7, s15, $0xb8;
	[tilespmem:$0x1FAC0] =	vst v63  }
0xdc: {  	_ =	swait.ge [sflag:s26], $0x1800  }
0xdd: {  	[sflag:s26] =	ssyncset.done $0x0  }
0xde: {  	[sflag:s26] =	ssyncadd.s32 $0xFFFFE800  }
0xdf: {  	_ =	swait.ge [sflag:s29], $0x1800  }
0xe0: {  	[sflag:s29] =	ssyncset.done $0x0  }
0xe1: {  	[sflag:s29] =	ssyncadd.s32 $0xFFFFE800  }
0xe2: {  	_ =	swait.ge [sflag:s5], $0x1800  }
0xe3: {  	[sflag:s5] =	ssyncset.done $0x0  }
0xe4: {  	[sflag:s5] =	ssyncadd.s32 $0xFFFFE800  }
0xe5: {  	_ =	swait.ge [sflag:s6], $0x1800  }
0xe6: {  	[sflag:s6] =	ssyncset.done $0x0  }
0xe7: {  	[sflag:s6] =	ssyncadd.s32 $0xFFFFE800  }
0xe8: {  	_ =	swait.ge [sflag:s8], $0x1800  }
0xe9: {  	[sflag:s8] =	ssyncset.done $0x0  }
0xea: {  	[sflag:s8] =	ssyncadd.s32 $0xFFFFE800  }
0xeb: {  	_ =	swait.ge [sflag:s9], $0x1800  }
0xec: {  	[sflag:s9] =	ssyncset.done $0x0  }
0xed: {  	[sflag:s9] =	ssyncadd.s32 $0xFFFFE800  }
0xee: {  	_ =	swait.ge [sflag:s14], $0x1800  }
0xef: {  	[sflag:s14] =	ssyncset.done $0x0  }
0xf0: {  	[sflag:s14] =	ssyncadd.s32 $0xFFFFE800  }
0xf1: {  	_ =	swait.ge [sflag:s4], $0x1800  }
0xf2: {  	[sflag:s4] =	ssyncset.done $0x0  }
0xf3: {  	[sflag:s4] =	ssyncadd.s32 $0xFFFFE800  }
0xf4: {  	[bflag:$0x0] =	sbarrier.arrive $0xFFFF  }
0xf5: {  	s12 =	rddreg [dreg:$0x7]  }
0xf6: {  	s13 =	rddreg [dreg:$0x9]  }
0xf7: {  	s7 =	rddreg [dreg:$0xa]  }
0xf8: {  	[hbm:s12], [sflag:s7] =	dma.local [spmem:s13], $0xEA6  }
0xf9: {  	s13 =	simm.s32 $0x11  }
0xfa: {  	_ =	swait.ge [sflag:s13], $0xEA6  }
0xfb: {  	s10 =	rddreg [dreg:$0xc]  }
0xfc: {  	s12 =	rddreg [dreg:$0x8];
	s7 =	sadd.s32 $0x1, s10  }
0xfd: {  	p0 =	sne.s32 s7, s12  }
.Ltmp1:
0xfe: {  	_ = 	snop;
	(pc) =	sbr.rel @p0 .LBB2_1-.Ltmp1, $3  }
0xff: {  	_ =	sdelay $0x1  }
0x100: {  	[sflag:s13] =	ssyncset.done $0x0  }
0x101: {  	[sflag:s13] =	ssyncadd.s32 $0xFFFFF15A;
	[dreg:$0xc] =	wrdreg s7  }
0x102: {  	_ =	sfence.sel $0x180000  }
0x103: {  	[bflag:$0x0] =	sbarrier.arrive $0xFFFF  }
0x104: {  	_ =	strace $0x9000004A  }
0x105: {  	s0 =	stileid.u32;
	[bflag:$0x2] =	sbarrier.arrive $0xFFFF  }
0x106: {  	p0 =	sne.s32 s0, $0x0;
	s0 =	rddreg [dreg:$0x3]  }
0x107: {  	s0 =	sadd.s32 @!p0 $0x100000, s0  }
0x108: {  	[sflag:s0] =	ssyncadd.tile.s32 @!p0 $0x1;
	_ =	shalt  }
.Lfunc_end2:
_tile_overlayer_lowered:
.L_overlay_start_2:
0x109: {  	(tag) =	ssettag $0x2  }
0x10a: {  	s0 =	rddreg [dreg:$0x0];
	s2 =	stileid.u32  }
0x10b: {  	s1 =	rddreg [dreg:$0x1];
	p0 =	sne.s32 s2, $0x0  }
0x10c: {  	s3 =	rddreg [dreg:$0x2];
	[bflag:$0x3] =	sbarrier.arrive $0xFFFF;
	s2 =	simm.s32 @!p0 $0x1C11  }
0x10d: {  	[timem:s3], [sflag:s2] =	dma.local @!p0 [hbm:s0], s1  }
0x10e: {  	s0 =	simm.s32 @!p0 $0x11  }
0x10f: {  	_ =	swait.ge @!p0 [sflag:s0], s1  }
0x110: {  	s1 =	ssub.s32 @!p0 $0x0, s1;
	[sflag:s0] =	ssyncset.done @!p0 $0x0  }
0x111: {  	[sflag:s0] =	ssyncadd.s32 @!p0 s1  }
0x112: {  	[bflag:$0x3] =	sbarrier.arrive $0xFFFF  }
0x113: {  	_ =	shalt  }

// kernel: kernel.14.cloned.1.call-start
scs
__scs_entry_jumppad:
0x0: {  	(pc) =	sbr.rel $0x88, $3  }
0x1: {  	(tag) =	ssettag $0x0;
	lr =	simm.s32 $0x1  }
0x2: {  	[smem:$0x3F94] =	sst lr;
	_ =	strace $0xD0000000  }
0x3: {  	_ = 	snop  }
0x4: {  	_ = 	snop  }
0x5: {  	_ = 	snop  }
0x6: {  	_ = 	snop  }
0x7: {  	_ = 	snop  }
__scs_overlays_trampoline_lowered:
0x8: {  	[smem:$0x3FA3] =	sst s0  }
0x9: {  	[smem:$0x3FA4] =	sst s1  }
0xa: {  	[smem:$0x3FA5] =	sst s2  }
0xb: {  	[smem:$0x3FA6] =	sst s3  }
0xc: {  	[smem:$0x3FA7] =	sst s4  }
0xd: {  	[smem:$0x3FA8] =	sst s5  }
0xe: {  	[smem:$0x3FA9] =	sst s6  }
0xf: {  	[smem:$0x3FAA] =	sst s7  }
0x10: {  	[smem:$0x3FAB] =	sst s8  }
0x11: {  	[smem:$0x3FAC] =	sst s9;
	s0 =	simm.s32 @!p0 $0x0  }
0x12: {  	s1 =	sld [smem:$0x3F92];
	s0 =	simm.s32 @p0 $0x1  }
0x13: {  	[smem:$0x3FAD] =	sst s0;
	s0 =	simm.s32 @!p1 $0x0  }
0x14: {  	s2 =	sld [smem:$0x3F91];
	s0 =	simm.s32 @p1 $0x1  }
0x15: {  	[smem:$0x3FAE] =	sst s0;
	s0 =	simm.s32 @!p2 $0x0  }
0x16: {  	s3 =	sld [smem:$0x3FDB];
	s0 =	simm.s32 @p2 $0x1  }
0x17: {  	s4 =	simm.s32 $0x1BF5;
	[smem:$0x3FB0] =	sst s0  }
0x18: {  	s0 =	sld [smem:$0x3F93];
	_ =	swait.ge [sflag:s4], $0x0  }
0x19: {  	s7 =	sld [smem:$0x3F94]  }
0x1a: {  	s8 =	sadd.s32 $0xFFFFE003, lr  }
0x1b: {  	s9 =	sadd.s32 $0xFFFFFEF7, lr;
	s5 =	simm.s32 $0xFFFFFFFF;
	p2 =	slt.u32 s8, $0xFFFFF086  }
0x1c: {  	p1 =	slt.u32 s9, $0xF7A;
	s5 =	simm.s32 @!p2 $0x0  }
0x1d: {  	s5 =	simm.s32 @p1 $0x1;
	p0 =	seq.s32 s7, s2  }
0x1e: {  	s7 =	smul.u32 @!p0 $0xF7A, s2;
	p2 =	seq.s32 @!p0 s5, $0x0  }
0x1f: {  	s9 =	smul.u32 $0xF7A, s1;
	s8 =	simm.s32 @!p0 $0x1BF5;
	p2 =	por !p2, p0  }
0x20: {  	[sflag:s8] =	ssyncset.s32 @!p0 $0xFFFFF086;
	s6 =	sadd.s32 @!p0 s3, s7;
	s7 =	simm.s32 @!p0 $0x108  }
0x21: {  	s3 =	sadd.s32 s3, s9;
	s6 =	sadd.s32 @!p0 $0x88, s6;
	s7 =	simm.s32 @p2 $0x1082  }
0x22: {  	[simem:s7], [sflag:s8] =	dma.local @!p0 [hbm:s6], $0xF7A  }
0x23: {  	s9 =	sor.u32 $0xD0000000, s2;
	s6 =	simm.s32 $0x108;
	_ =	swait.ge @!p0 [sflag:s8], $0x0  }
0x24: {  	s3 =	sadd.s32 $0x88, s3;
	s6 =	simm.s32 @!p1 $0x1082;
	[sflag:s4] =	ssyncset.s32 $0xFFFFF086  }
0x25: {  	[simem:s6], [sflag:s4] =	dma.local [hbm:s3], $0xF7A  }
0x26: {  	[smem:$0x3F94] =	sst s1;
	(tag) =	ssettag s2;
	_ =	strace s9  }
0x27: {  	s1 =	sld [smem:$0x3FA4]  }
0x28: {  	s2 =	sld [smem:$0x3FA5]  }
0x29: {  	s4 =	sld [smem:$0x3FA7]  }
0x2a: {  	p0 =	seq.s32 s5, $0x0;
	s5 =	sld [smem:$0x3FA8]  }
0x2b: {  	s6 =	sld [smem:$0x3FA9]  }
0x2c: {  	s7 =	sld [smem:$0x3FAA]  }
0x2d: {  	s3 =	simm.s32 $0x108;
	s8 =	sld [smem:$0x3FAB]  }
0x2e: {  	s3 =	simm.s32 @!p0 $0x1082;
	s9 =	sld [smem:$0x3FAC]  }
0x2f: {  	lr =	sadd.s32 s0, s3;
	s0 =	sld [smem:$0x3FA3]  }
0x30: {  	s3 =	sld [smem:$0x3FA6]  }
0x31: {  	[smem:$0x3FAF] =	sst s10  }
0x32: {  	s10 =	sld [smem:$0x3FAD];
	_ =	sdelay $0x3  }
0x33: {  	p0 =	seq.s32 s10, $0x1;
	s10 =	sld [smem:$0x3FAF];
	_ =	sdelay $0x3  }
0x34: {  	[smem:$0x3FAF] =	sst s10  }
0x35: {  	s10 =	sld [smem:$0x3FAE];
	_ =	sdelay $0x3  }
0x36: {  	p1 =	seq.s32 s10, $0x1;
	s10 =	sld [smem:$0x3FAF];
	_ =	sdelay $0x3  }
0x37: {  	[smem:$0x3FAF] =	sst s10  }
0x38: {  	s10 =	sld [smem:$0x3FB0]  }
0x39: {  	_ = 	snop;
	(pc) =	sbr.ind lr, $3  }
0x3a: {  	_ = 	snop  }
0x3b: {  	_ = 	snop  }
0x3c: {  	p2 =	seq.s32 s10, $0x1;
	s10 =	sld [smem:$0x3FAF]  }
0x3d: {  	_ =	shalt  }
0x3e: {  	_ =	shalt  }
0x3f: {  	_ =	shalt  }
0x40: {  	_ =	shalt  }
0x41: {  	_ =	shalt  }
0x42: {  	_ =	shalt  }
0x43: {  	_ =	shalt  }
0x44: {  	_ =	shalt  }
0x45: {  	_ =	shalt  }
0x46: {  	_ =	shalt  }
0x47: {  	_ =	shalt  }
0x48: {  	_ =	shalt  }
0x49: {  	_ =	shalt  }
0x4a: {  	_ =	shalt  }
0x4b: {  	_ =	shalt  }
0x4c: {  	_ =	shalt  }
0x4d: {  	_ =	shalt  }
0x4e: {  	_ =	shalt  }
0x4f: {  	_ =	shalt  }
0x50: {  	_ =	shalt  }
0x51: {  	_ =	shalt  }
0x52: {  	_ =	shalt  }
0x53: {  	_ =	shalt  }
0x54: {  	_ =	shalt  }
0x55: {  	_ =	shalt  }
0x56: {  	_ =	shalt  }
0x57: {  	_ =	shalt  }
0x58: {  	_ =	shalt  }
0x59: {  	_ =	shalt  }
0x5a: {  	_ =	shalt  }
0x5b: {  	_ =	shalt  }
0x5c: {  	_ =	shalt  }
0x5d: {  	_ =	shalt  }
0x5e: {  	_ =	shalt  }
0x5f: {  	_ =	shalt  }
0x60: {  	_ =	shalt  }
0x61: {  	_ =	shalt  }
0x62: {  	_ =	shalt  }
0x63: {  	_ =	shalt  }
0x64: {  	_ =	shalt  }
0x65: {  	_ =	shalt  }
0x66: {  	_ =	shalt  }
0x67: {  	_ =	shalt  }
0x68: {  	_ =	shalt  }
0x69: {  	_ =	shalt  }
0x6a: {  	_ =	shalt  }
0x6b: {  	_ =	shalt  }
0x6c: {  	_ =	shalt  }
0x6d: {  	_ =	shalt  }
0x6e: {  	_ =	shalt  }
0x6f: {  	_ =	shalt  }
0x70: {  	_ =	shalt  }
0x71: {  	_ =	shalt  }
0x72: {  	_ =	shalt  }
0x73: {  	_ =	shalt  }
0x74: {  	_ =	shalt  }
0x75: {  	_ =	shalt  }
0x76: {  	_ =	shalt  }
0x77: {  	_ =	shalt  }
0x78: {  	_ =	shalt  }
0x79: {  	_ =	shalt  }
0x7a: {  	_ =	shalt  }
0x7b: {  	_ =	shalt  }
0x7c: {  	_ =	shalt  }
0x7d: {  	_ =	shalt  }
0x7e: {  	_ =	shalt  }
0x7f: {  	_ =	shalt  }
0x80: {  	_ =	shalt  }
0x81: {  	_ =	shalt  }
0x82: {  	_ =	shalt  }
0x83: {  	_ =	shalt  }
0x84: {  	_ =	shalt  }
0x85: {  	_ =	shalt  }
0x86: {  	_ =	shalt  }
0x87: {  	_ =	shalt  }
.Lfunc_end0:
.L_simem_size_0:
called_computation.2_lowered:
.L_overlay_start_0:
0x88: {  	s2 =	sld [smem:$0x3FD9]  }
0x89: {  	s3 =	sld [smem:$0x3FFE];
	_ =	sdelay $0x1  }
0x8a: {  	s1 =	srdreg.scid  }
0x8b: {  	s0 =	sand.u32 $0x1, s1  }
0x8c: {  	s16 =	sshll.u32 s0, $0xA;
	s2 =	sadd.s32 s3, s2  }
0x8d: {  	s2 =	sadd.s32 s2, s16  }
0x8e: {  	[smem:$0x3FBB] =	sst s2  }
0x8f: {  	_ = 	snop  }
0x90: {  	(tm) =	ssettm $0x1  }
0x91: {  	s17 =	sld [smem:$0x3FFB];
	_ =	sdelay $0x3  }
0x92: {  	_ =	strace s17  }
0x93: {  	s2 =	sld [smem:$0x3FFC];
	_ =	sdelay $0x3  }
0x94: {  	_ =	strace s2  }
0x95: {  	s2 =	sld [smem:$0x3FFD];
	_ =	sdelay $0x3  }
0x96: {  	_ =	strace s2  }
0x97: {  	_ =	strace $0x8FFFFFFF  }
0x98: {  	s18 =	sld [smem:$0x3FDB];
	_ =	sdelay $0x1  }
0x99: {  	s19 =	simm.s32 $_scs_section_size  }
0x9a: {  	s4 =	simm.s32 $_size__tile_overlayer_lowered;
	s5 =	simm.s32 $_tile_overlayer_lowered  }
0x9b: {  	s22 =	simm.s32 $0x1BFF;
	s21 =	sshll.u32 s5, $0x1;
	s2 =	sadd.s32 s19, s18  }
0x9c: {  	s6 =	simm.s32 $0x0;
	s20 =	sshll.u32 s4, $0x1;
	s4 =	sadd.s32 s21, s2  }
0x9d: {  	[timem:s6], [sflag:s22] =	dma.local [hbm:s4], s20  }
0x9e: {  	_ =	swait.ge [sflag:s22], s20  }
0x9f: {  	s3 =	ssub.s32 $0x0, s20;
	[sflag:s22] =	ssyncset.done $0x0  }
0xa0: {  	[sflag:s22] =	ssyncadd.s32 s3;
	_ =	sdelay $0x1  }
0xa1: {  	s23 =	simm.s32 $0x1B8B  }
0xa2: {  	_ =	swait.ge [sflag:s23], $0x1  }
0xa3: {  	[sflag:s23] =	ssyncset.done $0x0  }
0xa4: {  	s25 =	simm.s32 $0x1B8E;
	s24 =	sld [smem:$0x3FFE];
	[sflag:s23] =	ssyncadd.s32 $0xFFFFFFFF  }
0xa5: {  	s26 =	simm.s32 $execute0_lowered;
	[smem:$0x3FD2] =	sst s25  }
0xa6: {  	s4 =	sshll.u32 s26, $0x1;
	_ =	strace $0x8000004C;
	[dreg:$0x1] =	wrdreg $0xFFFFFFFF  }
0xa7: {  	s28 =	simm.s32 $_size_execute0_lowered;
	s2 =	sadd.s32 s2, s4;
	[dreg:$0x0] =	wrdreg $0x0  }
0xa8: {  	s4 =	sshll.u32 s28, $0x1;
	[dreg:$0x2] =	wrdreg s2  }
0xa9: {  	[dreg:$0x3] =	wrdreg s4  }
0xaa: {  	[dreg:$0x4] =	wrdreg $0xC0  }
0xab: {  	_ =	task [dreg:s6], $0x5FFFF  }
0xac: {  	[dreg:$0x1] =	wrdreg $0xFFFFFFFF  }
0xad: {  	[dreg:$0x0] =	wrdreg $0x60  }
0xae: {  	[dreg:$0x2] =	wrdreg s24  }
0xaf: {  	[dreg:$0x3] =	wrdreg $0x90000  }
0xb0: {  	[dreg:$0x4] =	wrdreg $0xB7200  }
0xb1: {  	[dreg:$0x5] =	wrdreg $0x9  }
0xb2: {  	_ =	task.clear_ibuf [dreg:s6], $0x6FFFF;
	_ =	strace $0x9000004C  }
0xb3: {  	s29 =	simm.s32 $0x9;
	_ =	strace $0x8000004E  }
0xb4: {  	_ =	swait.ge [sflag:s29], $0x1  }
0xb5: {  	[sflag:s29] =	ssyncadd.s32 $0xFFFFFFFF  }
0xb6: {  	_ =	strace $0x9000004E  }
0xb7: {  	_ =	sfence  }
0xb8: {  	s30 =	sld [smem:$0x0];
	_ =	sdelay $0x2  }
0xb9: {  	s31 =	sshll.u32 s1, $0xD;
	s1 =	sshrl.u32 s1, $0x2  }
0xba: {  	s3 =	sand.u32 $0x4000, s31;
	s1 =	sadd.s32 s1, s30  }
0xbb: {  	s0 =	sor.u32 s3, s0;
	s1 =	sshll.u32 s1, $0x11  }
0xbc: {  	s0 =	sor.u32 s1, s0  }
0xbd: {  	s0 =	sadd.s32 $0x8F2B, s0  }
0xbe: {  	[sflag:s0] =	ssyncadd.remote.s32 $0x1  }
0xbf: {  	_ =	sfence.sel $0xFFFF  }
0xc0: {  	[dreg:$0x0] =	wrdreg $0xFFFFFFFF;
	(pc) =	sbr.abs _section_cstart, $3  }
0xc1: {  	[dreg:$0x1] =	wrdreg $0xFFFFFFFF  }
0xc2: {  	_ =	task.clear_ibuf [dreg:s6], $0x2FFFF;
	_ =	strace $0x9FFFFFFF  }
0xc3: {  	(tm) =	ssettm $0x7FFFFFFF  }
tec
execute0_lowered:
.L_overlay_start_1:
0x0: {  	(tag) =	ssettag $0x1  }
0x1: {  	s0 =	rddreg [dreg:$0x0]  }
0x2: {  	s9 =	stileid.u32;
	s2 =	rddreg [dreg:$0x1]  }
0x3: {  	s1 =	srdreg.scid;
	s3 =	rddreg [dreg:$0x2]  }
0x4: {  	s7 =	simm.s32 $0x0;
	s13 =	simm.s32 $0x11;
	s15 =	simm.s32 $0x80  }
0x5: {  	s16 =	simm.s32 $0x5000;
	s17 =	simm.s32 $0x5800;
	s28 =	simm.s32 $0x8000  }
0x6: {  	s30 =	simm.s32 $0x8800;
	s31 =	simm.s32 $0x1;
	s11 =	simm.s32 $0x4  }
0x7: {  	s29 =	simm.s32 $0xA;
	s14 =	simm.s32 $0xF;
	s4 =	smul.u32 $0x2710, s9  }
0x8: {  	s10 =	simm.s32 $0x0;
	s1 =	sand.u32 $0x1, s1;
	s6 =	smul.u32 $0x2800, s9  }
0x9: {  	[smem:$0x7FF] =	sst s7;
	s25 =	sshll.u32 s9, $0x6;
	s5 =	smul.u32 $0x28000, s1  }
0xa: {  	s9 =	simm.s32 $0xE;
	s18 =	smul.u32 $0x27100, s1;
	_ =	strace $0x8000004D  }
0xb: {  	s1 =	ssub.s32 $0x2, s1;
	[dreg:$0xc] =	wrdreg s10;
	s8 =	sshrl.u32 s4, $0x3  }
0xc: {  	s20 =	sshrl.u32 s1, $0x1;
	s22 =	sadd.s32 s4, s2;
	s8 =	sadd.s32 s8, s0  }
0xd: {  	s5 =	sadd.s32 s6, s5;
	s19 =	sadd.s32 s4, s18;
	s1 =	ssub.s32 s1, s20  }
0xe: {  	s4 =	sadd.s32 s4, s3;
	s12 =	sshrl.u32 s22, $0x3;
	s18 =	simm.s32 $0x5  }
0xf: {  	s20 =	simm.s32 $0x6;
	s22 =	simm.s32 $0x7;
	s5 =	sshrl.u32 s5, $0x3  }
0x10: {  	s6 =	sshrl.u32 s19, $0x3;
	s23 =	sadd.s32 $0x16C00, s8;
	s24 =	smax.u32 s1, $0x1  }
0x11: {  	s26 =	sshrl.u32 s4, $0x3;
	s19 =	simm.s32 $0x6000;
	[dreg:$0x9] =	wrdreg s12  }
0x12: {  	s1 =	simm.s32 $0x2;
	s8 =	simm.s32 $0xD;
	[dreg:$0x6] =	wrdreg s23  }
0x13: {  	s4 =	simm.s32 $0x10;
	s5 =	sadd.s32 s5, s0;
	[dreg:$0x8] =	wrdreg s24  }
0x14: {  	s0 =	sadd.s32 s6, s0;
	[dreg:$0xb] =	wrdreg s26;
	s21 =	sadd.s32 $0x2C00, s5  }
0x15: {  	s23 =	simm.s32 $0x7000;
	s5 =	sadd.s32 $0xCC00, s5;
	[dreg:$0x4] =	wrdreg s21  }
0x16: {  	s24 =	simm.s32 $0x8;
	s0 =	sadd.s32 $0x1BC00, s0;
	[dreg:$0x5] =	wrdreg s5  }
0x17: {  	s26 =	simm.s32 $0x9;
	s6 =	simm.s32 $0xC;
	[dreg:$0x7] =	wrdreg s0  }
0x18: {  	s0 =	sor.u32 $0x1C11, s25;
	s21 =	simm.s32 $0x6800;
	s25 =	simm.s32 $0x7800  }
0x19: {  	s5 =	simm.s32 $0xB;
	[dreg:$0xa] =	wrdreg s0;
	s0 =	simm.s32 $0x3  }
.LBB2_1:
0x1a: {  	s7 =	simm.s32 $0x0;
	s12 =	rddreg [dreg:$0x4]  }
0x1b: {  	[tilespmem:s7], [sflag:$0x11] =	stream.linear.gather [hbm4b:s12+s7], $0x2800, $0x38;
	[tilespmem:$0xDE40] =	vst v63  }
0x1c: {  	_ =	swait.ge [sflag:s13], $0x2800  }
0x1d: {  	s10 =	simm.s32 $0x0;
	[sflag:s13] =	ssyncset.done $0x0  }
0x1e: {  	s7 =	simm.s32 $0x2800;
	s12 =	rddreg [dreg:$0x5];
	[sflag:s13] =	ssyncadd.s32 $0xFFFFD800  }
0x1f: {  	[tilespmem:s7], [sflag:$0x11] =	stream.linear.gather [hbm4b:s12+s10], $0x2800, $0x38;
	[tilespmem:$0xDE40] =	vst v63  }
0x20: {  	s7 =	rddreg [dreg:$0xa];
	_ =	swait.ge [sflag:s13], $0x2800  }
0x21: {  	[sflag:s13] =	ssyncset.done $0x0;
	s12 =	rddreg [dreg:$0x6]  }
0x22: {  	s10 =	rddreg [dreg:$0x9];
	[sflag:s13] =	ssyncadd.s32 $0xFFFFD800  }
0x23: {  	[spmem:s10], [sflag:s7] =	dma.local [hbm:s12], $0x4E2  }
0x24: {  	_ =	swait.ge [sflag:s13], $0x4E2  }
0x25: {  	[sflag:s13] =	ssyncset.done $0x0  }
0x26: {  	s10 =	rddreg [dreg:$0xb];
	[sflag:s13] =	ssyncadd.s32 $0xFFFFFB1E  }
0x27: {  	[spmem:s10], [sflag:s7] =	dma.local [hbm:s12], $0x4E2  }
0x28: {  	_ =	swait.ge [sflag:s13], $0x4E2  }
0x29: {  	[sflag:s13] =	ssyncset.done $0x0  }
0x2a: {  	[sflag:s13] =	ssyncadd.s32 $0xFFFFFB1E  }
0x2b: {  	s13 =	simm.s32 $0x0;
	[bflag:$0x0] =	sbarrier.arrive $0xFFFF  }
0x2c: {  	[tilespmem:s16], [sflag:$0x1] =	stream.indirect.gather [spmem:s3], $0x10, s13, s15, $0xb8;
	[tilespmem:$0xDE40] =	vst v63  }
0x2d: {  	_ = 	snop  }
0x2e: {  	[tilespmem:s17], [sflag:$0x2] =	stream.indirect.gather [spmem:s3], $0x10, s15, s15, $0xb8;
	[tilespmem:$0xDE40] =	vst v63  }
0x2f: {  	s7 =	simm.s32 $0x100  }
0x30: {  	[tilespmem:s19], [sflag:$0x3] =	stream.indirect.gather [spmem:s3], $0x10, s7, s15, $0xb8;
	[tilespmem:$0xDE40] =	vst v63  }
0x31: {  	s12 =	simm.s32 $0x180  }
0x32: {  	[tilespmem:s21], [sflag:$0x4] =	stream.indirect.gather [spmem:s3], $0x10, s12, s15, $0xb8;
	[tilespmem:$0xDE40] =	vst v63  }
0x33: {  	s13 =	simm.s32 $0x200  }
0x34: {  	[tilespmem:s23], [sflag:$0x5] =	stream.indirect.gather [spmem:s3], $0x10, s13, s15, $0xb8;
	[tilespmem:$0xDE40] =	vst v63  }
0x35: {  	s7 =	simm.s32 $0x280  }
0x36: {  	[tilespmem:s25], [sflag:$0x6] =	stream.indirect.gather [spmem:s3], $0x10, s7, s15, $0xb8;
	[tilespmem:$0xDE40] =	vst v63  }
0x37: {  	s12 =	simm.s32 $0x300  }
0x38: {  	[tilespmem:s28], [sflag:$0x7] =	stream.indirect.gather [spmem:s3], $0x10, s12, s15, $0xb8;
	[tilespmem:$0xDE40] =	vst v63  }
0x39: {  	s13 =	simm.s32 $0x380  }
0x3a: {  	[tilespmem:s30], [sflag:$0x8] =	stream.indirect.gather [spmem:s3], $0x10, s13, s15, $0xb8;
	[tilespmem:$0xDE40] =	vst v63  }
0x3b: {  	_ =	swait.ge [sflag:s31], $0x800  }
0x3c: {  	[sflag:s31] =	ssyncset.done $0x0  }
0x3d: {  	s7 =	simm.s32 $0x2800;
	[sflag:s31] =	ssyncadd.s32 $0xFFFFF800  }
0x3e: {  	[spmem:s2] =	stream.indirect.scatter.add.f32 [tilespmem:s16], [sflag:$0x9], $0x10, s7, s15, $0xb8;
	[tilespmem:$0xDE40] =	vst v63  }
0x3f: {  	_ =	swait.ge [sflag:s1], $0x800  }
0x40: {  	[sflag:s1] =	ssyncset.done $0x0  }
0x41: {  	s10 =	simm.s32 $0x2880;
	[sflag:s1] =	ssyncadd.s32 $0xFFFFF800  }
0x42: {  	[spmem:s2] =	stream.indirect.scatter.add.f32 [tilespmem:s17], [sflag:$0xA], $0x10, s10, s15, $0xb8;
	[tilespmem:$0xDE40] =	vst v63  }
0x43: {  	_ =	swait.ge [sflag:s0], $0x800  }
0x44: {  	[sflag:s0] =	ssyncset.done $0x0  }
0x45: {  	s13 =	simm.s32 $0x2900;
	[sflag:s0] =	ssyncadd.s32 $0xFFFFF800  }
0x46: {  	[spmem:s2] =	stream.indirect.scatter.add.f32 [tilespmem:s19], [sflag:$0xB], $0x10, s13, s15, $0xb8;
	[tilespmem:$0xDE40] =	vst v63  }
0x47: {  	_ =	swait.ge [sflag:s11], $0x800  }
0x48: {  	[sflag:s11] =	ssyncset.done $0x0  }
0x49: {  	s7 =	simm.s32 $0x2980;
	[sflag:s11] =	ssyncadd.s32 $0xFFFFF800  }
0x4a: {  	[spmem:s2] =	stream.indirect.scatter.add.f32 [tilespmem:s21], [sflag:$0xC], $0x10, s7, s15, $0xb8;
	[tilespmem:$0xDE40] =	vst v63  }
0x4b: {  	_ =	swait.ge [sflag:s18], $0x800  }
0x4c: {  	[sflag:s18] =	ssyncset.done $0x0  }
0x4d: {  	s10 =	simm.s32 $0x2A00;
	[sflag:s18] =	ssyncadd.s32 $0xFFFFF800  }
0x4e: {  	[spmem:s2] =	stream.indirect.scatter.add.f32 [tilespmem:s23], [sflag:$0xD], $0x10, s10, s15, $0xb8;
	[tilespmem:$0xDE40] =	vst v63  }
0x4f: {  	_ =	swait.ge [sflag:s20], $0x800  }
0x50: {  	[sflag:s20] =	ssyncset.done $0x0  }
0x51: {  	s13 =	simm.s32 $0x2A80;
	[sflag:s20] =	ssyncadd.s32 $0xFFFFF800  }
0x52: {  	[spmem:s2] =	stream.indirect.scatter.add.f32 [tilespmem:s25], [sflag:$0xE], $0x10, s13, s15, $0xb8;
	[tilespmem:$0xDE40] =	vst v63  }
0x53: {  	_ =	swait.ge [sflag:s22], $0x800  }
0x54: {  	[sflag:s22] =	ssyncset.done $0x0  }
0x55: {  	s7 =	simm.s32 $0x2B00;
	[sflag:s22] =	ssyncadd.s32 $0xFFFFF800  }
0x56: {  	[spmem:s2] =	stream.indirect.scatter.add.f32 [tilespmem:s28], [sflag:$0xF], $0x10, s7, s15, $0xb8;
	[tilespmem:$0xDE40] =	vst v63  }
0x57: {  	_ =	swait.ge [sflag:s24], $0x800  }
0x58: {  	[sflag:s24] =	ssyncset.done $0x0  }
0x59: {  	s10 =	simm.s32 $0x2B80;
	[sflag:s24] =	ssyncadd.s32 $0xFFFFF800  }
0x5a: {  	[spmem:s2] =	stream.indirect.scatter.add.f32 [tilespmem:s30], [sflag:$0x10], $0x10, s10, s15, $0xb8;
	[tilespmem:$0xDE40] =	vst v63  }
0x5b: {  	_ =	swait.ge [sflag:s26], $0x800  }
0x5c: {  	[sflag:s26] =	ssyncset.done $0x0  }
0x5d: {  	s13 =	simm.s32 $0x400;
	[sflag:s26] =	ssyncadd.s32 $0xFFFFF800  }
0x5e: {  	[tilespmem:s16], [sflag:$0x1] =	stream.indirect.gather [spmem:s3], $0x10, s13, s15, $0xb8;
	[tilespmem:$0xDE40] =	vst v63  }
0x5f: {  	_ =	swait.ge [sflag:s29], $0x800  }
0x60: {  	[sflag:s29] =	ssyncset.done $0x0  }
0x61: {  	s7 =	simm.s32 $0x480;
	[sflag:s29] =	ssyncadd.s32 $0xFFFFF800  }
0x62: {  	[tilespmem:s17], [sflag:$0x2] =	stream.indirect.gather [spmem:s3], $0x10, s7, s15, $0xb8;
	[tilespmem:$0xDE40] =	vst v63  }
0x63: {  	_ =	swait.ge [sflag:s5], $0x800  }
0x64: {  	[sflag:s5] =	ssyncset.done $0x0  }
0x65: {  	s10 =	simm.s32 $0x500;
	[sflag:s5] =	ssyncadd.s32 $0xFFFFF800  }
0x66: {  	[tilespmem:s19], [sflag:$0x3] =	stream.indirect.gather [spmem:s3], $0x10, s10, s15, $0xb8;
	[tilespmem:$0xDE40] =	vst v63  }
0x67: {  	_ =	swait.ge [sflag:s6], $0x800  }
0x68: {  	[sflag:s6] =	ssyncset.done $0x0  }
0x69: {  	s13 =	simm.s32 $0x580;
	[sflag:s6] =	ssyncadd.s32 $0xFFFFF800  }
0x6a: {  	[tilespmem:s21], [sflag:$0x4] =	stream.indirect.gather [spmem:s3], $0x10, s13, s15, $0xb8;
	[tilespmem:$0xDE40] =	vst v63  }
0x6b: {  	_ =	swait.ge [sflag:s8], $0x800  }
0x6c: {  	[sflag:s8] =	ssyncset.done $0x0  }
0x6d: {  	s7 =	simm.s32 $0x600;
	[sflag:s8] =	ssyncadd.s32 $0xFFFFF800  }
0x6e: {  	[tilespmem:s23], [sflag:$0x5] =	stream.indirect.gather [spmem:s3], $0x10, s7, s15, $0xb8;
	[tilespmem:$0xDE40] =	vst v63  }
0x6f: {  	_ =	swait.ge [sflag:s9], $0x800  }
0x70: {  	[sflag:s9] =	ssyncset.done $0x0  }
0x71: {  	s10 =	simm.s32 $0x680;
	[sflag:s9] =	ssyncadd.s32 $0xFFFFF800  }
0x72: {  	[tilespmem:s25], [sflag:$0x6] =	stream.indirect.gather [spmem:s3], $0x10, s10, s15, $0xb8;
	[tilespmem:$0xDE40] =	vst v63  }
0x73: {  	_ =	swait.ge [sflag:s14], $0x800  }
0x74: {  	[sflag:s14] =	ssyncset.done $0x0  }
0x75: {  	s13 =	simm.s32 $0x700;
	[sflag:s14] =	ssyncadd.s32 $0xFFFFF800  }
0x76: {  	[tilespmem:s28], [sflag:$0x7] =	stream.indirect.gather [spmem:s3], $0x10, s13, s15, $0xb8;
	[tilespmem:$0xDE40] =	vst v63  }
0x77: {  	_ =	swait.ge [sflag:s4], $0x800  }
0x78: {  	[sflag:s4] =	ssyncset.done $0x0  }
0x79: {  	s12 =	simm.s32 $0x780;
	s13 =	simm.s32 $0x1000;
	[sflag:s4] =	ssyncadd.s32 $0xFFFFF800  }
.LBB2_2:
0x7a: {  	[tilespmem:s30], [sflag:$0x8] =	stream.indirect.gather [spmem:s3], $0x10, s12, s15, $0xb8;
	[tilespmem:$0xDE40] =	vst v63  }
0x7b: {  	s12 =	smov.u32 s13  }
0x7c: {  	p0 =	sne.s32 s13, $0x8000;
	s13 =	sadd.s32 $0x1000, s13;
	_ =	swait.ge [sflag:s31], $0x800  }
0x7d: {  	s12 =	sshra.s32 s12, $0x2;
	[sflag:s31] =	ssyncset.done $0x0  }
0x7e: {  	s10 =	sadd.s32 $0x2800, s12;
	[sflag:s31] =	ssyncadd.s32 $0xFFFFF800  }
0x7f: {  	[spmem:s2] =	stream.indirect.scatter.add.f32 [tilespmem:s16], [sflag:$0x9], $0x10, s10, s15, $0xb8;
	[tilespmem:$0xDE40] =	vst v63  }
0x80: {  	_ =	swait.ge [sflag:s1], $0x800  }
0x81: {  	[sflag:s1] =	ssyncset.done $0x0  }
0x82: {  	s10 =	sadd.s32 $0x2880, s12;
	[sflag:s1] =	ssyncadd.s32 $0xFFFFF800  }
0x83: {  	[spmem:s2] =	stream.indirect.scatter.add.f32 [tilespmem:s17], [sflag:$0xA], $0x10, s10, s15, $0xb8;
	[tilespmem:$0xDE40] =	vst v63  }
0x84: {  	_ =	swait.ge [sflag:s0], $0x800  }
0x85: {  	[sflag:s0] =	ssyncset.done $0x0  }
0x86: {  	s10 =	sadd.s32 $0x2900, s12;
	[sflag:s0] =	ssyncadd.s32 $0xFFFFF800  }
0x87: {  	[spmem:s2] =	stream.indirect.scatter.add.f32 [tilespmem:s19], [sflag:$0xB], $0x10, s10, s15, $0xb8;
	[tilespmem:$0xDE40] =	vst v63  }
0x88: {  	_ =	swait.ge [sflag:s11], $0x800  }
0x89: {  	[sflag:s11] =	ssyncset.done $0x0  }
0x8a: {  	s10 =	sadd.s32 $0x2980, s12;
	[sflag:s11] =	ssyncadd.s32 $0xFFFFF800  }
0x8b: {  	[spmem:s2] =	stream.indirect.scatter.add.f32 [tilespmem:s21], [sflag:$0xC], $0x10, s10, s15, $0xb8;
	[tilespmem:$0xDE40] =	vst v63  }
0x8c: {  	_ =	swait.ge [sflag:s18], $0x800  }
0x8d: {  	[sflag:s18] =	ssyncset.done $0x0  }
0x8e: {  	s10 =	sadd.s32 $0x2A00, s12;
	[sflag:s18] =	ssyncadd.s32 $0xFFFFF800  }
0x8f: {  	[spmem:s2] =	stream.indirect.scatter.add.f32 [tilespmem:s23], [sflag:$0xD], $0x10, s10, s15, $0xb8;
	[tilespmem:$0xDE40] =	vst v63  }
0x90: {  	_ =	swait.ge [sflag:s20], $0x800  }
0x91: {  	[sflag:s20] =	ssyncset.done $0x0  }
0x92: {  	s10 =	sadd.s32 $0x2A80, s12;
	[sflag:s20] =	ssyncadd.s32 $0xFFFFF800  }
0x93: {  	[spmem:s2] =	stream.indirect.scatter.add.f32 [tilespmem:s25], [sflag:$0xE], $0x10, s10, s15, $0xb8;
	[tilespmem:$0xDE40] =	vst v63  }
0x94: {  	_ =	swait.ge [sflag:s22], $0x800  }
0x95: {  	[sflag:s22] =	ssyncset.done $0x0  }
0x96: {  	s10 =	sadd.s32 $0x2B00, s12;
	[sflag:s22] =	ssyncadd.s32 $0xFFFFF800  }
0x97: {  	[spmem:s2] =	stream.indirect.scatter.add.f32 [tilespmem:s28], [sflag:$0xF], $0x10, s10, s15, $0xb8;
	[tilespmem:$0xDE40] =	vst v63  }
0x98: {  	_ =	swait.ge [sflag:s24], $0x800  }
0x99: {  	[sflag:s24] =	ssyncset.done $0x0  }
0x9a: {  	s10 =	sadd.s32 $0x2B80, s12;
	[sflag:s24] =	ssyncadd.s32 $0xFFFFF800  }
0x9b: {  	[spmem:s2] =	stream.indirect.scatter.add.f32 [tilespmem:s30], [sflag:$0x10], $0x10, s10, s15, $0xb8;
	[tilespmem:$0xDE40] =	vst v63  }
0x9c: {  	_ =	swait.ge [sflag:s26], $0x800  }
0x9d: {  	[sflag:s26] =	ssyncset.done $0x0  }
0x9e: {  	s10 =	sadd.s32 $0x400, s12;
	[sflag:s26] =	ssyncadd.s32 $0xFFFFF800  }
0x9f: {  	[tilespmem:s16], [sflag:$0x1] =	stream.indirect.gather [spmem:s3], $0x10, s10, s15, $0xb8;
	[tilespmem:$0xDE40] =	vst v63  }
0xa0: {  	_ =	swait.ge [sflag:s29], $0x800  }
0xa1: {  	[sflag:s29] =	ssyncset.done $0x0  }
0xa2: {  	s10 =	sadd.s32 $0x480, s12;
	[sflag:s29] =	ssyncadd.s32 $0xFFFFF800  }
0xa3: {  	[tilespmem:s17], [sflag:$0x2] =	stream.indirect.gather [spmem:s3], $0x10, s10, s15, $0xb8;
	[tilespmem:$0xDE40] =	vst v63  }
0xa4: {  	_ =	swait.ge [sflag:s5], $0x800  }
0xa5: {  	[sflag:s5] =	ssyncset.done $0x0  }
0xa6: {  	s10 =	sadd.s32 $0x500, s12;
	[sflag:s5] =	ssyncadd.s32 $0xFFFFF800  }
0xa7: {  	[tilespmem:s19], [sflag:$0x3] =	stream.indirect.gather [spmem:s3], $0x10, s10, s15, $0xb8;
	[tilespmem:$0xDE40] =	vst v63  }
0xa8: {  	_ =	swait.ge [sflag:s6], $0x800  }
0xa9: {  	[sflag:s6] =	ssyncset.done $0x0  }
0xaa: {  	s10 =	sadd.s32 $0x580, s12;
	[sflag:s6] =	ssyncadd.s32 $0xFFFFF800  }
0xab: {  	[tilespmem:s21], [sflag:$0x4] =	stream.indirect.gather [spmem:s3], $0x10, s10, s15, $0xb8;
	[tilespmem:$0xDE40] =	vst v63  }
0xac: {  	_ =	swait.ge [sflag:s8], $0x800  }
0xad: {  	[sflag:s8] =	ssyncset.done $0x0  }
0xae: {  	s10 =	sadd.s32 $0x600, s12;
	[sflag:s8] =	ssyncadd.s32 $0xFFFFF800  }
0xaf: {  	[tilespmem:s23], [sflag:$0x5] =	stream.indirect.gather [spmem:s3], $0x10, s10, s15, $0xb8;
	[tilespmem:$0xDE40] =	vst v63  }
0xb0: {  	_ =	swait.ge [sflag:s9], $0x800  }
0xb1: {  	[sflag:s9] =	ssyncset.done $0x0  }
0xb2: {  	s10 =	sadd.s32 $0x680, s12;
	[sflag:s9] =	ssyncadd.s32 $0xFFFFF800  }
0xb3: {  	[tilespmem:s25], [sflag:$0x6] =	stream.indirect.gather [spmem:s3], $0x10, s10, s15, $0xb8;
	[tilespmem:$0xDE40] =	vst v63  }
0xb4: {  	_ =	swait.ge [sflag:s14], $0x800  }
0xb5: {  	[sflag:s14] =	ssyncset.done $0x0  }
.Ltmp0:
0xb6: {  	s10 =	sadd.s32 $0x700, s12;
	[sflag:s14] =	ssyncadd.s32 $0xFFFFF800;
	(pc) =	sbr.rel @p0 .LBB2_2-.Ltmp0, $4  }
0xb7: {  	[tilespmem:s28], [sflag:$0x7] =	stream.indirect.gather [spmem:s3], $0x10, s10, s15, $0xb8;
	[tilespmem:$0xDE40] =	vst v63  }
0xb8: {  	_ =	swait.ge [sflag:s4], $0x800  }
0xb9: {  	[sflag:s4] =	ssyncset.done $0x0  }
0xba: {  	s12 =	sadd.s32 $0x780, s12;
	[sflag:s4] =	ssyncadd.s32 $0xFFFFF800  }
0xbb: {  	[tilespmem:s30], [sflag:$0x8] =	stream.indirect.gather [spmem:s3], $0x10, s12, s15, $0xb8;
	[tilespmem:$0xDE40] =	vst v63  }
0xbc: {  	_ =	swait.ge [sflag:s31], $0x800  }
0xbd: {  	[sflag:s31] =	ssyncset.done $0x0  }
0xbe: {  	s10 =	simm.s32 $0x4C00;
	[sflag:s31] =	ssyncadd.s32 $0xFFFFF800  }
0xbf: {  	[spmem:s2] =	stream.indirect.scatter.add.f32 [tilespmem:s16], [sflag:$0x9], $0x10, s10, s15, $0xb8;
	[tilespmem:$0xDE40] =	vst v63  }
0xc0: {  	_ =	swait.ge [sflag:s1], $0x800  }
0xc1: {  	[sflag:s1] =	ssyncset.done $0x0  }
0xc2: {  	s7 =	simm.s32 $0x4C80;
	[sflag:s1] =	ssyncadd.s32 $0xFFFFF800  }
0xc3: {  	[spmem:s2] =	stream.indirect.scatter.add.f32 [tilespmem:s17], [sflag:$0xA], $0x10, s7, s15, $0xb8;
	[tilespmem:$0xDE40] =	vst v63  }
0xc4: {  	_ =	swait.ge [sflag:s0], $0x800  }
0xc5: {  	[sflag:s0] =	ssyncset.done $0x0  }
0xc6: {  	s12 =	simm.s32 $0x4D00;
	[sflag:s0] =	ssyncadd.s32 $0xFFFFF800  }
0xc7: {  	[spmem:s2] =	stream.indirect.scatter.add.f32 [tilespmem:s19], [sflag:$0xB], $0x10, s12, s15, $0xb8;
	[tilespmem:$0xDE40] =	vst v63  }
0xc8: {  	_ =	swait.ge [sflag:s11], $0x800  }
0xc9: {  	[sflag:s11] =	ssyncset.done $0x0  }
0xca: {  	s13 =	simm.s32 $0x4D80;
	[sflag:s11] =	ssyncadd.s32 $0xFFFFF800  }
0xcb: {  	[spmem:s2] =	stream.indirect.scatter.add.f32 [tilespmem:s21], [sflag:$0xC], $0x10, s13, s15, $0xb8;
	[tilespmem:$0xDE40] =	vst v63  }
0xcc: {  	_ =	swait.ge [sflag:s18], $0x800  }
0xcd: {  	[sflag:s18] =	ssyncset.done $0x0  }
0xce: {  	s7 =	simm.s32 $0x4E00;
	[sflag:s18] =	ssyncadd.s32 $0xFFFFF800  }
0xcf: {  	[spmem:s2] =	stream.indirect.scatter.add.f32 [tilespmem:s23], [sflag:$0xD], $0x10, s7, s15, $0xb8;
	[tilespmem:$0xDE40] =	vst v63  }
0xd0: {  	_ =	swait.ge [sflag:s20], $0x800  }
0xd1: {  	[sflag:s20] =	ssyncset.done $0x0  }
0xd2: {  	s12 =	simm.s32 $0x4E80;
	[sflag:s20] =	ssyncadd.s32 $0xFFFFF800  }
0xd3: {  	[spmem:s2] =	stream.indirect.scatter.add.f32 [tilespmem:s25], [sflag:$0xE], $0x10, s12, s15, $0xb8;
	[tilespmem:$0xDE40] =	vst v63  }
0xd4: {  	_ =	swait.ge [sflag:s22], $0x800  }
0xd5: {  	[sflag:s22] =	ssyncset.done $0x0  }
0xd6: {  	s13 =	simm.s32 $0x4F00;
	[sflag:s22] =	ssyncadd.s32 $0xFFFFF800  }
0xd7: {  	[spmem:s2] =	stream.indirect.scatter.add.f32 [tilespmem:s28], [sflag:$0xF], $0x10, s13, s15, $0xb8;
	[tilespmem:$0xDE40] =	vst v63  }
0xd8: {  	_ =	swait.ge [sflag:s24], $0x800  }
0xd9: {  	[sflag:s24] =	ssyncset.done $0x0  }
0xda: {  	s7 =	simm.s32 $0x4F80;
	[sflag:s24] =	ssyncadd.s32 $0xFFFFF800  }
0xdb: {  	[spmem:s2] =	stream.indirect.scatter.add.f32 [tilespmem:s30], [sflag:$0x10], $0x10, s7, s15, $0xb8;
	[tilespmem:$0xDE40] =	vst v63  }
0xdc: {  	_ =	swait.ge [sflag:s26], $0x800  }
0xdd: {  	[sflag:s26] =	ssyncset.done $0x0  }
0xde: {  	[sflag:s26] =	ssyncadd.s32 $0xFFFFF800  }
0xdf: {  	_ =	swait.ge [sflag:s29], $0x800  }
0xe0: {  	[sflag:s29] =	ssyncset.done $0x0  }
0xe1: {  	[sflag:s29] =	ssyncadd.s32 $0xFFFFF800  }
0xe2: {  	_ =	swait.ge [sflag:s5], $0x800  }
0xe3: {  	[sflag:s5] =	ssyncset.done $0x0  }
0xe4: {  	[sflag:s5] =	ssyncadd.s32 $0xFFFFF800  }
0xe5: {  	_ =	swait.ge [sflag:s6], $0x800  }
0xe6: {  	[sflag:s6] =	ssyncset.done $0x0  }
0xe7: {  	[sflag:s6] =	ssyncadd.s32 $0xFFFFF800  }
0xe8: {  	_ =	swait.ge [sflag:s8], $0x800  }
0xe9: {  	[sflag:s8] =	ssyncset.done $0x0  }
0xea: {  	[sflag:s8] =	ssyncadd.s32 $0xFFFFF800  }
0xeb: {  	_ =	swait.ge [sflag:s9], $0x800  }
0xec: {  	[sflag:s9] =	ssyncset.done $0x0  }
0xed: {  	[sflag:s9] =	ssyncadd.s32 $0xFFFFF800  }
0xee: {  	_ =	swait.ge [sflag:s14], $0x800  }
0xef: {  	[sflag:s14] =	ssyncset.done $0x0  }
0xf0: {  	[sflag:s14] =	ssyncadd.s32 $0xFFFFF800  }
0xf1: {  	_ =	swait.ge [sflag:s4], $0x800  }
0xf2: {  	[sflag:s4] =	ssyncset.done $0x0  }
0xf3: {  	[sflag:s4] =	ssyncadd.s32 $0xFFFFF800  }
0xf4: {  	[bflag:$0x0] =	sbarrier.arrive $0xFFFF  }
0xf5: {  	s12 =	rddreg [dreg:$0x7]  }
0xf6: {  	s13 =	rddreg [dreg:$0x9]  }
0xf7: {  	s7 =	rddreg [dreg:$0xa]  }
0xf8: {  	[hbm:s12], [sflag:s7] =	dma.local [spmem:s13], $0x4E2  }
0xf9: {  	s13 =	simm.s32 $0x11  }
0xfa: {  	_ =	swait.ge [sflag:s13], $0x4E2  }
0xfb: {  	s10 =	rddreg [dreg:$0xc]  }
0xfc: {  	s12 =	rddreg [dreg:$0x8];
	s7 =	sadd.s32 $0x1, s10  }
0xfd: {  	p0 =	sne.s32 s7, s12  }
.Ltmp1:
0xfe: {  	_ = 	snop;
	(pc) =	sbr.rel @p0 .LBB2_1-.Ltmp1, $3  }
0xff: {  	_ =	sdelay $0x1  }
0x100: {  	[sflag:s13] =	ssyncset.done $0x0  }
0x101: {  	[sflag:s13] =	ssyncadd.s32 $0xFFFFFB1E;
	[dreg:$0xc] =	wrdreg s7  }
0x102: {  	_ =	sfence.sel $0x180000  }
0x103: {  	[bflag:$0x0] =	sbarrier.arrive $0xFFFF  }
0x104: {  	_ =	strace $0x9000004D  }
0x105: {  	s0 =	stileid.u32;
	[bflag:$0x2] =	sbarrier.arrive $0xFFFF  }
0x106: {  	p0 =	sne.s32 s0, $0x0;
	s0 =	rddreg [dreg:$0x3]  }
0x107: {  	s0 =	sadd.s32 @!p0 $0x100000, s0  }
0x108: {  	[sflag:s0] =	ssyncadd.tile.s32 @!p0 $0x1;
	_ =	shalt  }
.Lfunc_end2:
_tile_overlayer_lowered:
.L_overlay_start_2:
0x109: {  	(tag) =	ssettag $0x2  }
0x10a: {  	s0 =	rddreg [dreg:$0x0];
	s2 =	stileid.u32  }
0x10b: {  	s1 =	rddreg [dreg:$0x1];
	p0 =	sne.s32 s2, $0x0  }
0x10c: {  	s3 =	rddreg [dreg:$0x2];
	[bflag:$0x3] =	sbarrier.arrive $0xFFFF;
	s2 =	simm.s32 @!p0 $0x1C11  }
0x10d: {  	[timem:s3], [sflag:s2] =	dma.local @!p0 [hbm:s0], s1  }
0x10e: {  	s0 =	simm.s32 @!p0 $0x11  }
0x10f: {  	_ =	swait.ge @!p0 [sflag:s0], s1  }
0x110: {  	s1 =	ssub.s32 @!p0 $0x0, s1;
	[sflag:s0] =	ssyncset.done @!p0 $0x0  }
0x111: {  	[sflag:s0] =	ssyncadd.s32 @!p0 s1  }
0x112: {  	[bflag:$0x3] =	sbarrier.arrive $0xFFFF  }
0x113: {  	_ =	shalt  }

// kernel: kernel.8.cloned.1.call-start
scs
__scs_entry_jumppad:
0x0: {  	(pc) =	sbr.rel $0x88, $3  }
0x1: {  	(tag) =	ssettag $0x0;
	lr =	simm.s32 $0x1  }
0x2: {  	[smem:$0x3F94] =	sst lr;
	_ =	strace $0xD0000000  }
0x3: {  	_ = 	snop  }
0x4: {  	_ = 	snop  }
0x5: {  	_ = 	snop  }
0x6: {  	_ = 	snop  }
0x7: {  	_ = 	snop  }
__scs_overlays_trampoline_lowered:
0x8: {  	[smem:$0x3FA3] =	sst s0  }
0x9: {  	[smem:$0x3FA4] =	sst s1  }
0xa: {  	[smem:$0x3FA5] =	sst s2  }
0xb: {  	[smem:$0x3FA6] =	sst s3  }
0xc: {  	[smem:$0x3FA7] =	sst s4  }
0xd: {  	[smem:$0x3FA8] =	sst s5  }
0xe: {  	[smem:$0x3FA9] =	sst s6  }
0xf: {  	[smem:$0x3FAA] =	sst s7  }
0x10: {  	[smem:$0x3FAB] =	sst s8  }
0x11: {  	[smem:$0x3FAC] =	sst s9;
	s0 =	simm.s32 @!p0 $0x0  }
0x12: {  	s1 =	sld [smem:$0x3F92];
	s0 =	simm.s32 @p0 $0x1  }
0x13: {  	[smem:$0x3FAD] =	sst s0;
	s0 =	simm.s32 @!p1 $0x0  }
0x14: {  	s2 =	sld [smem:$0x3F91];
	s0 =	simm.s32 @p1 $0x1  }
0x15: {  	[smem:$0x3FAE] =	sst s0;
	s0 =	simm.s32 @!p2 $0x0  }
0x16: {  	s3 =	sld [smem:$0x3FDB];
	s0 =	simm.s32 @p2 $0x1  }
0x17: {  	s4 =	simm.s32 $0x1BF5;
	[smem:$0x3FB0] =	sst s0  }
0x18: {  	s0 =	sld [smem:$0x3F93];
	_ =	swait.ge [sflag:s4], $0x0  }
0x19: {  	s7 =	sld [smem:$0x3F94]  }
0x1a: {  	s8 =	sadd.s32 $0xFFFFE003, lr  }
0x1b: {  	s9 =	sadd.s32 $0xFFFFFEF7, lr;
	s5 =	simm.s32 $0xFFFFFFFF;
	p2 =	slt.u32 s8, $0xFFFFF086  }
0x1c: {  	p1 =	slt.u32 s9, $0xF7A;
	s5 =	simm.s32 @!p2 $0x0  }
0x1d: {  	s5 =	simm.s32 @p1 $0x1;
	p0 =	seq.s32 s7, s2  }
0x1e: {  	s7 =	smul.u32 @!p0 $0xF7A, s2;
	p2 =	seq.s32 @!p0 s5, $0x0  }
0x1f: {  	s9 =	smul.u32 $0xF7A, s1;
	s8 =	simm.s32 @!p0 $0x1BF5;
	p2 =	por !p2, p0  }
0x20: {  	[sflag:s8] =	ssyncset.s32 @!p0 $0xFFFFF086;
	s6 =	sadd.s32 @!p0 s3, s7;
	s7 =	simm.s32 @!p0 $0x108  }
0x21: {  	s3 =	sadd.s32 s3, s9;
	s6 =	sadd.s32 @!p0 $0x88, s6;
	s7 =	simm.s32 @p2 $0x1082  }
0x22: {  	[simem:s7], [sflag:s8] =	dma.local @!p0 [hbm:s6], $0xF7A  }
0x23: {  	s9 =	sor.u32 $0xD0000000, s2;
	s6 =	simm.s32 $0x108;
	_ =	swait.ge @!p0 [sflag:s8], $0x0  }
0x24: {  	s3 =	sadd.s32 $0x88, s3;
	s6 =	simm.s32 @!p1 $0x1082;
	[sflag:s4] =	ssyncset.s32 $0xFFFFF086  }
0x25: {  	[simem:s6], [sflag:s4] =	dma.local [hbm:s3], $0xF7A  }
0x26: {  	[smem:$0x3F94] =	sst s1;
	(tag) =	ssettag s2;
	_ =	strace s9  }
0x27: {  	s1 =	sld [smem:$0x3FA4]  }
0x28: {  	s2 =	sld [smem:$0x3FA5]  }
0x29: {  	s4 =	sld [smem:$0x3FA7]  }
0x2a: {  	p0 =	seq.s32 s5, $0x0;
	s5 =	sld [smem:$0x3FA8]  }
0x2b: {  	s6 =	sld [smem:$0x3FA9]  }
0x2c: {  	s7 =	sld [smem:$0x3FAA]  }
0x2d: {  	s3 =	simm.s32 $0x108;
	s8 =	sld [smem:$0x3FAB]  }
0x2e: {  	s3 =	simm.s32 @!p0 $0x1082;
	s9 =	sld [smem:$0x3FAC]  }
0x2f: {  	lr =	sadd.s32 s0, s3;
	s0 =	sld [smem:$0x3FA3]  }
0x30: {  	s3 =	sld [smem:$0x3FA6]  }
0x31: {  	[smem:$0x3FAF] =	sst s10  }
0x32: {  	s10 =	sld [smem:$0x3FAD];
	_ =	sdelay $0x3  }
0x33: {  	p0 =	seq.s32 s10, $0x1;
	s10 =	sld [smem:$0x3FAF];
	_ =	sdelay $0x3  }
0x34: {  	[smem:$0x3FAF] =	sst s10  }
0x35: {  	s10 =	sld [smem:$0x3FAE];
	_ =	sdelay $0x3  }
0x36: {  	p1 =	seq.s32 s10, $0x1;
	s10 =	sld [smem:$0x3FAF];
	_ =	sdelay $0x3  }
0x37: {  	[smem:$0x3FAF] =	sst s10  }
0x38: {  	s10 =	sld [smem:$0x3FB0]  }
0x39: {  	_ = 	snop;
	(pc) =	sbr.ind lr, $3  }
0x3a: {  	_ = 	snop  }
0x3b: {  	_ = 	snop  }
0x3c: {  	p2 =	seq.s32 s10, $0x1;
	s10 =	sld [smem:$0x3FAF]  }
0x3d: {  	_ =	shalt  }
0x3e: {  	_ =	shalt  }
0x3f: {  	_ =	shalt  }
0x40: {  	_ =	shalt  }
0x41: {  	_ =	shalt  }
0x42: {  	_ =	shalt  }
0x43: {  	_ =	shalt  }
0x44: {  	_ =	shalt  }
0x45: {  	_ =	shalt  }
0x46: {  	_ =	shalt  }
0x47: {  	_ =	shalt  }
0x48: {  	_ =	shalt  }
0x49: {  	_ =	shalt  }
0x4a: {  	_ =	shalt  }
0x4b: {  	_ =	shalt  }
0x4c: {  	_ =	shalt  }
0x4d: {  	_ =	shalt  }
0x4e: {  	_ =	shalt  }
0x4f: {  	_ =	shalt  }
0x50: {  	_ =	shalt  }
0x51: {  	_ =	shalt  }
0x52: {  	_ =	shalt  }
0x53: {  	_ =	shalt  }
0x54: {  	_ =	shalt  }
0x55: {  	_ =	shalt  }
0x56: {  	_ =	shalt  }
0x57: {  	_ =	shalt  }
0x58: {  	_ =	shalt  }
0x59: {  	_ =	shalt  }
0x5a: {  	_ =	shalt  }
0x5b: {  	_ =	shalt  }
0x5c: {  	_ =	shalt  }
0x5d: {  	_ =	shalt  }
0x5e: {  	_ =	shalt  }
0x5f: {  	_ =	shalt  }
0x60: {  	_ =	shalt  }
0x61: {  	_ =	shalt  }
0x62: {  	_ =	shalt  }
0x63: {  	_ =	shalt  }
0x64: {  	_ =	shalt  }
0x65: {  	_ =	shalt  }
0x66: {  	_ =	shalt  }
0x67: {  	_ =	shalt  }
0x68: {  	_ =	shalt  }
0x69: {  	_ =	shalt  }
0x6a: {  	_ =	shalt  }
0x6b: {  	_ =	shalt  }
0x6c: {  	_ =	shalt  }
0x6d: {  	_ =	shalt  }
0x6e: {  	_ =	shalt  }
0x6f: {  	_ =	shalt  }
0x70: {  	_ =	shalt  }
0x71: {  	_ =	shalt  }
0x72: {  	_ =	shalt  }
0x73: {  	_ =	shalt  }
0x74: {  	_ =	shalt  }
0x75: {  	_ =	shalt  }
0x76: {  	_ =	shalt  }
0x77: {  	_ =	shalt  }
0x78: {  	_ =	shalt  }
0x79: {  	_ =	shalt  }
0x7a: {  	_ =	shalt  }
0x7b: {  	_ =	shalt  }
0x7c: {  	_ =	shalt  }
0x7d: {  	_ =	shalt  }
0x7e: {  	_ =	shalt  }
0x7f: {  	_ =	shalt  }
0x80: {  	_ =	shalt  }
0x81: {  	_ =	shalt  }
0x82: {  	_ =	shalt  }
0x83: {  	_ =	shalt  }
0x84: {  	_ =	shalt  }
0x85: {  	_ =	shalt  }
0x86: {  	_ =	shalt  }
0x87: {  	_ =	shalt  }
.Lfunc_end0:
.L_simem_size_0:
called_computation_lowered:
.L_overlay_start_0:
0x88: {  	s2 =	sld [smem:$0x3FD9]  }
0x89: {  	s3 =	sld [smem:$0x3FFE];
	_ =	sdelay $0x1  }
0x8a: {  	s1 =	srdreg.scid  }
0x8b: {  	s0 =	sand.u32 $0x1, s1  }
0x8c: {  	s14 =	sshll.u32 s0, $0xA;
	s2 =	sadd.s32 s3, s2  }
0x8d: {  	s2 =	sadd.s32 s2, s14  }
0x8e: {  	[smem:$0x3FBB] =	sst s2  }
0x8f: {  	_ = 	snop  }
0x90: {  	s2 =	sld [smem:$0x3FD0];
	_ =	sdelay $0x2  }
0x91: {  	s15 =	simm.s32 $0xA;
	s4 =	simm.s32 $0x10  }
0x92: {  	[smem:s4], [sflag:s15] =	dma.local [hbm:s2], $0x1  }
0x93: {  	_ =	swait.eq [sflag:s15], $0x1  }
0x94: {  	[sflag:s15] =	ssyncset.done $0x0  }
0x95: {  	[sflag:s15] =	ssyncadd.s32 $0xFFFFFFFF  }
0x96: {  	s16 =	sld [smem:$0x11];
	(tm) =	ssettm $0x1  }
0x97: {  	s17 =	sld [smem:$0x3FFB];
	_ =	sdelay $0x3  }
0x98: {  	_ =	strace s17  }
0x99: {  	s3 =	sld [smem:$0x3FFC];
	_ =	sdelay $0x3  }
0x9a: {  	_ =	strace s3  }
0x9b: {  	s3 =	sld [smem:$0x3FFD];
	_ =	sdelay $0x3  }
0x9c: {  	_ =	strace s3  }
0x9d: {  	_ =	strace $0x8FFFFFFF  }
0x9e: {  	s18 =	sld [smem:$0x3FDB];
	_ =	sdelay $0x1  }
0x9f: {  	s19 =	simm.s32 $_scs_section_size  }
0xa0: {  	s5 =	simm.s32 $_size__tile_overlayer_lowered;
	s6 =	simm.s32 $_tile_overlayer_lowered  }
0xa1: {  	s22 =	simm.s32 $0x1BFF;
	s21 =	sshll.u32 s6, $0x1;
	s3 =	sadd.s32 s19, s18  }
0xa2: {  	s7 =	simm.s32 $0x0;
	s20 =	sshll.u32 s5, $0x1;
	s5 =	sadd.s32 s21, s3  }
0xa3: {  	[timem:s7], [sflag:s22] =	dma.local [hbm:s5], s20  }
0xa4: {  	_ =	swait.ge [sflag:s22], s20  }
0xa5: {  	s4 =	ssub.s32 $0x0, s20;
	[sflag:s22] =	ssyncset.done $0x0  }
0xa6: {  	[sflag:s22] =	ssyncadd.s32 s4;
	_ =	sdelay $0x1  }
0xa7: {  	s23 =	simm.s32 $0x1B8B  }
0xa8: {  	_ =	swait.ge [sflag:s23], $0x1  }
0xa9: {  	[sflag:s23] =	ssyncset.done $0x0  }
0xaa: {  	s25 =	simm.s32 $0x1B8E;
	s24 =	sld [smem:$0x3FFE];
	[sflag:s23] =	ssyncadd.s32 $0xFFFFFFFF  }
0xab: {  	s26 =	simm.s32 $execute0_lowered;
	[smem:$0x3FD2] =	sst s25  }
0xac: {  	s5 =	sshll.u32 s26, $0x1;
	_ =	strace $0x80000046;
	[dreg:$0x1] =	wrdreg $0xFFFFFFFF  }
0xad: {  	s28 =	simm.s32 $_size_execute0_lowered;
	s3 =	sadd.s32 s3, s5;
	[dreg:$0x0] =	wrdreg $0x0  }
0xae: {  	s5 =	sshll.u32 s28, $0x1;
	[dreg:$0x2] =	wrdreg s3  }
0xaf: {  	[dreg:$0x3] =	wrdreg s5  }
0xb0: {  	[dreg:$0x4] =	wrdreg $0xC0  }
0xb1: {  	_ =	task [dreg:s7], $0x5FFFF  }
0xb2: {  	[dreg:$0x1] =	wrdreg $0xFFFFFFFF  }
0xb3: {  	[dreg:$0x0] =	wrdreg $0x60  }
0xb4: {  	[dreg:$0x2] =	wrdreg s24  }
0xb5: {  	[dreg:$0x3] =	wrdreg s16  }
0xb6: {  	[dreg:$0x4] =	wrdreg $0x30000  }
0xb7: {  	[dreg:$0x5] =	wrdreg $0x9  }
0xb8: {  	_ =	task.clear_ibuf [dreg:s7], $0x6FFFF;
	_ =	strace $0x90000046  }
0xb9: {  	s29 =	simm.s32 $0x9;
	_ =	strace $0x80000048  }
0xba: {  	_ =	swait.ge [sflag:s29], $0x1  }
0xbb: {  	[sflag:s29] =	ssyncadd.s32 $0xFFFFFFFF  }
0xbc: {  	_ =	strace $0x90000048  }
0xbd: {  	_ =	sfence  }
0xbe: {  	s30 =	sld [smem:$0x0];
	_ =	sdelay $0x2  }
0xbf: {  	s31 =	sshll.u32 s1, $0xD;
	s1 =	sshrl.u32 s1, $0x2  }
0xc0: {  	s3 =	sand.u32 $0x4000, s31;
	s1 =	sadd.s32 s1, s30  }
0xc1: {  	s0 =	sor.u32 s3, s0;
	s1 =	sshll.u32 s1, $0x11  }
0xc2: {  	s0 =	sor.u32 s1, s0  }
0xc3: {  	s0 =	sadd.s32 $0x8F2B, s0  }
0xc4: {  	[sflag:s0] =	ssyncadd.remote.s32 $0x1  }
0xc5: {  	_ =	sfence.sel $0xFFFF  }
0xc6: {  	[dreg:$0x0] =	wrdreg $0xFFFFFFFF;
	(pc) =	sbr.abs _section_cstart, $3  }
0xc7: {  	[dreg:$0x1] =	wrdreg $0xFFFFFFFF  }
0xc8: {  	_ =	task.clear_ibuf [dreg:s7], $0x2FFFF;
	_ =	strace $0x9FFFFFFF  }
0xc9: {  	(tm) =	ssettm $0x7FFFFFFF  }
tec
execute0_lowered:
.L_overlay_start_1:
0x0: {  	(tag) =	ssettag $0x1  }
0x1: {  	s5 =	rddreg [dreg:$0x0]  }
0x2: {  	s0 =	stileid.u32;
	s2 =	rddreg [dreg:$0x1]  }
0x3: {  	s1 =	srdreg.scid;
	s3 =	rddreg [dreg:$0x2]  }
0x4: {  	s4 =	simm.s32 $0x0;
	s13 =	simm.s32 $0x80;
	s6 =	smul.u32 $0x2710, s0  }
0x5: {  	s14 =	simm.s32 $0x1;
	s7 =	sand.u32 $0x1, s1;
	s9 =	smul.u32 $0x2800, s0  }
0x6: {  	s15 =	simm.s32 $0x0;
	s1 =	rddreg [dreg:$0x3];
	s8 =	smul.u32 $0x28000, s7  }
0x7: {  	[smem:$0x7FF] =	sst s4;
	s31 =	sshll.u32 s0, $0x6;
	s11 =	smul.u32 $0x27100, s7  }
0x8: {  	_ =	strace $0x80000047;
	s7 =	ssub.s32 $0x2, s7;
	s10 =	sshrl.u32 s6, $0x3  }
0x9: {  	s30 =	sshrl.u32 s7, $0x1;
	s12 =	sadd.s32 s6, s3;
	s10 =	sadd.s32 s10, s5  }
0xa: {  	s8 =	sadd.s32 s8, s9;
	s29 =	sadd.s32 s6, s11;
	s11 =	ssub.s32 s7, s30  }
0xb: {  	s12 =	sshrl.u32 s12, $0x3;
	s8 =	sshrl.u32 s8, $0x3;
	s9 =	sshrl.u32 s29, $0x3  }
0xc: {  	s6 =	sadd.s32 $0x16C00, s10;
	s8 =	sadd.s32 s5, s8;
	s9 =	sadd.s32 s9, s5  }
0xd: {  	s10 =	simm.s32 $0x2800;
	s5 =	sadd.s32 $0xCC00, s8;
	s7 =	sadd.s32 $0x1BC00, s9  }
0xe: {  	s8 =	smax.u32 s11, $0x1;
	s9 =	simm.s32 $0x2;
	s11 =	sor.u32 $0x1C02, s31  }
.LBB2_1:
0xf: {  	[tilespmem:s4], [sflag:$0x2] =	stream.linear.gather [hbm4b:s5+s4], $0x2800, $0x38;
	[tilespmem:$0x5720] =	vst v63  }
0x10: {  	_ =	swait.ge [sflag:s9], $0x2800  }
0x11: {  	[sflag:s9] =	ssyncset.done $0x0  }
0x12: {  	[sflag:s9] =	ssyncadd.s32 $0xFFFFD800  }
0x13: {  	[tilespmem:s10], [sflag:$0x2] =	stream.linear.gather [hbm4b:s2+s4], $0x800, $0x38;
	[tilespmem:$0x5720] =	vst v63  }
0x14: {  	_ =	swait.ge [sflag:s9], $0x800  }
0x15: {  	[sflag:s9] =	ssyncset.done $0x0  }
0x16: {  	[sflag:s9] =	ssyncadd.s32 $0xFFFFF800  }
0x17: {  	[spmem:s12], [sflag:s11] =	dma.local [hbm:s6], $0x4E2  }
0x18: {  	_ =	swait.ge [sflag:s9], $0x4E2  }
0x19: {  	[sflag:s9] =	ssyncset.done $0x0  }
0x1a: {  	[sflag:s9] =	ssyncadd.s32 $0xFFFFFB1E  }
0x1b: {  	s16 =	simm.s32 $0x0;
	[bflag:$0x0] =	sbarrier.arrive $0xFFFF  }
0x1c: {  	[spmem:s3] =	stream.indirect.scatter.add.f32 [tilespmem:s10], [sflag:$0x1], $0x10, s16, s13, $0xb8;
	[tilespmem:$0x5720] =	vst v63  }
0x1d: {  	s24 =	simm.s32 $0x80  }
0x1e: {  	[spmem:s3] =	stream.indirect.scatter.add.f32 [tilespmem:s10], [sflag:$0x1], $0x10, s24, s13, $0xb8;
	[tilespmem:$0x5720] =	vst v63  }
0x1f: {  	s25 =	simm.s32 $0x100  }
0x20: {  	[spmem:s3] =	stream.indirect.scatter.add.f32 [tilespmem:s10], [sflag:$0x1], $0x10, s25, s13, $0xb8;
	[tilespmem:$0x5720] =	vst v63  }
0x21: {  	s26 =	simm.s32 $0x180  }
0x22: {  	[spmem:s3] =	stream.indirect.scatter.add.f32 [tilespmem:s10], [sflag:$0x1], $0x10, s26, s13, $0xb8;
	[tilespmem:$0x5720] =	vst v63  }
0x23: {  	s28 =	simm.s32 $0x200  }
0x24: {  	[spmem:s3] =	stream.indirect.scatter.add.f32 [tilespmem:s10], [sflag:$0x1], $0x10, s28, s13, $0xb8;
	[tilespmem:$0x5720] =	vst v63  }
0x25: {  	s29 =	simm.s32 $0x280  }
0x26: {  	[spmem:s3] =	stream.indirect.scatter.add.f32 [tilespmem:s10], [sflag:$0x1], $0x10, s29, s13, $0xb8;
	[tilespmem:$0x5720] =	vst v63  }
0x27: {  	s30 =	simm.s32 $0x300  }
0x28: {  	[spmem:s3] =	stream.indirect.scatter.add.f32 [tilespmem:s10], [sflag:$0x1], $0x10, s30, s13, $0xb8;
	[tilespmem:$0x5720] =	vst v63  }
0x29: {  	s31 =	simm.s32 $0x380  }
0x2a: {  	[spmem:s3] =	stream.indirect.scatter.add.f32 [tilespmem:s10], [sflag:$0x1], $0x10, s31, s13, $0xb8;
	[tilespmem:$0x5720] =	vst v63  }
0x2b: {  	_ =	swait.ge [sflag:s14], $0x800  }
0x2c: {  	[sflag:s14] =	ssyncset.done $0x0  }
0x2d: {  	[sflag:s14] =	ssyncadd.s32 $0xFFFFF800  }
0x2e: {  	_ =	swait.ge [sflag:s14], $0x800  }
0x2f: {  	[sflag:s14] =	ssyncset.done $0x0  }
0x30: {  	[sflag:s14] =	ssyncadd.s32 $0xFFFFF800  }
0x31: {  	_ =	swait.ge [sflag:s14], $0x800  }
0x32: {  	[sflag:s14] =	ssyncset.done $0x0  }
0x33: {  	[sflag:s14] =	ssyncadd.s32 $0xFFFFF800  }
0x34: {  	_ =	swait.ge [sflag:s14], $0x800  }
0x35: {  	[sflag:s14] =	ssyncset.done $0x0  }
0x36: {  	[sflag:s14] =	ssyncadd.s32 $0xFFFFF800  }
0x37: {  	_ =	swait.ge [sflag:s14], $0x800  }
0x38: {  	[sflag:s14] =	ssyncset.done $0x0  }
0x39: {  	[sflag:s14] =	ssyncadd.s32 $0xFFFFF800  }
0x3a: {  	_ =	swait.ge [sflag:s14], $0x800  }
0x3b: {  	[sflag:s14] =	ssyncset.done $0x0  }
0x3c: {  	[sflag:s14] =	ssyncadd.s32 $0xFFFFF800  }
0x3d: {  	_ =	swait.ge [sflag:s14], $0x800  }
0x3e: {  	[sflag:s14] =	ssyncset.done $0x0  }
0x3f: {  	[sflag:s14] =	ssyncadd.s32 $0xFFFFF800  }
0x40: {  	_ =	swait.ge [sflag:s14], $0x800  }
0x41: {  	s18 =	simm.s32 $0x2000;
	s16 =	simm.s32 $0x1000;
	[sflag:s14] =	ssyncset.done $0x0  }
.LBB2_2:
0x42: {  	s19 =	sshra.s32 s16, $0x2  }
0x43: {  	[sflag:s14] =	ssyncadd.s32 $0xFFFFF800;
	s16 =	smov.u32 s18;
	s17 =	sadd.s32 $0x1000, s18  }
0x44: {  	[spmem:s3] =	stream.indirect.scatter.add.f32 [tilespmem:s10], [sflag:$0x1], $0x10, s19, s13, $0xb8;
	[tilespmem:$0x5720] =	vst v63  }
0x45: {  	p0 =	sne.s32 s18, $0x9000;
	s18 =	sadd.s32 $0x80, s19  }
0x46: {  	[spmem:s3] =	stream.indirect.scatter.add.f32 [tilespmem:s10], [sflag:$0x1], $0x10, s18, s13, $0xb8;
	[tilespmem:$0x5720] =	vst v63  }
0x47: {  	s18 =	sadd.s32 $0x100, s19  }
0x48: {  	[spmem:s3] =	stream.indirect.scatter.add.f32 [tilespmem:s10], [sflag:$0x1], $0x10, s18, s13, $0xb8;
	[tilespmem:$0x5720] =	vst v63  }
0x49: {  	s18 =	sadd.s32 $0x180, s19  }
0x4a: {  	[spmem:s3] =	stream.indirect.scatter.add.f32 [tilespmem:s10], [sflag:$0x1], $0x10, s18, s13, $0xb8;
	[tilespmem:$0x5720] =	vst v63  }
0x4b: {  	s18 =	sadd.s32 $0x200, s19  }
0x4c: {  	[spmem:s3] =	stream.indirect.scatter.add.f32 [tilespmem:s10], [sflag:$0x1], $0x10, s18, s13, $0xb8;
	[tilespmem:$0x5720] =	vst v63  }
0x4d: {  	s18 =	sadd.s32 $0x280, s19  }
0x4e: {  	[spmem:s3] =	stream.indirect.scatter.add.f32 [tilespmem:s10], [sflag:$0x1], $0x10, s18, s13, $0xb8;
	[tilespmem:$0x5720] =	vst v63  }
0x4f: {  	s18 =	sadd.s32 $0x300, s19  }
0x50: {  	[spmem:s3] =	stream.indirect.scatter.add.f32 [tilespmem:s10], [sflag:$0x1], $0x10, s18, s13, $0xb8;
	[tilespmem:$0x5720] =	vst v63  }
0x51: {  	s18 =	sadd.s32 $0x380, s19  }
0x52: {  	[spmem:s3] =	stream.indirect.scatter.add.f32 [tilespmem:s10], [sflag:$0x1], $0x10, s18, s13, $0xb8;
	[tilespmem:$0x5720] =	vst v63  }
0x53: {  	_ =	swait.ge [sflag:s14], $0x800  }
0x54: {  	[sflag:s14] =	ssyncset.done $0x0  }
0x55: {  	[sflag:s14] =	ssyncadd.s32 $0xFFFFF800  }
0x56: {  	_ =	swait.ge [sflag:s14], $0x800  }
0x57: {  	[sflag:s14] =	ssyncset.done $0x0  }
0x58: {  	[sflag:s14] =	ssyncadd.s32 $0xFFFFF800  }
0x59: {  	_ =	swait.ge [sflag:s14], $0x800  }
0x5a: {  	[sflag:s14] =	ssyncset.done $0x0  }
0x5b: {  	[sflag:s14] =	ssyncadd.s32 $0xFFFFF800  }
0x5c: {  	_ =	swait.ge [sflag:s14], $0x800  }
0x5d: {  	[sflag:s14] =	ssyncset.done $0x0  }
0x5e: {  	[sflag:s14] =	ssyncadd.s32 $0xFFFFF800  }
0x5f: {  	_ =	swait.ge [sflag:s14], $0x800  }
0x60: {  	[sflag:s14] =	ssyncset.done $0x0  }
0x61: {  	[sflag:s14] =	ssyncadd.s32 $0xFFFFF800  }
0x62: {  	_ =	swait.ge [sflag:s14], $0x800  }
0x63: {  	[sflag:s14] =	ssyncset.done $0x0  }
0x64: {  	[sflag:s14] =	ssyncadd.s32 $0xFFFFF800  }
.Ltmp0:
0x65: {  	_ =	swait.ge [sflag:s14], $0x800;
	(pc) =	sbr.rel @p0 .LBB2_2-.Ltmp0, $4  }
0x66: {  	[sflag:s14] =	ssyncset.done $0x0  }
0x67: {  	[sflag:s14] =	ssyncadd.s32 $0xFFFFF800  }
0x68: {  	_ =	swait.ge [sflag:s14], $0x800  }
0x69: {  	s18 =	smov.u32 s17;
	[sflag:s14] =	ssyncset.done $0x0  }
0x6a: {  	s16 =	sshra.s32 s16, $0x2;
	[sflag:s14] =	ssyncadd.s32 $0xFFFFF800  }
0x6b: {  	[spmem:s3] =	stream.indirect.scatter.add.f32 [tilespmem:s10], [sflag:$0x1], $0x10, s16, s13, $0xb8;
	[tilespmem:$0x5720] =	vst v63  }
0x6c: {  	s17 =	sadd.s32 $0x80, s16  }
0x6d: {  	[spmem:s3] =	stream.indirect.scatter.add.f32 [tilespmem:s10], [sflag:$0x1], $0x10, s17, s13, $0xb8;
	[tilespmem:$0x5720] =	vst v63  }
0x6e: {  	s26 =	sadd.s32 $0x100, s16  }
0x6f: {  	[spmem:s3] =	stream.indirect.scatter.add.f32 [tilespmem:s10], [sflag:$0x1], $0x10, s26, s13, $0xb8;
	[tilespmem:$0x5720] =	vst v63  }
0x70: {  	s28 =	sadd.s32 $0x180, s16  }
0x71: {  	[spmem:s3] =	stream.indirect.scatter.add.f32 [tilespmem:s10], [sflag:$0x1], $0x10, s28, s13, $0xb8;
	[tilespmem:$0x5720] =	vst v63  }
0x72: {  	s29 =	sadd.s32 $0x200, s16  }
0x73: {  	[spmem:s3] =	stream.indirect.scatter.add.f32 [tilespmem:s10], [sflag:$0x1], $0x10, s29, s13, $0xb8;
	[tilespmem:$0x5720] =	vst v63  }
0x74: {  	s30 =	sadd.s32 $0x280, s16  }
0x75: {  	[spmem:s3] =	stream.indirect.scatter.add.f32 [tilespmem:s10], [sflag:$0x1], $0x10, s30, s13, $0xb8;
	[tilespmem:$0x5720] =	vst v63  }
0x76: {  	s31 =	sadd.s32 $0x300, s16  }
0x77: {  	[spmem:s3] =	stream.indirect.scatter.add.f32 [tilespmem:s10], [sflag:$0x1], $0x10, s31, s13, $0xb8;
	[tilespmem:$0x5720] =	vst v63  }
0x78: {  	s16 =	sadd.s32 $0x380, s16  }
0x79: {  	[spmem:s3] =	stream.indirect.scatter.add.f32 [tilespmem:s10], [sflag:$0x1], $0x10, s16, s13, $0xb8;
	[tilespmem:$0x5720] =	vst v63  }
0x7a: {  	_ =	swait.ge [sflag:s14], $0x800  }
0x7b: {  	[sflag:s14] =	ssyncset.done $0x0  }
0x7c: {  	[sflag:s14] =	ssyncadd.s32 $0xFFFFF800  }
0x7d: {  	_ =	swait.ge [sflag:s14], $0x800  }
0x7e: {  	[sflag:s14] =	ssyncset.done $0x0  }
0x7f: {  	[sflag:s14] =	ssyncadd.s32 $0xFFFFF800  }
0x80: {  	_ =	swait.ge [sflag:s14], $0x800  }
0x81: {  	[sflag:s14] =	ssyncset.done $0x0  }
0x82: {  	[sflag:s14] =	ssyncadd.s32 $0xFFFFF800  }
0x83: {  	_ =	swait.ge [sflag:s14], $0x800  }
0x84: {  	[sflag:s14] =	ssyncset.done $0x0  }
0x85: {  	[sflag:s14] =	ssyncadd.s32 $0xFFFFF800  }
0x86: {  	_ =	swait.ge [sflag:s14], $0x800  }
0x87: {  	[sflag:s14] =	ssyncset.done $0x0  }
0x88: {  	[sflag:s14] =	ssyncadd.s32 $0xFFFFF800  }
0x89: {  	_ =	swait.ge [sflag:s14], $0x800  }
0x8a: {  	[sflag:s14] =	ssyncset.done $0x0  }
0x8b: {  	[sflag:s14] =	ssyncadd.s32 $0xFFFFF800  }
0x8c: {  	_ =	swait.ge [sflag:s14], $0x800  }
0x8d: {  	[sflag:s14] =	ssyncset.done $0x0  }
0x8e: {  	[sflag:s14] =	ssyncadd.s32 $0xFFFFF800  }
0x8f: {  	_ =	swait.ge [sflag:s14], $0x800  }
0x90: {  	s15 =	sadd.s32 $0x1, s15;
	[sflag:s14] =	ssyncset.done $0x0  }
0x91: {  	p0 =	sne.s32 s15, s8;
	[sflag:s14] =	ssyncadd.s32 $0xFFFFF800  }
.Ltmp1:
0x92: {  	[bflag:$0x0] =	sbarrier.arrive $0xFFFF;
	(pc) =	sbr.rel @p0 .LBB2_1-.Ltmp1, $4  }
0x93: {  	[hbm:s7], [sflag:s11] =	dma.local [spmem:s12], $0x4E2  }
0x94: {  	_ =	swait.ge [sflag:s9], $0x4E2  }
0x95: {  	[sflag:s9] =	ssyncset.done $0x0  }
0x96: {  	[sflag:s9] =	ssyncadd.s32 $0xFFFFFB1E  }
0x97: {  	_ =	sfence.sel $0x180000  }
0x98: {  	[bflag:$0x0] =	sbarrier.arrive $0xFFFF  }
0x99: {  	p0 =	sne.s32 s0, $0x0;
	_ =	strace $0x90000047  }
0x9a: {  	s0 =	sadd.s32 @!p0 $0x100000, s1;
	[bflag:$0x2] =	sbarrier.arrive $0xFFFF  }
0x9b: {  	[sflag:s0] =	ssyncadd.tile.s32 @!p0 $0x1;
	_ =	shalt  }
.Lfunc_end2:
_tile_overlayer_lowered:
.L_overlay_start_2:
0x9c: {  	(tag) =	ssettag $0x2  }
0x9d: {  	s0 =	rddreg [dreg:$0x0];
	s2 =	stileid.u32  }
0x9e: {  	s1 =	rddreg [dreg:$0x1];
	p0 =	sne.s32 s2, $0x0  }
0x9f: {  	s3 =	rddreg [dreg:$0x2];
	[bflag:$0x3] =	sbarrier.arrive $0xFFFF;
	s2 =	simm.s32 @!p0 $0x1C02  }
0xa0: {  	[timem:s3], [sflag:s2] =	dma.local @!p0 [hbm:s0], s1  }
0xa1: {  	s0 =	simm.s32 @!p0 $0x2  }
0xa2: {  	_ =	swait.ge @!p0 [sflag:s0], s1  }
0xa3: {  	s1 =	ssub.s32 @!p0 $0x0, s1;
	[sflag:s0] =	ssyncset.done @!p0 $0x0  }
0xa4: {  	[sflag:s0] =	ssyncadd.s32 @!p0 s1  }
0xa5: {  	[bflag:$0x3] =	sbarrier.arrive $0xFFFF  }
0xa6: {  	_ =	shalt  }

</sc_bundles>
